<compile_context>
chip_gen: v7x
topology: tpu7x:2x2x1
jax: 0.10.2.dev20260603
libtpu: 0.0.44.dev20260713+nightly
codegen_flags: <defaults>
</compile_context>

<pallas_src>
import dataclasses
import functools

import jax
import jax.numpy as jnp
from jax import lax
from jax.experimental import pallas as pl
from jax.experimental.pallas import tpu as pltpu
from jax.experimental.pallas import tpu_sc as plsc

_L = 16
_B = 64
_BT = 512
_SPLIT = 2.0

_IBIG = 2**31 - 1


def _row_max_argmax(load_chunk, nchunks, iota):
    def scan_range(j0, j1):
        m = load_chunk(j0)
        idx = iota + j0 * _L
        c = iota + (j0 + 1) * _L
        for j in range(j0 + 1, j1):
            v = load_chunk(j)
            gt = v > m
            m = jnp.where(gt, v, m)
            idx = jnp.where(gt, c, idx)
            c = c + _L
        return m, idx

    h = nchunks // 2
    m1, i1 = scan_range(0, h)
    m2, i2 = scan_range(h, nchunks)
    gt = m2 > m1
    m = jnp.where(gt, m2, m1)
    idx = jnp.where(gt, i2, i1)
    mx = jnp.max(m)
    amax = jnp.min(jnp.where(m == mx, idx, _IBIG))
    return mx, amax


def _sc_block_body(x_vmem, mx_vmem, ax_vmem):
    wx = x_vmem.shape[2]
    iota = lax.iota(jnp.int32, _L)
    zf = jnp.zeros((_L,), jnp.float32)
    zi = jnp.zeros((_L,), jnp.int32)

    for g in range(_B // _L):
        def row_body(i2, accs, g=g):
            mxa, axa = accs
            for u in range(2):
                i = 2 * i2 + u
                r = g * _L + i
                mx, ax = _row_max_argmax(
                    lambda j: x_vmem[0, r, pl.ds(j * _L, _L)],
                    wx // _L, iota)
                lane = iota == i
                mxa = jnp.where(lane, mx, mxa)
                axa = jnp.where(lane, ax, axa)
            return (mxa, axa)

        mxa, axa = lax.fori_loop(0, _L // 2, row_body, (zf, zi))
        mx_vmem[g, :] = mxa
        ax_vmem[g, :] = axa


@jax.jit
def _sc_decode_x(xt):
    k, n, wx = xt.shape
    mesh = plsc.VectorSubcoreMesh(core_axis_name="core",
                                  subcore_axis_name="subcore")
    out_t = [jax.ShapeDtypeStruct((k * n // _L, _L), jnp.float32),
             jax.ShapeDtypeStruct((k * n // _L, _L), jnp.int32)]
    cp = pltpu.CompilerParams(use_tc_tiling_on_sc=True)
    if "needs_layout_passes" in pltpu.CompilerParams.__dataclass_fields__:
        cp = dataclasses.replace(cp, needs_layout_passes=False)

    nblk = n // _B

    @functools.partial(pl.kernel, out_type=out_t, mesh=mesh,
                       compiler_params=cp)
    def kern(x_hbm, mx_hbm, ax_hbm):
        pltpu.emit_pipeline(
            _sc_block_body,
            grid=(k, nblk),
            in_specs=[
                pl.BlockSpec((1, _B, wx), lambda kk, i: (kk, i, 0)),
            ],
            out_specs=[
                pl.BlockSpec((_B // _L, _L),
                             lambda kk, i: (kk * nblk + i, 0)),
                pl.BlockSpec((_B // _L, _L),
                             lambda kk, i: (kk * nblk + i, 0)),
            ],
            core_axis_name=("core", "subcore"),
            dimension_semantics=(pltpu.PARALLEL, pltpu.PARALLEL),
        )(x_hbm, mx_hbm, ax_hbm)

    return kern(xt)


def _tc_block_body(y_ref, my_ref, ay_ref):
    yb = y_ref[...]
    mx = jnp.max(yb, axis=-1)
    eq = yb == mx[:, :, None]
    ii = lax.broadcasted_iota(jnp.int32, yb.shape, 2)
    ay = jnp.min(jnp.where(eq, ii, _IBIG), axis=-1)
    my_ref[...] = mx
    ay_ref[...] = ay


@jax.jit
def _tc_decode_y(yt):
    k, n, wy = yt.shape
    out_t = [jax.ShapeDtypeStruct((k, n), jnp.float32),
             jax.ShapeDtypeStruct((k, n), jnp.int32)]
    grid = (n // _BT,)
    return pl.pallas_call(
        _tc_block_body,
        grid=grid,
        in_specs=[pl.BlockSpec((k, _BT, wy), lambda i: (0, i, 0))],
        out_specs=[pl.BlockSpec((k, _BT), lambda i: (0, i)),
                   pl.BlockSpec((k, _BT), lambda i: (0, i))],
        out_shape=out_t,
        compiler_params=pltpu.CompilerParams(
            dimension_semantics=("arbitrary",)),
    )(yt)


def kernel(simcc_x, simcc_y):
    n, k, _ = simcc_x.shape
    xt = jnp.transpose(simcc_x, (1, 0, 2))
    yt = jnp.transpose(simcc_y, (1, 0, 2))
    mxo, axo = _sc_decode_x(xt)
    my, ay = _tc_decode_y(yt)
    mx = mxo.reshape(k, n)
    ax = axo.reshape(k, n)
    val = jnp.minimum(mx, my)
    neg = val <= 0.0
    half = jnp.float32(1.0 / _SPLIT)
    kx = jnp.where(neg, jnp.float32(-1.0), ax.astype(jnp.float32)) * half
    ky = jnp.where(neg, jnp.float32(-1.0), ay.astype(jnp.float32)) * half
    keypoints = jnp.stack([kx, ky], axis=-1).transpose(1, 0, 2)
    scores = val.transpose(1, 0)
    return (keypoints, scores)

# --- scband reference (transcript-rebuilt; emitter-appended) ---
"""Pipeline reference for scband-sim-cclabel-68083821576798 (READ-ONLY COPY).

The authoritative reference and input builder live on the scoring server;
editing this copy changes nothing except your own understanding.
"""

import jax, jax.numpy as jnp
import numpy as np

SIMCC_SPLIT_RATIO = 2.0


def setup_inputs(seed: int = 0) -> dict:
    key = jax.random.key(seed)
    k1, k2 = jax.random.split(key)
    simcc_x = jax.random.normal(k1, (4096, 17, 384), dtype=jnp.float32)
    simcc_y = jax.random.normal(k2, (4096, 17, 512), dtype=jnp.float32)
    return {"simcc_x": simcc_x, "simcc_y": simcc_y}


def reference(simcc_x, simcc_y):
    N, K, Wx = simcc_x.shape
    sx = simcc_x.reshape(N * K, -1)
    sy = simcc_y.reshape(N * K, -1)
    x_locs = jnp.argmax(sx, axis=1)
    y_locs = jnp.argmax(sy, axis=1)
    locs = jnp.stack((x_locs, y_locs), axis=-1).astype(jnp.float32)
    max_val_x = jnp.max(sx, axis=1)
    max_val_y = jnp.max(sy, axis=1)
    vals = jnp.where(max_val_x > max_val_y, max_val_y, max_val_x)
    locs = jnp.where(vals[:, None] <= 0.0, -1.0, locs)
    keypoints = locs.reshape(N, K, 2)
    scores = vals.reshape(N, K)
    keypoints = keypoints / SIMCC_SPLIT_RATIO
    return (keypoints, scores)

if __name__ == "__main__":
    import jax
    _d = setup_inputs()
    print(jax.jit(kernel)(*tuple(_d.values())))

</pallas_src>

<mosaic_0001>
#map = affine_map<(d0, d1) -> (0, 0, 0)>
#map1 = affine_map<(d0, d1) -> (0, 0)>
module attributes {stable_mosaic.version = 14 : i64} {
  func.func @kern(%arg0: i32, %arg1: i32, %arg2: memref<17x4096x384xf32, #tpu.memory_space<hbm>>, %arg3: memref<4352x16xf32, #tpu.memory_space<hbm>>, %arg4: memref<4352x16xi32, #tpu.memory_space<hbm>>) attributes {dimension_semantics = [#tpu.dimension_semantics<core_parallel>, #tpu.dimension_semantics<subcore_parallel>], iteration_bounds = array<i64: 2, 16>, scalar_prefetch = 0 : i64, scratch_operands = 0 : i64, tpu.core_type = #tpu.core_type<sc_vector_subcore>, window_params = [{transform_indices = #map}, {transform_indices = #map1}, {transform_indices = #map1}]} {
    %mul3A = arith.constant 1 : i32
    %mul3A_0 = arith.muli %arg1, %mul3A : i32
    %add3A = arith.constant 0 : i32
    %add3A_1 = arith.addi %add3A, %mul3A_0 : i32
    %mul3A_2 = arith.constant 16 : i32
    %mul3A_3 = arith.muli %arg0, %mul3A_2 : i32
    %add3A_4 = arith.addi %add3A_1, %mul3A_3 : i32
    %mul3A_5 = arith.constant 2 : i32
    %mul3A_6 = arith.muli %add3A_4, %mul3A_5 : i32
    "tpu.region"() ({
      %run_scoped3A = memref.alloca() : memref<2x1x64x384xf32, #tpu.memory_space<vmem>>
      %run_scoped3A_7 = tpu.sem_alloc : memref<2x!tpu.dma_semaphore, #tpu.memory_space<semaphore_mem>>
      %run_scoped3A_8 = memref.alloca() : memref<2x4x16xf32, #tpu.memory_space<vmem>>
      %run_scoped3A_9 = tpu.sem_alloc : memref<2x!tpu.dma_semaphore, #tpu.memory_space<semaphore_mem>>
      %run_scoped3A_10 = memref.alloca() : memref<2x4x16xi32, #tpu.memory_space<vmem>>
      %run_scoped3A_11 = tpu.sem_alloc : memref<2x!tpu.dma_semaphore, #tpu.memory_space<semaphore_mem>>
      %add3A_12 = arith.constant 0 : i32
      %add3A_13 = arith.addi %add3A_12, %mul3A_6 : i32
      %select_n3A = arith.constant true
      %select_n3A_14 = arith.constant 0 : i32
      %select_n3A_15 = arith.constant -1 : i32
      %select_n3A_16 = arith.select %select_n3A, %select_n3A_15, %select_n3A_14 : i32
      %eq3A = arith.constant -1 : i32
      %eq3A_17 = arith.cmpi eq, %select_n3A_16, %eq3A : i32
      %select_n3A_18 = arith.constant 1 : i32
      %select_n3A_19 = arith.select %eq3A_17, %select_n3A_18, %select_n3A_16 : i32
      %select_n3A_20 = arith.constant 0 : i32
      %select_n3A_21 = arith.constant -1 : i32
      %select_n3A_22 = arith.select %eq3A_17, %select_n3A_21, %select_n3A_20 : i32
      %eq3A_23 = arith.constant -1 : i32
      %eq3A_24 = arith.cmpi eq, %select_n3A_22, %eq3A_23 : i32
      %select_n3A_25 = arith.constant 16 : i32
      %select_n3A_26 = arith.select %eq3A_24, %select_n3A_25, %select_n3A_22 : i32
      %add3A_27 = arith.constant 0 : i32
      %add3A_28 = arith.addi %select_n3A_26, %add3A_27 : i32
      %add3A_29 = arith.addi %select_n3A_19, %mul3A_6 : i32
      %select_n3A_30 = arith.constant true
      %select_n3A_31 = arith.constant 0 : i32
      %select_n3A_32 = arith.constant 1 : i32
      %select_n3A_33 = arith.select %select_n3A_30, %select_n3A_32, %select_n3A_31 : i32
      %eq3A_34 = arith.constant 2 : i32
      %eq3A_35 = arith.cmpi eq, %select_n3A_33, %eq3A_34 : i32
      %select_n3A_36 = arith.constant 0 : i32
      %select_n3A_37 = arith.select %eq3A_35, %select_n3A_36, %select_n3A_33 : i32
      %select_n3A_38 = arith.constant 0 : i32
      %select_n3A_39 = arith.constant 1 : i32
      %select_n3A_40 = arith.select %eq3A_35, %select_n3A_39, %select_n3A_38 : i32
      %eq3A_41 = arith.constant 17 : i32
      %eq3A_42 = arith.cmpi eq, %select_n3A_40, %eq3A_41 : i32
      %select_n3A_43 = arith.constant 0 : i32
      %select_n3A_44 = arith.select %eq3A_42, %select_n3A_43, %select_n3A_40 : i32
      %add3A_45 = arith.constant 0 : i32
      %add3A_46 = arith.addi %select_n3A_44, %add3A_45 : i32
      %add3A_47 = arith.addi %select_n3A_37, %mul3A_6 : i32
      %add3A_48 = arith.constant 1 : i32
      %add3A_49 = arith.addi %select_n3A_37, %add3A_48 : i32
      %select_n3A_50 = arith.constant true
      %select_n3A_51 = arith.select %select_n3A_50, %add3A_49, %select_n3A_37 : i32
      %eq3A_52 = arith.constant 2 : i32
      %eq3A_53 = arith.cmpi eq, %select_n3A_51, %eq3A_52 : i32
      %select_n3A_54 = arith.constant 0 : i32
      %select_n3A_55 = arith.select %eq3A_53, %select_n3A_54, %select_n3A_51 : i32
      %add3A_56 = arith.constant 1 : i32
      %add3A_57 = arith.addi %select_n3A_44, %add3A_56 : i32
      %select_n3A_58 = arith.select %eq3A_53, %add3A_57, %select_n3A_44 : i32
      %eq3A_59 = arith.constant 17 : i32
      %eq3A_60 = arith.cmpi eq, %select_n3A_58, %eq3A_59 : i32
      %select_n3A_61 = arith.constant 0 : i32
      %select_n3A_62 = arith.select %eq3A_60, %select_n3A_61, %select_n3A_58 : i32
      %add3A_63 = arith.constant 0 : i32
      %add3A_64 = arith.addi %select_n3A_62, %add3A_63 : i32
      %add3A_65 = arith.addi %select_n3A_55, %mul3A_6 : i32
      "tpu.trace_start"() <{level = 10 : i32, message = "ep_initialize_0"}> : () -> ()
      %rem3A = arith.constant 0 : i32
      %rem3A_66 = arith.constant 2 : i32
      %rem3A_67 = arith.remui %rem3A, %rem3A_66 : i32
      %mul3A_68 = arith.constant 64 : i32
      %mul3A_69 = arith.muli %mul3A_68, %add3A_13 : i32
      %dma_start3A = arith.constant 0 : i32
      %dma_start3A_70 = arith.constant 0 : i32
      %dma_start3A_71 = arith.constant 0 : i32
      %dma_start3A_72 = tpu.memref_slice %run_scoped3A[%rem3A_67, %dma_start3A, %dma_start3A_70, %dma_start3A_71] : memref<2x1x64x384xf32, #tpu.memory_space<vmem>> -> memref<1x1x64x384xf32, #tpu.memory_space<vmem>>
      %dma_start3A_73 = tpu.memref_squeeze %dma_start3A_72 : memref<1x1x64x384xf32, #tpu.memory_space<vmem>> -> memref<1x64x384xf32, #tpu.memory_space<vmem>>
      %dma_start3A_74 = arith.constant 0 : i32
      %dma_start3A_75 = arith.constant 0 : i32
      %dma_start3A_76 = tpu.memref_slice %arg2[%dma_start3A_74, %mul3A_69, %dma_start3A_75] : memref<17x4096x384xf32, #tpu.memory_space<hbm>> -> memref<1x64x384xf32, #tpu.memory_space<hbm>>
      %dma_start3A_77 = tpu.memref_slice %run_scoped3A_7[%rem3A_67] : memref<2x!tpu.dma_semaphore, #tpu.memory_space<semaphore_mem>> -> memref<1x!tpu.dma_semaphore, #tpu.memory_space<semaphore_mem>>
      %dma_start3A_78 = tpu.memref_squeeze %dma_start3A_77 : memref<1x!tpu.dma_semaphore, #tpu.memory_space<semaphore_mem>> -> memref<!tpu.dma_semaphore, #tpu.memory_space<semaphore_mem>>
      %dma_start3A_79 = arith.constant 0 : i32
      %dma_start3A_80 = arith.constant 0 : i32
      %dma_start3A_81 = arith.constant 0 : i32
      %dma_start3A_82 = tpu.memref_slice %run_scoped3A[%rem3A_67, %dma_start3A_79, %dma_start3A_80, %dma_start3A_81] : memref<2x1x64x384xf32, #tpu.memory_space<vmem>> -> memref<1x1x64x384xf32, #tpu.memory_space<vmem>>
      %dma_start3A_83 = tpu.memref_squeeze %dma_start3A_82 : memref<1x1x64x384xf32, #tpu.memory_space<vmem>> -> memref<1x64x384xf32, #tpu.memory_space<vmem>>
      %dma_start3A_84 = arith.constant 0 : i32
      %dma_start3A_85 = arith.constant 0 : i32
      %dma_start3A_86 = tpu.memref_slice %arg2[%dma_start3A_84, %mul3A_69, %dma_start3A_85] : memref<17x4096x384xf32, #tpu.memory_space<hbm>> -> memref<1x64x384xf32, #tpu.memory_space<hbm>>
      tpu.enqueue_dma source(%dma_start3A_86 : memref<1x64x384xf32, #tpu.memory_space<hbm>>) target(%dma_start3A_83 : memref<1x64x384xf32, #tpu.memory_space<vmem>>) target_semaphore(%dma_start3A_78 : memref<!tpu.dma_semaphore, #tpu.memory_space<semaphore_mem>>)
      %add3A_87 = arith.constant 0 : i32
      %add3A_88 = arith.constant 1 : i32
      %add3A_89 = arith.addi %add3A_87, %add3A_88 : i32
      %select_n3A_90 = arith.constant true
      %select_n3A_91 = arith.constant 0 : i32
      %select_n3A_92 = arith.select %select_n3A_90, %add3A_89, %select_n3A_91 : i32
      "tpu.trace_stop"() : () -> ()
      %scan3A = arith.constant 0 : i32
      %scan3A_93 = arith.constant 0 : i32
      %scan3A_94 = arith.constant 0 : i32
      %scan3A_95 = arith.constant 0 : i32
      %scan3A_96 = arith.constant 0 : i32
      %scan3A_97 = arith.constant 0 : i32
      %scan3A_98 = arith.constant 0 : i32
      %scan3A_99 = arith.constant 0 : i32
      %scan3A_100 = arith.constant 34 : i32
      %scan3A_101 = arith.addi %scan3A_99, %scan3A_100 : i32
      %scan3A_102 = arith.constant 1 : i32
      %scan3A_103:8 = scf.for %scan3A_217 = %scan3A_99 to %scan3A_101 step %scan3A_102 iter_args(%scan3A_218 = %select_n3A_92, %scan3A_219 = %scan3A, %scan3A_220 = %scan3A_93, %scan3A_221 = %scan3A_94, %scan3A_222 = %scan3A_95, %scan3A_223 = %scan3A_96, %scan3A_224 = %scan3A_97, %scan3A_225 = %scan3A_98) -> (i32, i32, i32, i32, i32, i32, i32, i32)  : i32 {
        %eq3A_226 = arith.constant 0 : i32
        %eq3A_227 = arith.cmpi eq, %scan3A_217, %eq3A_226 : i32
        %eq3A_228 = arith.constant 33 : i32
        %eq3A_229 = arith.cmpi eq, %scan3A_217, %eq3A_228 : i32
        %add3A_230 = arith.constant 0 : i32
        %add3A_231 = arith.addi %scan3A_224, %add3A_230 : i32
        %add3A_232 = arith.addi %scan3A_225, %mul3A_6 : i32
        %sub3A_233 = arith.constant 1 : i32
        %sub3A_234 = arith.subi %scan3A_225, %sub3A_233 : i32
        %select_n3A_235 = arith.constant true
        %select_n3A_236 = arith.select %select_n3A_235, %sub3A_234, %scan3A_225 : i32
        %eq3A_237 = arith.constant -1 : i32
        %eq3A_238 = arith.cmpi eq, %select_n3A_236, %eq3A_237 : i32
        %select_n3A_239 = arith.constant 1 : i32
        %select_n3A_240 = arith.select %eq3A_238, %select_n3A_239, %select_n3A_236 : i32
        %sub3A_241 = arith.constant 1 : i32
        %sub3A_242 = arith.subi %scan3A_224, %sub3A_241 : i32
        %select_n3A_243 = arith.select %eq3A_238, %sub3A_242, %scan3A_224 : i32
        %eq3A_244 = arith.constant -1 : i32
        %eq3A_245 = arith.cmpi eq, %select_n3A_243, %eq3A_244 : i32
        %select_n3A_246 = arith.constant 16 : i32
        %select_n3A_247 = arith.select %eq3A_245, %select_n3A_246, %select_n3A_243 : i32
        %add3A_248 = arith.constant 0 : i32
        %add3A_249 = arith.addi %select_n3A_247, %add3A_248 : i32
        %add3A_250 = arith.addi %select_n3A_240, %mul3A_6 : i32
        %add3A_251 = arith.constant 1 : i32
        %add3A_252 = arith.addi %scan3A_225, %add3A_251 : i32
        %select_n3A_253 = arith.constant true
        %select_n3A_254 = arith.select %select_n3A_253, %add3A_252, %scan3A_225 : i32
        %eq3A_255 = arith.constant 2 : i32
        %eq3A_256 = arith.cmpi eq, %select_n3A_254, %eq3A_255 : i32
        %select_n3A_257 = arith.constant 0 : i32
        %select_n3A_258 = arith.select %eq3A_256, %select_n3A_257, %select_n3A_254 : i32
        %add3A_259 = arith.constant 1 : i32
        %add3A_260 = arith.addi %scan3A_224, %add3A_259 : i32
        %select_n3A_261 = arith.select %eq3A_256, %add3A_260, %scan3A_224 : i32
        %eq3A_262 = arith.constant 17 : i32
        %eq3A_263 = arith.cmpi eq, %select_n3A_261, %eq3A_262 : i32
        %select_n3A_264 = arith.constant 0 : i32
        %select_n3A_265 = arith.select %eq3A_263, %select_n3A_264, %select_n3A_261 : i32
        %add3A_266 = arith.constant 0 : i32
        %add3A_267 = arith.addi %select_n3A_265, %add3A_266 : i32
        %add3A_268 = arith.addi %select_n3A_258, %mul3A_6 : i32
        %add3A_269 = arith.constant 1 : i32
        %add3A_270 = arith.addi %select_n3A_258, %add3A_269 : i32
        %select_n3A_271 = arith.constant true
        %select_n3A_272 = arith.select %select_n3A_271, %add3A_270, %select_n3A_258 : i32
        %eq3A_273 = arith.constant 2 : i32
        %eq3A_274 = arith.cmpi eq, %select_n3A_272, %eq3A_273 : i32
        %select_n3A_275 = arith.constant 0 : i32
        %select_n3A_276 = arith.select %eq3A_274, %select_n3A_275, %select_n3A_272 : i32
        %add3A_277 = arith.constant 1 : i32
        %add3A_278 = arith.addi %select_n3A_265, %add3A_277 : i32
        %select_n3A_279 = arith.select %eq3A_274, %add3A_278, %select_n3A_265 : i32
        %eq3A_280 = arith.constant 17 : i32
        %eq3A_281 = arith.cmpi eq, %select_n3A_279, %eq3A_280 : i32
        %select_n3A_282 = arith.constant 0 : i32
        %select_n3A_283 = arith.select %eq3A_281, %select_n3A_282, %select_n3A_279 : i32
        %add3A_284 = arith.constant 0 : i32
        %add3A_285 = arith.addi %select_n3A_283, %add3A_284 : i32
        %add3A_286 = arith.addi %select_n3A_276, %mul3A_6 : i32
        %ne3A = arith.cmpi ne, %add3A_231, %add3A_267 : i32
        %ne3A_287 = arith.cmpi ne, %add3A_232, %add3A_268 : i32
        %or3A = arith.constant false
        %or3A_288 = arith.ori %or3A, %ne3A : i1
        %or3A_289 = arith.ori %or3A_288, %ne3A_287 : i1
        %or3A_290 = arith.constant false
        %or3A_291 = arith.ori %or3A_289, %or3A_290 : i1
        %ge3A = arith.constant 33 : i32
        %ge3A_292 = arith.cmpi sge, %scan3A_217, %ge3A : i32
        %not3A = arith.constant true
        %not3A_293 = arith.xori %ge3A_292, %not3A : i1
        %and3A = arith.andi %or3A_291, %not3A_293 : i1
        %convert_element_type3A = arith.extui %and3A : i1 to i32
        %cond3A = arith.constant 0 : i32
        %cond3A_294 = arith.cmpi ne, %convert_element_type3A, %cond3A : i32
        scf.if %cond3A_294 {
          "tpu.trace_start"() <{level = 10 : i32, message = "ep_copy_in"}> : () -> ()
          %rem3A_607 = arith.constant 2 : i32
          %rem3A_608 = arith.remui %scan3A_218, %rem3A_607 : i32
          %mul3A_609 = arith.constant 1 : i32
          %mul3A_610 = arith.muli %mul3A_609, %add3A_267 : i32
          %mul3A_611 = arith.constant 64 : i32
          %mul3A_612 = arith.muli %mul3A_611, %add3A_268 : i32
          %dma_start3A_613 = arith.constant 0 : i32
          %dma_start3A_614 = arith.constant 0 : i32
          %dma_start3A_615 = arith.constant 0 : i32
          %dma_start3A_616 = tpu.memref_slice %run_scoped3A[%rem3A_608, %dma_start3A_613, %dma_start3A_614, %dma_start3A_615] : memref<2x1x64x384xf32, #tpu.memory_space<vmem>> -> memref<1x1x64x384xf32, #tpu.memory_space<vmem>>
          %dma_start3A_617 = tpu.memref_squeeze %dma_start3A_616 : memref<1x1x64x384xf32, #tpu.memory_space<vmem>> -> memref<1x64x384xf32, #tpu.memory_space<vmem>>
          %dma_start3A_618 = arith.constant 0 : i32
          %dma_start3A_619 = tpu.memref_slice %arg2[%mul3A_610, %mul3A_612, %dma_start3A_618] : memref<17x4096x384xf32, #tpu.memory_space<hbm>> -> memref<1x64x384xf32, #tpu.memory_space<hbm>>
          %dma_start3A_620 = tpu.memref_slice %run_scoped3A_7[%rem3A_608] : memref<2x!tpu.dma_semaphore, #tpu.memory_space<semaphore_mem>> -> memref<1x!tpu.dma_semaphore, #tpu.memory_space<semaphore_mem>>
          %dma_start3A_621 = tpu.memref_squeeze %dma_start3A_620 : memref<1x!tpu.dma_semaphore, #tpu.memory_space<semaphore_mem>> -> memref<!tpu.dma_semaphore, #tpu.memory_space<semaphore_mem>>
          %dma_start3A_622 = arith.constant 0 : i32
          %dma_start3A_623 = arith.constant 0 : i32
          %dma_start3A_624 = arith.constant 0 : i32
          %dma_start3A_625 = tpu.memref_slice %run_scoped3A[%rem3A_608, %dma_start3A_622, %dma_start3A_623, %dma_start3A_624] : memref<2x1x64x384xf32, #tpu.memory_space<vmem>> -> memref<1x1x64x384xf32, #tpu.memory_space<vmem>>
          %dma_start3A_626 = tpu.memref_squeeze %dma_start3A_625 : memref<1x1x64x384xf32, #tpu.memory_space<vmem>> -> memref<1x64x384xf32, #tpu.memory_space<vmem>>
          %dma_start3A_627 = arith.constant 0 : i32
          %dma_start3A_628 = tpu.memref_slice %arg2[%mul3A_610, %mul3A_612, %dma_start3A_627] : memref<17x4096x384xf32, #tpu.memory_space<hbm>> -> memref<1x64x384xf32, #tpu.memory_space<hbm>>
          tpu.enqueue_dma source(%dma_start3A_628 : memref<1x64x384xf32, #tpu.memory_space<hbm>>) target(%dma_start3A_626 : memref<1x64x384xf32, #tpu.memory_space<vmem>>) target_semaphore(%dma_start3A_621 : memref<!tpu.dma_semaphore, #tpu.memory_space<semaphore_mem>>)
          "tpu.trace_stop"() : () -> ()
        } else {
        }
        %and3A_295 = arith.constant true
        %and3A_296 = arith.andi %and3A, %and3A_295 : i1
        %add3A_297 = arith.constant 1 : i32
        %add3A_298 = arith.addi %scan3A_218, %add3A_297 : i32
        %select_n3A_299 = arith.select %and3A_296, %add3A_298, %scan3A_218 : i32
        %mul3A_300 = arith.constant 64 : i32
        %mul3A_301 = arith.muli %add3A_231, %mul3A_300 : i32
        %add3A_302 = arith.addi %mul3A_301, %add3A_232 : i32
        %mul3A_303 = arith.constant 64 : i32
        %mul3A_304 = arith.muli %add3A_267, %mul3A_303 : i32
        %add3A_305 = arith.addi %mul3A_304, %add3A_268 : i32
        %ne3A_306 = arith.cmpi ne, %add3A_302, %add3A_305 : i32
        %or3A_307 = arith.constant false
        %or3A_308 = arith.ori %or3A_307, %ne3A_306 : i1
        %or3A_309 = arith.constant false
        %or3A_310 = arith.ori %or3A_308, %or3A_309 : i1
        %ge3A_311 = arith.constant 33 : i32
        %ge3A_312 = arith.cmpi sge, %scan3A_217, %ge3A_311 : i32
        %not3A_313 = arith.constant true
        %not3A_314 = arith.xori %ge3A_312, %not3A_313 : i1
        %and3A_315 = arith.andi %or3A_310, %not3A_314 : i1
        %mul3A_316 = arith.constant 64 : i32
        %mul3A_317 = arith.muli %add3A_231, %mul3A_316 : i32
        %add3A_318 = arith.addi %mul3A_317, %add3A_232 : i32
        %mul3A_319 = arith.constant 64 : i32
        %mul3A_320 = arith.muli %add3A_267, %mul3A_319 : i32
        %add3A_321 = arith.addi %mul3A_320, %add3A_268 : i32
        %ne3A_322 = arith.cmpi ne, %add3A_318, %add3A_321 : i32
        %or3A_323 = arith.constant false
        %or3A_324 = arith.ori %or3A_323, %ne3A_322 : i1
        %or3A_325 = arith.constant false
        %or3A_326 = arith.ori %or3A_324, %or3A_325 : i1
        %ge3A_327 = arith.constant 33 : i32
        %ge3A_328 = arith.cmpi sge, %scan3A_217, %ge3A_327 : i32
        %not3A_329 = arith.constant true
        %not3A_330 = arith.xori %ge3A_328, %not3A_329 : i1
        %and3A_331 = arith.andi %or3A_326, %not3A_330 : i1
        %ne3A_332 = arith.cmpi ne, %add3A_231, %add3A_249 : i32
        %ne3A_333 = arith.cmpi ne, %add3A_232, %add3A_250 : i32
        %or3A_334 = arith.constant false
        %or3A_335 = arith.ori %or3A_334, %ne3A_332 : i1
        %or3A_336 = arith.ori %or3A_335, %ne3A_333 : i1
        %or3A_337 = arith.constant false
        %or3A_338 = arith.ori %or3A_336, %or3A_337 : i1
        %or3A_339 = arith.ori %or3A_338, %eq3A_227 : i1
        %convert_element_type3A_340 = arith.extui %or3A_339 : i1 to i32
        %cond3A_341 = arith.constant 0 : i32
        %cond3A_342 = arith.cmpi ne, %convert_element_type3A_340, %cond3A_341 : i32
        scf.if %cond3A_342 {
          "tpu.trace_start"() <{level = 10 : i32, message = "ep_wait_in"}> : () -> ()
          %mul3A_607 = arith.constant 1 : i32
          %mul3A_608 = arith.muli %mul3A_607, %add3A_231 : i32
          %mul3A_609 = arith.constant 64 : i32
          %mul3A_610 = arith.muli %mul3A_609, %add3A_232 : i32
          %rem3A_611 = arith.constant 2 : i32
          %rem3A_612 = arith.remui %scan3A_219, %rem3A_611 : i32
          %dma_wait3A_613 = arith.constant 0 : i32
          %dma_wait3A_614 = arith.constant 0 : i32
          %dma_wait3A_615 = arith.constant 0 : i32
          %dma_wait3A_616 = tpu.memref_slice %run_scoped3A[%rem3A_612, %dma_wait3A_613, %dma_wait3A_614, %dma_wait3A_615] : memref<2x1x64x384xf32, #tpu.memory_space<vmem>> -> memref<1x1x64x384xf32, #tpu.memory_space<vmem>>
          %dma_wait3A_617 = tpu.memref_squeeze %dma_wait3A_616 : memref<1x1x64x384xf32, #tpu.memory_space<vmem>> -> memref<1x64x384xf32, #tpu.memory_space<vmem>>
          %dma_wait3A_618 = arith.constant 0 : i32
          %dma_wait3A_619 = tpu.memref_slice %arg2[%mul3A_608, %mul3A_610, %dma_wait3A_618] : memref<17x4096x384xf32, #tpu.memory_space<hbm>> -> memref<1x64x384xf32, #tpu.memory_space<hbm>>
          %dma_wait3A_620 = tpu.memref_slice %run_scoped3A_7[%rem3A_612] : memref<2x!tpu.dma_semaphore, #tpu.memory_space<semaphore_mem>> -> memref<1x!tpu.dma_semaphore, #tpu.memory_space<semaphore_mem>>
          %dma_wait3A_621 = tpu.memref_squeeze %dma_wait3A_620 : memref<1x!tpu.dma_semaphore, #tpu.memory_space<semaphore_mem>> -> memref<!tpu.dma_semaphore, #tpu.memory_space<semaphore_mem>>
          %dma_wait3A_622 = arith.constant 0 : i32
          %dma_wait3A_623 = arith.constant 0 : i32
          %dma_wait3A_624 = arith.constant 0 : i32
          %dma_wait3A_625 = tpu.memref_slice %run_scoped3A[%rem3A_612, %dma_wait3A_622, %dma_wait3A_623, %dma_wait3A_624] : memref<2x1x64x384xf32, #tpu.memory_space<vmem>> -> memref<1x1x64x384xf32, #tpu.memory_space<vmem>>
          %dma_wait3A_626 = tpu.memref_squeeze %dma_wait3A_625 : memref<1x1x64x384xf32, #tpu.memory_space<vmem>> -> memref<1x64x384xf32, #tpu.memory_space<vmem>>
          %dma_wait3A_627 = arith.constant 0 : i32
          %dma_wait3A_628 = tpu.memref_slice %arg2[%mul3A_608, %mul3A_610, %dma_wait3A_627] : memref<17x4096x384xf32, #tpu.memory_space<hbm>> -> memref<1x64x384xf32, #tpu.memory_space<hbm>>
          tpu.wait_dma2 semaphore(%dma_wait3A_621 : memref<!tpu.dma_semaphore, #tpu.memory_space<semaphore_mem>>) src(%dma_wait3A_628 : memref<1x64x384xf32, #tpu.memory_space<hbm>>) dst(%dma_wait3A_626 : memref<1x64x384xf32, #tpu.memory_space<vmem>>)
          "tpu.trace_stop"() : () -> ()
        } else {
        }
        %mul3A_343 = arith.constant 64 : i32
        %mul3A_344 = arith.muli %add3A_231, %mul3A_343 : i32
        %add3A_345 = arith.addi %mul3A_344, %add3A_232 : i32
        %mul3A_346 = arith.constant 64 : i32
        %mul3A_347 = arith.muli %add3A_249, %mul3A_346 : i32
        %add3A_348 = arith.addi %mul3A_347, %add3A_250 : i32
        %ne3A_349 = arith.cmpi ne, %add3A_345, %add3A_348 : i32
        %or3A_350 = arith.constant false
        %or3A_351 = arith.ori %or3A_350, %ne3A_349 : i1
        %or3A_352 = arith.constant false
        %or3A_353 = arith.ori %or3A_351, %or3A_352 : i1
        %or3A_354 = arith.ori %or3A_353, %eq3A_227 : i1
        %convert_element_type3A_355 = arith.extui %or3A_354 : i1 to i32
        %cond3A_356 = arith.constant 0 : i32
        %cond3A_357 = arith.cmpi ne, %convert_element_type3A_355, %cond3A_356 : i32
        scf.if %cond3A_357 {
        } else {
        }
        %mul3A_358 = arith.constant 64 : i32
        %mul3A_359 = arith.muli %add3A_231, %mul3A_358 : i32
        %add3A_360 = arith.addi %mul3A_359, %add3A_232 : i32
        %mul3A_361 = arith.constant 64 : i32
        %mul3A_362 = arith.muli %add3A_249, %mul3A_361 : i32
        %add3A_363 = arith.addi %mul3A_362, %add3A_250 : i32
        %ne3A_364 = arith.cmpi ne, %add3A_360, %add3A_363 : i32
        %or3A_365 = arith.constant false
        %or3A_366 = arith.ori %or3A_365, %ne3A_364 : i1
        %or3A_367 = arith.constant false
        %or3A_368 = arith.ori %or3A_366, %or3A_367 : i1
        %or3A_369 = arith.ori %or3A_368, %eq3A_227 : i1
        %convert_element_type3A_370 = arith.extui %or3A_369 : i1 to i32
        %cond3A_371 = arith.constant 0 : i32
        %cond3A_372 = arith.cmpi ne, %convert_element_type3A_370, %cond3A_371 : i32
        scf.if %cond3A_372 {
        } else {
        }
        %rem3A_373 = arith.constant 2 : i32
        %rem3A_374 = arith.remui %scan3A_219, %rem3A_373 : i32
        %rem3A_375 = arith.constant 2 : i32
        %rem3A_376 = arith.remui %scan3A_220, %rem3A_375 : i32
        %rem3A_377 = arith.constant 2 : i32
        %rem3A_378 = arith.remui %scan3A_222, %rem3A_377 : i32
        "tpu.trace_start"() <{level = 10 : i32, message = "ep_run_kernel"}> : () -> ()
        %iota3A = tpu.iota {dimensions = array<i32: 0>} : vector<16xi32>
        %broadcast_in_dim3A = arith.constant 0.000000e+00 : f32
        %broadcast_in_dim3A_379 = vector.broadcast %broadcast_in_dim3A : f32 to vector<16xf32>
        %broadcast_in_dim3A_380 = arith.constant 0 : i32
        %broadcast_in_dim3A_381 = vector.broadcast %broadcast_in_dim3A_380 : i32 to vector<16xi32>
        %scan3A_382 = arith.constant 0 : i32
        %scan3A_383 = arith.constant 8 : i32
        %scan3A_384 = arith.addi %scan3A_382, %scan3A_383 : i32
        %scan3A_385 = arith.constant 1 : i32
        %scan3A_386:2 = scf.for %scan3A_607 = %scan3A_382 to %scan3A_384 step %scan3A_385 iter_args(%scan3A_608 = %broadcast_in_dim3A_379, %scan3A_609 = %broadcast_in_dim3A_381) -> (vector<16xf32>, vector<16xi32>)  : i32 {
          %mul3A_610 = arith.constant 2 : i32
          %mul3A_611 = arith.muli %mul3A_610, %scan3A_607 : i32
          %add3A_612 = arith.constant 0 : i32
          %add3A_613 = arith.addi %mul3A_611, %add3A_612 : i32
          %add3A_614 = arith.constant 0 : i32
          %add3A_615 = arith.addi %add3A_614, %add3A_613 : i32
          %get3A = arith.constant 0 : i32
          %get3A_616 = arith.constant 0 : i32
          %get3A_617 = arith.constant 0 : i32
          %get3A_618 = arith.constant 0 : i32
          %get3A_619 = tpu.memref_slice %run_scoped3A[%rem3A_374, %get3A_616, %get3A_617, %get3A_618] : memref<2x1x64x384xf32, #tpu.memory_space<vmem>> -> memref<1x1x64x384xf32, #tpu.memory_space<vmem>>
          %get3A_620 = tpu.memref_squeeze %get3A_619 : memref<1x1x64x384xf32, #tpu.memory_space<vmem>> -> memref<1x64x384xf32, #tpu.memory_space<vmem>>
          %get3A_621 = arith.index_cast %get3A : i32 to index
          %get3A_622 = arith.index_cast %add3A_615 : i32 to index
          %get3A_623 = arith.constant 0 : index
          %get3A_624 = tpu.vector_load %get3A_620[%get3A_621, %get3A_622, %get3A_623] {strides = array<i32>} : memref<1x64x384xf32, #tpu.memory_space<vmem>>, vector<16xf32>,
          %add3A_625 = arith.constant 0 : i32
          %add3A_626 = vector.broadcast %add3A_625 : i32 to vector<16xi32>
          %add3A_627 = arith.addi %iota3A, %add3A_626 : vector<16xi32>
          %add3A_628 = arith.constant 16 : i32
          %add3A_629 = vector.broadcast %add3A_628 : i32 to vector<16xi32>
          %add3A_630 = arith.addi %iota3A, %add3A_629 : vector<16xi32>
          %get3A_631 = arith.constant 0 : i32
          %get3A_632 = arith.constant 0 : i32
          %get3A_633 = arith.constant 0 : i32
          %get3A_634 = arith.constant 0 : i32
          %get3A_635 = tpu.memref_slice %run_scoped3A[%rem3A_374, %get3A_632, %get3A_633, %get3A_634] : memref<2x1x64x384xf32, #tpu.memory_space<vmem>> -> memref<1x1x64x384xf32, #tpu.memory_space<vmem>>
          %get3A_636 = tpu.memref_squeeze %get3A_635 : memref<1x1x64x384xf32, #tpu.memory_space<vmem>> -> memref<1x64x384xf32, #tpu.memory_space<vmem>>
          %get3A_637 = arith.index_cast %get3A_631 : i32 to index
          %get3A_638 = arith.index_cast %add3A_615 : i32 to index
          %get3A_639 = arith.constant 16 : index
          %get3A_640 = tpu.vector_load %get3A_636[%get3A_637, %get3A_638, %get3A_639] {strides = array<i32>} : memref<1x64x384xf32, #tpu.memory_space<vmem>>, vector<16xf32>,
          %gt3A = arith.cmpf ogt, %get3A_640, %get3A_624 : vector<16xf32>
          %select_n3A_641 = arith.select %gt3A, %get3A_640, %get3A_624 : vector<16xi1>, vector<16xf32>
          %select_n3A_642 = arith.select %gt3A, %add3A_630, %add3A_627 : vector<16xi1>, vector<16xi32>
          %add3A_643 = arith.constant 16 : i32
          %add3A_644 = vector.broadcast %add3A_643 : i32 to vector<16xi32>
          %add3A_645 = arith.addi %add3A_630, %add3A_644 : vector<16xi32>
          %get3A_646 = arith.constant 0 : i32
          %get3A_647 = arith.constant 0 : i32
          %get3A_648 = arith.constant 0 : i32
          %get3A_649 = arith.constant 0 : i32
          %get3A_650 = tpu.memref_slice %run_scoped3A[%rem3A_374, %get3A_647, %get3A_648, %get3A_649] : memref<2x1x64x384xf32, #tpu.memory_space<vmem>> -> memref<1x1x64x384xf32, #tpu.memory_space<vmem>>
          %get3A_651 = tpu.memref_squeeze %get3A_650 : memref<1x1x64x384xf32, #tpu.memory_space<vmem>> -> memref<1x64x384xf32, #tpu.memory_space<vmem>>
          %get3A_652 = arith.index_cast %get3A_646 : i32 to index
          %get3A_653 = arith.index_cast %add3A_615 : i32 to index
          %get3A_654 = arith.constant 32 : index
          %get3A_655 = tpu.vector_load %get3A_651[%get3A_652, %get3A_653, %get3A_654] {strides = array<i32>} : memref<1x64x384xf32, #tpu.memory_space<vmem>>, vector<16xf32>,
          %gt3A_656 = arith.cmpf ogt, %get3A_655, %select_n3A_641 : vector<16xf32>
          %select_n3A_657 = arith.select %gt3A_656, %get3A_655, %select_n3A_641 : vector<16xi1>, vector<16xf32>
          %select_n3A_658 = arith.select %gt3A_656, %add3A_645, %select_n3A_642 : vector<16xi1>, vector<16xi32>
          %add3A_659 = arith.constant 16 : i32
          %add3A_660 = vector.broadcast %add3A_659 : i32 to vector<16xi32>
          %add3A_661 = arith.addi %add3A_645, %add3A_660 : vector<16xi32>
          %get3A_662 = arith.constant 0 : i32
          %get3A_663 = arith.constant 0 : i32
          %get3A_664 = arith.constant 0 : i32
          %get3A_665 = arith.constant 0 : i32
          %get3A_666 = tpu.memref_slice %run_scoped3A[%rem3A_374, %get3A_663, %get3A_664, %get3A_665] : memref<2x1x64x384xf32, #tpu.memory_space<vmem>> -> memref<1x1x64x384xf32, #tpu.memory_space<vmem>>
          %get3A_667 = tpu.memref_squeeze %get3A_666 : memref<1x1x64x384xf32, #tpu.memory_space<vmem>> -> memref<1x64x384xf32, #tpu.memory_space<vmem>>
          %get3A_668 = arith.index_cast %get3A_662 : i32 to index
          %get3A_669 = arith.index_cast %add3A_615 : i32 to index
          %get3A_670 = arith.constant 48 : index
          %get3A_671 = tpu.vector_load %get3A_667[%get3A_668, %get3A_669, %get3A_670] {strides = array<i32>} : memref<1x64x384xf32, #tpu.memory_space<vmem>>, vector<16xf32>,
          %gt3A_672 = arith.cmpf ogt, %get3A_671, %select_n3A_657 : vector<16xf32>
          %select_n3A_673 = arith.select %gt3A_672, %get3A_671, %select_n3A_657 : vector<16xi1>, vector<16xf32>
          %select_n3A_674 = arith.select %gt3A_672, %add3A_661, %select_n3A_658 : vector<16xi1>, vector<16xi32>
          %add3A_675 = arith.constant 16 : i32
          %add3A_676 = vector.broadcast %add3A_675 : i32 to vector<16xi32>
          %add3A_677 = arith.addi %add3A_661, %add3A_676 : vector<16xi32>
          %get3A_678 = arith.constant 0 : i32
          %get3A_679 = arith.constant 0 : i32
          %get3A_680 = arith.constant 0 : i32
          %get3A_681 = arith.constant 0 : i32
          %get3A_682 = tpu.memref_slice %run_scoped3A[%rem3A_374, %get3A_679, %get3A_680, %get3A_681] : memref<2x1x64x384xf32, #tpu.memory_space<vmem>> -> memref<1x1x64x384xf32, #tpu.memory_space<vmem>>
          %get3A_683 = tpu.memref_squeeze %get3A_682 : memref<1x1x64x384xf32, #tpu.memory_space<vmem>> -> memref<1x64x384xf32, #tpu.memory_space<vmem>>
          %get3A_684 = arith.index_cast %get3A_678 : i32 to index
          %get3A_685 = arith.index_cast %add3A_615 : i32 to index
          %get3A_686 = arith.constant 64 : index
          %get3A_687 = tpu.vector_load %get3A_683[%get3A_684, %get3A_685, %get3A_686] {strides = array<i32>} : memref<1x64x384xf32, #tpu.memory_space<vmem>>, vector<16xf32>,
          %gt3A_688 = arith.cmpf ogt, %get3A_687, %select_n3A_673 : vector<16xf32>
          %select_n3A_689 = arith.select %gt3A_688, %get3A_687, %select_n3A_673 : vector<16xi1>, vector<16xf32>
          %select_n3A_690 = arith.select %gt3A_688, %add3A_677, %select_n3A_674 : vector<16xi1>, vector<16xi32>
          %add3A_691 = arith.constant 16 : i32
          %add3A_692 = vector.broadcast %add3A_691 : i32 to vector<16xi32>
          %add3A_693 = arith.addi %add3A_677, %add3A_692 : vector<16xi32>
          %get3A_694 = arith.constant 0 : i32
          %get3A_695 = arith.constant 0 : i32
          %get3A_696 = arith.constant 0 : i32
          %get3A_697 = arith.constant 0 : i32
          %get3A_698 = tpu.memref_slice %run_scoped3A[%rem3A_374, %get3A_695, %get3A_696, %get3A_697] : memref<2x1x64x384xf32, #tpu.memory_space<vmem>> -> memref<1x1x64x384xf32, #tpu.memory_space<vmem>>
          %get3A_699 = tpu.memref_squeeze %get3A_698 : memref<1x1x64x384xf32, #tpu.memory_space<vmem>> -> memref<1x64x384xf32, #tpu.memory_space<vmem>>
          %get3A_700 = arith.index_cast %get3A_694 : i32 to index
          %get3A_701 = arith.index_cast %add3A_615 : i32 to index
          %get3A_702 = arith.constant 80 : index
          %get3A_703 = tpu.vector_load %get3A_699[%get3A_700, %get3A_701, %get3A_702] {strides = array<i32>} : memref<1x64x384xf32, #tpu.memory_space<vmem>>, vector<16xf32>,
          %gt3A_704 = arith.cmpf ogt, %get3A_703, %select_n3A_689 : vector<16xf32>
          %select_n3A_705 = arith.select %gt3A_704, %get3A_703, %select_n3A_689 : vector<16xi1>, vector<16xf32>
          %select_n3A_706 = arith.select %gt3A_704, %add3A_693, %select_n3A_690 : vector<16xi1>, vector<16xi32>
          %add3A_707 = arith.constant 16 : i32
          %add3A_708 = vector.broadcast %add3A_707 : i32 to vector<16xi32>
          %add3A_709 = arith.addi %add3A_693, %add3A_708 : vector<16xi32>
          %get3A_710 = arith.constant 0 : i32
          %get3A_711 = arith.constant 0 : i32
          %get3A_712 = arith.constant 0 : i32
          %get3A_713 = arith.constant 0 : i32
          %get3A_714 = tpu.memref_slice %run_scoped3A[%rem3A_374, %get3A_711, %get3A_712, %get3A_713] : memref<2x1x64x384xf32, #tpu.memory_space<vmem>> -> memref<1x1x64x384xf32, #tpu.memory_space<vmem>>
          %get3A_715 = tpu.memref_squeeze %get3A_714 : memref<1x1x64x384xf32, #tpu.memory_space<vmem>> -> memref<1x64x384xf32, #tpu.memory_space<vmem>>
          %get3A_716 = arith.index_cast %get3A_710 : i32 to index
          %get3A_717 = arith.index_cast %add3A_615 : i32 to index
          %get3A_718 = arith.constant 96 : index
          %get3A_719 = tpu.vector_load %get3A_715[%get3A_716, %get3A_717, %get3A_718] {strides = array<i32>} : memref<1x64x384xf32, #tpu.memory_space<vmem>>, vector<16xf32>,
          %gt3A_720 = arith.cmpf ogt, %get3A_719, %select_n3A_705 : vector<16xf32>
          %select_n3A_721 = arith.select %gt3A_720, %get3A_719, %select_n3A_705 : vector<16xi1>, vector<16xf32>
          %select_n3A_722 = arith.select %gt3A_720, %add3A_709, %select_n3A_706 : vector<16xi1>, vector<16xi32>
          %add3A_723 = arith.constant 16 : i32
          %add3A_724 = vector.broadcast %add3A_723 : i32 to vector<16xi32>
          %add3A_725 = arith.addi %add3A_709, %add3A_724 : vector<16xi32>
          %get3A_726 = arith.constant 0 : i32
          %get3A_727 = arith.constant 0 : i32
          %get3A_728 = arith.constant 0 : i32
          %get3A_729 = arith.constant 0 : i32
          %get3A_730 = tpu.memref_slice %run_scoped3A[%rem3A_374, %get3A_727, %get3A_728, %get3A_729] : memref<2x1x64x384xf32, #tpu.memory_space<vmem>> -> memref<1x1x64x384xf32, #tpu.memory_space<vmem>>
          %get3A_731 = tpu.memref_squeeze %get3A_730 : memref<1x1x64x384xf32, #tpu.memory_space<vmem>> -> memref<1x64x384xf32, #tpu.memory_space<vmem>>
          %get3A_732 = arith.index_cast %get3A_726 : i32 to index
          %get3A_733 = arith.index_cast %add3A_615 : i32 to index
          %get3A_734 = arith.constant 112 : index
          %get3A_735 = tpu.vector_load %get3A_731[%get3A_732, %get3A_733, %get3A_734] {strides = array<i32>} : memref<1x64x384xf32, #tpu.memory_space<vmem>>, vector<16xf32>,
          %gt3A_736 = arith.cmpf ogt, %get3A_735, %select_n3A_721 : vector<16xf32>
          %select_n3A_737 = arith.select %gt3A_736, %get3A_735, %select_n3A_721 : vector<16xi1>, vector<16xf32>
          %select_n3A_738 = arith.select %gt3A_736, %add3A_725, %select_n3A_722 : vector<16xi1>, vector<16xi32>
          %add3A_739 = arith.constant 16 : i32
          %add3A_740 = vector.broadcast %add3A_739 : i32 to vector<16xi32>
          %add3A_741 = arith.addi %add3A_725, %add3A_740 : vector<16xi32>
          %get3A_742 = arith.constant 0 : i32
          %get3A_743 = arith.constant 0 : i32
          %get3A_744 = arith.constant 0 : i32
          %get3A_745 = arith.constant 0 : i32
          %get3A_746 = tpu.memref_slice %run_scoped3A[%rem3A_374, %get3A_743, %get3A_744, %get3A_745] : memref<2x1x64x384xf32, #tpu.memory_space<vmem>> -> memref<1x1x64x384xf32, #tpu.memory_space<vmem>>
          %get3A_747 = tpu.memref_squeeze %get3A_746 : memref<1x1x64x384xf32, #tpu.memory_space<vmem>> -> memref<1x64x384xf32, #tpu.memory_space<vmem>>
          %get3A_748 = arith.index_cast %get3A_742 : i32 to index
          %get3A_749 = arith.index_cast %add3A_615 : i32 to index
          %get3A_750 = arith.constant 128 : index
          %get3A_751 = tpu.vector_load %get3A_747[%get3A_748, %get3A_749, %get3A_750] {strides = array<i32>} : memref<1x64x384xf32, #tpu.memory_space<vmem>>, vector<16xf32>,
          %gt3A_752 = arith.cmpf ogt, %get3A_751, %select_n3A_737 : vector<16xf32>
          %select_n3A_753 = arith.select %gt3A_752, %get3A_751, %select_n3A_737 : vector<16xi1>, vector<16xf32>
          %select_n3A_754 = arith.select %gt3A_752, %add3A_741, %select_n3A_738 : vector<16xi1>, vector<16xi32>
          %add3A_755 = arith.constant 16 : i32
          %add3A_756 = vector.broadcast %add3A_755 : i32 to vector<16xi32>
          %add3A_757 = arith.addi %add3A_741, %add3A_756 : vector<16xi32>
          %get3A_758 = arith.constant 0 : i32
          %get3A_759 = arith.constant 0 : i32
          %get3A_760 = arith.constant 0 : i32
          %get3A_761 = arith.constant 0 : i32
          %get3A_762 = tpu.memref_slice %run_scoped3A[%rem3A_374, %get3A_759, %get3A_760, %get3A_761] : memref<2x1x64x384xf32, #tpu.memory_space<vmem>> -> memref<1x1x64x384xf32, #tpu.memory_space<vmem>>
          %get3A_763 = tpu.memref_squeeze %get3A_762 : memref<1x1x64x384xf32, #tpu.memory_space<vmem>> -> memref<1x64x384xf32, #tpu.memory_space<vmem>>
          %get3A_764 = arith.index_cast %get3A_758 : i32 to index
          %get3A_765 = arith.index_cast %add3A_615 : i32 to index
          %get3A_766 = arith.constant 144 : index
          %get3A_767 = tpu.vector_load %get3A_763[%get3A_764, %get3A_765, %get3A_766] {strides = array<i32>} : memref<1x64x384xf32, #tpu.memory_space<vmem>>, vector<16xf32>,
          %gt3A_768 = arith.cmpf ogt, %get3A_767, %select_n3A_753 : vector<16xf32>
          %select_n3A_769 = arith.select %gt3A_768, %get3A_767, %select_n3A_753 : vector<16xi1>, vector<16xf32>
          %select_n3A_770 = arith.select %gt3A_768, %add3A_757, %select_n3A_754 : vector<16xi1>, vector<16xi32>
          %add3A_771 = arith.constant 16 : i32
          %add3A_772 = vector.broadcast %add3A_771 : i32 to vector<16xi32>
          %add3A_773 = arith.addi %add3A_757, %add3A_772 : vector<16xi32>
          %get3A_774 = arith.constant 0 : i32
          %get3A_775 = arith.constant 0 : i32
          %get3A_776 = arith.constant 0 : i32
          %get3A_777 = arith.constant 0 : i32
          %get3A_778 = tpu.memref_slice %run_scoped3A[%rem3A_374, %get3A_775, %get3A_776, %get3A_777] : memref<2x1x64x384xf32, #tpu.memory_space<vmem>> -> memref<1x1x64x384xf32, #tpu.memory_space<vmem>>
          %get3A_779 = tpu.memref_squeeze %get3A_778 : memref<1x1x64x384xf32, #tpu.memory_space<vmem>> -> memref<1x64x384xf32, #tpu.memory_space<vmem>>
          %get3A_780 = arith.index_cast %get3A_774 : i32 to index
          %get3A_781 = arith.index_cast %add3A_615 : i32 to index
          %get3A_782 = arith.constant 160 : index
          %get3A_783 = tpu.vector_load %get3A_779[%get3A_780, %get3A_781, %get3A_782] {strides = array<i32>} : memref<1x64x384xf32, #tpu.memory_space<vmem>>, vector<16xf32>,
          %gt3A_784 = arith.cmpf ogt, %get3A_783, %select_n3A_769 : vector<16xf32>
          %select_n3A_785 = arith.select %gt3A_784, %get3A_783, %select_n3A_769 : vector<16xi1>, vector<16xf32>
          %select_n3A_786 = arith.select %gt3A_784, %add3A_773, %select_n3A_770 : vector<16xi1>, vector<16xi32>
          %add3A_787 = arith.constant 16 : i32
          %add3A_788 = vector.broadcast %add3A_787 : i32 to vector<16xi32>
          %add3A_789 = arith.addi %add3A_773, %add3A_788 : vector<16xi32>
          %get3A_790 = arith.constant 0 : i32
          %get3A_791 = arith.constant 0 : i32
          %get3A_792 = arith.constant 0 : i32
          %get3A_793 = arith.constant 0 : i32
          %get3A_794 = tpu.memref_slice %run_scoped3A[%rem3A_374, %get3A_791, %get3A_792, %get3A_793] : memref<2x1x64x384xf32, #tpu.memory_space<vmem>> -> memref<1x1x64x384xf32, #tpu.memory_space<vmem>>
          %get3A_795 = tpu.memref_squeeze %get3A_794 : memref<1x1x64x384xf32, #tpu.memory_space<vmem>> -> memref<1x64x384xf32, #tpu.memory_space<vmem>>
          %get3A_796 = arith.index_cast %get3A_790 : i32 to index
          %get3A_797 = arith.index_cast %add3A_615 : i32 to index
          %get3A_798 = arith.constant 176 : index
          %get3A_799 = tpu.vector_load %get3A_795[%get3A_796, %get3A_797, %get3A_798] {strides = array<i32>} : memref<1x64x384xf32, #tpu.memory_space<vmem>>, vector<16xf32>,
          %gt3A_800 = arith.cmpf ogt, %get3A_799, %select_n3A_785 : vector<16xf32>
          %select_n3A_801 = arith.select %gt3A_800, %get3A_799, %select_n3A_785 : vector<16xi1>, vector<16xf32>
          %select_n3A_802 = arith.select %gt3A_800, %add3A_789, %select_n3A_786 : vector<16xi1>, vector<16xi32>
          %add3A_803 = arith.constant 16 : i32
          %add3A_804 = vector.broadcast %add3A_803 : i32 to vector<16xi32>
          %add3A_805 = arith.addi %add3A_789, %add3A_804 : vector<16xi32>
          %get3A_806 = arith.constant 0 : i32
          %get3A_807 = arith.constant 0 : i32
          %get3A_808 = arith.constant 0 : i32
          %get3A_809 = arith.constant 0 : i32
          %get3A_810 = tpu.memref_slice %run_scoped3A[%rem3A_374, %get3A_807, %get3A_808, %get3A_809] : memref<2x1x64x384xf32, #tpu.memory_space<vmem>> -> memref<1x1x64x384xf32, #tpu.memory_space<vmem>>
          %get3A_811 = tpu.memref_squeeze %get3A_810 : memref<1x1x64x384xf32, #tpu.memory_space<vmem>> -> memref<1x64x384xf32, #tpu.memory_space<vmem>>
          %get3A_812 = arith.index_cast %get3A_806 : i32 to index
          %get3A_813 = arith.index_cast %add3A_615 : i32 to index
          %get3A_814 = arith.constant 192 : index
          %get3A_815 = tpu.vector_load %get3A_811[%get3A_812, %get3A_813, %get3A_814] {strides = array<i32>} : memref<1x64x384xf32, #tpu.memory_space<vmem>>, vector<16xf32>,
          %add3A_816 = arith.constant 192 : i32
          %add3A_817 = vector.broadcast %add3A_816 : i32 to vector<16xi32>
          %add3A_818 = arith.addi %iota3A, %add3A_817 : vector<16xi32>
          %add3A_819 = arith.constant 208 : i32
          %add3A_820 = vector.broadcast %add3A_819 : i32 to vector<16xi32>
          %add3A_821 = arith.addi %iota3A, %add3A_820 : vector<16xi32>
          %get3A_822 = arith.constant 0 : i32
          %get3A_823 = arith.constant 0 : i32
          %get3A_824 = arith.constant 0 : i32
          %get3A_825 = arith.constant 0 : i32
          %get3A_826 = tpu.memref_slice %run_scoped3A[%rem3A_374, %get3A_823, %get3A_824, %get3A_825] : memref<2x1x64x384xf32, #tpu.memory_space<vmem>> -> memref<1x1x64x384xf32, #tpu.memory_space<vmem>>
          %get3A_827 = tpu.memref_squeeze %get3A_826 : memref<1x1x64x384xf32, #tpu.memory_space<vmem>> -> memref<1x64x384xf32, #tpu.memory_space<vmem>>
          %get3A_828 = arith.index_cast %get3A_822 : i32 to index
          %get3A_829 = arith.index_cast %add3A_615 : i32 to index
          %get3A_830 = arith.constant 208 : index
          %get3A_831 = tpu.vector_load %get3A_827[%get3A_828, %get3A_829, %get3A_830] {strides = array<i32>} : memref<1x64x384xf32, #tpu.memory_space<vmem>>, vector<16xf32>,
          %gt3A_832 = arith.cmpf ogt, %get3A_831, %get3A_815 : vector<16xf32>
          %select_n3A_833 = arith.select %gt3A_832, %get3A_831, %get3A_815 : vector<16xi1>, vector<16xf32>
          %select_n3A_834 = arith.select %gt3A_832, %add3A_821, %add3A_818 : vector<16xi1>, vector<16xi32>
          %add3A_835 = arith.constant 16 : i32
          %add3A_836 = vector.broadcast %add3A_835 : i32 to vector<16xi32>
          %add3A_837 = arith.addi %add3A_821, %add3A_836 : vector<16xi32>
          %get3A_838 = arith.constant 0 : i32
          %get3A_839 = arith.constant 0 : i32
          %get3A_840 = arith.constant 0 : i32
          %get3A_841 = arith.constant 0 : i32
          %get3A_842 = tpu.memref_slice %run_scoped3A[%rem3A_374, %get3A_839, %get3A_840, %get3A_841] : memref<2x1x64x384xf32, #tpu.memory_space<vmem>> -> memref<1x1x64x384xf32, #tpu.memory_space<vmem>>
          %get3A_843 = tpu.memref_squeeze %get3A_842 : memref<1x1x64x384xf32, #tpu.memory_space<vmem>> -> memref<1x64x384xf32, #tpu.memory_space<vmem>>
          %get3A_844 = arith.index_cast %get3A_838 : i32 to index
          %get3A_845 = arith.index_cast %add3A_615 : i32 to index
          %get3A_846 = arith.constant 224 : index
          %get3A_847 = tpu.vector_load %get3A_843[%get3A_844, %get3A_845, %get3A_846] {strides = array<i32>} : memref<1x64x384xf32, #tpu.memory_space<vmem>>, vector<16xf32>,
          %gt3A_848 = arith.cmpf ogt, %get3A_847, %select_n3A_833 : vector<16xf32>
          %select_n3A_849 = arith.select %gt3A_848, %get3A_847, %select_n3A_833 : vector<16xi1>, vector<16xf32>
          %select_n3A_850 = arith.select %gt3A_848, %add3A_837, %select_n3A_834 : vector<16xi1>, vector<16xi32>
          %add3A_851 = arith.constant 16 : i32
          %add3A_852 = vector.broadcast %add3A_851 : i32 to vector<16xi32>
          %add3A_853 = arith.addi %add3A_837, %add3A_852 : vector<16xi32>
          %get3A_854 = arith.constant 0 : i32
          %get3A_855 = arith.constant 0 : i32
          %get3A_856 = arith.constant 0 : i32
          %get3A_857 = arith.constant 0 : i32
          %get3A_858 = tpu.memref_slice %run_scoped3A[%rem3A_374, %get3A_855, %get3A_856, %get3A_857] : memref<2x1x64x384xf32, #tpu.memory_space<vmem>> -> memref<1x1x64x384xf32, #tpu.memory_space<vmem>>
          %get3A_859 = tpu.memref_squeeze %get3A_858 : memref<1x1x64x384xf32, #tpu.memory_space<vmem>> -> memref<1x64x384xf32, #tpu.memory_space<vmem>>
          %get3A_860 = arith.index_cast %get3A_854 : i32 to index
          %get3A_861 = arith.index_cast %add3A_615 : i32 to index
          %get3A_862 = arith.constant 240 : index
          %get3A_863 = tpu.vector_load %get3A_859[%get3A_860, %get3A_861, %get3A_862] {strides = array<i32>} : memref<1x64x384xf32, #tpu.memory_space<vmem>>, vector<16xf32>,
          %gt3A_864 = arith.cmpf ogt, %get3A_863, %select_n3A_849 : vector<16xf32>
          %select_n3A_865 = arith.select %gt3A_864, %get3A_863, %select_n3A_849 : vector<16xi1>, vector<16xf32>
          %select_n3A_866 = arith.select %gt3A_864, %add3A_853, %select_n3A_850 : vector<16xi1>, vector<16xi32>
          %add3A_867 = arith.constant 16 : i32
          %add3A_868 = vector.broadcast %add3A_867 : i32 to vector<16xi32>
          %add3A_869 = arith.addi %add3A_853, %add3A_868 : vector<16xi32>
          %get3A_870 = arith.constant 0 : i32
          %get3A_871 = arith.constant 0 : i32
          %get3A_872 = arith.constant 0 : i32
          %get3A_873 = arith.constant 0 : i32
          %get3A_874 = tpu.memref_slice %run_scoped3A[%rem3A_374, %get3A_871, %get3A_872, %get3A_873] : memref<2x1x64x384xf32, #tpu.memory_space<vmem>> -> memref<1x1x64x384xf32, #tpu.memory_space<vmem>>
          %get3A_875 = tpu.memref_squeeze %get3A_874 : memref<1x1x64x384xf32, #tpu.memory_space<vmem>> -> memref<1x64x384xf32, #tpu.memory_space<vmem>>
          %get3A_876 = arith.index_cast %get3A_870 : i32 to index
          %get3A_877 = arith.index_cast %add3A_615 : i32 to index
          %get3A_878 = arith.constant 256 : index
          %get3A_879 = tpu.vector_load %get3A_875[%get3A_876, %get3A_877, %get3A_878] {strides = array<i32>} : memref<1x64x384xf32, #tpu.memory_space<vmem>>, vector<16xf32>,
          %gt3A_880 = arith.cmpf ogt, %get3A_879, %select_n3A_865 : vector<16xf32>
          %select_n3A_881 = arith.select %gt3A_880, %get3A_879, %select_n3A_865 : vector<16xi1>, vector<16xf32>
          %select_n3A_882 = arith.select %gt3A_880, %add3A_869, %select_n3A_866 : vector<16xi1>, vector<16xi32>
          %add3A_883 = arith.constant 16 : i32
          %add3A_884 = vector.broadcast %add3A_883 : i32 to vector<16xi32>
          %add3A_885 = arith.addi %add3A_869, %add3A_884 : vector<16xi32>
          %get3A_886 = arith.constant 0 : i32
          %get3A_887 = arith.constant 0 : i32
          %get3A_888 = arith.constant 0 : i32
          %get3A_889 = arith.constant 0 : i32
          %get3A_890 = tpu.memref_slice %run_scoped3A[%rem3A_374, %get3A_887, %get3A_888, %get3A_889] : memref<2x1x64x384xf32, #tpu.memory_space<vmem>> -> memref<1x1x64x384xf32, #tpu.memory_space<vmem>>
          %get3A_891 = tpu.memref_squeeze %get3A_890 : memref<1x1x64x384xf32, #tpu.memory_space<vmem>> -> memref<1x64x384xf32, #tpu.memory_space<vmem>>
          %get3A_892 = arith.index_cast %get3A_886 : i32 to index
          %get3A_893 = arith.index_cast %add3A_615 : i32 to index
          %get3A_894 = arith.constant 272 : index
          %get3A_895 = tpu.vector_load %get3A_891[%get3A_892, %get3A_893, %get3A_894] {strides = array<i32>} : memref<1x64x384xf32, #tpu.memory_space<vmem>>, vector<16xf32>,
          %gt3A_896 = arith.cmpf ogt, %get3A_895, %select_n3A_881 : vector<16xf32>
          %select_n3A_897 = arith.select %gt3A_896, %get3A_895, %select_n3A_881 : vector<16xi1>, vector<16xf32>
          %select_n3A_898 = arith.select %gt3A_896, %add3A_885, %select_n3A_882 : vector<16xi1>, vector<16xi32>
          %add3A_899 = arith.constant 16 : i32
          %add3A_900 = vector.broadcast %add3A_899 : i32 to vector<16xi32>
          %add3A_901 = arith.addi %add3A_885, %add3A_900 : vector<16xi32>
          %get3A_902 = arith.constant 0 : i32
          %get3A_903 = arith.constant 0 : i32
          %get3A_904 = arith.constant 0 : i32
          %get3A_905 = arith.constant 0 : i32
          %get3A_906 = tpu.memref_slice %run_scoped3A[%rem3A_374, %get3A_903, %get3A_904, %get3A_905] : memref<2x1x64x384xf32, #tpu.memory_space<vmem>> -> memref<1x1x64x384xf32, #tpu.memory_space<vmem>>
          %get3A_907 = tpu.memref_squeeze %get3A_906 : memref<1x1x64x384xf32, #tpu.memory_space<vmem>> -> memref<1x64x384xf32, #tpu.memory_space<vmem>>
          %get3A_908 = arith.index_cast %get3A_902 : i32 to index
          %get3A_909 = arith.index_cast %add3A_615 : i32 to index
          %get3A_910 = arith.constant 288 : index
          %get3A_911 = tpu.vector_load %get3A_907[%get3A_908, %get3A_909, %get3A_910] {strides = array<i32>} : memref<1x64x384xf32, #tpu.memory_space<vmem>>, vector<16xf32>,
          %gt3A_912 = arith.cmpf ogt, %get3A_911, %select_n3A_897 : vector<16xf32>
          %select_n3A_913 = arith.select %gt3A_912, %get3A_911, %select_n3A_897 : vector<16xi1>, vector<16xf32>
          %select_n3A_914 = arith.select %gt3A_912, %add3A_901, %select_n3A_898 : vector<16xi1>, vector<16xi32>
          %add3A_915 = arith.constant 16 : i32
          %add3A_916 = vector.broadcast %add3A_915 : i32 to vector<16xi32>
          %add3A_917 = arith.addi %add3A_901, %add3A_916 : vector<16xi32>
          %get3A_918 = arith.constant 0 : i32
          %get3A_919 = arith.constant 0 : i32
          %get3A_920 = arith.constant 0 : i32
          %get3A_921 = arith.constant 0 : i32
          %get3A_922 = tpu.memref_slice %run_scoped3A[%rem3A_374, %get3A_919, %get3A_920, %get3A_921] : memref<2x1x64x384xf32, #tpu.memory_space<vmem>> -> memref<1x1x64x384xf32, #tpu.memory_space<vmem>>
          %get3A_923 = tpu.memref_squeeze %get3A_922 : memref<1x1x64x384xf32, #tpu.memory_space<vmem>> -> memref<1x64x384xf32, #tpu.memory_space<vmem>>
          %get3A_924 = arith.index_cast %get3A_918 : i32 to index
          %get3A_925 = arith.index_cast %add3A_615 : i32 to index
          %get3A_926 = arith.constant 304 : index
          %get3A_927 = tpu.vector_load %get3A_923[%get3A_924, %get3A_925, %get3A_926] {strides = array<i32>} : memref<1x64x384xf32, #tpu.memory_space<vmem>>, vector<16xf32>,
          %gt3A_928 = arith.cmpf ogt, %get3A_927, %select_n3A_913 : vector<16xf32>
          %select_n3A_929 = arith.select %gt3A_928, %get3A_927, %select_n3A_913 : vector<16xi1>, vector<16xf32>
          %select_n3A_930 = arith.select %gt3A_928, %add3A_917, %select_n3A_914 : vector<16xi1>, vector<16xi32>
          %add3A_931 = arith.constant 16 : i32
          %add3A_932 = vector.broadcast %add3A_931 : i32 to vector<16xi32>
          %add3A_933 = arith.addi %add3A_917, %add3A_932 : vector<16xi32>
          %get3A_934 = arith.constant 0 : i32
          %get3A_935 = arith.constant 0 : i32
          %get3A_936 = arith.constant 0 : i32
          %get3A_937 = arith.constant 0 : i32
          %get3A_938 = tpu.memref_slice %run_scoped3A[%rem3A_374, %get3A_935, %get3A_936, %get3A_937] : memref<2x1x64x384xf32, #tpu.memory_space<vmem>> -> memref<1x1x64x384xf32, #tpu.memory_space<vmem>>
          %get3A_939 = tpu.memref_squeeze %get3A_938 : memref<1x1x64x384xf32, #tpu.memory_space<vmem>> -> memref<1x64x384xf32, #tpu.memory_space<vmem>>
          %get3A_940 = arith.index_cast %get3A_934 : i32 to index
          %get3A_941 = arith.index_cast %add3A_615 : i32 to index
          %get3A_942 = arith.constant 320 : index
          %get3A_943 = tpu.vector_load %get3A_939[%get3A_940, %get3A_941, %get3A_942] {strides = array<i32>} : memref<1x64x384xf32, #tpu.memory_space<vmem>>, vector<16xf32>,
          %gt3A_944 = arith.cmpf ogt, %get3A_943, %select_n3A_929 : vector<16xf32>
          %select_n3A_945 = arith.select %gt3A_944, %get3A_943, %select_n3A_929 : vector<16xi1>, vector<16xf32>
          %select_n3A_946 = arith.select %gt3A_944, %add3A_933, %select_n3A_930 : vector<16xi1>, vector<16xi32>
          %add3A_947 = arith.constant 16 : i32
          %add3A_948 = vector.broadcast %add3A_947 : i32 to vector<16xi32>
          %add3A_949 = arith.addi %add3A_933, %add3A_948 : vector<16xi32>
          %get3A_950 = arith.constant 0 : i32
          %get3A_951 = arith.constant 0 : i32
          %get3A_952 = arith.constant 0 : i32
          %get3A_953 = arith.constant 0 : i32
          %get3A_954 = tpu.memref_slice %run_scoped3A[%rem3A_374, %get3A_951, %get3A_952, %get3A_953] : memref<2x1x64x384xf32, #tpu.memory_space<vmem>> -> memref<1x1x64x384xf32, #tpu.memory_space<vmem>>
          %get3A_955 = tpu.memref_squeeze %get3A_954 : memref<1x1x64x384xf32, #tpu.memory_space<vmem>> -> memref<1x64x384xf32, #tpu.memory_space<vmem>>
          %get3A_956 = arith.index_cast %get3A_950 : i32 to index
          %get3A_957 = arith.index_cast %add3A_615 : i32 to index
          %get3A_958 = arith.constant 336 : index
          %get3A_959 = tpu.vector_load %get3A_955[%get3A_956, %get3A_957, %get3A_958] {strides = array<i32>} : memref<1x64x384xf32, #tpu.memory_space<vmem>>, vector<16xf32>,
          %gt3A_960 = arith.cmpf ogt, %get3A_959, %select_n3A_945 : vector<16xf32>
          %select_n3A_961 = arith.select %gt3A_960, %get3A_959, %select_n3A_945 : vector<16xi1>, vector<16xf32>
          %select_n3A_962 = arith.select %gt3A_960, %add3A_949, %select_n3A_946 : vector<16xi1>, vector<16xi32>
          %add3A_963 = arith.constant 16 : i32
          %add3A_964 = vector.broadcast %add3A_963 : i32 to vector<16xi32>
          %add3A_965 = arith.addi %add3A_949, %add3A_964 : vector<16xi32>
          %get3A_966 = arith.constant 0 : i32
          %get3A_967 = arith.constant 0 : i32
          %get3A_968 = arith.constant 0 : i32
          %get3A_969 = arith.constant 0 : i32
          %get3A_970 = tpu.memref_slice %run_scoped3A[%rem3A_374, %get3A_967, %get3A_968, %get3A_969] : memref<2x1x64x384xf32, #tpu.memory_space<vmem>> -> memref<1x1x64x384xf32, #tpu.memory_space<vmem>>
          %get3A_971 = tpu.memref_squeeze %get3A_970 : memref<1x1x64x384xf32, #tpu.memory_space<vmem>> -> memref<1x64x384xf32, #tpu.memory_space<vmem>>
          %get3A_972 = arith.index_cast %get3A_966 : i32 to index
          %get3A_973 = arith.index_cast %add3A_615 : i32 to index
          %get3A_974 = arith.constant 352 : index
          %get3A_975 = tpu.vector_load %get3A_971[%get3A_972, %get3A_973, %get3A_974] {strides = array<i32>} : memref<1x64x384xf32, #tpu.memory_space<vmem>>, vector<16xf32>,
          %gt3A_976 = arith.cmpf ogt, %get3A_975, %select_n3A_961 : vector<16xf32>
          %select_n3A_977 = arith.select %gt3A_976, %get3A_975, %select_n3A_961 : vector<16xi1>, vector<16xf32>
          %select_n3A_978 = arith.select %gt3A_976, %add3A_965, %select_n3A_962 : vector<16xi1>, vector<16xi32>
          %add3A_979 = arith.constant 16 : i32
          %add3A_980 = vector.broadcast %add3A_979 : i32 to vector<16xi32>
          %add3A_981 = arith.addi %add3A_965, %add3A_980 : vector<16xi32>
          %get3A_982 = arith.constant 0 : i32
          %get3A_983 = arith.constant 0 : i32
          %get3A_984 = arith.constant 0 : i32
          %get3A_985 = arith.constant 0 : i32
          %get3A_986 = tpu.memref_slice %run_scoped3A[%rem3A_374, %get3A_983, %get3A_984, %get3A_985] : memref<2x1x64x384xf32, #tpu.memory_space<vmem>> -> memref<1x1x64x384xf32, #tpu.memory_space<vmem>>
          %get3A_987 = tpu.memref_squeeze %get3A_986 : memref<1x1x64x384xf32, #tpu.memory_space<vmem>> -> memref<1x64x384xf32, #tpu.memory_space<vmem>>
          %get3A_988 = arith.index_cast %get3A_982 : i32 to index
          %get3A_989 = arith.index_cast %add3A_615 : i32 to index
          %get3A_990 = arith.constant 368 : index
          %get3A_991 = tpu.vector_load %get3A_987[%get3A_988, %get3A_989, %get3A_990] {strides = array<i32>} : memref<1x64x384xf32, #tpu.memory_space<vmem>>, vector<16xf32>,
          %gt3A_992 = arith.cmpf ogt, %get3A_991, %select_n3A_977 : vector<16xf32>
          %select_n3A_993 = arith.select %gt3A_992, %get3A_991, %select_n3A_977 : vector<16xi1>, vector<16xf32>
          %select_n3A_994 = arith.select %gt3A_992, %add3A_981, %select_n3A_978 : vector<16xi1>, vector<16xi32>
          %add3A_995 = arith.constant 16 : i32
          %add3A_996 = vector.broadcast %add3A_995 : i32 to vector<16xi32>
          %add3A_997 = arith.addi %add3A_981, %add3A_996 : vector<16xi32>
          %gt3A_998 = arith.cmpf ogt, %select_n3A_993, %select_n3A_801 : vector<16xf32>
          %select_n3A_999 = arith.select %gt3A_998, %select_n3A_993, %select_n3A_801 : vector<16xi1>, vector<16xf32>
          %select_n3A_1000 = arith.select %gt3A_998, %select_n3A_994, %select_n3A_802 : vector<16xi1>, vector<16xi32>
          %reduce_max3A = arith.constant true
          %reduce_max3A_1001 = vector.broadcast %reduce_max3A : i1 to vector<16xi1>
          %reduce_max3A_1002 = tpu.scan <max>, %select_n3A_999 masked %reduce_max3A_1001 : vector<16xf32>, vector<16xi1> -> vector<16xf32>
          %reduce_max3A_1003 = vector.extract %reduce_max3A_1002[15] : f32 from vector<16xf32>
          %eq3A_1004 = vector.broadcast %reduce_max3A_1003 : f32 to vector<16xf32>
          %eq3A_1005 = arith.cmpf oeq, %select_n3A_999, %eq3A_1004 : vector<16xf32>
          %jit3A = arith.constant 2147483647 : i32
          %broadcast_in_dim3A_1006 = vector.broadcast %jit3A : i32 to vector<16xi32>
          %select_n3A_1007 = arith.select %eq3A_1005, %select_n3A_1000, %broadcast_in_dim3A_1006 : vector<16xi1>, vector<16xi32>
          %reduce_min3A = arith.constant true
          %reduce_min3A_1008 = vector.broadcast %reduce_min3A : i1 to vector<16xi1>
          %reduce_min3A_1009 = arith.constant -2147483648 : i32
          %reduce_min3A_1010 = vector.broadcast %reduce_min3A_1009 : i32 to vector<16xi32>
          %reduce_min3A_1011 = arith.xori %select_n3A_1007, %reduce_min3A_1010 : vector<16xi32>
          %reduce_min3A_1012 = tpu.scan <min>, %reduce_min3A_1011 masked %reduce_min3A_1008 : vector<16xi32>, vector<16xi1> -> vector<16xi32>
          %reduce_min3A_1013 = arith.xori %reduce_min3A_1012, %reduce_min3A_1010 : vector<16xi32>
          %reduce_min3A_1014 = vector.extract %reduce_min3A_1013[15] : i32 from vector<16xi32>
          %eq3A_1015 = vector.broadcast %add3A_613 : i32 to vector<16xi32>
          %eq3A_1016 = arith.cmpi eq, %iota3A, %eq3A_1015 : vector<16xi32>
          %broadcast_in_dim3A_1017 = vector.broadcast %reduce_max3A_1003 : f32 to vector<16xf32>
          %select_n3A_1018 = arith.select %eq3A_1016, %broadcast_in_dim3A_1017, %scan3A_608 : vector<16xi1>, vector<16xf32>
          %broadcast_in_dim3A_1019 = vector.broadcast %reduce_min3A_1014 : i32 to vector<16xi32>
          %select_n3A_1020 = arith.select %eq3A_1016, %broadcast_in_dim3A_1019, %scan3A_609 : vector<16xi1>, vector<16xi32>
          %mul3A_1021 = arith.constant 2 : i32
          %mul3A_1022 = arith.muli %mul3A_1021, %scan3A_607 : i32
          %add3A_1023 = arith.constant 1 : i32
          %add3A_1024 = arith.addi %mul3A_1022, %add3A_1023 : i32
          %add3A_1025 = arith.constant 0 : i32
          %add3A_1026 = arith.addi %add3A_1025, %add3A_1024 : i32
          %get3A_1027 = arith.constant 0 : i32
          %get3A_1028 = arith.constant 0 : i32
          %get3A_1029 = arith.constant 0 : i32
          %get3A_1030 = arith.constant 0 : i32
          %get3A_1031 = tpu.memref_slice %run_scoped3A[%rem3A_374, %get3A_1028, %get3A_1029, %get3A_1030] : memref<2x1x64x384xf32, #tpu.memory_space<vmem>> -> memref<1x1x64x384xf32, #tpu.memory_space<vmem>>
          %get3A_1032 = tpu.memref_squeeze %get3A_1031 : memref<1x1x64x384xf32, #tpu.memory_space<vmem>> -> memref<1x64x384xf32, #tpu.memory_space<vmem>>
          %get3A_1033 = arith.index_cast %get3A_1027 : i32 to index
          %get3A_1034 = arith.index_cast %add3A_1026 : i32 to index
          %get3A_1035 = arith.constant 0 : index
          %get3A_1036 = tpu.vector_load %get3A_1032[%get3A_1033, %get3A_1034, %get3A_1035] {strides = array<i32>} : memref<1x64x384xf32, #tpu.memory_space<vmem>>, vector<16xf32>,
          %add3A_1037 = arith.constant 0 : i32
          %add3A_1038 = vector.broadcast %add3A_1037 : i32 to vector<16xi32>
          %add3A_1039 = arith.addi %iota3A, %add3A_1038 : vector<16xi32>
          %add3A_1040 = arith.constant 16 : i32
          %add3A_1041 = vector.broadcast %add3A_1040 : i32 to vector<16xi32>
          %add3A_1042 = arith.addi %iota3A, %add3A_1041 : vector<16xi32>
          %get3A_1043 = arith.constant 0 : i32
          %get3A_1044 = arith.constant 0 : i32
          %get3A_1045 = arith.constant 0 : i32
          %get3A_1046 = arith.constant 0 : i32
          %get3A_1047 = tpu.memref_slice %run_scoped3A[%rem3A_374, %get3A_1044, %get3A_1045, %get3A_1046] : memref<2x1x64x384xf32, #tpu.memory_space<vmem>> -> memref<1x1x64x384xf32, #tpu.memory_space<vmem>>
          %get3A_1048 = tpu.memref_squeeze %get3A_1047 : memref<1x1x64x384xf32, #tpu.memory_space<vmem>> -> memref<1x64x384xf32, #tpu.memory_space<vmem>>
          %get3A_1049 = arith.index_cast %get3A_1043 : i32 to index
          %get3A_1050 = arith.index_cast %add3A_1026 : i32 to index
          %get3A_1051 = arith.constant 16 : index
          %get3A_1052 = tpu.vector_load %get3A_1048[%get3A_1049, %get3A_1050, %get3A_1051] {strides = array<i32>} : memref<1x64x384xf32, #tpu.memory_space<vmem>>, vector<16xf32>,
          %gt3A_1053 = arith.cmpf ogt, %get3A_1052, %get3A_1036 : vector<16xf32>
          %select_n3A_1054 = arith.select %gt3A_1053, %get3A_1052, %get3A_1036 : vector<16xi1>, vector<16xf32>
          %select_n3A_1055 = arith.select %gt3A_1053, %add3A_1042, %add3A_1039 : vector<16xi1>, vector<16xi32>
          %add3A_1056 = arith.constant 16 : i32
          %add3A_1057 = vector.broadcast %add3A_1056 : i32 to vector<16xi32>
          %add3A_1058 = arith.addi %add3A_1042, %add3A_1057 : vector<16xi32>
          %get3A_1059 = arith.constant 0 : i32
          %get3A_1060 = arith.constant 0 : i32
          %get3A_1061 = arith.constant 0 : i32
          %get3A_1062 = arith.constant 0 : i32
          %get3A_1063 = tpu.memref_slice %run_scoped3A[%rem3A_374, %get3A_1060, %get3A_1061, %get3A_1062] : memref<2x1x64x384xf32, #tpu.memory_space<vmem>> -> memref<1x1x64x384xf32, #tpu.memory_space<vmem>>
          %get3A_1064 = tpu.memref_squeeze %get3A_1063 : memref<1x1x64x384xf32, #tpu.memory_space<vmem>> -> memref<1x64x384xf32, #tpu.memory_space<vmem>>
          %get3A_1065 = arith.index_cast %get3A_1059 : i32 to index
          %get3A_1066 = arith.index_cast %add3A_1026 : i32 to index
          %get3A_1067 = arith.constant 32 : index
          %get3A_1068 = tpu.vector_load %get3A_1064[%get3A_1065, %get3A_1066, %get3A_1067] {strides = array<i32>} : memref<1x64x384xf32, #tpu.memory_space<vmem>>, vector<16xf32>,
          %gt3A_1069 = arith.cmpf ogt, %get3A_1068, %select_n3A_1054 : vector<16xf32>
          %select_n3A_1070 = arith.select %gt3A_1069, %get3A_1068, %select_n3A_1054 : vector<16xi1>, vector<16xf32>
          %select_n3A_1071 = arith.select %gt3A_1069, %add3A_1058, %select_n3A_1055 : vector<16xi1>, vector<16xi32>
          %add3A_1072 = arith.constant 16 : i32
          %add3A_1073 = vector.broadcast %add3A_1072 : i32 to vector<16xi32>
          %add3A_1074 = arith.addi %add3A_1058, %add3A_1073 : vector<16xi32>
          %get3A_1075 = arith.constant 0 : i32
          %get3A_1076 = arith.constant 0 : i32
          %get3A_1077 = arith.constant 0 : i32
          %get3A_1078 = arith.constant 0 : i32
          %get3A_1079 = tpu.memref_slice %run_scoped3A[%rem3A_374, %get3A_1076, %get3A_1077, %get3A_1078] : memref<2x1x64x384xf32, #tpu.memory_space<vmem>> -> memref<1x1x64x384xf32, #tpu.memory_space<vmem>>
          %get3A_1080 = tpu.memref_squeeze %get3A_1079 : memref<1x1x64x384xf32, #tpu.memory_space<vmem>> -> memref<1x64x384xf32, #tpu.memory_space<vmem>>
          %get3A_1081 = arith.index_cast %get3A_1075 : i32 to index
          %get3A_1082 = arith.index_cast %add3A_1026 : i32 to index
          %get3A_1083 = arith.constant 48 : index
          %get3A_1084 = tpu.vector_load %get3A_1080[%get3A_1081, %get3A_1082, %get3A_1083] {strides = array<i32>} : memref<1x64x384xf32, #tpu.memory_space<vmem>>, vector<16xf32>,
          %gt3A_1085 = arith.cmpf ogt, %get3A_1084, %select_n3A_1070 : vector<16xf32>
          %select_n3A_1086 = arith.select %gt3A_1085, %get3A_1084, %select_n3A_1070 : vector<16xi1>, vector<16xf32>
          %select_n3A_1087 = arith.select %gt3A_1085, %add3A_1074, %select_n3A_1071 : vector<16xi1>, vector<16xi32>
          %add3A_1088 = arith.constant 16 : i32
          %add3A_1089 = vector.broadcast %add3A_1088 : i32 to vector<16xi32>
          %add3A_1090 = arith.addi %add3A_1074, %add3A_1089 : vector<16xi32>
          %get3A_1091 = arith.constant 0 : i32
          %get3A_1092 = arith.constant 0 : i32
          %get3A_1093 = arith.constant 0 : i32
          %get3A_1094 = arith.constant 0 : i32
          %get3A_1095 = tpu.memref_slice %run_scoped3A[%rem3A_374, %get3A_1092, %get3A_1093, %get3A_1094] : memref<2x1x64x384xf32, #tpu.memory_space<vmem>> -> memref<1x1x64x384xf32, #tpu.memory_space<vmem>>
          %get3A_1096 = tpu.memref_squeeze %get3A_1095 : memref<1x1x64x384xf32, #tpu.memory_space<vmem>> -> memref<1x64x384xf32, #tpu.memory_space<vmem>>
          %get3A_1097 = arith.index_cast %get3A_1091 : i32 to index
          %get3A_1098 = arith.index_cast %add3A_1026 : i32 to index
          %get3A_1099 = arith.constant 64 : index
          %get3A_1100 = tpu.vector_load %get3A_1096[%get3A_1097, %get3A_1098, %get3A_1099] {strides = array<i32>} : memref<1x64x384xf32, #tpu.memory_space<vmem>>, vector<16xf32>,
          %gt3A_1101 = arith.cmpf ogt, %get3A_1100, %select_n3A_1086 : vector<16xf32>
          %select_n3A_1102 = arith.select %gt3A_1101, %get3A_1100, %select_n3A_1086 : vector<16xi1>, vector<16xf32>
          %select_n3A_1103 = arith.select %gt3A_1101, %add3A_1090, %select_n3A_1087 : vector<16xi1>, vector<16xi32>
          %add3A_1104 = arith.constant 16 : i32
          %add3A_1105 = vector.broadcast %add3A_1104 : i32 to vector<16xi32>
          %add3A_1106 = arith.addi %add3A_1090, %add3A_1105 : vector<16xi32>
          %get3A_1107 = arith.constant 0 : i32
          %get3A_1108 = arith.constant 0 : i32
          %get3A_1109 = arith.constant 0 : i32
          %get3A_1110 = arith.constant 0 : i32
          %get3A_1111 = tpu.memref_slice %run_scoped3A[%rem3A_374, %get3A_1108, %get3A_1109, %get3A_1110] : memref<2x1x64x384xf32, #tpu.memory_space<vmem>> -> memref<1x1x64x384xf32, #tpu.memory_space<vmem>>
          %get3A_1112 = tpu.memref_squeeze %get3A_1111 : memref<1x1x64x384xf32, #tpu.memory_space<vmem>> -> memref<1x64x384xf32, #tpu.memory_space<vmem>>
          %get3A_1113 = arith.index_cast %get3A_1107 : i32 to index
          %get3A_1114 = arith.index_cast %add3A_1026 : i32 to index
          %get3A_1115 = arith.constant 80 : index
          %get3A_1116 = tpu.vector_load %get3A_1112[%get3A_1113, %get3A_1114, %get3A_1115] {strides = array<i32>} : memref<1x64x384xf32, #tpu.memory_space<vmem>>, vector<16xf32>,
          %gt3A_1117 = arith.cmpf ogt, %get3A_1116, %select_n3A_1102 : vector<16xf32>
          %select_n3A_1118 = arith.select %gt3A_1117, %get3A_1116, %select_n3A_1102 : vector<16xi1>, vector<16xf32>
          %select_n3A_1119 = arith.select %gt3A_1117, %add3A_1106, %select_n3A_1103 : vector<16xi1>, vector<16xi32>
          %add3A_1120 = arith.constant 16 : i32
          %add3A_1121 = vector.broadcast %add3A_1120 : i32 to vector<16xi32>
          %add3A_1122 = arith.addi %add3A_1106, %add3A_1121 : vector<16xi32>
          %get3A_1123 = arith.constant 0 : i32
          %get3A_1124 = arith.constant 0 : i32
          %get3A_1125 = arith.constant 0 : i32
          %get3A_1126 = arith.constant 0 : i32
          %get3A_1127 = tpu.memref_slice %run_scoped3A[%rem3A_374, %get3A_1124, %get3A_1125, %get3A_1126] : memref<2x1x64x384xf32, #tpu.memory_space<vmem>> -> memref<1x1x64x384xf32, #tpu.memory_space<vmem>>
          %get3A_1128 = tpu.memref_squeeze %get3A_1127 : memref<1x1x64x384xf32, #tpu.memory_space<vmem>> -> memref<1x64x384xf32, #tpu.memory_space<vmem>>
          %get3A_1129 = arith.index_cast %get3A_1123 : i32 to index
          %get3A_1130 = arith.index_cast %add3A_1026 : i32 to index
          %get3A_1131 = arith.constant 96 : index
          %get3A_1132 = tpu.vector_load %get3A_1128[%get3A_1129, %get3A_1130, %get3A_1131] {strides = array<i32>} : memref<1x64x384xf32, #tpu.memory_space<vmem>>, vector<16xf32>,
          %gt3A_1133 = arith.cmpf ogt, %get3A_1132, %select_n3A_1118 : vector<16xf32>
          %select_n3A_1134 = arith.select %gt3A_1133, %get3A_1132, %select_n3A_1118 : vector<16xi1>, vector<16xf32>
          %select_n3A_1135 = arith.select %gt3A_1133, %add3A_1122, %select_n3A_1119 : vector<16xi1>, vector<16xi32>
          %add3A_1136 = arith.constant 16 : i32
          %add3A_1137 = vector.broadcast %add3A_1136 : i32 to vector<16xi32>
          %add3A_1138 = arith.addi %add3A_1122, %add3A_1137 : vector<16xi32>
          %get3A_1139 = arith.constant 0 : i32
          %get3A_1140 = arith.constant 0 : i32
          %get3A_1141 = arith.constant 0 : i32
          %get3A_1142 = arith.constant 0 : i32
          %get3A_1143 = tpu.memref_slice %run_scoped3A[%rem3A_374, %get3A_1140, %get3A_1141, %get3A_1142] : memref<2x1x64x384xf32, #tpu.memory_space<vmem>> -> memref<1x1x64x384xf32, #tpu.memory_space<vmem>>
          %get3A_1144 = tpu.memref_squeeze %get3A_1143 : memref<1x1x64x384xf32, #tpu.memory_space<vmem>> -> memref<1x64x384xf32, #tpu.memory_space<vmem>>
          %get3A_1145 = arith.index_cast %get3A_1139 : i32 to index
          %get3A_1146 = arith.index_cast %add3A_1026 : i32 to index
          %get3A_1147 = arith.constant 112 : index
          %get3A_1148 = tpu.vector_load %get3A_1144[%get3A_1145, %get3A_1146, %get3A_1147] {strides = array<i32>} : memref<1x64x384xf32, #tpu.memory_space<vmem>>, vector<16xf32>,
          %gt3A_1149 = arith.cmpf ogt, %get3A_1148, %select_n3A_1134 : vector<16xf32>
          %select_n3A_1150 = arith.select %gt3A_1149, %get3A_1148, %select_n3A_1134 : vector<16xi1>, vector<16xf32>
          %select_n3A_1151 = arith.select %gt3A_1149, %add3A_1138, %select_n3A_1135 : vector<16xi1>, vector<16xi32>
          %add3A_1152 = arith.constant 16 : i32
          %add3A_1153 = vector.broadcast %add3A_1152 : i32 to vector<16xi32>
          %add3A_1154 = arith.addi %add3A_1138, %add3A_1153 : vector<16xi32>
          %get3A_1155 = arith.constant 0 : i32
          %get3A_1156 = arith.constant 0 : i32
          %get3A_1157 = arith.constant 0 : i32
          %get3A_1158 = arith.constant 0 : i32
          %get3A_1159 = tpu.memref_slice %run_scoped3A[%rem3A_374, %get3A_1156, %get3A_1157, %get3A_1158] : memref<2x1x64x384xf32, #tpu.memory_space<vmem>> -> memref<1x1x64x384xf32, #tpu.memory_space<vmem>>
          %get3A_1160 = tpu.memref_squeeze %get3A_1159 : memref<1x1x64x384xf32, #tpu.memory_space<vmem>> -> memref<1x64x384xf32, #tpu.memory_space<vmem>>
          %get3A_1161 = arith.index_cast %get3A_1155 : i32 to index
          %get3A_1162 = arith.index_cast %add3A_1026 : i32 to index
          %get3A_1163 = arith.constant 128 : index
          %get3A_1164 = tpu.vector_load %get3A_1160[%get3A_1161, %get3A_1162, %get3A_1163] {strides = array<i32>} : memref<1x64x384xf32, #tpu.memory_space<vmem>>, vector<16xf32>,
          %gt3A_1165 = arith.cmpf ogt, %get3A_1164, %select_n3A_1150 : vector<16xf32>
          %select_n3A_1166 = arith.select %gt3A_1165, %get3A_1164, %select_n3A_1150 : vector<16xi1>, vector<16xf32>
          %select_n3A_1167 = arith.select %gt3A_1165, %add3A_1154, %select_n3A_1151 : vector<16xi1>, vector<16xi32>
          %add3A_1168 = arith.constant 16 : i32
          %add3A_1169 = vector.broadcast %add3A_1168 : i32 to vector<16xi32>
          %add3A_1170 = arith.addi %add3A_1154, %add3A_1169 : vector<16xi32>
          %get3A_1171 = arith.constant 0 : i32
          %get3A_1172 = arith.constant 0 : i32
          %get3A_1173 = arith.constant 0 : i32
          %get3A_1174 = arith.constant 0 : i32
          %get3A_1175 = tpu.memref_slice %run_scoped3A[%rem3A_374, %get3A_1172, %get3A_1173, %get3A_1174] : memref<2x1x64x384xf32, #tpu.memory_space<vmem>> -> memref<1x1x64x384xf32, #tpu.memory_space<vmem>>
          %get3A_1176 = tpu.memref_squeeze %get3A_1175 : memref<1x1x64x384xf32, #tpu.memory_space<vmem>> -> memref<1x64x384xf32, #tpu.memory_space<vmem>>
          %get3A_1177 = arith.index_cast %get3A_1171 : i32 to index
          %get3A_1178 = arith.index_cast %add3A_1026 : i32 to index
          %get3A_1179 = arith.constant 144 : index
          %get3A_1180 = tpu.vector_load %get3A_1176[%get3A_1177, %get3A_1178, %get3A_1179] {strides = array<i32>} : memref<1x64x384xf32, #tpu.memory_space<vmem>>, vector<16xf32>,
          %gt3A_1181 = arith.cmpf ogt, %get3A_1180, %select_n3A_1166 : vector<16xf32>
          %select_n3A_1182 = arith.select %gt3A_1181, %get3A_1180, %select_n3A_1166 : vector<16xi1>, vector<16xf32>
          %select_n3A_1183 = arith.select %gt3A_1181, %add3A_1170, %select_n3A_1167 : vector<16xi1>, vector<16xi32>
          %add3A_1184 = arith.constant 16 : i32
          %add3A_1185 = vector.broadcast %add3A_1184 : i32 to vector<16xi32>
          %add3A_1186 = arith.addi %add3A_1170, %add3A_1185 : vector<16xi32>
          %get3A_1187 = arith.constant 0 : i32
          %get3A_1188 = arith.constant 0 : i32
          %get3A_1189 = arith.constant 0 : i32
          %get3A_1190 = arith.constant 0 : i32
          %get3A_1191 = tpu.memref_slice %run_scoped3A[%rem3A_374, %get3A_1188, %get3A_1189, %get3A_1190] : memref<2x1x64x384xf32, #tpu.memory_space<vmem>> -> memref<1x1x64x384xf32, #tpu.memory_space<vmem>>
          %get3A_1192 = tpu.memref_squeeze %get3A_1191 : memref<1x1x64x384xf32, #tpu.memory_space<vmem>> -> memref<1x64x384xf32, #tpu.memory_space<vmem>>
          %get3A_1193 = arith.index_cast %get3A_1187 : i32 to index
          %get3A_1194 = arith.index_cast %add3A_1026 : i32 to index
          %get3A_1195 = arith.constant 160 : index
          %get3A_1196 = tpu.vector_load %get3A_1192[%get3A_1193, %get3A_1194, %get3A_1195] {strides = array<i32>} : memref<1x64x384xf32, #tpu.memory_space<vmem>>, vector<16xf32>,
          %gt3A_1197 = arith.cmpf ogt, %get3A_1196, %select_n3A_1182 : vector<16xf32>
          %select_n3A_1198 = arith.select %gt3A_1197, %get3A_1196, %select_n3A_1182 : vector<16xi1>, vector<16xf32>
          %select_n3A_1199 = arith.select %gt3A_1197, %add3A_1186, %select_n3A_1183 : vector<16xi1>, vector<16xi32>
          %add3A_1200 = arith.constant 16 : i32
          %add3A_1201 = vector.broadcast %add3A_1200 : i32 to vector<16xi32>
          %add3A_1202 = arith.addi %add3A_1186, %add3A_1201 : vector<16xi32>
          %get3A_1203 = arith.constant 0 : i32
          %get3A_1204 = arith.constant 0 : i32
          %get3A_1205 = arith.constant 0 : i32
          %get3A_1206 = arith.constant 0 : i32
          %get3A_1207 = tpu.memref_slice %run_scoped3A[%rem3A_374, %get3A_1204, %get3A_1205, %get3A_1206] : memref<2x1x64x384xf32, #tpu.memory_space<vmem>> -> memref<1x1x64x384xf32, #tpu.memory_space<vmem>>
          %get3A_1208 = tpu.memref_squeeze %get3A_1207 : memref<1x1x64x384xf32, #tpu.memory_space<vmem>> -> memref<1x64x384xf32, #tpu.memory_space<vmem>>
          %get3A_1209 = arith.index_cast %get3A_1203 : i32 to index
          %get3A_1210 = arith.index_cast %add3A_1026 : i32 to index
          %get3A_1211 = arith.constant 176 : index
          %get3A_1212 = tpu.vector_load %get3A_1208[%get3A_1209, %get3A_1210, %get3A_1211] {strides = array<i32>} : memref<1x64x384xf32, #tpu.memory_space<vmem>>, vector<16xf32>,
          %gt3A_1213 = arith.cmpf ogt, %get3A_1212, %select_n3A_1198 : vector<16xf32>
          %select_n3A_1214 = arith.select %gt3A_1213, %get3A_1212, %select_n3A_1198 : vector<16xi1>, vector<16xf32>
          %select_n3A_1215 = arith.select %gt3A_1213, %add3A_1202, %select_n3A_1199 : vector<16xi1>, vector<16xi32>
          %add3A_1216 = arith.constant 16 : i32
          %add3A_1217 = vector.broadcast %add3A_1216 : i32 to vector<16xi32>
          %add3A_1218 = arith.addi %add3A_1202, %add3A_1217 : vector<16xi32>
          %get3A_1219 = arith.constant 0 : i32
          %get3A_1220 = arith.constant 0 : i32
          %get3A_1221 = arith.constant 0 : i32
          %get3A_1222 = arith.constant 0 : i32
          %get3A_1223 = tpu.memref_slice %run_scoped3A[%rem3A_374, %get3A_1220, %get3A_1221, %get3A_1222] : memref<2x1x64x384xf32, #tpu.memory_space<vmem>> -> memref<1x1x64x384xf32, #tpu.memory_space<vmem>>
          %get3A_1224 = tpu.memref_squeeze %get3A_1223 : memref<1x1x64x384xf32, #tpu.memory_space<vmem>> -> memref<1x64x384xf32, #tpu.memory_space<vmem>>
          %get3A_1225 = arith.index_cast %get3A_1219 : i32 to index
          %get3A_1226 = arith.index_cast %add3A_1026 : i32 to index
          %get3A_1227 = arith.constant 192 : index
          %get3A_1228 = tpu.vector_load %get3A_1224[%get3A_1225, %get3A_1226, %get3A_1227] {strides = array<i32>} : memref<1x64x384xf32, #tpu.memory_space<vmem>>, vector<16xf32>,
          %add3A_1229 = arith.constant 192 : i32
          %add3A_1230 = vector.broadcast %add3A_1229 : i32 to vector<16xi32>
          %add3A_1231 = arith.addi %iota3A, %add3A_1230 : vector<16xi32>
          %add3A_1232 = arith.constant 208 : i32
          %add3A_1233 = vector.broadcast %add3A_1232 : i32 to vector<16xi32>
          %add3A_1234 = arith.addi %iota3A, %add3A_1233 : vector<16xi32>
          %get3A_1235 = arith.constant 0 : i32
          %get3A_1236 = arith.constant 0 : i32
          %get3A_1237 = arith.constant 0 : i32
          %get3A_1238 = arith.constant 0 : i32
          %get3A_1239 = tpu.memref_slice %run_scoped3A[%rem3A_374, %get3A_1236, %get3A_1237, %get3A_1238] : memref<2x1x64x384xf32, #tpu.memory_space<vmem>> -> memref<1x1x64x384xf32, #tpu.memory_space<vmem>>
          %get3A_1240 = tpu.memref_squeeze %get3A_1239 : memref<1x1x64x384xf32, #tpu.memory_space<vmem>> -> memref<1x64x384xf32, #tpu.memory_space<vmem>>
          %get3A_1241 = arith.index_cast %get3A_1235 : i32 to index
          %get3A_1242 = arith.index_cast %add3A_1026 : i32 to index
          %get3A_1243 = arith.constant 208 : index
          %get3A_1244 = tpu.vector_load %get3A_1240[%get3A_1241, %get3A_1242, %get3A_1243] {strides = array<i32>} : memref<1x64x384xf32, #tpu.memory_space<vmem>>, vector<16xf32>,
          %gt3A_1245 = arith.cmpf ogt, %get3A_1244, %get3A_1228 : vector<16xf32>
          %select_n3A_1246 = arith.select %gt3A_1245, %get3A_1244, %get3A_1228 : vector<16xi1>, vector<16xf32>
          %select_n3A_1247 = arith.select %gt3A_1245, %add3A_1234, %add3A_1231 : vector<16xi1>, vector<16xi32>
          %add3A_1248 = arith.constant 16 : i32
          %add3A_1249 = vector.broadcast %add3A_1248 : i32 to vector<16xi32>
          %add3A_1250 = arith.addi %add3A_1234, %add3A_1249 : vector<16xi32>
          %get3A_1251 = arith.constant 0 : i32
          %get3A_1252 = arith.constant 0 : i32
          %get3A_1253 = arith.constant 0 : i32
          %get3A_1254 = arith.constant 0 : i32
          %get3A_1255 = tpu.memref_slice %run_scoped3A[%rem3A_374, %get3A_1252, %get3A_1253, %get3A_1254] : memref<2x1x64x384xf32, #tpu.memory_space<vmem>> -> memref<1x1x64x384xf32, #tpu.memory_space<vmem>>
          %get3A_1256 = tpu.memref_squeeze %get3A_1255 : memref<1x1x64x384xf32, #tpu.memory_space<vmem>> -> memref<1x64x384xf32, #tpu.memory_space<vmem>>
          %get3A_1257 = arith.index_cast %get3A_1251 : i32 to index
          %get3A_1258 = arith.index_cast %add3A_1026 : i32 to index
          %get3A_1259 = arith.constant 224 : index
          %get3A_1260 = tpu.vector_load %get3A_1256[%get3A_1257, %get3A_1258, %get3A_1259] {strides = array<i32>} : memref<1x64x384xf32, #tpu.memory_space<vmem>>, vector<16xf32>,
          %gt3A_1261 = arith.cmpf ogt, %get3A_1260, %select_n3A_1246 : vector<16xf32>
          %select_n3A_1262 = arith.select %gt3A_1261, %get3A_1260, %select_n3A_1246 : vector<16xi1>, vector<16xf32>
          %select_n3A_1263 = arith.select %gt3A_1261, %add3A_1250, %select_n3A_1247 : vector<16xi1>, vector<16xi32>
          %add3A_1264 = arith.constant 16 : i32
          %add3A_1265 = vector.broadcast %add3A_1264 : i32 to vector<16xi32>
          %add3A_1266 = arith.addi %add3A_1250, %add3A_1265 : vector<16xi32>
          %get3A_1267 = arith.constant 0 : i32
          %get3A_1268 = arith.constant 0 : i32
          %get3A_1269 = arith.constant 0 : i32
          %get3A_1270 = arith.constant 0 : i32
          %get3A_1271 = tpu.memref_slice %run_scoped3A[%rem3A_374, %get3A_1268, %get3A_1269, %get3A_1270] : memref<2x1x64x384xf32, #tpu.memory_space<vmem>> -> memref<1x1x64x384xf32, #tpu.memory_space<vmem>>
          %get3A_1272 = tpu.memref_squeeze %get3A_1271 : memref<1x1x64x384xf32, #tpu.memory_space<vmem>> -> memref<1x64x384xf32, #tpu.memory_space<vmem>>
          %get3A_1273 = arith.index_cast %get3A_1267 : i32 to index
          %get3A_1274 = arith.index_cast %add3A_1026 : i32 to index
          %get3A_1275 = arith.constant 240 : index
          %get3A_1276 = tpu.vector_load %get3A_1272[%get3A_1273, %get3A_1274, %get3A_1275] {strides = array<i32>} : memref<1x64x384xf32, #tpu.memory_space<vmem>>, vector<16xf32>,
          %gt3A_1277 = arith.cmpf ogt, %get3A_1276, %select_n3A_1262 : vector<16xf32>
          %select_n3A_1278 = arith.select %gt3A_1277, %get3A_1276, %select_n3A_1262 : vector<16xi1>, vector<16xf32>
          %select_n3A_1279 = arith.select %gt3A_1277, %add3A_1266, %select_n3A_1263 : vector<16xi1>, vector<16xi32>
          %add3A_1280 = arith.constant 16 : i32
          %add3A_1281 = vector.broadcast %add3A_1280 : i32 to vector<16xi32>
          %add3A_1282 = arith.addi %add3A_1266, %add3A_1281 : vector<16xi32>
          %get3A_1283 = arith.constant 0 : i32
          %get3A_1284 = arith.constant 0 : i32
          %get3A_1285 = arith.constant 0 : i32
          %get3A_1286 = arith.constant 0 : i32
          %get3A_1287 = tpu.memref_slice %run_scoped3A[%rem3A_374, %get3A_1284, %get3A_1285, %get3A_1286] : memref<2x1x64x384xf32, #tpu.memory_space<vmem>> -> memref<1x1x64x384xf32, #tpu.memory_space<vmem>>
          %get3A_1288 = tpu.memref_squeeze %get3A_1287 : memref<1x1x64x384xf32, #tpu.memory_space<vmem>> -> memref<1x64x384xf32, #tpu.memory_space<vmem>>
          %get3A_1289 = arith.index_cast %get3A_1283 : i32 to index
          %get3A_1290 = arith.index_cast %add3A_1026 : i32 to index
          %get3A_1291 = arith.constant 256 : index
          %get3A_1292 = tpu.vector_load %get3A_1288[%get3A_1289, %get3A_1290, %get3A_1291] {strides = array<i32>} : memref<1x64x384xf32, #tpu.memory_space<vmem>>, vector<16xf32>,
          %gt3A_1293 = arith.cmpf ogt, %get3A_1292, %select_n3A_1278 : vector<16xf32>
          %select_n3A_1294 = arith.select %gt3A_1293, %get3A_1292, %select_n3A_1278 : vector<16xi1>, vector<16xf32>
          %select_n3A_1295 = arith.select %gt3A_1293, %add3A_1282, %select_n3A_1279 : vector<16xi1>, vector<16xi32>
          %add3A_1296 = arith.constant 16 : i32
          %add3A_1297 = vector.broadcast %add3A_1296 : i32 to vector<16xi32>
          %add3A_1298 = arith.addi %add3A_1282, %add3A_1297 : vector<16xi32>
          %get3A_1299 = arith.constant 0 : i32
          %get3A_1300 = arith.constant 0 : i32
          %get3A_1301 = arith.constant 0 : i32
          %get3A_1302 = arith.constant 0 : i32
          %get3A_1303 = tpu.memref_slice %run_scoped3A[%rem3A_374, %get3A_1300, %get3A_1301, %get3A_1302] : memref<2x1x64x384xf32, #tpu.memory_space<vmem>> -> memref<1x1x64x384xf32, #tpu.memory_space<vmem>>
          %get3A_1304 = tpu.memref_squeeze %get3A_1303 : memref<1x1x64x384xf32, #tpu.memory_space<vmem>> -> memref<1x64x384xf32, #tpu.memory_space<vmem>>
          %get3A_1305 = arith.index_cast %get3A_1299 : i32 to index
          %get3A_1306 = arith.index_cast %add3A_1026 : i32 to index
          %get3A_1307 = arith.constant 272 : index
          %get3A_1308 = tpu.vector_load %get3A_1304[%get3A_1305, %get3A_1306, %get3A_1307] {strides = array<i32>} : memref<1x64x384xf32, #tpu.memory_space<vmem>>, vector<16xf32>,
          %gt3A_1309 = arith.cmpf ogt, %get3A_1308, %select_n3A_1294 : vector<16xf32>
          %select_n3A_1310 = arith.select %gt3A_1309, %get3A_1308, %select_n3A_1294 : vector<16xi1>, vector<16xf32>
          %select_n3A_1311 = arith.select %gt3A_1309, %add3A_1298, %select_n3A_1295 : vector<16xi1>, vector<16xi32>
          %add3A_1312 = arith.constant 16 : i32
          %add3A_1313 = vector.broadcast %add3A_1312 : i32 to vector<16xi32>
          %add3A_1314 = arith.addi %add3A_1298, %add3A_1313 : vector<16xi32>
          %get3A_1315 = arith.constant 0 : i32
          %get3A_1316 = arith.constant 0 : i32
          %get3A_1317 = arith.constant 0 : i32
          %get3A_1318 = arith.constant 0 : i32
          %get3A_1319 = tpu.memref_slice %run_scoped3A[%rem3A_374, %get3A_1316, %get3A_1317, %get3A_1318] : memref<2x1x64x384xf32, #tpu.memory_space<vmem>> -> memref<1x1x64x384xf32, #tpu.memory_space<vmem>>
          %get3A_1320 = tpu.memref_squeeze %get3A_1319 : memref<1x1x64x384xf32, #tpu.memory_space<vmem>> -> memref<1x64x384xf32, #tpu.memory_space<vmem>>
          %get3A_1321 = arith.index_cast %get3A_1315 : i32 to index
          %get3A_1322 = arith.index_cast %add3A_1026 : i32 to index
          %get3A_1323 = arith.constant 288 : index
          %get3A_1324 = tpu.vector_load %get3A_1320[%get3A_1321, %get3A_1322, %get3A_1323] {strides = array<i32>} : memref<1x64x384xf32, #tpu.memory_space<vmem>>, vector<16xf32>,
          %gt3A_1325 = arith.cmpf ogt, %get3A_1324, %select_n3A_1310 : vector<16xf32>
          %select_n3A_1326 = arith.select %gt3A_1325, %get3A_1324, %select_n3A_1310 : vector<16xi1>, vector<16xf32>
          %select_n3A_1327 = arith.select %gt3A_1325, %add3A_1314, %select_n3A_1311 : vector<16xi1>, vector<16xi32>
          %add3A_1328 = arith.constant 16 : i32
          %add3A_1329 = vector.broadcast %add3A_1328 : i32 to vector<16xi32>
          %add3A_1330 = arith.addi %add3A_1314, %add3A_1329 : vector<16xi32>
          %get3A_1331 = arith.constant 0 : i32
          %get3A_1332 = arith.constant 0 : i32
          %get3A_1333 = arith.constant 0 : i32
          %get3A_1334 = arith.constant 0 : i32
          %get3A_1335 = tpu.memref_slice %run_scoped3A[%rem3A_374, %get3A_1332, %get3A_1333, %get3A_1334] : memref<2x1x64x384xf32, #tpu.memory_space<vmem>> -> memref<1x1x64x384xf32, #tpu.memory_space<vmem>>
          %get3A_1336 = tpu.memref_squeeze %get3A_1335 : memref<1x1x64x384xf32, #tpu.memory_space<vmem>> -> memref<1x64x384xf32, #tpu.memory_space<vmem>>
          %get3A_1337 = arith.index_cast %get3A_1331 : i32 to index
          %get3A_1338 = arith.index_cast %add3A_1026 : i32 to index
          %get3A_1339 = arith.constant 304 : index
          %get3A_1340 = tpu.vector_load %get3A_1336[%get3A_1337, %get3A_1338, %get3A_1339] {strides = array<i32>} : memref<1x64x384xf32, #tpu.memory_space<vmem>>, vector<16xf32>,
          %gt3A_1341 = arith.cmpf ogt, %get3A_1340, %select_n3A_1326 : vector<16xf32>
          %select_n3A_1342 = arith.select %gt3A_1341, %get3A_1340, %select_n3A_1326 : vector<16xi1>, vector<16xf32>
          %select_n3A_1343 = arith.select %gt3A_1341, %add3A_1330, %select_n3A_1327 : vector<16xi1>, vector<16xi32>
          %add3A_1344 = arith.constant 16 : i32
          %add3A_1345 = vector.broadcast %add3A_1344 : i32 to vector<16xi32>
          %add3A_1346 = arith.addi %add3A_1330, %add3A_1345 : vector<16xi32>
          %get3A_1347 = arith.constant 0 : i32
          %get3A_1348 = arith.constant 0 : i32
          %get3A_1349 = arith.constant 0 : i32
          %get3A_1350 = arith.constant 0 : i32
          %get3A_1351 = tpu.memref_slice %run_scoped3A[%rem3A_374, %get3A_1348, %get3A_1349, %get3A_1350] : memref<2x1x64x384xf32, #tpu.memory_space<vmem>> -> memref<1x1x64x384xf32, #tpu.memory_space<vmem>>
          %get3A_1352 = tpu.memref_squeeze %get3A_1351 : memref<1x1x64x384xf32, #tpu.memory_space<vmem>> -> memref<1x64x384xf32, #tpu.memory_space<vmem>>
          %get3A_1353 = arith.index_cast %get3A_1347 : i32 to index
          %get3A_1354 = arith.index_cast %add3A_1026 : i32 to index
          %get3A_1355 = arith.constant 320 : index
          %get3A_1356 = tpu.vector_load %get3A_1352[%get3A_1353, %get3A_1354, %get3A_1355] {strides = array<i32>} : memref<1x64x384xf32, #tpu.memory_space<vmem>>, vector<16xf32>,
          %gt3A_1357 = arith.cmpf ogt, %get3A_1356, %select_n3A_1342 : vector<16xf32>
          %select_n3A_1358 = arith.select %gt3A_1357, %get3A_1356, %select_n3A_1342 : vector<16xi1>, vector<16xf32>
          %select_n3A_1359 = arith.select %gt3A_1357, %add3A_1346, %select_n3A_1343 : vector<16xi1>, vector<16xi32>
          %add3A_1360 = arith.constant 16 : i32
          %add3A_1361 = vector.broadcast %add3A_1360 : i32 to vector<16xi32>
          %add3A_1362 = arith.addi %add3A_1346, %add3A_1361 : vector<16xi32>
          %get3A_1363 = arith.constant 0 : i32
          %get3A_1364 = arith.constant 0 : i32
          %get3A_1365 = arith.constant 0 : i32
          %get3A_1366 = arith.constant 0 : i32
          %get3A_1367 = tpu.memref_slice %run_scoped3A[%rem3A_374, %get3A_1364, %get3A_1365, %get3A_1366] : memref<2x1x64x384xf32, #tpu.memory_space<vmem>> -> memref<1x1x64x384xf32, #tpu.memory_space<vmem>>
          %get3A_1368 = tpu.memref_squeeze %get3A_1367 : memref<1x1x64x384xf32, #tpu.memory_space<vmem>> -> memref<1x64x384xf32, #tpu.memory_space<vmem>>
          %get3A_1369 = arith.index_cast %get3A_1363 : i32 to index
          %get3A_1370 = arith.index_cast %add3A_1026 : i32 to index
          %get3A_1371 = arith.constant 336 : index
          %get3A_1372 = tpu.vector_load %get3A_1368[%get3A_1369, %get3A_1370, %get3A_1371] {strides = array<i32>} : memref<1x64x384xf32, #tpu.memory_space<vmem>>, vector<16xf32>,
          %gt3A_1373 = arith.cmpf ogt, %get3A_1372, %select_n3A_1358 : vector<16xf32>
          %select_n3A_1374 = arith.select %gt3A_1373, %get3A_1372, %select_n3A_1358 : vector<16xi1>, vector<16xf32>
          %select_n3A_1375 = arith.select %gt3A_1373, %add3A_1362, %select_n3A_1359 : vector<16xi1>, vector<16xi32>
          %add3A_1376 = arith.constant 16 : i32
          %add3A_1377 = vector.broadcast %add3A_1376 : i32 to vector<16xi32>
          %add3A_1378 = arith.addi %add3A_1362, %add3A_1377 : vector<16xi32>
          %get3A_1379 = arith.constant 0 : i32
          %get3A_1380 = arith.constant 0 : i32
          %get3A_1381 = arith.constant 0 : i32
          %get3A_1382 = arith.constant 0 : i32
          %get3A_1383 = tpu.memref_slice %run_scoped3A[%rem3A_374, %get3A_1380, %get3A_1381, %get3A_1382] : memref<2x1x64x384xf32, #tpu.memory_space<vmem>> -> memref<1x1x64x384xf32, #tpu.memory_space<vmem>>
          %get3A_1384 = tpu.memref_squeeze %get3A_1383 : memref<1x1x64x384xf32, #tpu.memory_space<vmem>> -> memref<1x64x384xf32, #tpu.memory_space<vmem>>
          %get3A_1385 = arith.index_cast %get3A_1379 : i32 to index
          %get3A_1386 = arith.index_cast %add3A_1026 : i32 to index
          %get3A_1387 = arith.constant 352 : index
          %get3A_1388 = tpu.vector_load %get3A_1384[%get3A_1385, %get3A_1386, %get3A_1387] {strides = array<i32>} : memref<1x64x384xf32, #tpu.memory_space<vmem>>, vector<16xf32>,
          %gt3A_1389 = arith.cmpf ogt, %get3A_1388, %select_n3A_1374 : vector<16xf32>
          %select_n3A_1390 = arith.select %gt3A_1389, %get3A_1388, %select_n3A_1374 : vector<16xi1>, vector<16xf32>
          %select_n3A_1391 = arith.select %gt3A_1389, %add3A_1378, %select_n3A_1375 : vector<16xi1>, vector<16xi32>
          %add3A_1392 = arith.constant 16 : i32
          %add3A_1393 = vector.broadcast %add3A_1392 : i32 to vector<16xi32>
          %add3A_1394 = arith.addi %add3A_1378, %add3A_1393 : vector<16xi32>
          %get3A_1395 = arith.constant 0 : i32
          %get3A_1396 = arith.constant 0 : i32
          %get3A_1397 = arith.constant 0 : i32
          %get3A_1398 = arith.constant 0 : i32
          %get3A_1399 = tpu.memref_slice %run_scoped3A[%rem3A_374, %get3A_1396, %get3A_1397, %get3A_1398] : memref<2x1x64x384xf32, #tpu.memory_space<vmem>> -> memref<1x1x64x384xf32, #tpu.memory_space<vmem>>
          %get3A_1400 = tpu.memref_squeeze %get3A_1399 : memref<1x1x64x384xf32, #tpu.memory_space<vmem>> -> memref<1x64x384xf32, #tpu.memory_space<vmem>>
          %get3A_1401 = arith.index_cast %get3A_1395 : i32 to index
          %get3A_1402 = arith.index_cast %add3A_1026 : i32 to index
          %get3A_1403 = arith.constant 368 : index
          %get3A_1404 = tpu.vector_load %get3A_1400[%get3A_1401, %get3A_1402, %get3A_1403] {strides = array<i32>} : memref<1x64x384xf32, #tpu.memory_space<vmem>>, vector<16xf32>,
          %gt3A_1405 = arith.cmpf ogt, %get3A_1404, %select_n3A_1390 : vector<16xf32>
          %select_n3A_1406 = arith.select %gt3A_1405, %get3A_1404, %select_n3A_1390 : vector<16xi1>, vector<16xf32>
          %select_n3A_1407 = arith.select %gt3A_1405, %add3A_1394, %select_n3A_1391 : vector<16xi1>, vector<16xi32>
          %add3A_1408 = arith.constant 16 : i32
          %add3A_1409 = vector.broadcast %add3A_1408 : i32 to vector<16xi32>
          %add3A_1410 = arith.addi %add3A_1394, %add3A_1409 : vector<16xi32>
          %gt3A_1411 = arith.cmpf ogt, %select_n3A_1406, %select_n3A_1214 : vector<16xf32>
          %select_n3A_1412 = arith.select %gt3A_1411, %select_n3A_1406, %select_n3A_1214 : vector<16xi1>, vector<16xf32>
          %select_n3A_1413 = arith.select %gt3A_1411, %select_n3A_1407, %select_n3A_1215 : vector<16xi1>, vector<16xi32>
          %reduce_max3A_1414 = arith.constant true
          %reduce_max3A_1415 = vector.broadcast %reduce_max3A_1414 : i1 to vector<16xi1>
          %reduce_max3A_1416 = tpu.scan <max>, %select_n3A_1412 masked %reduce_max3A_1415 : vector<16xf32>, vector<16xi1> -> vector<16xf32>
          %reduce_max3A_1417 = vector.extract %reduce_max3A_1416[15] : f32 from vector<16xf32>
          %eq3A_1418 = vector.broadcast %reduce_max3A_1417 : f32 to vector<16xf32>
          %eq3A_1419 = arith.cmpf oeq, %select_n3A_1412, %eq3A_1418 : vector<16xf32>
          %jit3A_1420 = arith.constant 2147483647 : i32
          %broadcast_in_dim3A_1421 = vector.broadcast %jit3A_1420 : i32 to vector<16xi32>
          %select_n3A_1422 = arith.select %eq3A_1419, %select_n3A_1413, %broadcast_in_dim3A_1421 : vector<16xi1>, vector<16xi32>
          %reduce_min3A_1423 = arith.constant true
          %reduce_min3A_1424 = vector.broadcast %reduce_min3A_1423 : i1 to vector<16xi1>
          %reduce_min3A_1425 = arith.constant -2147483648 : i32
          %reduce_min3A_1426 = vector.broadcast %reduce_min3A_1425 : i32 to vector<16xi32>
          %reduce_min3A_1427 = arith.xori %select_n3A_1422, %reduce_min3A_1426 : vector<16xi32>
          %reduce_min3A_1428 = tpu.scan <min>, %reduce_min3A_1427 masked %reduce_min3A_1424 : vector<16xi32>, vector<16xi1> -> vector<16xi32>
          %reduce_min3A_1429 = arith.xori %reduce_min3A_1428, %reduce_min3A_1426 : vector<16xi32>
          %reduce_min3A_1430 = vector.extract %reduce_min3A_1429[15] : i32 from vector<16xi32>
          %eq3A_1431 = vector.broadcast %add3A_1024 : i32 to vector<16xi32>
          %eq3A_1432 = arith.cmpi eq, %iota3A, %eq3A_1431 : vector<16xi32>
          %broadcast_in_dim3A_1433 = vector.broadcast %reduce_max3A_1417 : f32 to vector<16xf32>
          %select_n3A_1434 = arith.select %eq3A_1432, %broadcast_in_dim3A_1433, %select_n3A_1018 : vector<16xi1>, vector<16xf32>
          %broadcast_in_dim3A_1435 = vector.broadcast %reduce_min3A_1430 : i32 to vector<16xi32>
          %select_n3A_1436 = arith.select %eq3A_1432, %broadcast_in_dim3A_1435, %select_n3A_1020 : vector<16xi1>, vector<16xi32>
          scf.yield %select_n3A_1434, %select_n3A_1436 : vector<16xf32>, vector<16xi32>
        }
        %scan3A_387 = arith.constant 8 : i32
        %swap3A = arith.constant 0 : i32
        %swap3A_388 = arith.constant 0 : i32
        %swap3A_389 = arith.constant 0 : i32
        %swap3A_390 = tpu.memref_slice %run_scoped3A_8[%rem3A_376, %swap3A_388, %swap3A_389] : memref<2x4x16xf32, #tpu.memory_space<vmem>> -> memref<1x4x16xf32, #tpu.memory_space<vmem>>
        %swap3A_391 = tpu.memref_squeeze %swap3A_390 : memref<1x4x16xf32, #tpu.memory_space<vmem>> -> memref<4x16xf32, #tpu.memory_space<vmem>>
        %swap3A_392 = arith.index_cast %swap3A : i32 to index
        %swap3A_393 = arith.constant 0 : index
        %swap3A_394 = tpu.vector_load %swap3A_391[%swap3A_392, %swap3A_393] {strides = array<i32>} : memref<4x16xf32, #tpu.memory_space<vmem>>, vector<16xf32>,
        tpu.vector_store %swap3A_391[%swap3A_392, %swap3A_393], %scan3A_386#0 {strides = array<i32>} : memref<4x16xf32, #tpu.memory_space<vmem>>, vector<16xf32>,
        %swap3A_395 = arith.constant 0 : i32
        %swap3A_396 = arith.constant 0 : i32
        %swap3A_397 = arith.constant 0 : i32
        %swap3A_398 = tpu.memref_slice %run_scoped3A_10[%rem3A_378, %swap3A_396, %swap3A_397] : memref<2x4x16xi32, #tpu.memory_space<vmem>> -> memref<1x4x16xi32, #tpu.memory_space<vmem>>
        %swap3A_399 = tpu.memref_squeeze %swap3A_398 : memref<1x4x16xi32, #tpu.memory_space<vmem>> -> memref<4x16xi32, #tpu.memory_space<vmem>>
        %swap3A_400 = arith.index_cast %swap3A_395 : i32 to index
        %swap3A_401 = arith.constant 0 : index
        %swap3A_402 = tpu.vector_load %swap3A_399[%swap3A_400, %swap3A_401] {strides = array<i32>} : memref<4x16xi32, #tpu.memory_space<vmem>>, vector<16xi32>,
        tpu.vector_store %swap3A_399[%swap3A_400, %swap3A_401], %scan3A_386#1 {strides = array<i32>} : memref<4x16xi32, #tpu.memory_space<vmem>>, vector<16xi32>,
        %scan3A_403 = arith.constant 0 : i32
        %scan3A_404 = arith.constant 8 : i32
        %scan3A_405 = arith.addi %scan3A_403, %scan3A_404 : i32
        %scan3A_406 = arith.constant 1 : i32
        %scan3A_407:2 = scf.for %scan3A_607 = %scan3A_403 to %scan3A_405 step %scan3A_406 iter_args(%scan3A_608 = %broadcast_in_dim3A_379, %scan3A_609 = %broadcast_in_dim3A_381) -> (vector<16xf32>, vector<16xi32>)  : i32 {
          %mul3A_610 = arith.constant 2 : i32
          %mul3A_611 = arith.muli %mul3A_610, %scan3A_607 : i32
          %add3A_612 = arith.constant 0 : i32
          %add3A_613 = arith.addi %mul3A_611, %add3A_612 : i32
          %add3A_614 = arith.constant 16 : i32
          %add3A_615 = arith.addi %add3A_614, %add3A_613 : i32
          %get3A = arith.constant 0 : i32
          %get3A_616 = arith.constant 0 : i32
          %get3A_617 = arith.constant 0 : i32
          %get3A_618 = arith.constant 0 : i32
          %get3A_619 = tpu.memref_slice %run_scoped3A[%rem3A_374, %get3A_616, %get3A_617, %get3A_618] : memref<2x1x64x384xf32, #tpu.memory_space<vmem>> -> memref<1x1x64x384xf32, #tpu.memory_space<vmem>>
          %get3A_620 = tpu.memref_squeeze %get3A_619 : memref<1x1x64x384xf32, #tpu.memory_space<vmem>> -> memref<1x64x384xf32, #tpu.memory_space<vmem>>
          %get3A_621 = arith.index_cast %get3A : i32 to index
          %get3A_622 = arith.index_cast %add3A_615 : i32 to index
          %get3A_623 = arith.constant 0 : index
          %get3A_624 = tpu.vector_load %get3A_620[%get3A_621, %get3A_622, %get3A_623] {strides = array<i32>} : memref<1x64x384xf32, #tpu.memory_space<vmem>>, vector<16xf32>,
          %add3A_625 = arith.constant 0 : i32
          %add3A_626 = vector.broadcast %add3A_625 : i32 to vector<16xi32>
          %add3A_627 = arith.addi %iota3A, %add3A_626 : vector<16xi32>
          %add3A_628 = arith.constant 16 : i32
          %add3A_629 = vector.broadcast %add3A_628 : i32 to vector<16xi32>
          %add3A_630 = arith.addi %iota3A, %add3A_629 : vector<16xi32>
          %get3A_631 = arith.constant 0 : i32
          %get3A_632 = arith.constant 0 : i32
          %get3A_633 = arith.constant 0 : i32
          %get3A_634 = arith.constant 0 : i32
          %get3A_635 = tpu.memref_slice %run_scoped3A[%rem3A_374, %get3A_632, %get3A_633, %get3A_634] : memref<2x1x64x384xf32, #tpu.memory_space<vmem>> -> memref<1x1x64x384xf32, #tpu.memory_space<vmem>>
          %get3A_636 = tpu.memref_squeeze %get3A_635 : memref<1x1x64x384xf32, #tpu.memory_space<vmem>> -> memref<1x64x384xf32, #tpu.memory_space<vmem>>
          %get3A_637 = arith.index_cast %get3A_631 : i32 to index
          %get3A_638 = arith.index_cast %add3A_615 : i32 to index
          %get3A_639 = arith.constant 16 : index
          %get3A_640 = tpu.vector_load %get3A_636[%get3A_637, %get3A_638, %get3A_639] {strides = array<i32>} : memref<1x64x384xf32, #tpu.memory_space<vmem>>, vector<16xf32>,
          %gt3A = arith.cmpf ogt, %get3A_640, %get3A_624 : vector<16xf32>
          %select_n3A_641 = arith.select %gt3A, %get3A_640, %get3A_624 : vector<16xi1>, vector<16xf32>
          %select_n3A_642 = arith.select %gt3A, %add3A_630, %add3A_627 : vector<16xi1>, vector<16xi32>
          %add3A_643 = arith.constant 16 : i32
          %add3A_644 = vector.broadcast %add3A_643 : i32 to vector<16xi32>
          %add3A_645 = arith.addi %add3A_630, %add3A_644 : vector<16xi32>
          %get3A_646 = arith.constant 0 : i32
          %get3A_647 = arith.constant 0 : i32
          %get3A_648 = arith.constant 0 : i32
          %get3A_649 = arith.constant 0 : i32
          %get3A_650 = tpu.memref_slice %run_scoped3A[%rem3A_374, %get3A_647, %get3A_648, %get3A_649] : memref<2x1x64x384xf32, #tpu.memory_space<vmem>> -> memref<1x1x64x384xf32, #tpu.memory_space<vmem>>
          %get3A_651 = tpu.memref_squeeze %get3A_650 : memref<1x1x64x384xf32, #tpu.memory_space<vmem>> -> memref<1x64x384xf32, #tpu.memory_space<vmem>>
          %get3A_652 = arith.index_cast %get3A_646 : i32 to index
          %get3A_653 = arith.index_cast %add3A_615 : i32 to index
          %get3A_654 = arith.constant 32 : index
          %get3A_655 = tpu.vector_load %get3A_651[%get3A_652, %get3A_653, %get3A_654] {strides = array<i32>} : memref<1x64x384xf32, #tpu.memory_space<vmem>>, vector<16xf32>,
          %gt3A_656 = arith.cmpf ogt, %get3A_655, %select_n3A_641 : vector<16xf32>
          %select_n3A_657 = arith.select %gt3A_656, %get3A_655, %select_n3A_641 : vector<16xi1>, vector<16xf32>
          %select_n3A_658 = arith.select %gt3A_656, %add3A_645, %select_n3A_642 : vector<16xi1>, vector<16xi32>
          %add3A_659 = arith.constant 16 : i32
          %add3A_660 = vector.broadcast %add3A_659 : i32 to vector<16xi32>
          %add3A_661 = arith.addi %add3A_645, %add3A_660 : vector<16xi32>
          %get3A_662 = arith.constant 0 : i32
          %get3A_663 = arith.constant 0 : i32
          %get3A_664 = arith.constant 0 : i32
          %get3A_665 = arith.constant 0 : i32
          %get3A_666 = tpu.memref_slice %run_scoped3A[%rem3A_374, %get3A_663, %get3A_664, %get3A_665] : memref<2x1x64x384xf32, #tpu.memory_space<vmem>> -> memref<1x1x64x384xf32, #tpu.memory_space<vmem>>
          %get3A_667 = tpu.memref_squeeze %get3A_666 : memref<1x1x64x384xf32, #tpu.memory_space<vmem>> -> memref<1x64x384xf32, #tpu.memory_space<vmem>>
          %get3A_668 = arith.index_cast %get3A_662 : i32 to index
          %get3A_669 = arith.index_cast %add3A_615 : i32 to index
          %get3A_670 = arith.constant 48 : index
          %get3A_671 = tpu.vector_load %get3A_667[%get3A_668, %get3A_669, %get3A_670] {strides = array<i32>} : memref<1x64x384xf32, #tpu.memory_space<vmem>>, vector<16xf32>,
          %gt3A_672 = arith.cmpf ogt, %get3A_671, %select_n3A_657 : vector<16xf32>
          %select_n3A_673 = arith.select %gt3A_672, %get3A_671, %select_n3A_657 : vector<16xi1>, vector<16xf32>
          %select_n3A_674 = arith.select %gt3A_672, %add3A_661, %select_n3A_658 : vector<16xi1>, vector<16xi32>
          %add3A_675 = arith.constant 16 : i32
          %add3A_676 = vector.broadcast %add3A_675 : i32 to vector<16xi32>
          %add3A_677 = arith.addi %add3A_661, %add3A_676 : vector<16xi32>
          %get3A_678 = arith.constant 0 : i32
          %get3A_679 = arith.constant 0 : i32
          %get3A_680 = arith.constant 0 : i32
          %get3A_681 = arith.constant 0 : i32
          %get3A_682 = tpu.memref_slice %run_scoped3A[%rem3A_374, %get3A_679, %get3A_680, %get3A_681] : memref<2x1x64x384xf32, #tpu.memory_space<vmem>> -> memref<1x1x64x384xf32, #tpu.memory_space<vmem>>
          %get3A_683 = tpu.memref_squeeze %get3A_682 : memref<1x1x64x384xf32, #tpu.memory_space<vmem>> -> memref<1x64x384xf32, #tpu.memory_space<vmem>>
          %get3A_684 = arith.index_cast %get3A_678 : i32 to index
          %get3A_685 = arith.index_cast %add3A_615 : i32 to index
          %get3A_686 = arith.constant 64 : index
          %get3A_687 = tpu.vector_load %get3A_683[%get3A_684, %get3A_685, %get3A_686] {strides = array<i32>} : memref<1x64x384xf32, #tpu.memory_space<vmem>>, vector<16xf32>,
          %gt3A_688 = arith.cmpf ogt, %get3A_687, %select_n3A_673 : vector<16xf32>
          %select_n3A_689 = arith.select %gt3A_688, %get3A_687, %select_n3A_673 : vector<16xi1>, vector<16xf32>
          %select_n3A_690 = arith.select %gt3A_688, %add3A_677, %select_n3A_674 : vector<16xi1>, vector<16xi32>
          %add3A_691 = arith.constant 16 : i32
          %add3A_692 = vector.broadcast %add3A_691 : i32 to vector<16xi32>
          %add3A_693 = arith.addi %add3A_677, %add3A_692 : vector<16xi32>
          %get3A_694 = arith.constant 0 : i32
          %get3A_695 = arith.constant 0 : i32
          %get3A_696 = arith.constant 0 : i32
          %get3A_697 = arith.constant 0 : i32
          %get3A_698 = tpu.memref_slice %run_scoped3A[%rem3A_374, %get3A_695, %get3A_696, %get3A_697] : memref<2x1x64x384xf32, #tpu.memory_space<vmem>> -> memref<1x1x64x384xf32, #tpu.memory_space<vmem>>
          %get3A_699 = tpu.memref_squeeze %get3A_698 : memref<1x1x64x384xf32, #tpu.memory_space<vmem>> -> memref<1x64x384xf32, #tpu.memory_space<vmem>>
          %get3A_700 = arith.index_cast %get3A_694 : i32 to index
          %get3A_701 = arith.index_cast %add3A_615 : i32 to index
          %get3A_702 = arith.constant 80 : index
          %get3A_703 = tpu.vector_load %get3A_699[%get3A_700, %get3A_701, %get3A_702] {strides = array<i32>} : memref<1x64x384xf32, #tpu.memory_space<vmem>>, vector<16xf32>,
          %gt3A_704 = arith.cmpf ogt, %get3A_703, %select_n3A_689 : vector<16xf32>
          %select_n3A_705 = arith.select %gt3A_704, %get3A_703, %select_n3A_689 : vector<16xi1>, vector<16xf32>
          %select_n3A_706 = arith.select %gt3A_704, %add3A_693, %select_n3A_690 : vector<16xi1>, vector<16xi32>
          %add3A_707 = arith.constant 16 : i32
          %add3A_708 = vector.broadcast %add3A_707 : i32 to vector<16xi32>
          %add3A_709 = arith.addi %add3A_693, %add3A_708 : vector<16xi32>
          %get3A_710 = arith.constant 0 : i32
          %get3A_711 = arith.constant 0 : i32
          %get3A_712 = arith.constant 0 : i32
          %get3A_713 = arith.constant 0 : i32
          %get3A_714 = tpu.memref_slice %run_scoped3A[%rem3A_374, %get3A_711, %get3A_712, %get3A_713] : memref<2x1x64x384xf32, #tpu.memory_space<vmem>> -> memref<1x1x64x384xf32, #tpu.memory_space<vmem>>
          %get3A_715 = tpu.memref_squeeze %get3A_714 : memref<1x1x64x384xf32, #tpu.memory_space<vmem>> -> memref<1x64x384xf32, #tpu.memory_space<vmem>>
          %get3A_716 = arith.index_cast %get3A_710 : i32 to index
          %get3A_717 = arith.index_cast %add3A_615 : i32 to index
          %get3A_718 = arith.constant 96 : index
          %get3A_719 = tpu.vector_load %get3A_715[%get3A_716, %get3A_717, %get3A_718] {strides = array<i32>} : memref<1x64x384xf32, #tpu.memory_space<vmem>>, vector<16xf32>,
          %gt3A_720 = arith.cmpf ogt, %get3A_719, %select_n3A_705 : vector<16xf32>
          %select_n3A_721 = arith.select %gt3A_720, %get3A_719, %select_n3A_705 : vector<16xi1>, vector<16xf32>
          %select_n3A_722 = arith.select %gt3A_720, %add3A_709, %select_n3A_706 : vector<16xi1>, vector<16xi32>
          %add3A_723 = arith.constant 16 : i32
          %add3A_724 = vector.broadcast %add3A_723 : i32 to vector<16xi32>
          %add3A_725 = arith.addi %add3A_709, %add3A_724 : vector<16xi32>
          %get3A_726 = arith.constant 0 : i32
          %get3A_727 = arith.constant 0 : i32
          %get3A_728 = arith.constant 0 : i32
          %get3A_729 = arith.constant 0 : i32
          %get3A_730 = tpu.memref_slice %run_scoped3A[%rem3A_374, %get3A_727, %get3A_728, %get3A_729] : memref<2x1x64x384xf32, #tpu.memory_space<vmem>> -> memref<1x1x64x384xf32, #tpu.memory_space<vmem>>
          %get3A_731 = tpu.memref_squeeze %get3A_730 : memref<1x1x64x384xf32, #tpu.memory_space<vmem>> -> memref<1x64x384xf32, #tpu.memory_space<vmem>>
          %get3A_732 = arith.index_cast %get3A_726 : i32 to index
          %get3A_733 = arith.index_cast %add3A_615 : i32 to index
          %get3A_734 = arith.constant 112 : index
          %get3A_735 = tpu.vector_load %get3A_731[%get3A_732, %get3A_733, %get3A_734] {strides = array<i32>} : memref<1x64x384xf32, #tpu.memory_space<vmem>>, vector<16xf32>,
          %gt3A_736 = arith.cmpf ogt, %get3A_735, %select_n3A_721 : vector<16xf32>
          %select_n3A_737 = arith.select %gt3A_736, %get3A_735, %select_n3A_721 : vector<16xi1>, vector<16xf32>
          %select_n3A_738 = arith.select %gt3A_736, %add3A_725, %select_n3A_722 : vector<16xi1>, vector<16xi32>
          %add3A_739 = arith.constant 16 : i32
          %add3A_740 = vector.broadcast %add3A_739 : i32 to vector<16xi32>
          %add3A_741 = arith.addi %add3A_725, %add3A_740 : vector<16xi32>
          %get3A_742 = arith.constant 0 : i32
          %get3A_743 = arith.constant 0 : i32
          %get3A_744 = arith.constant 0 : i32
          %get3A_745 = arith.constant 0 : i32
          %get3A_746 = tpu.memref_slice %run_scoped3A[%rem3A_374, %get3A_743, %get3A_744, %get3A_745] : memref<2x1x64x384xf32, #tpu.memory_space<vmem>> -> memref<1x1x64x384xf32, #tpu.memory_space<vmem>>
          %get3A_747 = tpu.memref_squeeze %get3A_746 : memref<1x1x64x384xf32, #tpu.memory_space<vmem>> -> memref<1x64x384xf32, #tpu.memory_space<vmem>>
          %get3A_748 = arith.index_cast %get3A_742 : i32 to index
          %get3A_749 = arith.index_cast %add3A_615 : i32 to index
          %get3A_750 = arith.constant 128 : index
          %get3A_751 = tpu.vector_load %get3A_747[%get3A_748, %get3A_749, %get3A_750] {strides = array<i32>} : memref<1x64x384xf32, #tpu.memory_space<vmem>>, vector<16xf32>,
          %gt3A_752 = arith.cmpf ogt, %get3A_751, %select_n3A_737 : vector<16xf32>
          %select_n3A_753 = arith.select %gt3A_752, %get3A_751, %select_n3A_737 : vector<16xi1>, vector<16xf32>
          %select_n3A_754 = arith.select %gt3A_752, %add3A_741, %select_n3A_738 : vector<16xi1>, vector<16xi32>
          %add3A_755 = arith.constant 16 : i32
          %add3A_756 = vector.broadcast %add3A_755 : i32 to vector<16xi32>
          %add3A_757 = arith.addi %add3A_741, %add3A_756 : vector<16xi32>
          %get3A_758 = arith.constant 0 : i32
          %get3A_759 = arith.constant 0 : i32
          %get3A_760 = arith.constant 0 : i32
          %get3A_761 = arith.constant 0 : i32
          %get3A_762 = tpu.memref_slice %run_scoped3A[%rem3A_374, %get3A_759, %get3A_760, %get3A_761] : memref<2x1x64x384xf32, #tpu.memory_space<vmem>> -> memref<1x1x64x384xf32, #tpu.memory_space<vmem>>
          %get3A_763 = tpu.memref_squeeze %get3A_762 : memref<1x1x64x384xf32, #tpu.memory_space<vmem>> -> memref<1x64x384xf32, #tpu.memory_space<vmem>>
          %get3A_764 = arith.index_cast %get3A_758 : i32 to index
          %get3A_765 = arith.index_cast %add3A_615 : i32 to index
          %get3A_766 = arith.constant 144 : index
          %get3A_767 = tpu.vector_load %get3A_763[%get3A_764, %get3A_765, %get3A_766] {strides = array<i32>} : memref<1x64x384xf32, #tpu.memory_space<vmem>>, vector<16xf32>,
          %gt3A_768 = arith.cmpf ogt, %get3A_767, %select_n3A_753 : vector<16xf32>
          %select_n3A_769 = arith.select %gt3A_768, %get3A_767, %select_n3A_753 : vector<16xi1>, vector<16xf32>
          %select_n3A_770 = arith.select %gt3A_768, %add3A_757, %select_n3A_754 : vector<16xi1>, vector<16xi32>
          %add3A_771 = arith.constant 16 : i32
          %add3A_772 = vector.broadcast %add3A_771 : i32 to vector<16xi32>
          %add3A_773 = arith.addi %add3A_757, %add3A_772 : vector<16xi32>
          %get3A_774 = arith.constant 0 : i32
          %get3A_775 = arith.constant 0 : i32
          %get3A_776 = arith.constant 0 : i32
          %get3A_777 = arith.constant 0 : i32
          %get3A_778 = tpu.memref_slice %run_scoped3A[%rem3A_374, %get3A_775, %get3A_776, %get3A_777] : memref<2x1x64x384xf32, #tpu.memory_space<vmem>> -> memref<1x1x64x384xf32, #tpu.memory_space<vmem>>
          %get3A_779 = tpu.memref_squeeze %get3A_778 : memref<1x1x64x384xf32, #tpu.memory_space<vmem>> -> memref<1x64x384xf32, #tpu.memory_space<vmem>>
          %get3A_780 = arith.index_cast %get3A_774 : i32 to index
          %get3A_781 = arith.index_cast %add3A_615 : i32 to index
          %get3A_782 = arith.constant 160 : index
          %get3A_783 = tpu.vector_load %get3A_779[%get3A_780, %get3A_781, %get3A_782] {strides = array<i32>} : memref<1x64x384xf32, #tpu.memory_space<vmem>>, vector<16xf32>,
          %gt3A_784 = arith.cmpf ogt, %get3A_783, %select_n3A_769 : vector<16xf32>
          %select_n3A_785 = arith.select %gt3A_784, %get3A_783, %select_n3A_769 : vector<16xi1>, vector<16xf32>
          %select_n3A_786 = arith.select %gt3A_784, %add3A_773, %select_n3A_770 : vector<16xi1>, vector<16xi32>
          %add3A_787 = arith.constant 16 : i32
          %add3A_788 = vector.broadcast %add3A_787 : i32 to vector<16xi32>
          %add3A_789 = arith.addi %add3A_773, %add3A_788 : vector<16xi32>
          %get3A_790 = arith.constant 0 : i32
          %get3A_791 = arith.constant 0 : i32
          %get3A_792 = arith.constant 0 : i32
          %get3A_793 = arith.constant 0 : i32
          %get3A_794 = tpu.memref_slice %run_scoped3A[%rem3A_374, %get3A_791, %get3A_792, %get3A_793] : memref<2x1x64x384xf32, #tpu.memory_space<vmem>> -> memref<1x1x64x384xf32, #tpu.memory_space<vmem>>
          %get3A_795 = tpu.memref_squeeze %get3A_794 : memref<1x1x64x384xf32, #tpu.memory_space<vmem>> -> memref<1x64x384xf32, #tpu.memory_space<vmem>>
          %get3A_796 = arith.index_cast %get3A_790 : i32 to index
          %get3A_797 = arith.index_cast %add3A_615 : i32 to index
          %get3A_798 = arith.constant 176 : index
          %get3A_799 = tpu.vector_load %get3A_795[%get3A_796, %get3A_797, %get3A_798] {strides = array<i32>} : memref<1x64x384xf32, #tpu.memory_space<vmem>>, vector<16xf32>,
          %gt3A_800 = arith.cmpf ogt, %get3A_799, %select_n3A_785 : vector<16xf32>
          %select_n3A_801 = arith.select %gt3A_800, %get3A_799, %select_n3A_785 : vector<16xi1>, vector<16xf32>
          %select_n3A_802 = arith.select %gt3A_800, %add3A_789, %select_n3A_786 : vector<16xi1>, vector<16xi32>
          %add3A_803 = arith.constant 16 : i32
          %add3A_804 = vector.broadcast %add3A_803 : i32 to vector<16xi32>
          %add3A_805 = arith.addi %add3A_789, %add3A_804 : vector<16xi32>
          %get3A_806 = arith.constant 0 : i32
          %get3A_807 = arith.constant 0 : i32
          %get3A_808 = arith.constant 0 : i32
          %get3A_809 = arith.constant 0 : i32
          %get3A_810 = tpu.memref_slice %run_scoped3A[%rem3A_374, %get3A_807, %get3A_808, %get3A_809] : memref<2x1x64x384xf32, #tpu.memory_space<vmem>> -> memref<1x1x64x384xf32, #tpu.memory_space<vmem>>
          %get3A_811 = tpu.memref_squeeze %get3A_810 : memref<1x1x64x384xf32, #tpu.memory_space<vmem>> -> memref<1x64x384xf32, #tpu.memory_space<vmem>>
          %get3A_812 = arith.index_cast %get3A_806 : i32 to index
          %get3A_813 = arith.index_cast %add3A_615 : i32 to index
          %get3A_814 = arith.constant 192 : index
          %get3A_815 = tpu.vector_load %get3A_811[%get3A_812, %get3A_813, %get3A_814] {strides = array<i32>} : memref<1x64x384xf32, #tpu.memory_space<vmem>>, vector<16xf32>,
          %add3A_816 = arith.constant 192 : i32
          %add3A_817 = vector.broadcast %add3A_816 : i32 to vector<16xi32>
          %add3A_818 = arith.addi %iota3A, %add3A_817 : vector<16xi32>
          %add3A_819 = arith.constant 208 : i32
          %add3A_820 = vector.broadcast %add3A_819 : i32 to vector<16xi32>
          %add3A_821 = arith.addi %iota3A, %add3A_820 : vector<16xi32>
          %get3A_822 = arith.constant 0 : i32
          %get3A_823 = arith.constant 0 : i32
          %get3A_824 = arith.constant 0 : i32
          %get3A_825 = arith.constant 0 : i32
          %get3A_826 = tpu.memref_slice %run_scoped3A[%rem3A_374, %get3A_823, %get3A_824, %get3A_825] : memref<2x1x64x384xf32, #tpu.memory_space<vmem>> -> memref<1x1x64x384xf32, #tpu.memory_space<vmem>>
          %get3A_827 = tpu.memref_squeeze %get3A_826 : memref<1x1x64x384xf32, #tpu.memory_space<vmem>> -> memref<1x64x384xf32, #tpu.memory_space<vmem>>
          %get3A_828 = arith.index_cast %get3A_822 : i32 to index
          %get3A_829 = arith.index_cast %add3A_615 : i32 to index
          %get3A_830 = arith.constant 208 : index
          %get3A_831 = tpu.vector_load %get3A_827[%get3A_828, %get3A_829, %get3A_830] {strides = array<i32>} : memref<1x64x384xf32, #tpu.memory_space<vmem>>, vector<16xf32>,
          %gt3A_832 = arith.cmpf ogt, %get3A_831, %get3A_815 : vector<16xf32>
          %select_n3A_833 = arith.select %gt3A_832, %get3A_831, %get3A_815 : vector<16xi1>, vector<16xf32>
          %select_n3A_834 = arith.select %gt3A_832, %add3A_821, %add3A_818 : vector<16xi1>, vector<16xi32>
          %add3A_835 = arith.constant 16 : i32
          %add3A_836 = vector.broadcast %add3A_835 : i32 to vector<16xi32>
          %add3A_837 = arith.addi %add3A_821, %add3A_836 : vector<16xi32>
          %get3A_838 = arith.constant 0 : i32
          %get3A_839 = arith.constant 0 : i32
          %get3A_840 = arith.constant 0 : i32
          %get3A_841 = arith.constant 0 : i32
          %get3A_842 = tpu.memref_slice %run_scoped3A[%rem3A_374, %get3A_839, %get3A_840, %get3A_841] : memref<2x1x64x384xf32, #tpu.memory_space<vmem>> -> memref<1x1x64x384xf32, #tpu.memory_space<vmem>>
          %get3A_843 = tpu.memref_squeeze %get3A_842 : memref<1x1x64x384xf32, #tpu.memory_space<vmem>> -> memref<1x64x384xf32, #tpu.memory_space<vmem>>
          %get3A_844 = arith.index_cast %get3A_838 : i32 to index
          %get3A_845 = arith.index_cast %add3A_615 : i32 to index
          %get3A_846 = arith.constant 224 : index
          %get3A_847 = tpu.vector_load %get3A_843[%get3A_844, %get3A_845, %get3A_846] {strides = array<i32>} : memref<1x64x384xf32, #tpu.memory_space<vmem>>, vector<16xf32>,
          %gt3A_848 = arith.cmpf ogt, %get3A_847, %select_n3A_833 : vector<16xf32>
          %select_n3A_849 = arith.select %gt3A_848, %get3A_847, %select_n3A_833 : vector<16xi1>, vector<16xf32>
          %select_n3A_850 = arith.select %gt3A_848, %add3A_837, %select_n3A_834 : vector<16xi1>, vector<16xi32>
          %add3A_851 = arith.constant 16 : i32
          %add3A_852 = vector.broadcast %add3A_851 : i32 to vector<16xi32>
          %add3A_853 = arith.addi %add3A_837, %add3A_852 : vector<16xi32>
          %get3A_854 = arith.constant 0 : i32
          %get3A_855 = arith.constant 0 : i32
          %get3A_856 = arith.constant 0 : i32
          %get3A_857 = arith.constant 0 : i32
          %get3A_858 = tpu.memref_slice %run_scoped3A[%rem3A_374, %get3A_855, %get3A_856, %get3A_857] : memref<2x1x64x384xf32, #tpu.memory_space<vmem>> -> memref<1x1x64x384xf32, #tpu.memory_space<vmem>>
          %get3A_859 = tpu.memref_squeeze %get3A_858 : memref<1x1x64x384xf32, #tpu.memory_space<vmem>> -> memref<1x64x384xf32, #tpu.memory_space<vmem>>
          %get3A_860 = arith.index_cast %get3A_854 : i32 to index
          %get3A_861 = arith.index_cast %add3A_615 : i32 to index
          %get3A_862 = arith.constant 240 : index
          %get3A_863 = tpu.vector_load %get3A_859[%get3A_860, %get3A_861, %get3A_862] {strides = array<i32>} : memref<1x64x384xf32, #tpu.memory_space<vmem>>, vector<16xf32>,
          %gt3A_864 = arith.cmpf ogt, %get3A_863, %select_n3A_849 : vector<16xf32>
          %select_n3A_865 = arith.select %gt3A_864, %get3A_863, %select_n3A_849 : vector<16xi1>, vector<16xf32>
          %select_n3A_866 = arith.select %gt3A_864, %add3A_853, %select_n3A_850 : vector<16xi1>, vector<16xi32>
          %add3A_867 = arith.constant 16 : i32
          %add3A_868 = vector.broadcast %add3A_867 : i32 to vector<16xi32>
          %add3A_869 = arith.addi %add3A_853, %add3A_868 : vector<16xi32>
          %get3A_870 = arith.constant 0 : i32
          %get3A_871 = arith.constant 0 : i32
          %get3A_872 = arith.constant 0 : i32
          %get3A_873 = arith.constant 0 : i32
          %get3A_874 = tpu.memref_slice %run_scoped3A[%rem3A_374, %get3A_871, %get3A_872, %get3A_873] : memref<2x1x64x384xf32, #tpu.memory_space<vmem>> -> memref<1x1x64x384xf32, #tpu.memory_space<vmem>>
          %get3A_875 = tpu.memref_squeeze %get3A_874 : memref<1x1x64x384xf32, #tpu.memory_space<vmem>> -> memref<1x64x384xf32, #tpu.memory_space<vmem>>
          %get3A_876 = arith.index_cast %get3A_870 : i32 to index
          %get3A_877 = arith.index_cast %add3A_615 : i32 to index
          %get3A_878 = arith.constant 256 : index
          %get3A_879 = tpu.vector_load %get3A_875[%get3A_876, %get3A_877, %get3A_878] {strides = array<i32>} : memref<1x64x384xf32, #tpu.memory_space<vmem>>, vector<16xf32>,
          %gt3A_880 = arith.cmpf ogt, %get3A_879, %select_n3A_865 : vector<16xf32>
          %select_n3A_881 = arith.select %gt3A_880, %get3A_879, %select_n3A_865 : vector<16xi1>, vector<16xf32>
          %select_n3A_882 = arith.select %gt3A_880, %add3A_869, %select_n3A_866 : vector<16xi1>, vector<16xi32>
          %add3A_883 = arith.constant 16 : i32
          %add3A_884 = vector.broadcast %add3A_883 : i32 to vector<16xi32>
          %add3A_885 = arith.addi %add3A_869, %add3A_884 : vector<16xi32>
          %get3A_886 = arith.constant 0 : i32
          %get3A_887 = arith.constant 0 : i32
          %get3A_888 = arith.constant 0 : i32
          %get3A_889 = arith.constant 0 : i32
          %get3A_890 = tpu.memref_slice %run_scoped3A[%rem3A_374, %get3A_887, %get3A_888, %get3A_889] : memref<2x1x64x384xf32, #tpu.memory_space<vmem>> -> memref<1x1x64x384xf32, #tpu.memory_space<vmem>>
          %get3A_891 = tpu.memref_squeeze %get3A_890 : memref<1x1x64x384xf32, #tpu.memory_space<vmem>> -> memref<1x64x384xf32, #tpu.memory_space<vmem>>
          %get3A_892 = arith.index_cast %get3A_886 : i32 to index
          %get3A_893 = arith.index_cast %add3A_615 : i32 to index
          %get3A_894 = arith.constant 272 : index
          %get3A_895 = tpu.vector_load %get3A_891[%get3A_892, %get3A_893, %get3A_894] {strides = array<i32>} : memref<1x64x384xf32, #tpu.memory_space<vmem>>, vector<16xf32>,
          %gt3A_896 = arith.cmpf ogt, %get3A_895, %select_n3A_881 : vector<16xf32>
          %select_n3A_897 = arith.select %gt3A_896, %get3A_895, %select_n3A_881 : vector<16xi1>, vector<16xf32>
          %select_n3A_898 = arith.select %gt3A_896, %add3A_885, %select_n3A_882 : vector<16xi1>, vector<16xi32>
          %add3A_899 = arith.constant 16 : i32
          %add3A_900 = vector.broadcast %add3A_899 : i32 to vector<16xi32>
          %add3A_901 = arith.addi %add3A_885, %add3A_900 : vector<16xi32>
          %get3A_902 = arith.constant 0 : i32
          %get3A_903 = arith.constant 0 : i32
          %get3A_904 = arith.constant 0 : i32
          %get3A_905 = arith.constant 0 : i32
          %get3A_906 = tpu.memref_slice %run_scoped3A[%rem3A_374, %get3A_903, %get3A_904, %get3A_905] : memref<2x1x64x384xf32, #tpu.memory_space<vmem>> -> memref<1x1x64x384xf32, #tpu.memory_space<vmem>>
          %get3A_907 = tpu.memref_squeeze %get3A_906 : memref<1x1x64x384xf32, #tpu.memory_space<vmem>> -> memref<1x64x384xf32, #tpu.memory_space<vmem>>
          %get3A_908 = arith.index_cast %get3A_902 : i32 to index
          %get3A_909 = arith.index_cast %add3A_615 : i32 to index
          %get3A_910 = arith.constant 288 : index
          %get3A_911 = tpu.vector_load %get3A_907[%get3A_908, %get3A_909, %get3A_910] {strides = array<i32>} : memref<1x64x384xf32, #tpu.memory_space<vmem>>, vector<16xf32>,
          %gt3A_912 = arith.cmpf ogt, %get3A_911, %select_n3A_897 : vector<16xf32>
          %select_n3A_913 = arith.select %gt3A_912, %get3A_911, %select_n3A_897 : vector<16xi1>, vector<16xf32>
          %select_n3A_914 = arith.select %gt3A_912, %add3A_901, %select_n3A_898 : vector<16xi1>, vector<16xi32>
          %add3A_915 = arith.constant 16 : i32
          %add3A_916 = vector.broadcast %add3A_915 : i32 to vector<16xi32>
          %add3A_917 = arith.addi %add3A_901, %add3A_916 : vector<16xi32>
          %get3A_918 = arith.constant 0 : i32
          %get3A_919 = arith.constant 0 : i32
          %get3A_920 = arith.constant 0 : i32
          %get3A_921 = arith.constant 0 : i32
          %get3A_922 = tpu.memref_slice %run_scoped3A[%rem3A_374, %get3A_919, %get3A_920, %get3A_921] : memref<2x1x64x384xf32, #tpu.memory_space<vmem>> -> memref<1x1x64x384xf32, #tpu.memory_space<vmem>>
          %get3A_923 = tpu.memref_squeeze %get3A_922 : memref<1x1x64x384xf32, #tpu.memory_space<vmem>> -> memref<1x64x384xf32, #tpu.memory_space<vmem>>
          %get3A_924 = arith.index_cast %get3A_918 : i32 to index
          %get3A_925 = arith.index_cast %add3A_615 : i32 to index
          %get3A_926 = arith.constant 304 : index
          %get3A_927 = tpu.vector_load %get3A_923[%get3A_924, %get3A_925, %get3A_926] {strides = array<i32>} : memref<1x64x384xf32, #tpu.memory_space<vmem>>, vector<16xf32>,
          %gt3A_928 = arith.cmpf ogt, %get3A_927, %select_n3A_913 : vector<16xf32>
          %select_n3A_929 = arith.select %gt3A_928, %get3A_927, %select_n3A_913 : vector<16xi1>, vector<16xf32>
          %select_n3A_930 = arith.select %gt3A_928, %add3A_917, %select_n3A_914 : vector<16xi1>, vector<16xi32>
          %add3A_931 = arith.constant 16 : i32
          %add3A_932 = vector.broadcast %add3A_931 : i32 to vector<16xi32>
          %add3A_933 = arith.addi %add3A_917, %add3A_932 : vector<16xi32>
          %get3A_934 = arith.constant 0 : i32
          %get3A_935 = arith.constant 0 : i32
          %get3A_936 = arith.constant 0 : i32
          %get3A_937 = arith.constant 0 : i32
          %get3A_938 = tpu.memref_slice %run_scoped3A[%rem3A_374, %get3A_935, %get3A_936, %get3A_937] : memref<2x1x64x384xf32, #tpu.memory_space<vmem>> -> memref<1x1x64x384xf32, #tpu.memory_space<vmem>>
          %get3A_939 = tpu.memref_squeeze %get3A_938 : memref<1x1x64x384xf32, #tpu.memory_space<vmem>> -> memref<1x64x384xf32, #tpu.memory_space<vmem>>
          %get3A_940 = arith.index_cast %get3A_934 : i32 to index
          %get3A_941 = arith.index_cast %add3A_615 : i32 to index
          %get3A_942 = arith.constant 320 : index
          %get3A_943 = tpu.vector_load %get3A_939[%get3A_940, %get3A_941, %get3A_942] {strides = array<i32>} : memref<1x64x384xf32, #tpu.memory_space<vmem>>, vector<16xf32>,
          %gt3A_944 = arith.cmpf ogt, %get3A_943, %select_n3A_929 : vector<16xf32>
          %select_n3A_945 = arith.select %gt3A_944, %get3A_943, %select_n3A_929 : vector<16xi1>, vector<16xf32>
          %select_n3A_946 = arith.select %gt3A_944, %add3A_933, %select_n3A_930 : vector<16xi1>, vector<16xi32>
          %add3A_947 = arith.constant 16 : i32
          %add3A_948 = vector.broadcast %add3A_947 : i32 to vector<16xi32>
          %add3A_949 = arith.addi %add3A_933, %add3A_948 : vector<16xi32>
          %get3A_950 = arith.constant 0 : i32
          %get3A_951 = arith.constant 0 : i32
          %get3A_952 = arith.constant 0 : i32
          %get3A_953 = arith.constant 0 : i32
          %get3A_954 = tpu.memref_slice %run_scoped3A[%rem3A_374, %get3A_951, %get3A_952, %get3A_953] : memref<2x1x64x384xf32, #tpu.memory_space<vmem>> -> memref<1x1x64x384xf32, #tpu.memory_space<vmem>>
          %get3A_955 = tpu.memref_squeeze %get3A_954 : memref<1x1x64x384xf32, #tpu.memory_space<vmem>> -> memref<1x64x384xf32, #tpu.memory_space<vmem>>
          %get3A_956 = arith.index_cast %get3A_950 : i32 to index
          %get3A_957 = arith.index_cast %add3A_615 : i32 to index
          %get3A_958 = arith.constant 336 : index
          %get3A_959 = tpu.vector_load %get3A_955[%get3A_956, %get3A_957, %get3A_958] {strides = array<i32>} : memref<1x64x384xf32, #tpu.memory_space<vmem>>, vector<16xf32>,
          %gt3A_960 = arith.cmpf ogt, %get3A_959, %select_n3A_945 : vector<16xf32>
          %select_n3A_961 = arith.select %gt3A_960, %get3A_959, %select_n3A_945 : vector<16xi1>, vector<16xf32>
          %select_n3A_962 = arith.select %gt3A_960, %add3A_949, %select_n3A_946 : vector<16xi1>, vector<16xi32>
          %add3A_963 = arith.constant 16 : i32
          %add3A_964 = vector.broadcast %add3A_963 : i32 to vector<16xi32>
          %add3A_965 = arith.addi %add3A_949, %add3A_964 : vector<16xi32>
          %get3A_966 = arith.constant 0 : i32
          %get3A_967 = arith.constant 0 : i32
          %get3A_968 = arith.constant 0 : i32
          %get3A_969 = arith.constant 0 : i32
          %get3A_970 = tpu.memref_slice %run_scoped3A[%rem3A_374, %get3A_967, %get3A_968, %get3A_969] : memref<2x1x64x384xf32, #tpu.memory_space<vmem>> -> memref<1x1x64x384xf32, #tpu.memory_space<vmem>>
          %get3A_971 = tpu.memref_squeeze %get3A_970 : memref<1x1x64x384xf32, #tpu.memory_space<vmem>> -> memref<1x64x384xf32, #tpu.memory_space<vmem>>
          %get3A_972 = arith.index_cast %get3A_966 : i32 to index
          %get3A_973 = arith.index_cast %add3A_615 : i32 to index
          %get3A_974 = arith.constant 352 : index
          %get3A_975 = tpu.vector_load %get3A_971[%get3A_972, %get3A_973, %get3A_974] {strides = array<i32>} : memref<1x64x384xf32, #tpu.memory_space<vmem>>, vector<16xf32>,
          %gt3A_976 = arith.cmpf ogt, %get3A_975, %select_n3A_961 : vector<16xf32>
          %select_n3A_977 = arith.select %gt3A_976, %get3A_975, %select_n3A_961 : vector<16xi1>, vector<16xf32>
          %select_n3A_978 = arith.select %gt3A_976, %add3A_965, %select_n3A_962 : vector<16xi1>, vector<16xi32>
          %add3A_979 = arith.constant 16 : i32
          %add3A_980 = vector.broadcast %add3A_979 : i32 to vector<16xi32>
          %add3A_981 = arith.addi %add3A_965, %add3A_980 : vector<16xi32>
          %get3A_982 = arith.constant 0 : i32
          %get3A_983 = arith.constant 0 : i32
          %get3A_984 = arith.constant 0 : i32
          %get3A_985 = arith.constant 0 : i32
          %get3A_986 = tpu.memref_slice %run_scoped3A[%rem3A_374, %get3A_983, %get3A_984, %get3A_985] : memref<2x1x64x384xf32, #tpu.memory_space<vmem>> -> memref<1x1x64x384xf32, #tpu.memory_space<vmem>>
          %get3A_987 = tpu.memref_squeeze %get3A_986 : memref<1x1x64x384xf32, #tpu.memory_space<vmem>> -> memref<1x64x384xf32, #tpu.memory_space<vmem>>
          %get3A_988 = arith.index_cast %get3A_982 : i32 to index
          %get3A_989 = arith.index_cast %add3A_615 : i32 to index
          %get3A_990 = arith.constant 368 : index
          %get3A_991 = tpu.vector_load %get3A_987[%get3A_988, %get3A_989, %get3A_990] {strides = array<i32>} : memref<1x64x384xf32, #tpu.memory_space<vmem>>, vector<16xf32>,
          %gt3A_992 = arith.cmpf ogt, %get3A_991, %select_n3A_977 : vector<16xf32>
          %select_n3A_993 = arith.select %gt3A_992, %get3A_991, %select_n3A_977 : vector<16xi1>, vector<16xf32>
          %select_n3A_994 = arith.select %gt3A_992, %add3A_981, %select_n3A_978 : vector<16xi1>, vector<16xi32>
          %add3A_995 = arith.constant 16 : i32
          %add3A_996 = vector.broadcast %add3A_995 : i32 to vector<16xi32>
          %add3A_997 = arith.addi %add3A_981, %add3A_996 : vector<16xi32>
          %gt3A_998 = arith.cmpf ogt, %select_n3A_993, %select_n3A_801 : vector<16xf32>
          %select_n3A_999 = arith.select %gt3A_998, %select_n3A_993, %select_n3A_801 : vector<16xi1>, vector<16xf32>
          %select_n3A_1000 = arith.select %gt3A_998, %select_n3A_994, %select_n3A_802 : vector<16xi1>, vector<16xi32>
          %reduce_max3A = arith.constant true
          %reduce_max3A_1001 = vector.broadcast %reduce_max3A : i1 to vector<16xi1>
          %reduce_max3A_1002 = tpu.scan <max>, %select_n3A_999 masked %reduce_max3A_1001 : vector<16xf32>, vector<16xi1> -> vector<16xf32>
          %reduce_max3A_1003 = vector.extract %reduce_max3A_1002[15] : f32 from vector<16xf32>
          %eq3A_1004 = vector.broadcast %reduce_max3A_1003 : f32 to vector<16xf32>
          %eq3A_1005 = arith.cmpf oeq, %select_n3A_999, %eq3A_1004 : vector<16xf32>
          %jit3A = arith.constant 2147483647 : i32
          %broadcast_in_dim3A_1006 = vector.broadcast %jit3A : i32 to vector<16xi32>
          %select_n3A_1007 = arith.select %eq3A_1005, %select_n3A_1000, %broadcast_in_dim3A_1006 : vector<16xi1>, vector<16xi32>
          %reduce_min3A = arith.constant true
          %reduce_min3A_1008 = vector.broadcast %reduce_min3A : i1 to vector<16xi1>
          %reduce_min3A_1009 = arith.constant -2147483648 : i32
          %reduce_min3A_1010 = vector.broadcast %reduce_min3A_1009 : i32 to vector<16xi32>
          %reduce_min3A_1011 = arith.xori %select_n3A_1007, %reduce_min3A_1010 : vector<16xi32>
          %reduce_min3A_1012 = tpu.scan <min>, %reduce_min3A_1011 masked %reduce_min3A_1008 : vector<16xi32>, vector<16xi1> -> vector<16xi32>
          %reduce_min3A_1013 = arith.xori %reduce_min3A_1012, %reduce_min3A_1010 : vector<16xi32>
          %reduce_min3A_1014 = vector.extract %reduce_min3A_1013[15] : i32 from vector<16xi32>
          %eq3A_1015 = vector.broadcast %add3A_613 : i32 to vector<16xi32>
          %eq3A_1016 = arith.cmpi eq, %iota3A, %eq3A_1015 : vector<16xi32>
          %broadcast_in_dim3A_1017 = vector.broadcast %reduce_max3A_1003 : f32 to vector<16xf32>
          %select_n3A_1018 = arith.select %eq3A_1016, %broadcast_in_dim3A_1017, %scan3A_608 : vector<16xi1>, vector<16xf32>
          %broadcast_in_dim3A_1019 = vector.broadcast %reduce_min3A_1014 : i32 to vector<16xi32>
          %select_n3A_1020 = arith.select %eq3A_1016, %broadcast_in_dim3A_1019, %scan3A_609 : vector<16xi1>, vector<16xi32>
          %mul3A_1021 = arith.constant 2 : i32
          %mul3A_1022 = arith.muli %mul3A_1021, %scan3A_607 : i32
          %add3A_1023 = arith.constant 1 : i32
          %add3A_1024 = arith.addi %mul3A_1022, %add3A_1023 : i32
          %add3A_1025 = arith.constant 16 : i32
          %add3A_1026 = arith.addi %add3A_1025, %add3A_1024 : i32
          %get3A_1027 = arith.constant 0 : i32
          %get3A_1028 = arith.constant 0 : i32
          %get3A_1029 = arith.constant 0 : i32
          %get3A_1030 = arith.constant 0 : i32
          %get3A_1031 = tpu.memref_slice %run_scoped3A[%rem3A_374, %get3A_1028, %get3A_1029, %get3A_1030] : memref<2x1x64x384xf32, #tpu.memory_space<vmem>> -> memref<1x1x64x384xf32, #tpu.memory_space<vmem>>
          %get3A_1032 = tpu.memref_squeeze %get3A_1031 : memref<1x1x64x384xf32, #tpu.memory_space<vmem>> -> memref<1x64x384xf32, #tpu.memory_space<vmem>>
          %get3A_1033 = arith.index_cast %get3A_1027 : i32 to index
          %get3A_1034 = arith.index_cast %add3A_1026 : i32 to index
          %get3A_1035 = arith.constant 0 : index
          %get3A_1036 = tpu.vector_load %get3A_1032[%get3A_1033, %get3A_1034, %get3A_1035] {strides = array<i32>} : memref<1x64x384xf32, #tpu.memory_space<vmem>>, vector<16xf32>,
          %add3A_1037 = arith.constant 0 : i32
          %add3A_1038 = vector.broadcast %add3A_1037 : i32 to vector<16xi32>
          %add3A_1039 = arith.addi %iota3A, %add3A_1038 : vector<16xi32>
          %add3A_1040 = arith.constant 16 : i32
          %add3A_1041 = vector.broadcast %add3A_1040 : i32 to vector<16xi32>
          %add3A_1042 = arith.addi %iota3A, %add3A_1041 : vector<16xi32>
          %get3A_1043 = arith.constant 0 : i32
          %get3A_1044 = arith.constant 0 : i32
          %get3A_1045 = arith.constant 0 : i32
          %get3A_1046 = arith.constant 0 : i32
          %get3A_1047 = tpu.memref_slice %run_scoped3A[%rem3A_374, %get3A_1044, %get3A_1045, %get3A_1046] : memref<2x1x64x384xf32, #tpu.memory_space<vmem>> -> memref<1x1x64x384xf32, #tpu.memory_space<vmem>>
          %get3A_1048 = tpu.memref_squeeze %get3A_1047 : memref<1x1x64x384xf32, #tpu.memory_space<vmem>> -> memref<1x64x384xf32, #tpu.memory_space<vmem>>
          %get3A_1049 = arith.index_cast %get3A_1043 : i32 to index
          %get3A_1050 = arith.index_cast %add3A_1026 : i32 to index
          %get3A_1051 = arith.constant 16 : index
          %get3A_1052 = tpu.vector_load %get3A_1048[%get3A_1049, %get3A_1050, %get3A_1051] {strides = array<i32>} : memref<1x64x384xf32, #tpu.memory_space<vmem>>, vector<16xf32>,
          %gt3A_1053 = arith.cmpf ogt, %get3A_1052, %get3A_1036 : vector<16xf32>
          %select_n3A_1054 = arith.select %gt3A_1053, %get3A_1052, %get3A_1036 : vector<16xi1>, vector<16xf32>
          %select_n3A_1055 = arith.select %gt3A_1053, %add3A_1042, %add3A_1039 : vector<16xi1>, vector<16xi32>
          %add3A_1056 = arith.constant 16 : i32
          %add3A_1057 = vector.broadcast %add3A_1056 : i32 to vector<16xi32>
          %add3A_1058 = arith.addi %add3A_1042, %add3A_1057 : vector<16xi32>
          %get3A_1059 = arith.constant 0 : i32
          %get3A_1060 = arith.constant 0 : i32
          %get3A_1061 = arith.constant 0 : i32
          %get3A_1062 = arith.constant 0 : i32
          %get3A_1063 = tpu.memref_slice %run_scoped3A[%rem3A_374, %get3A_1060, %get3A_1061, %get3A_1062] : memref<2x1x64x384xf32, #tpu.memory_space<vmem>> -> memref<1x1x64x384xf32, #tpu.memory_space<vmem>>
          %get3A_1064 = tpu.memref_squeeze %get3A_1063 : memref<1x1x64x384xf32, #tpu.memory_space<vmem>> -> memref<1x64x384xf32, #tpu.memory_space<vmem>>
          %get3A_1065 = arith.index_cast %get3A_1059 : i32 to index
          %get3A_1066 = arith.index_cast %add3A_1026 : i32 to index
          %get3A_1067 = arith.constant 32 : index
          %get3A_1068 = tpu.vector_load %get3A_1064[%get3A_1065, %get3A_1066, %get3A_1067] {strides = array<i32>} : memref<1x64x384xf32, #tpu.memory_space<vmem>>, vector<16xf32>,
          %gt3A_1069 = arith.cmpf ogt, %get3A_1068, %select_n3A_1054 : vector<16xf32>
          %select_n3A_1070 = arith.select %gt3A_1069, %get3A_1068, %select_n3A_1054 : vector<16xi1>, vector<16xf32>
          %select_n3A_1071 = arith.select %gt3A_1069, %add3A_1058, %select_n3A_1055 : vector<16xi1>, vector<16xi32>
          %add3A_1072 = arith.constant 16 : i32
          %add3A_1073 = vector.broadcast %add3A_1072 : i32 to vector<16xi32>
          %add3A_1074 = arith.addi %add3A_1058, %add3A_1073 : vector<16xi32>
          %get3A_1075 = arith.constant 0 : i32
          %get3A_1076 = arith.constant 0 : i32
          %get3A_1077 = arith.constant 0 : i32
          %get3A_1078 = arith.constant 0 : i32
          %get3A_1079 = tpu.memref_slice %run_scoped3A[%rem3A_374, %get3A_1076, %get3A_1077, %get3A_1078] : memref<2x1x64x384xf32, #tpu.memory_space<vmem>> -> memref<1x1x64x384xf32, #tpu.memory_space<vmem>>
          %get3A_1080 = tpu.memref_squeeze %get3A_1079 : memref<1x1x64x384xf32, #tpu.memory_space<vmem>> -> memref<1x64x384xf32, #tpu.memory_space<vmem>>
          %get3A_1081 = arith.index_cast %get3A_1075 : i32 to index
          %get3A_1082 = arith.index_cast %add3A_1026 : i32 to index
          %get3A_1083 = arith.constant 48 : index
          %get3A_1084 = tpu.vector_load %get3A_1080[%get3A_1081, %get3A_1082, %get3A_1083] {strides = array<i32>} : memref<1x64x384xf32, #tpu.memory_space<vmem>>, vector<16xf32>,
          %gt3A_1085 = arith.cmpf ogt, %get3A_1084, %select_n3A_1070 : vector<16xf32>
          %select_n3A_1086 = arith.select %gt3A_1085, %get3A_1084, %select_n3A_1070 : vector<16xi1>, vector<16xf32>
          %select_n3A_1087 = arith.select %gt3A_1085, %add3A_1074, %select_n3A_1071 : vector<16xi1>, vector<16xi32>
          %add3A_1088 = arith.constant 16 : i32
          %add3A_1089 = vector.broadcast %add3A_1088 : i32 to vector<16xi32>
          %add3A_1090 = arith.addi %add3A_1074, %add3A_1089 : vector<16xi32>
          %get3A_1091 = arith.constant 0 : i32
          %get3A_1092 = arith.constant 0 : i32
          %get3A_1093 = arith.constant 0 : i32
          %get3A_1094 = arith.constant 0 : i32
          %get3A_1095 = tpu.memref_slice %run_scoped3A[%rem3A_374, %get3A_1092, %get3A_1093, %get3A_1094] : memref<2x1x64x384xf32, #tpu.memory_space<vmem>> -> memref<1x1x64x384xf32, #tpu.memory_space<vmem>>
          %get3A_1096 = tpu.memref_squeeze %get3A_1095 : memref<1x1x64x384xf32, #tpu.memory_space<vmem>> -> memref<1x64x384xf32, #tpu.memory_space<vmem>>
          %get3A_1097 = arith.index_cast %get3A_1091 : i32 to index
          %get3A_1098 = arith.index_cast %add3A_1026 : i32 to index
          %get3A_1099 = arith.constant 64 : index
          %get3A_1100 = tpu.vector_load %get3A_1096[%get3A_1097, %get3A_1098, %get3A_1099] {strides = array<i32>} : memref<1x64x384xf32, #tpu.memory_space<vmem>>, vector<16xf32>,
          %gt3A_1101 = arith.cmpf ogt, %get3A_1100, %select_n3A_1086 : vector<16xf32>
          %select_n3A_1102 = arith.select %gt3A_1101, %get3A_1100, %select_n3A_1086 : vector<16xi1>, vector<16xf32>
          %select_n3A_1103 = arith.select %gt3A_1101, %add3A_1090, %select_n3A_1087 : vector<16xi1>, vector<16xi32>
          %add3A_1104 = arith.constant 16 : i32
          %add3A_1105 = vector.broadcast %add3A_1104 : i32 to vector<16xi32>
          %add3A_1106 = arith.addi %add3A_1090, %add3A_1105 : vector<16xi32>
          %get3A_1107 = arith.constant 0 : i32
          %get3A_1108 = arith.constant 0 : i32
          %get3A_1109 = arith.constant 0 : i32
          %get3A_1110 = arith.constant 0 : i32
          %get3A_1111 = tpu.memref_slice %run_scoped3A[%rem3A_374, %get3A_1108, %get3A_1109, %get3A_1110] : memref<2x1x64x384xf32, #tpu.memory_space<vmem>> -> memref<1x1x64x384xf32, #tpu.memory_space<vmem>>
          %get3A_1112 = tpu.memref_squeeze %get3A_1111 : memref<1x1x64x384xf32, #tpu.memory_space<vmem>> -> memref<1x64x384xf32, #tpu.memory_space<vmem>>
          %get3A_1113 = arith.index_cast %get3A_1107 : i32 to index
          %get3A_1114 = arith.index_cast %add3A_1026 : i32 to index
          %get3A_1115 = arith.constant 80 : index
          %get3A_1116 = tpu.vector_load %get3A_1112[%get3A_1113, %get3A_1114, %get3A_1115] {strides = array<i32>} : memref<1x64x384xf32, #tpu.memory_space<vmem>>, vector<16xf32>,
          %gt3A_1117 = arith.cmpf ogt, %get3A_1116, %select_n3A_1102 : vector<16xf32>
          %select_n3A_1118 = arith.select %gt3A_1117, %get3A_1116, %select_n3A_1102 : vector<16xi1>, vector<16xf32>
          %select_n3A_1119 = arith.select %gt3A_1117, %add3A_1106, %select_n3A_1103 : vector<16xi1>, vector<16xi32>
          %add3A_1120 = arith.constant 16 : i32
          %add3A_1121 = vector.broadcast %add3A_1120 : i32 to vector<16xi32>
          %add3A_1122 = arith.addi %add3A_1106, %add3A_1121 : vector<16xi32>
          %get3A_1123 = arith.constant 0 : i32
          %get3A_1124 = arith.constant 0 : i32
          %get3A_1125 = arith.constant 0 : i32
          %get3A_1126 = arith.constant 0 : i32
          %get3A_1127 = tpu.memref_slice %run_scoped3A[%rem3A_374, %get3A_1124, %get3A_1125, %get3A_1126] : memref<2x1x64x384xf32, #tpu.memory_space<vmem>> -> memref<1x1x64x384xf32, #tpu.memory_space<vmem>>
          %get3A_1128 = tpu.memref_squeeze %get3A_1127 : memref<1x1x64x384xf32, #tpu.memory_space<vmem>> -> memref<1x64x384xf32, #tpu.memory_space<vmem>>
          %get3A_1129 = arith.index_cast %get3A_1123 : i32 to index
          %get3A_1130 = arith.index_cast %add3A_1026 : i32 to index
          %get3A_1131 = arith.constant 96 : index
          %get3A_1132 = tpu.vector_load %get3A_1128[%get3A_1129, %get3A_1130, %get3A_1131] {strides = array<i32>} : memref<1x64x384xf32, #tpu.memory_space<vmem>>, vector<16xf32>,
          %gt3A_1133 = arith.cmpf ogt, %get3A_1132, %select_n3A_1118 : vector<16xf32>
          %select_n3A_1134 = arith.select %gt3A_1133, %get3A_1132, %select_n3A_1118 : vector<16xi1>, vector<16xf32>
          %select_n3A_1135 = arith.select %gt3A_1133, %add3A_1122, %select_n3A_1119 : vector<16xi1>, vector<16xi32>
          %add3A_1136 = arith.constant 16 : i32
          %add3A_1137 = vector.broadcast %add3A_1136 : i32 to vector<16xi32>
          %add3A_1138 = arith.addi %add3A_1122, %add3A_1137 : vector<16xi32>
          %get3A_1139 = arith.constant 0 : i32
          %get3A_1140 = arith.constant 0 : i32
          %get3A_1141 = arith.constant 0 : i32
          %get3A_1142 = arith.constant 0 : i32
          %get3A_1143 = tpu.memref_slice %run_scoped3A[%rem3A_374, %get3A_1140, %get3A_1141, %get3A_1142] : memref<2x1x64x384xf32, #tpu.memory_space<vmem>> -> memref<1x1x64x384xf32, #tpu.memory_space<vmem>>
          %get3A_1144 = tpu.memref_squeeze %get3A_1143 : memref<1x1x64x384xf32, #tpu.memory_space<vmem>> -> memref<1x64x384xf32, #tpu.memory_space<vmem>>
          %get3A_1145 = arith.index_cast %get3A_1139 : i32 to index
          %get3A_1146 = arith.index_cast %add3A_1026 : i32 to index
          %get3A_1147 = arith.constant 112 : index
          %get3A_1148 = tpu.vector_load %get3A_1144[%get3A_1145, %get3A_1146, %get3A_1147] {strides = array<i32>} : memref<1x64x384xf32, #tpu.memory_space<vmem>>, vector<16xf32>,
          %gt3A_1149 = arith.cmpf ogt, %get3A_1148, %select_n3A_1134 : vector<16xf32>
          %select_n3A_1150 = arith.select %gt3A_1149, %get3A_1148, %select_n3A_1134 : vector<16xi1>, vector<16xf32>
          %select_n3A_1151 = arith.select %gt3A_1149, %add3A_1138, %select_n3A_1135 : vector<16xi1>, vector<16xi32>
          %add3A_1152 = arith.constant 16 : i32
          %add3A_1153 = vector.broadcast %add3A_1152 : i32 to vector<16xi32>
          %add3A_1154 = arith.addi %add3A_1138, %add3A_1153 : vector<16xi32>
          %get3A_1155 = arith.constant 0 : i32
          %get3A_1156 = arith.constant 0 : i32
          %get3A_1157 = arith.constant 0 : i32
          %get3A_1158 = arith.constant 0 : i32
          %get3A_1159 = tpu.memref_slice %run_scoped3A[%rem3A_374, %get3A_1156, %get3A_1157, %get3A_1158] : memref<2x1x64x384xf32, #tpu.memory_space<vmem>> -> memref<1x1x64x384xf32, #tpu.memory_space<vmem>>
          %get3A_1160 = tpu.memref_squeeze %get3A_1159 : memref<1x1x64x384xf32, #tpu.memory_space<vmem>> -> memref<1x64x384xf32, #tpu.memory_space<vmem>>
          %get3A_1161 = arith.index_cast %get3A_1155 : i32 to index
          %get3A_1162 = arith.index_cast %add3A_1026 : i32 to index
          %get3A_1163 = arith.constant 128 : index
          %get3A_1164 = tpu.vector_load %get3A_1160[%get3A_1161, %get3A_1162, %get3A_1163] {strides = array<i32>} : memref<1x64x384xf32, #tpu.memory_space<vmem>>, vector<16xf32>,
          %gt3A_1165 = arith.cmpf ogt, %get3A_1164, %select_n3A_1150 : vector<16xf32>
          %select_n3A_1166 = arith.select %gt3A_1165, %get3A_1164, %select_n3A_1150 : vector<16xi1>, vector<16xf32>
          %select_n3A_1167 = arith.select %gt3A_1165, %add3A_1154, %select_n3A_1151 : vector<16xi1>, vector<16xi32>
          %add3A_1168 = arith.constant 16 : i32
          %add3A_1169 = vector.broadcast %add3A_1168 : i32 to vector<16xi32>
          %add3A_1170 = arith.addi %add3A_1154, %add3A_1169 : vector<16xi32>
          %get3A_1171 = arith.constant 0 : i32
          %get3A_1172 = arith.constant 0 : i32
          %get3A_1173 = arith.constant 0 : i32
          %get3A_1174 = arith.constant 0 : i32
          %get3A_1175 = tpu.memref_slice %run_scoped3A[%rem3A_374, %get3A_1172, %get3A_1173, %get3A_1174] : memref<2x1x64x384xf32, #tpu.memory_space<vmem>> -> memref<1x1x64x384xf32, #tpu.memory_space<vmem>>
          %get3A_1176 = tpu.memref_squeeze %get3A_1175 : memref<1x1x64x384xf32, #tpu.memory_space<vmem>> -> memref<1x64x384xf32, #tpu.memory_space<vmem>>
          %get3A_1177 = arith.index_cast %get3A_1171 : i32 to index
          %get3A_1178 = arith.index_cast %add3A_1026 : i32 to index
          %get3A_1179 = arith.constant 144 : index
          %get3A_1180 = tpu.vector_load %get3A_1176[%get3A_1177, %get3A_1178, %get3A_1179] {strides = array<i32>} : memref<1x64x384xf32, #tpu.memory_space<vmem>>, vector<16xf32>,
          %gt3A_1181 = arith.cmpf ogt, %get3A_1180, %select_n3A_1166 : vector<16xf32>
          %select_n3A_1182 = arith.select %gt3A_1181, %get3A_1180, %select_n3A_1166 : vector<16xi1>, vector<16xf32>
          %select_n3A_1183 = arith.select %gt3A_1181, %add3A_1170, %select_n3A_1167 : vector<16xi1>, vector<16xi32>
          %add3A_1184 = arith.constant 16 : i32
          %add3A_1185 = vector.broadcast %add3A_1184 : i32 to vector<16xi32>
          %add3A_1186 = arith.addi %add3A_1170, %add3A_1185 : vector<16xi32>
          %get3A_1187 = arith.constant 0 : i32
          %get3A_1188 = arith.constant 0 : i32
          %get3A_1189 = arith.constant 0 : i32
          %get3A_1190 = arith.constant 0 : i32
          %get3A_1191 = tpu.memref_slice %run_scoped3A[%rem3A_374, %get3A_1188, %get3A_1189, %get3A_1190] : memref<2x1x64x384xf32, #tpu.memory_space<vmem>> -> memref<1x1x64x384xf32, #tpu.memory_space<vmem>>
          %get3A_1192 = tpu.memref_squeeze %get3A_1191 : memref<1x1x64x384xf32, #tpu.memory_space<vmem>> -> memref<1x64x384xf32, #tpu.memory_space<vmem>>
          %get3A_1193 = arith.index_cast %get3A_1187 : i32 to index
          %get3A_1194 = arith.index_cast %add3A_1026 : i32 to index
          %get3A_1195 = arith.constant 160 : index
          %get3A_1196 = tpu.vector_load %get3A_1192[%get3A_1193, %get3A_1194, %get3A_1195] {strides = array<i32>} : memref<1x64x384xf32, #tpu.memory_space<vmem>>, vector<16xf32>,
          %gt3A_1197 = arith.cmpf ogt, %get3A_1196, %select_n3A_1182 : vector<16xf32>
          %select_n3A_1198 = arith.select %gt3A_1197, %get3A_1196, %select_n3A_1182 : vector<16xi1>, vector<16xf32>
          %select_n3A_1199 = arith.select %gt3A_1197, %add3A_1186, %select_n3A_1183 : vector<16xi1>, vector<16xi32>
          %add3A_1200 = arith.constant 16 : i32
          %add3A_1201 = vector.broadcast %add3A_1200 : i32 to vector<16xi32>
          %add3A_1202 = arith.addi %add3A_1186, %add3A_1201 : vector<16xi32>
          %get3A_1203 = arith.constant 0 : i32
          %get3A_1204 = arith.constant 0 : i32
          %get3A_1205 = arith.constant 0 : i32
          %get3A_1206 = arith.constant 0 : i32
          %get3A_1207 = tpu.memref_slice %run_scoped3A[%rem3A_374, %get3A_1204, %get3A_1205, %get3A_1206] : memref<2x1x64x384xf32, #tpu.memory_space<vmem>> -> memref<1x1x64x384xf32, #tpu.memory_space<vmem>>
          %get3A_1208 = tpu.memref_squeeze %get3A_1207 : memref<1x1x64x384xf32, #tpu.memory_space<vmem>> -> memref<1x64x384xf32, #tpu.memory_space<vmem>>
          %get3A_1209 = arith.index_cast %get3A_1203 : i32 to index
          %get3A_1210 = arith.index_cast %add3A_1026 : i32 to index
          %get3A_1211 = arith.constant 176 : index
          %get3A_1212 = tpu.vector_load %get3A_1208[%get3A_1209, %get3A_1210, %get3A_1211] {strides = array<i32>} : memref<1x64x384xf32, #tpu.memory_space<vmem>>, vector<16xf32>,
          %gt3A_1213 = arith.cmpf ogt, %get3A_1212, %select_n3A_1198 : vector<16xf32>
          %select_n3A_1214 = arith.select %gt3A_1213, %get3A_1212, %select_n3A_1198 : vector<16xi1>, vector<16xf32>
          %select_n3A_1215 = arith.select %gt3A_1213, %add3A_1202, %select_n3A_1199 : vector<16xi1>, vector<16xi32>
          %add3A_1216 = arith.constant 16 : i32
          %add3A_1217 = vector.broadcast %add3A_1216 : i32 to vector<16xi32>
          %add3A_1218 = arith.addi %add3A_1202, %add3A_1217 : vector<16xi32>
          %get3A_1219 = arith.constant 0 : i32
          %get3A_1220 = arith.constant 0 : i32
          %get3A_1221 = arith.constant 0 : i32
          %get3A_1222 = arith.constant 0 : i32
          %get3A_1223 = tpu.memref_slice %run_scoped3A[%rem3A_374, %get3A_1220, %get3A_1221, %get3A_1222] : memref<2x1x64x384xf32, #tpu.memory_space<vmem>> -> memref<1x1x64x384xf32, #tpu.memory_space<vmem>>
          %get3A_1224 = tpu.memref_squeeze %get3A_1223 : memref<1x1x64x384xf32, #tpu.memory_space<vmem>> -> memref<1x64x384xf32, #tpu.memory_space<vmem>>
          %get3A_1225 = arith.index_cast %get3A_1219 : i32 to index
          %get3A_1226 = arith.index_cast %add3A_1026 : i32 to index
          %get3A_1227 = arith.constant 192 : index
          %get3A_1228 = tpu.vector_load %get3A_1224[%get3A_1225, %get3A_1226, %get3A_1227] {strides = array<i32>} : memref<1x64x384xf32, #tpu.memory_space<vmem>>, vector<16xf32>,
          %add3A_1229 = arith.constant 192 : i32
          %add3A_1230 = vector.broadcast %add3A_1229 : i32 to vector<16xi32>
          %add3A_1231 = arith.addi %iota3A, %add3A_1230 : vector<16xi32>
          %add3A_1232 = arith.constant 208 : i32
          %add3A_1233 = vector.broadcast %add3A_1232 : i32 to vector<16xi32>
          %add3A_1234 = arith.addi %iota3A, %add3A_1233 : vector<16xi32>
          %get3A_1235 = arith.constant 0 : i32
          %get3A_1236 = arith.constant 0 : i32
          %get3A_1237 = arith.constant 0 : i32
          %get3A_1238 = arith.constant 0 : i32
          %get3A_1239 = tpu.memref_slice %run_scoped3A[%rem3A_374, %get3A_1236, %get3A_1237, %get3A_1238] : memref<2x1x64x384xf32, #tpu.memory_space<vmem>> -> memref<1x1x64x384xf32, #tpu.memory_space<vmem>>
          %get3A_1240 = tpu.memref_squeeze %get3A_1239 : memref<1x1x64x384xf32, #tpu.memory_space<vmem>> -> memref<1x64x384xf32, #tpu.memory_space<vmem>>
          %get3A_1241 = arith.index_cast %get3A_1235 : i32 to index
          %get3A_1242 = arith.index_cast %add3A_1026 : i32 to index
          %get3A_1243 = arith.constant 208 : index
          %get3A_1244 = tpu.vector_load %get3A_1240[%get3A_1241, %get3A_1242, %get3A_1243] {strides = array<i32>} : memref<1x64x384xf32, #tpu.memory_space<vmem>>, vector<16xf32>,
          %gt3A_1245 = arith.cmpf ogt, %get3A_1244, %get3A_1228 : vector<16xf32>
          %select_n3A_1246 = arith.select %gt3A_1245, %get3A_1244, %get3A_1228 : vector<16xi1>, vector<16xf32>
          %select_n3A_1247 = arith.select %gt3A_1245, %add3A_1234, %add3A_1231 : vector<16xi1>, vector<16xi32>
          %add3A_1248 = arith.constant 16 : i32
          %add3A_1249 = vector.broadcast %add3A_1248 : i32 to vector<16xi32>
          %add3A_1250 = arith.addi %add3A_1234, %add3A_1249 : vector<16xi32>
          %get3A_1251 = arith.constant 0 : i32
          %get3A_1252 = arith.constant 0 : i32
          %get3A_1253 = arith.constant 0 : i32
          %get3A_1254 = arith.constant 0 : i32
          %get3A_1255 = tpu.memref_slice %run_scoped3A[%rem3A_374, %get3A_1252, %get3A_1253, %get3A_1254] : memref<2x1x64x384xf32, #tpu.memory_space<vmem>> -> memref<1x1x64x384xf32, #tpu.memory_space<vmem>>
          %get3A_1256 = tpu.memref_squeeze %get3A_1255 : memref<1x1x64x384xf32, #tpu.memory_space<vmem>> -> memref<1x64x384xf32, #tpu.memory_space<vmem>>
          %get3A_1257 = arith.index_cast %get3A_1251 : i32 to index
          %get3A_1258 = arith.index_cast %add3A_1026 : i32 to index
          %get3A_1259 = arith.constant 224 : index
          %get3A_1260 = tpu.vector_load %get3A_1256[%get3A_1257, %get3A_1258, %get3A_1259] {strides = array<i32>} : memref<1x64x384xf32, #tpu.memory_space<vmem>>, vector<16xf32>,
          %gt3A_1261 = arith.cmpf ogt, %get3A_1260, %select_n3A_1246 : vector<16xf32>
          %select_n3A_1262 = arith.select %gt3A_1261, %get3A_1260, %select_n3A_1246 : vector<16xi1>, vector<16xf32>
          %select_n3A_1263 = arith.select %gt3A_1261, %add3A_1250, %select_n3A_1247 : vector<16xi1>, vector<16xi32>
          %add3A_1264 = arith.constant 16 : i32
          %add3A_1265 = vector.broadcast %add3A_1264 : i32 to vector<16xi32>
          %add3A_1266 = arith.addi %add3A_1250, %add3A_1265 : vector<16xi32>
          %get3A_1267 = arith.constant 0 : i32
          %get3A_1268 = arith.constant 0 : i32
          %get3A_1269 = arith.constant 0 : i32
          %get3A_1270 = arith.constant 0 : i32
          %get3A_1271 = tpu.memref_slice %run_scoped3A[%rem3A_374, %get3A_1268, %get3A_1269, %get3A_1270] : memref<2x1x64x384xf32, #tpu.memory_space<vmem>> -> memref<1x1x64x384xf32, #tpu.memory_space<vmem>>
          %get3A_1272 = tpu.memref_squeeze %get3A_1271 : memref<1x1x64x384xf32, #tpu.memory_space<vmem>> -> memref<1x64x384xf32, #tpu.memory_space<vmem>>
          %get3A_1273 = arith.index_cast %get3A_1267 : i32 to index
          %get3A_1274 = arith.index_cast %add3A_1026 : i32 to index
          %get3A_1275 = arith.constant 240 : index
          %get3A_1276 = tpu.vector_load %get3A_1272[%get3A_1273, %get3A_1274, %get3A_1275] {strides = array<i32>} : memref<1x64x384xf32, #tpu.memory_space<vmem>>, vector<16xf32>,
          %gt3A_1277 = arith.cmpf ogt, %get3A_1276, %select_n3A_1262 : vector<16xf32>
          %select_n3A_1278 = arith.select %gt3A_1277, %get3A_1276, %select_n3A_1262 : vector<16xi1>, vector<16xf32>
          %select_n3A_1279 = arith.select %gt3A_1277, %add3A_1266, %select_n3A_1263 : vector<16xi1>, vector<16xi32>
          %add3A_1280 = arith.constant 16 : i32
          %add3A_1281 = vector.broadcast %add3A_1280 : i32 to vector<16xi32>
          %add3A_1282 = arith.addi %add3A_1266, %add3A_1281 : vector<16xi32>
          %get3A_1283 = arith.constant 0 : i32
          %get3A_1284 = arith.constant 0 : i32
          %get3A_1285 = arith.constant 0 : i32
          %get3A_1286 = arith.constant 0 : i32
          %get3A_1287 = tpu.memref_slice %run_scoped3A[%rem3A_374, %get3A_1284, %get3A_1285, %get3A_1286] : memref<2x1x64x384xf32, #tpu.memory_space<vmem>> -> memref<1x1x64x384xf32, #tpu.memory_space<vmem>>
          %get3A_1288 = tpu.memref_squeeze %get3A_1287 : memref<1x1x64x384xf32, #tpu.memory_space<vmem>> -> memref<1x64x384xf32, #tpu.memory_space<vmem>>
          %get3A_1289 = arith.index_cast %get3A_1283 : i32 to index
          %get3A_1290 = arith.index_cast %add3A_1026 : i32 to index
          %get3A_1291 = arith.constant 256 : index
          %get3A_1292 = tpu.vector_load %get3A_1288[%get3A_1289, %get3A_1290, %get3A_1291] {strides = array<i32>} : memref<1x64x384xf32, #tpu.memory_space<vmem>>, vector<16xf32>,
          %gt3A_1293 = arith.cmpf ogt, %get3A_1292, %select_n3A_1278 : vector<16xf32>
          %select_n3A_1294 = arith.select %gt3A_1293, %get3A_1292, %select_n3A_1278 : vector<16xi1>, vector<16xf32>
          %select_n3A_1295 = arith.select %gt3A_1293, %add3A_1282, %select_n3A_1279 : vector<16xi1>, vector<16xi32>
          %add3A_1296 = arith.constant 16 : i32
          %add3A_1297 = vector.broadcast %add3A_1296 : i32 to vector<16xi32>
          %add3A_1298 = arith.addi %add3A_1282, %add3A_1297 : vector<16xi32>
          %get3A_1299 = arith.constant 0 : i32
          %get3A_1300 = arith.constant 0 : i32
          %get3A_1301 = arith.constant 0 : i32
          %get3A_1302 = arith.constant 0 : i32
          %get3A_1303 = tpu.memref_slice %run_scoped3A[%rem3A_374, %get3A_1300, %get3A_1301, %get3A_1302] : memref<2x1x64x384xf32, #tpu.memory_space<vmem>> -> memref<1x1x64x384xf32, #tpu.memory_space<vmem>>
          %get3A_1304 = tpu.memref_squeeze %get3A_1303 : memref<1x1x64x384xf32, #tpu.memory_space<vmem>> -> memref<1x64x384xf32, #tpu.memory_space<vmem>>
          %get3A_1305 = arith.index_cast %get3A_1299 : i32 to index
          %get3A_1306 = arith.index_cast %add3A_1026 : i32 to index
          %get3A_1307 = arith.constant 272 : index
          %get3A_1308 = tpu.vector_load %get3A_1304[%get3A_1305, %get3A_1306, %get3A_1307] {strides = array<i32>} : memref<1x64x384xf32, #tpu.memory_space<vmem>>, vector<16xf32>,
          %gt3A_1309 = arith.cmpf ogt, %get3A_1308, %select_n3A_1294 : vector<16xf32>
          %select_n3A_1310 = arith.select %gt3A_1309, %get3A_1308, %select_n3A_1294 : vector<16xi1>, vector<16xf32>
          %select_n3A_1311 = arith.select %gt3A_1309, %add3A_1298, %select_n3A_1295 : vector<16xi1>, vector<16xi32>
          %add3A_1312 = arith.constant 16 : i32
          %add3A_1313 = vector.broadcast %add3A_1312 : i32 to vector<16xi32>
          %add3A_1314 = arith.addi %add3A_1298, %add3A_1313 : vector<16xi32>
          %get3A_1315 = arith.constant 0 : i32
          %get3A_1316 = arith.constant 0 : i32
          %get3A_1317 = arith.constant 0 : i32
          %get3A_1318 = arith.constant 0 : i32
          %get3A_1319 = tpu.memref_slice %run_scoped3A[%rem3A_374, %get3A_1316, %get3A_1317, %get3A_1318] : memref<2x1x64x384xf32, #tpu.memory_space<vmem>> -> memref<1x1x64x384xf32, #tpu.memory_space<vmem>>
          %get3A_1320 = tpu.memref_squeeze %get3A_1319 : memref<1x1x64x384xf32, #tpu.memory_space<vmem>> -> memref<1x64x384xf32, #tpu.memory_space<vmem>>
          %get3A_1321 = arith.index_cast %get3A_1315 : i32 to index
          %get3A_1322 = arith.index_cast %add3A_1026 : i32 to index
          %get3A_1323 = arith.constant 288 : index
          %get3A_1324 = tpu.vector_load %get3A_1320[%get3A_1321, %get3A_1322, %get3A_1323] {strides = array<i32>} : memref<1x64x384xf32, #tpu.memory_space<vmem>>, vector<16xf32>,
          %gt3A_1325 = arith.cmpf ogt, %get3A_1324, %select_n3A_1310 : vector<16xf32>
          %select_n3A_1326 = arith.select %gt3A_1325, %get3A_1324, %select_n3A_1310 : vector<16xi1>, vector<16xf32>
          %select_n3A_1327 = arith.select %gt3A_1325, %add3A_1314, %select_n3A_1311 : vector<16xi1>, vector<16xi32>
          %add3A_1328 = arith.constant 16 : i32
          %add3A_1329 = vector.broadcast %add3A_1328 : i32 to vector<16xi32>
          %add3A_1330 = arith.addi %add3A_1314, %add3A_1329 : vector<16xi32>
          %get3A_1331 = arith.constant 0 : i32
          %get3A_1332 = arith.constant 0 : i32
          %get3A_1333 = arith.constant 0 : i32
          %get3A_1334 = arith.constant 0 : i32
          %get3A_1335 = tpu.memref_slice %run_scoped3A[%rem3A_374, %get3A_1332, %get3A_1333, %get3A_1334] : memref<2x1x64x384xf32, #tpu.memory_space<vmem>> -> memref<1x1x64x384xf32, #tpu.memory_space<vmem>>
          %get3A_1336 = tpu.memref_squeeze %get3A_1335 : memref<1x1x64x384xf32, #tpu.memory_space<vmem>> -> memref<1x64x384xf32, #tpu.memory_space<vmem>>
          %get3A_1337 = arith.index_cast %get3A_1331 : i32 to index
          %get3A_1338 = arith.index_cast %add3A_1026 : i32 to index
          %get3A_1339 = arith.constant 304 : index
          %get3A_1340 = tpu.vector_load %get3A_1336[%get3A_1337, %get3A_1338, %get3A_1339] {strides = array<i32>} : memref<1x64x384xf32, #tpu.memory_space<vmem>>, vector<16xf32>,
          %gt3A_1341 = arith.cmpf ogt, %get3A_1340, %select_n3A_1326 : vector<16xf32>
          %select_n3A_1342 = arith.select %gt3A_1341, %get3A_1340, %select_n3A_1326 : vector<16xi1>, vector<16xf32>
          %select_n3A_1343 = arith.select %gt3A_1341, %add3A_1330, %select_n3A_1327 : vector<16xi1>, vector<16xi32>
          %add3A_1344 = arith.constant 16 : i32
          %add3A_1345 = vector.broadcast %add3A_1344 : i32 to vector<16xi32>
          %add3A_1346 = arith.addi %add3A_1330, %add3A_1345 : vector<16xi32>
          %get3A_1347 = arith.constant 0 : i32
          %get3A_1348 = arith.constant 0 : i32
          %get3A_1349 = arith.constant 0 : i32
          %get3A_1350 = arith.constant 0 : i32
          %get3A_1351 = tpu.memref_slice %run_scoped3A[%rem3A_374, %get3A_1348, %get3A_1349, %get3A_1350] : memref<2x1x64x384xf32, #tpu.memory_space<vmem>> -> memref<1x1x64x384xf32, #tpu.memory_space<vmem>>
          %get3A_1352 = tpu.memref_squeeze %get3A_1351 : memref<1x1x64x384xf32, #tpu.memory_space<vmem>> -> memref<1x64x384xf32, #tpu.memory_space<vmem>>
          %get3A_1353 = arith.index_cast %get3A_1347 : i32 to index
          %get3A_1354 = arith.index_cast %add3A_1026 : i32 to index
          %get3A_1355 = arith.constant 320 : index
          %get3A_1356 = tpu.vector_load %get3A_1352[%get3A_1353, %get3A_1354, %get3A_1355] {strides = array<i32>} : memref<1x64x384xf32, #tpu.memory_space<vmem>>, vector<16xf32>,
          %gt3A_1357 = arith.cmpf ogt, %get3A_1356, %select_n3A_1342 : vector<16xf32>
          %select_n3A_1358 = arith.select %gt3A_1357, %get3A_1356, %select_n3A_1342 : vector<16xi1>, vector<16xf32>
          %select_n3A_1359 = arith.select %gt3A_1357, %add3A_1346, %select_n3A_1343 : vector<16xi1>, vector<16xi32>
          %add3A_1360 = arith.constant 16 : i32
          %add3A_1361 = vector.broadcast %add3A_1360 : i32 to vector<16xi32>
          %add3A_1362 = arith.addi %add3A_1346, %add3A_1361 : vector<16xi32>
          %get3A_1363 = arith.constant 0 : i32
          %get3A_1364 = arith.constant 0 : i32
          %get3A_1365 = arith.constant 0 : i32
          %get3A_1366 = arith.constant 0 : i32
          %get3A_1367 = tpu.memref_slice %run_scoped3A[%rem3A_374, %get3A_1364, %get3A_1365, %get3A_1366] : memref<2x1x64x384xf32, #tpu.memory_space<vmem>> -> memref<1x1x64x384xf32, #tpu.memory_space<vmem>>
          %get3A_1368 = tpu.memref_squeeze %get3A_1367 : memref<1x1x64x384xf32, #tpu.memory_space<vmem>> -> memref<1x64x384xf32, #tpu.memory_space<vmem>>
          %get3A_1369 = arith.index_cast %get3A_1363 : i32 to index
          %get3A_1370 = arith.index_cast %add3A_1026 : i32 to index
          %get3A_1371 = arith.constant 336 : index
          %get3A_1372 = tpu.vector_load %get3A_1368[%get3A_1369, %get3A_1370, %get3A_1371] {strides = array<i32>} : memref<1x64x384xf32, #tpu.memory_space<vmem>>, vector<16xf32>,
          %gt3A_1373 = arith.cmpf ogt, %get3A_1372, %select_n3A_1358 : vector<16xf32>
          %select_n3A_1374 = arith.select %gt3A_1373, %get3A_1372, %select_n3A_1358 : vector<16xi1>, vector<16xf32>
          %select_n3A_1375 = arith.select %gt3A_1373, %add3A_1362, %select_n3A_1359 : vector<16xi1>, vector<16xi32>
          %add3A_1376 = arith.constant 16 : i32
          %add3A_1377 = vector.broadcast %add3A_1376 : i32 to vector<16xi32>
          %add3A_1378 = arith.addi %add3A_1362, %add3A_1377 : vector<16xi32>
          %get3A_1379 = arith.constant 0 : i32
          %get3A_1380 = arith.constant 0 : i32
          %get3A_1381 = arith.constant 0 : i32
          %get3A_1382 = arith.constant 0 : i32
          %get3A_1383 = tpu.memref_slice %run_scoped3A[%rem3A_374, %get3A_1380, %get3A_1381, %get3A_1382] : memref<2x1x64x384xf32, #tpu.memory_space<vmem>> -> memref<1x1x64x384xf32, #tpu.memory_space<vmem>>
          %get3A_1384 = tpu.memref_squeeze %get3A_1383 : memref<1x1x64x384xf32, #tpu.memory_space<vmem>> -> memref<1x64x384xf32, #tpu.memory_space<vmem>>
          %get3A_1385 = arith.index_cast %get3A_1379 : i32 to index
          %get3A_1386 = arith.index_cast %add3A_1026 : i32 to index
          %get3A_1387 = arith.constant 352 : index
          %get3A_1388 = tpu.vector_load %get3A_1384[%get3A_1385, %get3A_1386, %get3A_1387] {strides = array<i32>} : memref<1x64x384xf32, #tpu.memory_space<vmem>>, vector<16xf32>,
          %gt3A_1389 = arith.cmpf ogt, %get3A_1388, %select_n3A_1374 : vector<16xf32>
          %select_n3A_1390 = arith.select %gt3A_1389, %get3A_1388, %select_n3A_1374 : vector<16xi1>, vector<16xf32>
          %select_n3A_1391 = arith.select %gt3A_1389, %add3A_1378, %select_n3A_1375 : vector<16xi1>, vector<16xi32>
          %add3A_1392 = arith.constant 16 : i32
          %add3A_1393 = vector.broadcast %add3A_1392 : i32 to vector<16xi32>
          %add3A_1394 = arith.addi %add3A_1378, %add3A_1393 : vector<16xi32>
          %get3A_1395 = arith.constant 0 : i32
          %get3A_1396 = arith.constant 0 : i32
          %get3A_1397 = arith.constant 0 : i32
          %get3A_1398 = arith.constant 0 : i32
          %get3A_1399 = tpu.memref_slice %run_scoped3A[%rem3A_374, %get3A_1396, %get3A_1397, %get3A_1398] : memref<2x1x64x384xf32, #tpu.memory_space<vmem>> -> memref<1x1x64x384xf32, #tpu.memory_space<vmem>>
          %get3A_1400 = tpu.memref_squeeze %get3A_1399 : memref<1x1x64x384xf32, #tpu.memory_space<vmem>> -> memref<1x64x384xf32, #tpu.memory_space<vmem>>
          %get3A_1401 = arith.index_cast %get3A_1395 : i32 to index
          %get3A_1402 = arith.index_cast %add3A_1026 : i32 to index
          %get3A_1403 = arith.constant 368 : index
          %get3A_1404 = tpu.vector_load %get3A_1400[%get3A_1401, %get3A_1402, %get3A_1403] {strides = array<i32>} : memref<1x64x384xf32, #tpu.memory_space<vmem>>, vector<16xf32>,
          %gt3A_1405 = arith.cmpf ogt, %get3A_1404, %select_n3A_1390 : vector<16xf32>
          %select_n3A_1406 = arith.select %gt3A_1405, %get3A_1404, %select_n3A_1390 : vector<16xi1>, vector<16xf32>
          %select_n3A_1407 = arith.select %gt3A_1405, %add3A_1394, %select_n3A_1391 : vector<16xi1>, vector<16xi32>
          %add3A_1408 = arith.constant 16 : i32
          %add3A_1409 = vector.broadcast %add3A_1408 : i32 to vector<16xi32>
          %add3A_1410 = arith.addi %add3A_1394, %add3A_1409 : vector<16xi32>
          %gt3A_1411 = arith.cmpf ogt, %select_n3A_1406, %select_n3A_1214 : vector<16xf32>
          %select_n3A_1412 = arith.select %gt3A_1411, %select_n3A_1406, %select_n3A_1214 : vector<16xi1>, vector<16xf32>
          %select_n3A_1413 = arith.select %gt3A_1411, %select_n3A_1407, %select_n3A_1215 : vector<16xi1>, vector<16xi32>
          %reduce_max3A_1414 = arith.constant true
          %reduce_max3A_1415 = vector.broadcast %reduce_max3A_1414 : i1 to vector<16xi1>
          %reduce_max3A_1416 = tpu.scan <max>, %select_n3A_1412 masked %reduce_max3A_1415 : vector<16xf32>, vector<16xi1> -> vector<16xf32>
          %reduce_max3A_1417 = vector.extract %reduce_max3A_1416[15] : f32 from vector<16xf32>
          %eq3A_1418 = vector.broadcast %reduce_max3A_1417 : f32 to vector<16xf32>
          %eq3A_1419 = arith.cmpf oeq, %select_n3A_1412, %eq3A_1418 : vector<16xf32>
          %jit3A_1420 = arith.constant 2147483647 : i32
          %broadcast_in_dim3A_1421 = vector.broadcast %jit3A_1420 : i32 to vector<16xi32>
          %select_n3A_1422 = arith.select %eq3A_1419, %select_n3A_1413, %broadcast_in_dim3A_1421 : vector<16xi1>, vector<16xi32>
          %reduce_min3A_1423 = arith.constant true
          %reduce_min3A_1424 = vector.broadcast %reduce_min3A_1423 : i1 to vector<16xi1>
          %reduce_min3A_1425 = arith.constant -2147483648 : i32
          %reduce_min3A_1426 = vector.broadcast %reduce_min3A_1425 : i32 to vector<16xi32>
          %reduce_min3A_1427 = arith.xori %select_n3A_1422, %reduce_min3A_1426 : vector<16xi32>
          %reduce_min3A_1428 = tpu.scan <min>, %reduce_min3A_1427 masked %reduce_min3A_1424 : vector<16xi32>, vector<16xi1> -> vector<16xi32>
          %reduce_min3A_1429 = arith.xori %reduce_min3A_1428, %reduce_min3A_1426 : vector<16xi32>
          %reduce_min3A_1430 = vector.extract %reduce_min3A_1429[15] : i32 from vector<16xi32>
          %eq3A_1431 = vector.broadcast %add3A_1024 : i32 to vector<16xi32>
          %eq3A_1432 = arith.cmpi eq, %iota3A, %eq3A_1431 : vector<16xi32>
          %broadcast_in_dim3A_1433 = vector.broadcast %reduce_max3A_1417 : f32 to vector<16xf32>
          %select_n3A_1434 = arith.select %eq3A_1432, %broadcast_in_dim3A_1433, %select_n3A_1018 : vector<16xi1>, vector<16xf32>
          %broadcast_in_dim3A_1435 = vector.broadcast %reduce_min3A_1430 : i32 to vector<16xi32>
          %select_n3A_1436 = arith.select %eq3A_1432, %broadcast_in_dim3A_1435, %select_n3A_1020 : vector<16xi1>, vector<16xi32>
          scf.yield %select_n3A_1434, %select_n3A_1436 : vector<16xf32>, vector<16xi32>
        }
        %scan3A_408 = arith.constant 8 : i32
        %swap3A_409 = arith.constant 1 : i32
        %swap3A_410 = arith.constant 0 : i32
        %swap3A_411 = arith.constant 0 : i32
        %swap3A_412 = tpu.memref_slice %run_scoped3A_8[%rem3A_376, %swap3A_410, %swap3A_411] : memref<2x4x16xf32, #tpu.memory_space<vmem>> -> memref<1x4x16xf32, #tpu.memory_space<vmem>>
        %swap3A_413 = tpu.memref_squeeze %swap3A_412 : memref<1x4x16xf32, #tpu.memory_space<vmem>> -> memref<4x16xf32, #tpu.memory_space<vmem>>
        %swap3A_414 = arith.index_cast %swap3A_409 : i32 to index
        %swap3A_415 = arith.constant 0 : index
        %swap3A_416 = tpu.vector_load %swap3A_413[%swap3A_414, %swap3A_415] {strides = array<i32>} : memref<4x16xf32, #tpu.memory_space<vmem>>, vector<16xf32>,
        tpu.vector_store %swap3A_413[%swap3A_414, %swap3A_415], %scan3A_407#0 {strides = array<i32>} : memref<4x16xf32, #tpu.memory_space<vmem>>, vector<16xf32>,
        %swap3A_417 = arith.constant 1 : i32
        %swap3A_418 = arith.constant 0 : i32
        %swap3A_419 = arith.constant 0 : i32
        %swap3A_420 = tpu.memref_slice %run_scoped3A_10[%rem3A_378, %swap3A_418, %swap3A_419] : memref<2x4x16xi32, #tpu.memory_space<vmem>> -> memref<1x4x16xi32, #tpu.memory_space<vmem>>
        %swap3A_421 = tpu.memref_squeeze %swap3A_420 : memref<1x4x16xi32, #tpu.memory_space<vmem>> -> memref<4x16xi32, #tpu.memory_space<vmem>>
        %swap3A_422 = arith.index_cast %swap3A_417 : i32 to index
        %swap3A_423 = arith.constant 0 : index
        %swap3A_424 = tpu.vector_load %swap3A_421[%swap3A_422, %swap3A_423] {strides = array<i32>} : memref<4x16xi32, #tpu.memory_space<vmem>>, vector<16xi32>,
        tpu.vector_store %swap3A_421[%swap3A_422, %swap3A_423], %scan3A_407#1 {strides = array<i32>} : memref<4x16xi32, #tpu.memory_space<vmem>>, vector<16xi32>,
        %scan3A_425 = arith.constant 0 : i32
        %scan3A_426 = arith.constant 8 : i32
        %scan3A_427 = arith.addi %scan3A_425, %scan3A_426 : i32
        %scan3A_428 = arith.constant 1 : i32
        %scan3A_429:2 = scf.for %scan3A_607 = %scan3A_425 to %scan3A_427 step %scan3A_428 iter_args(%scan3A_608 = %broadcast_in_dim3A_379, %scan3A_609 = %broadcast_in_dim3A_381) -> (vector<16xf32>, vector<16xi32>)  : i32 {
          %mul3A_610 = arith.constant 2 : i32
          %mul3A_611 = arith.muli %mul3A_610, %scan3A_607 : i32
          %add3A_612 = arith.constant 0 : i32
          %add3A_613 = arith.addi %mul3A_611, %add3A_612 : i32
          %add3A_614 = arith.constant 32 : i32
          %add3A_615 = arith.addi %add3A_614, %add3A_613 : i32
          %get3A = arith.constant 0 : i32
          %get3A_616 = arith.constant 0 : i32
          %get3A_617 = arith.constant 0 : i32
          %get3A_618 = arith.constant 0 : i32
          %get3A_619 = tpu.memref_slice %run_scoped3A[%rem3A_374, %get3A_616, %get3A_617, %get3A_618] : memref<2x1x64x384xf32, #tpu.memory_space<vmem>> -> memref<1x1x64x384xf32, #tpu.memory_space<vmem>>
          %get3A_620 = tpu.memref_squeeze %get3A_619 : memref<1x1x64x384xf32, #tpu.memory_space<vmem>> -> memref<1x64x384xf32, #tpu.memory_space<vmem>>
          %get3A_621 = arith.index_cast %get3A : i32 to index
          %get3A_622 = arith.index_cast %add3A_615 : i32 to index
          %get3A_623 = arith.constant 0 : index
          %get3A_624 = tpu.vector_load %get3A_620[%get3A_621, %get3A_622, %get3A_623] {strides = array<i32>} : memref<1x64x384xf32, #tpu.memory_space<vmem>>, vector<16xf32>,
          %add3A_625 = arith.constant 0 : i32
          %add3A_626 = vector.broadcast %add3A_625 : i32 to vector<16xi32>
          %add3A_627 = arith.addi %iota3A, %add3A_626 : vector<16xi32>
          %add3A_628 = arith.constant 16 : i32
          %add3A_629 = vector.broadcast %add3A_628 : i32 to vector<16xi32>
          %add3A_630 = arith.addi %iota3A, %add3A_629 : vector<16xi32>
          %get3A_631 = arith.constant 0 : i32
          %get3A_632 = arith.constant 0 : i32
          %get3A_633 = arith.constant 0 : i32
          %get3A_634 = arith.constant 0 : i32
          %get3A_635 = tpu.memref_slice %run_scoped3A[%rem3A_374, %get3A_632, %get3A_633, %get3A_634] : memref<2x1x64x384xf32, #tpu.memory_space<vmem>> -> memref<1x1x64x384xf32, #tpu.memory_space<vmem>>
          %get3A_636 = tpu.memref_squeeze %get3A_635 : memref<1x1x64x384xf32, #tpu.memory_space<vmem>> -> memref<1x64x384xf32, #tpu.memory_space<vmem>>
          %get3A_637 = arith.index_cast %get3A_631 : i32 to index
          %get3A_638 = arith.index_cast %add3A_615 : i32 to index
          %get3A_639 = arith.constant 16 : index
          %get3A_640 = tpu.vector_load %get3A_636[%get3A_637, %get3A_638, %get3A_639] {strides = array<i32>} : memref<1x64x384xf32, #tpu.memory_space<vmem>>, vector<16xf32>,
          %gt3A = arith.cmpf ogt, %get3A_640, %get3A_624 : vector<16xf32>
          %select_n3A_641 = arith.select %gt3A, %get3A_640, %get3A_624 : vector<16xi1>, vector<16xf32>
          %select_n3A_642 = arith.select %gt3A, %add3A_630, %add3A_627 : vector<16xi1>, vector<16xi32>
          %add3A_643 = arith.constant 16 : i32
          %add3A_644 = vector.broadcast %add3A_643 : i32 to vector<16xi32>
          %add3A_645 = arith.addi %add3A_630, %add3A_644 : vector<16xi32>
          %get3A_646 = arith.constant 0 : i32
          %get3A_647 = arith.constant 0 : i32
          %get3A_648 = arith.constant 0 : i32
          %get3A_649 = arith.constant 0 : i32
          %get3A_650 = tpu.memref_slice %run_scoped3A[%rem3A_374, %get3A_647, %get3A_648, %get3A_649] : memref<2x1x64x384xf32, #tpu.memory_space<vmem>> -> memref<1x1x64x384xf32, #tpu.memory_space<vmem>>
          %get3A_651 = tpu.memref_squeeze %get3A_650 : memref<1x1x64x384xf32, #tpu.memory_space<vmem>> -> memref<1x64x384xf32, #tpu.memory_space<vmem>>
          %get3A_652 = arith.index_cast %get3A_646 : i32 to index
          %get3A_653 = arith.index_cast %add3A_615 : i32 to index
          %get3A_654 = arith.constant 32 : index
          %get3A_655 = tpu.vector_load %get3A_651[%get3A_652, %get3A_653, %get3A_654] {strides = array<i32>} : memref<1x64x384xf32, #tpu.memory_space<vmem>>, vector<16xf32>,
          %gt3A_656 = arith.cmpf ogt, %get3A_655, %select_n3A_641 : vector<16xf32>
          %select_n3A_657 = arith.select %gt3A_656, %get3A_655, %select_n3A_641 : vector<16xi1>, vector<16xf32>
          %select_n3A_658 = arith.select %gt3A_656, %add3A_645, %select_n3A_642 : vector<16xi1>, vector<16xi32>
          %add3A_659 = arith.constant 16 : i32
          %add3A_660 = vector.broadcast %add3A_659 : i32 to vector<16xi32>
          %add3A_661 = arith.addi %add3A_645, %add3A_660 : vector<16xi32>
          %get3A_662 = arith.constant 0 : i32
          %get3A_663 = arith.constant 0 : i32
          %get3A_664 = arith.constant 0 : i32
          %get3A_665 = arith.constant 0 : i32
          %get3A_666 = tpu.memref_slice %run_scoped3A[%rem3A_374, %get3A_663, %get3A_664, %get3A_665] : memref<2x1x64x384xf32, #tpu.memory_space<vmem>> -> memref<1x1x64x384xf32, #tpu.memory_space<vmem>>
          %get3A_667 = tpu.memref_squeeze %get3A_666 : memref<1x1x64x384xf32, #tpu.memory_space<vmem>> -> memref<1x64x384xf32, #tpu.memory_space<vmem>>
          %get3A_668 = arith.index_cast %get3A_662 : i32 to index
          %get3A_669 = arith.index_cast %add3A_615 : i32 to index
          %get3A_670 = arith.constant 48 : index
          %get3A_671 = tpu.vector_load %get3A_667[%get3A_668, %get3A_669, %get3A_670] {strides = array<i32>} : memref<1x64x384xf32, #tpu.memory_space<vmem>>, vector<16xf32>,
          %gt3A_672 = arith.cmpf ogt, %get3A_671, %select_n3A_657 : vector<16xf32>
          %select_n3A_673 = arith.select %gt3A_672, %get3A_671, %select_n3A_657 : vector<16xi1>, vector<16xf32>
          %select_n3A_674 = arith.select %gt3A_672, %add3A_661, %select_n3A_658 : vector<16xi1>, vector<16xi32>
          %add3A_675 = arith.constant 16 : i32
          %add3A_676 = vector.broadcast %add3A_675 : i32 to vector<16xi32>
          %add3A_677 = arith.addi %add3A_661, %add3A_676 : vector<16xi32>
          %get3A_678 = arith.constant 0 : i32
          %get3A_679 = arith.constant 0 : i32
          %get3A_680 = arith.constant 0 : i32
          %get3A_681 = arith.constant 0 : i32
          %get3A_682 = tpu.memref_slice %run_scoped3A[%rem3A_374, %get3A_679, %get3A_680, %get3A_681] : memref<2x1x64x384xf32, #tpu.memory_space<vmem>> -> memref<1x1x64x384xf32, #tpu.memory_space<vmem>>
          %get3A_683 = tpu.memref_squeeze %get3A_682 : memref<1x1x64x384xf32, #tpu.memory_space<vmem>> -> memref<1x64x384xf32, #tpu.memory_space<vmem>>
          %get3A_684 = arith.index_cast %get3A_678 : i32 to index
          %get3A_685 = arith.index_cast %add3A_615 : i32 to index
          %get3A_686 = arith.constant 64 : index
          %get3A_687 = tpu.vector_load %get3A_683[%get3A_684, %get3A_685, %get3A_686] {strides = array<i32>} : memref<1x64x384xf32, #tpu.memory_space<vmem>>, vector<16xf32>,
          %gt3A_688 = arith.cmpf ogt, %get3A_687, %select_n3A_673 : vector<16xf32>
          %select_n3A_689 = arith.select %gt3A_688, %get3A_687, %select_n3A_673 : vector<16xi1>, vector<16xf32>
          %select_n3A_690 = arith.select %gt3A_688, %add3A_677, %select_n3A_674 : vector<16xi1>, vector<16xi32>
          %add3A_691 = arith.constant 16 : i32
          %add3A_692 = vector.broadcast %add3A_691 : i32 to vector<16xi32>
          %add3A_693 = arith.addi %add3A_677, %add3A_692 : vector<16xi32>
          %get3A_694 = arith.constant 0 : i32
          %get3A_695 = arith.constant 0 : i32
          %get3A_696 = arith.constant 0 : i32
          %get3A_697 = arith.constant 0 : i32
          %get3A_698 = tpu.memref_slice %run_scoped3A[%rem3A_374, %get3A_695, %get3A_696, %get3A_697] : memref<2x1x64x384xf32, #tpu.memory_space<vmem>> -> memref<1x1x64x384xf32, #tpu.memory_space<vmem>>
          %get3A_699 = tpu.memref_squeeze %get3A_698 : memref<1x1x64x384xf32, #tpu.memory_space<vmem>> -> memref<1x64x384xf32, #tpu.memory_space<vmem>>
          %get3A_700 = arith.index_cast %get3A_694 : i32 to index
          %get3A_701 = arith.index_cast %add3A_615 : i32 to index
          %get3A_702 = arith.constant 80 : index
          %get3A_703 = tpu.vector_load %get3A_699[%get3A_700, %get3A_701, %get3A_702] {strides = array<i32>} : memref<1x64x384xf32, #tpu.memory_space<vmem>>, vector<16xf32>,
          %gt3A_704 = arith.cmpf ogt, %get3A_703, %select_n3A_689 : vector<16xf32>
          %select_n3A_705 = arith.select %gt3A_704, %get3A_703, %select_n3A_689 : vector<16xi1>, vector<16xf32>
          %select_n3A_706 = arith.select %gt3A_704, %add3A_693, %select_n3A_690 : vector<16xi1>, vector<16xi32>
          %add3A_707 = arith.constant 16 : i32
          %add3A_708 = vector.broadcast %add3A_707 : i32 to vector<16xi32>
          %add3A_709 = arith.addi %add3A_693, %add3A_708 : vector<16xi32>
          %get3A_710 = arith.constant 0 : i32
          %get3A_711 = arith.constant 0 : i32
          %get3A_712 = arith.constant 0 : i32
          %get3A_713 = arith.constant 0 : i32
          %get3A_714 = tpu.memref_slice %run_scoped3A[%rem3A_374, %get3A_711, %get3A_712, %get3A_713] : memref<2x1x64x384xf32, #tpu.memory_space<vmem>> -> memref<1x1x64x384xf32, #tpu.memory_space<vmem>>
          %get3A_715 = tpu.memref_squeeze %get3A_714 : memref<1x1x64x384xf32, #tpu.memory_space<vmem>> -> memref<1x64x384xf32, #tpu.memory_space<vmem>>
          %get3A_716 = arith.index_cast %get3A_710 : i32 to index
          %get3A_717 = arith.index_cast %add3A_615 : i32 to index
          %get3A_718 = arith.constant 96 : index
          %get3A_719 = tpu.vector_load %get3A_715[%get3A_716, %get3A_717, %get3A_718] {strides = array<i32>} : memref<1x64x384xf32, #tpu.memory_space<vmem>>, vector<16xf32>,
          %gt3A_720 = arith.cmpf ogt, %get3A_719, %select_n3A_705 : vector<16xf32>
          %select_n3A_721 = arith.select %gt3A_720, %get3A_719, %select_n3A_705 : vector<16xi1>, vector<16xf32>
          %select_n3A_722 = arith.select %gt3A_720, %add3A_709, %select_n3A_706 : vector<16xi1>, vector<16xi32>
          %add3A_723 = arith.constant 16 : i32
          %add3A_724 = vector.broadcast %add3A_723 : i32 to vector<16xi32>
          %add3A_725 = arith.addi %add3A_709, %add3A_724 : vector<16xi32>
          %get3A_726 = arith.constant 0 : i32
          %get3A_727 = arith.constant 0 : i32
          %get3A_728 = arith.constant 0 : i32
          %get3A_729 = arith.constant 0 : i32
          %get3A_730 = tpu.memref_slice %run_scoped3A[%rem3A_374, %get3A_727, %get3A_728, %get3A_729] : memref<2x1x64x384xf32, #tpu.memory_space<vmem>> -> memref<1x1x64x384xf32, #tpu.memory_space<vmem>>
          %get3A_731 = tpu.memref_squeeze %get3A_730 : memref<1x1x64x384xf32, #tpu.memory_space<vmem>> -> memref<1x64x384xf32, #tpu.memory_space<vmem>>
          %get3A_732 = arith.index_cast %get3A_726 : i32 to index
          %get3A_733 = arith.index_cast %add3A_615 : i32 to index
          %get3A_734 = arith.constant 112 : index
          %get3A_735 = tpu.vector_load %get3A_731[%get3A_732, %get3A_733, %get3A_734] {strides = array<i32>} : memref<1x64x384xf32, #tpu.memory_space<vmem>>, vector<16xf32>,
          %gt3A_736 = arith.cmpf ogt, %get3A_735, %select_n3A_721 : vector<16xf32>
          %select_n3A_737 = arith.select %gt3A_736, %get3A_735, %select_n3A_721 : vector<16xi1>, vector<16xf32>
          %select_n3A_738 = arith.select %gt3A_736, %add3A_725, %select_n3A_722 : vector<16xi1>, vector<16xi32>
          %add3A_739 = arith.constant 16 : i32
          %add3A_740 = vector.broadcast %add3A_739 : i32 to vector<16xi32>
          %add3A_741 = arith.addi %add3A_725, %add3A_740 : vector<16xi32>
          %get3A_742 = arith.constant 0 : i32
          %get3A_743 = arith.constant 0 : i32
          %get3A_744 = arith.constant 0 : i32
          %get3A_745 = arith.constant 0 : i32
          %get3A_746 = tpu.memref_slice %run_scoped3A[%rem3A_374, %get3A_743, %get3A_744, %get3A_745] : memref<2x1x64x384xf32, #tpu.memory_space<vmem>> -> memref<1x1x64x384xf32, #tpu.memory_space<vmem>>
          %get3A_747 = tpu.memref_squeeze %get3A_746 : memref<1x1x64x384xf32, #tpu.memory_space<vmem>> -> memref<1x64x384xf32, #tpu.memory_space<vmem>>
          %get3A_748 = arith.index_cast %get3A_742 : i32 to index
          %get3A_749 = arith.index_cast %add3A_615 : i32 to index
          %get3A_750 = arith.constant 128 : index
          %get3A_751 = tpu.vector_load %get3A_747[%get3A_748, %get3A_749, %get3A_750] {strides = array<i32>} : memref<1x64x384xf32, #tpu.memory_space<vmem>>, vector<16xf32>,
          %gt3A_752 = arith.cmpf ogt, %get3A_751, %select_n3A_737 : vector<16xf32>
          %select_n3A_753 = arith.select %gt3A_752, %get3A_751, %select_n3A_737 : vector<16xi1>, vector<16xf32>
          %select_n3A_754 = arith.select %gt3A_752, %add3A_741, %select_n3A_738 : vector<16xi1>, vector<16xi32>
          %add3A_755 = arith.constant 16 : i32
          %add3A_756 = vector.broadcast %add3A_755 : i32 to vector<16xi32>
          %add3A_757 = arith.addi %add3A_741, %add3A_756 : vector<16xi32>
          %get3A_758 = arith.constant 0 : i32
          %get3A_759 = arith.constant 0 : i32
          %get3A_760 = arith.constant 0 : i32
          %get3A_761 = arith.constant 0 : i32
          %get3A_762 = tpu.memref_slice %run_scoped3A[%rem3A_374, %get3A_759, %get3A_760, %get3A_761] : memref<2x1x64x384xf32, #tpu.memory_space<vmem>> -> memref<1x1x64x384xf32, #tpu.memory_space<vmem>>
          %get3A_763 = tpu.memref_squeeze %get3A_762 : memref<1x1x64x384xf32, #tpu.memory_space<vmem>> -> memref<1x64x384xf32, #tpu.memory_space<vmem>>
          %get3A_764 = arith.index_cast %get3A_758 : i32 to index
          %get3A_765 = arith.index_cast %add3A_615 : i32 to index
          %get3A_766 = arith.constant 144 : index
          %get3A_767 = tpu.vector_load %get3A_763[%get3A_764, %get3A_765, %get3A_766] {strides = array<i32>} : memref<1x64x384xf32, #tpu.memory_space<vmem>>, vector<16xf32>,
          %gt3A_768 = arith.cmpf ogt, %get3A_767, %select_n3A_753 : vector<16xf32>
          %select_n3A_769 = arith.select %gt3A_768, %get3A_767, %select_n3A_753 : vector<16xi1>, vector<16xf32>
          %select_n3A_770 = arith.select %gt3A_768, %add3A_757, %select_n3A_754 : vector<16xi1>, vector<16xi32>
          %add3A_771 = arith.constant 16 : i32
          %add3A_772 = vector.broadcast %add3A_771 : i32 to vector<16xi32>
          %add3A_773 = arith.addi %add3A_757, %add3A_772 : vector<16xi32>
          %get3A_774 = arith.constant 0 : i32
          %get3A_775 = arith.constant 0 : i32
          %get3A_776 = arith.constant 0 : i32
          %get3A_777 = arith.constant 0 : i32
          %get3A_778 = tpu.memref_slice %run_scoped3A[%rem3A_374, %get3A_775, %get3A_776, %get3A_777] : memref<2x1x64x384xf32, #tpu.memory_space<vmem>> -> memref<1x1x64x384xf32, #tpu.memory_space<vmem>>
          %get3A_779 = tpu.memref_squeeze %get3A_778 : memref<1x1x64x384xf32, #tpu.memory_space<vmem>> -> memref<1x64x384xf32, #tpu.memory_space<vmem>>
          %get3A_780 = arith.index_cast %get3A_774 : i32 to index
          %get3A_781 = arith.index_cast %add3A_615 : i32 to index
          %get3A_782 = arith.constant 160 : index
          %get3A_783 = tpu.vector_load %get3A_779[%get3A_780, %get3A_781, %get3A_782] {strides = array<i32>} : memref<1x64x384xf32, #tpu.memory_space<vmem>>, vector<16xf32>,
          %gt3A_784 = arith.cmpf ogt, %get3A_783, %select_n3A_769 : vector<16xf32>
          %select_n3A_785 = arith.select %gt3A_784, %get3A_783, %select_n3A_769 : vector<16xi1>, vector<16xf32>
          %select_n3A_786 = arith.select %gt3A_784, %add3A_773, %select_n3A_770 : vector<16xi1>, vector<16xi32>
          %add3A_787 = arith.constant 16 : i32
          %add3A_788 = vector.broadcast %add3A_787 : i32 to vector<16xi32>
          %add3A_789 = arith.addi %add3A_773, %add3A_788 : vector<16xi32>
          %get3A_790 = arith.constant 0 : i32
          %get3A_791 = arith.constant 0 : i32
          %get3A_792 = arith.constant 0 : i32
          %get3A_793 = arith.constant 0 : i32
          %get3A_794 = tpu.memref_slice %run_scoped3A[%rem3A_374, %get3A_791, %get3A_792, %get3A_793] : memref<2x1x64x384xf32, #tpu.memory_space<vmem>> -> memref<1x1x64x384xf32, #tpu.memory_space<vmem>>
          %get3A_795 = tpu.memref_squeeze %get3A_794 : memref<1x1x64x384xf32, #tpu.memory_space<vmem>> -> memref<1x64x384xf32, #tpu.memory_space<vmem>>
          %get3A_796 = arith.index_cast %get3A_790 : i32 to index
          %get3A_797 = arith.index_cast %add3A_615 : i32 to index
          %get3A_798 = arith.constant 176 : index
          %get3A_799 = tpu.vector_load %get3A_795[%get3A_796, %get3A_797, %get3A_798] {strides = array<i32>} : memref<1x64x384xf32, #tpu.memory_space<vmem>>, vector<16xf32>,
          %gt3A_800 = arith.cmpf ogt, %get3A_799, %select_n3A_785 : vector<16xf32>
          %select_n3A_801 = arith.select %gt3A_800, %get3A_799, %select_n3A_785 : vector<16xi1>, vector<16xf32>
          %select_n3A_802 = arith.select %gt3A_800, %add3A_789, %select_n3A_786 : vector<16xi1>, vector<16xi32>
          %add3A_803 = arith.constant 16 : i32
          %add3A_804 = vector.broadcast %add3A_803 : i32 to vector<16xi32>
          %add3A_805 = arith.addi %add3A_789, %add3A_804 : vector<16xi32>
          %get3A_806 = arith.constant 0 : i32
          %get3A_807 = arith.constant 0 : i32
          %get3A_808 = arith.constant 0 : i32
          %get3A_809 = arith.constant 0 : i32
          %get3A_810 = tpu.memref_slice %run_scoped3A[%rem3A_374, %get3A_807, %get3A_808, %get3A_809] : memref<2x1x64x384xf32, #tpu.memory_space<vmem>> -> memref<1x1x64x384xf32, #tpu.memory_space<vmem>>
          %get3A_811 = tpu.memref_squeeze %get3A_810 : memref<1x1x64x384xf32, #tpu.memory_space<vmem>> -> memref<1x64x384xf32, #tpu.memory_space<vmem>>
          %get3A_812 = arith.index_cast %get3A_806 : i32 to index
          %get3A_813 = arith.index_cast %add3A_615 : i32 to index
          %get3A_814 = arith.constant 192 : index
          %get3A_815 = tpu.vector_load %get3A_811[%get3A_812, %get3A_813, %get3A_814] {strides = array<i32>} : memref<1x64x384xf32, #tpu.memory_space<vmem>>, vector<16xf32>,
          %add3A_816 = arith.constant 192 : i32
          %add3A_817 = vector.broadcast %add3A_816 : i32 to vector<16xi32>
          %add3A_818 = arith.addi %iota3A, %add3A_817 : vector<16xi32>
          %add3A_819 = arith.constant 208 : i32
          %add3A_820 = vector.broadcast %add3A_819 : i32 to vector<16xi32>
          %add3A_821 = arith.addi %iota3A, %add3A_820 : vector<16xi32>
          %get3A_822 = arith.constant 0 : i32
          %get3A_823 = arith.constant 0 : i32
          %get3A_824 = arith.constant 0 : i32
          %get3A_825 = arith.constant 0 : i32
          %get3A_826 = tpu.memref_slice %run_scoped3A[%rem3A_374, %get3A_823, %get3A_824, %get3A_825] : memref<2x1x64x384xf32, #tpu.memory_space<vmem>> -> memref<1x1x64x384xf32, #tpu.memory_space<vmem>>
          %get3A_827 = tpu.memref_squeeze %get3A_826 : memref<1x1x64x384xf32, #tpu.memory_space<vmem>> -> memref<1x64x384xf32, #tpu.memory_space<vmem>>
          %get3A_828 = arith.index_cast %get3A_822 : i32 to index
          %get3A_829 = arith.index_cast %add3A_615 : i32 to index
          %get3A_830 = arith.constant 208 : index
          %get3A_831 = tpu.vector_load %get3A_827[%get3A_828, %get3A_829, %get3A_830] {strides = array<i32>} : memref<1x64x384xf32, #tpu.memory_space<vmem>>, vector<16xf32>,
          %gt3A_832 = arith.cmpf ogt, %get3A_831, %get3A_815 : vector<16xf32>
          %select_n3A_833 = arith.select %gt3A_832, %get3A_831, %get3A_815 : vector<16xi1>, vector<16xf32>
          %select_n3A_834 = arith.select %gt3A_832, %add3A_821, %add3A_818 : vector<16xi1>, vector<16xi32>
          %add3A_835 = arith.constant 16 : i32
          %add3A_836 = vector.broadcast %add3A_835 : i32 to vector<16xi32>
          %add3A_837 = arith.addi %add3A_821, %add3A_836 : vector<16xi32>
          %get3A_838 = arith.constant 0 : i32
          %get3A_839 = arith.constant 0 : i32
          %get3A_840 = arith.constant 0 : i32
          %get3A_841 = arith.constant 0 : i32
          %get3A_842 = tpu.memref_slice %run_scoped3A[%rem3A_374, %get3A_839, %get3A_840, %get3A_841] : memref<2x1x64x384xf32, #tpu.memory_space<vmem>> -> memref<1x1x64x384xf32, #tpu.memory_space<vmem>>
          %get3A_843 = tpu.memref_squeeze %get3A_842 : memref<1x1x64x384xf32, #tpu.memory_space<vmem>> -> memref<1x64x384xf32, #tpu.memory_space<vmem>>
          %get3A_844 = arith.index_cast %get3A_838 : i32 to index
          %get3A_845 = arith.index_cast %add3A_615 : i32 to index
          %get3A_846 = arith.constant 224 : index
          %get3A_847 = tpu.vector_load %get3A_843[%get3A_844, %get3A_845, %get3A_846] {strides = array<i32>} : memref<1x64x384xf32, #tpu.memory_space<vmem>>, vector<16xf32>,
          %gt3A_848 = arith.cmpf ogt, %get3A_847, %select_n3A_833 : vector<16xf32>
          %select_n3A_849 = arith.select %gt3A_848, %get3A_847, %select_n3A_833 : vector<16xi1>, vector<16xf32>
          %select_n3A_850 = arith.select %gt3A_848, %add3A_837, %select_n3A_834 : vector<16xi1>, vector<16xi32>
          %add3A_851 = arith.constant 16 : i32
          %add3A_852 = vector.broadcast %add3A_851 : i32 to vector<16xi32>
          %add3A_853 = arith.addi %add3A_837, %add3A_852 : vector<16xi32>
          %get3A_854 = arith.constant 0 : i32
          %get3A_855 = arith.constant 0 : i32
          %get3A_856 = arith.constant 0 : i32
          %get3A_857 = arith.constant 0 : i32
          %get3A_858 = tpu.memref_slice %run_scoped3A[%rem3A_374, %get3A_855, %get3A_856, %get3A_857] : memref<2x1x64x384xf32, #tpu.memory_space<vmem>> -> memref<1x1x64x384xf32, #tpu.memory_space<vmem>>
          %get3A_859 = tpu.memref_squeeze %get3A_858 : memref<1x1x64x384xf32, #tpu.memory_space<vmem>> -> memref<1x64x384xf32, #tpu.memory_space<vmem>>
          %get3A_860 = arith.index_cast %get3A_854 : i32 to index
          %get3A_861 = arith.index_cast %add3A_615 : i32 to index
          %get3A_862 = arith.constant 240 : index
          %get3A_863 = tpu.vector_load %get3A_859[%get3A_860, %get3A_861, %get3A_862] {strides = array<i32>} : memref<1x64x384xf32, #tpu.memory_space<vmem>>, vector<16xf32>,
          %gt3A_864 = arith.cmpf ogt, %get3A_863, %select_n3A_849 : vector<16xf32>
          %select_n3A_865 = arith.select %gt3A_864, %get3A_863, %select_n3A_849 : vector<16xi1>, vector<16xf32>
          %select_n3A_866 = arith.select %gt3A_864, %add3A_853, %select_n3A_850 : vector<16xi1>, vector<16xi32>
          %add3A_867 = arith.constant 16 : i32
          %add3A_868 = vector.broadcast %add3A_867 : i32 to vector<16xi32>
          %add3A_869 = arith.addi %add3A_853, %add3A_868 : vector<16xi32>
          %get3A_870 = arith.constant 0 : i32
          %get3A_871 = arith.constant 0 : i32
          %get3A_872 = arith.constant 0 : i32
          %get3A_873 = arith.constant 0 : i32
          %get3A_874 = tpu.memref_slice %run_scoped3A[%rem3A_374, %get3A_871, %get3A_872, %get3A_873] : memref<2x1x64x384xf32, #tpu.memory_space<vmem>> -> memref<1x1x64x384xf32, #tpu.memory_space<vmem>>
          %get3A_875 = tpu.memref_squeeze %get3A_874 : memref<1x1x64x384xf32, #tpu.memory_space<vmem>> -> memref<1x64x384xf32, #tpu.memory_space<vmem>>
          %get3A_876 = arith.index_cast %get3A_870 : i32 to index
          %get3A_877 = arith.index_cast %add3A_615 : i32 to index
          %get3A_878 = arith.constant 256 : index
          %get3A_879 = tpu.vector_load %get3A_875[%get3A_876, %get3A_877, %get3A_878] {strides = array<i32>} : memref<1x64x384xf32, #tpu.memory_space<vmem>>, vector<16xf32>,
          %gt3A_880 = arith.cmpf ogt, %get3A_879, %select_n3A_865 : vector<16xf32>
          %select_n3A_881 = arith.select %gt3A_880, %get3A_879, %select_n3A_865 : vector<16xi1>, vector<16xf32>
          %select_n3A_882 = arith.select %gt3A_880, %add3A_869, %select_n3A_866 : vector<16xi1>, vector<16xi32>
          %add3A_883 = arith.constant 16 : i32
          %add3A_884 = vector.broadcast %add3A_883 : i32 to vector<16xi32>
          %add3A_885 = arith.addi %add3A_869, %add3A_884 : vector<16xi32>
          %get3A_886 = arith.constant 0 : i32
          %get3A_887 = arith.constant 0 : i32
          %get3A_888 = arith.constant 0 : i32
          %get3A_889 = arith.constant 0 : i32
          %get3A_890 = tpu.memref_slice %run_scoped3A[%rem3A_374, %get3A_887, %get3A_888, %get3A_889] : memref<2x1x64x384xf32, #tpu.memory_space<vmem>> -> memref<1x1x64x384xf32, #tpu.memory_space<vmem>>
          %get3A_891 = tpu.memref_squeeze %get3A_890 : memref<1x1x64x384xf32, #tpu.memory_space<vmem>> -> memref<1x64x384xf32, #tpu.memory_space<vmem>>
          %get3A_892 = arith.index_cast %get3A_886 : i32 to index
          %get3A_893 = arith.index_cast %add3A_615 : i32 to index
          %get3A_894 = arith.constant 272 : index
          %get3A_895 = tpu.vector_load %get3A_891[%get3A_892, %get3A_893, %get3A_894] {strides = array<i32>} : memref<1x64x384xf32, #tpu.memory_space<vmem>>, vector<16xf32>,
          %gt3A_896 = arith.cmpf ogt, %get3A_895, %select_n3A_881 : vector<16xf32>
          %select_n3A_897 = arith.select %gt3A_896, %get3A_895, %select_n3A_881 : vector<16xi1>, vector<16xf32>
          %select_n3A_898 = arith.select %gt3A_896, %add3A_885, %select_n3A_882 : vector<16xi1>, vector<16xi32>
          %add3A_899 = arith.constant 16 : i32
          %add3A_900 = vector.broadcast %add3A_899 : i32 to vector<16xi32>
          %add3A_901 = arith.addi %add3A_885, %add3A_900 : vector<16xi32>
          %get3A_902 = arith.constant 0 : i32
          %get3A_903 = arith.constant 0 : i32
          %get3A_904 = arith.constant 0 : i32
          %get3A_905 = arith.constant 0 : i32
          %get3A_906 = tpu.memref_slice %run_scoped3A[%rem3A_374, %get3A_903, %get3A_904, %get3A_905] : memref<2x1x64x384xf32, #tpu.memory_space<vmem>> -> memref<1x1x64x384xf32, #tpu.memory_space<vmem>>
          %get3A_907 = tpu.memref_squeeze %get3A_906 : memref<1x1x64x384xf32, #tpu.memory_space<vmem>> -> memref<1x64x384xf32, #tpu.memory_space<vmem>>
          %get3A_908 = arith.index_cast %get3A_902 : i32 to index
          %get3A_909 = arith.index_cast %add3A_615 : i32 to index
          %get3A_910 = arith.constant 288 : index
          %get3A_911 = tpu.vector_load %get3A_907[%get3A_908, %get3A_909, %get3A_910] {strides = array<i32>} : memref<1x64x384xf32, #tpu.memory_space<vmem>>, vector<16xf32>,
          %gt3A_912 = arith.cmpf ogt, %get3A_911, %select_n3A_897 : vector<16xf32>
          %select_n3A_913 = arith.select %gt3A_912, %get3A_911, %select_n3A_897 : vector<16xi1>, vector<16xf32>
          %select_n3A_914 = arith.select %gt3A_912, %add3A_901, %select_n3A_898 : vector<16xi1>, vector<16xi32>
          %add3A_915 = arith.constant 16 : i32
          %add3A_916 = vector.broadcast %add3A_915 : i32 to vector<16xi32>
          %add3A_917 = arith.addi %add3A_901, %add3A_916 : vector<16xi32>
          %get3A_918 = arith.constant 0 : i32
          %get3A_919 = arith.constant 0 : i32
          %get3A_920 = arith.constant 0 : i32
          %get3A_921 = arith.constant 0 : i32
          %get3A_922 = tpu.memref_slice %run_scoped3A[%rem3A_374, %get3A_919, %get3A_920, %get3A_921] : memref<2x1x64x384xf32, #tpu.memory_space<vmem>> -> memref<1x1x64x384xf32, #tpu.memory_space<vmem>>
          %get3A_923 = tpu.memref_squeeze %get3A_922 : memref<1x1x64x384xf32, #tpu.memory_space<vmem>> -> memref<1x64x384xf32, #tpu.memory_space<vmem>>
          %get3A_924 = arith.index_cast %get3A_918 : i32 to index
          %get3A_925 = arith.index_cast %add3A_615 : i32 to index
          %get3A_926 = arith.constant 304 : index
          %get3A_927 = tpu.vector_load %get3A_923[%get3A_924, %get3A_925, %get3A_926] {strides = array<i32>} : memref<1x64x384xf32, #tpu.memory_space<vmem>>, vector<16xf32>,
          %gt3A_928 = arith.cmpf ogt, %get3A_927, %select_n3A_913 : vector<16xf32>
          %select_n3A_929 = arith.select %gt3A_928, %get3A_927, %select_n3A_913 : vector<16xi1>, vector<16xf32>
          %select_n3A_930 = arith.select %gt3A_928, %add3A_917, %select_n3A_914 : vector<16xi1>, vector<16xi32>
          %add3A_931 = arith.constant 16 : i32
          %add3A_932 = vector.broadcast %add3A_931 : i32 to vector<16xi32>
          %add3A_933 = arith.addi %add3A_917, %add3A_932 : vector<16xi32>
          %get3A_934 = arith.constant 0 : i32
          %get3A_935 = arith.constant 0 : i32
          %get3A_936 = arith.constant 0 : i32
          %get3A_937 = arith.constant 0 : i32
          %get3A_938 = tpu.memref_slice %run_scoped3A[%rem3A_374, %get3A_935, %get3A_936, %get3A_937] : memref<2x1x64x384xf32, #tpu.memory_space<vmem>> -> memref<1x1x64x384xf32, #tpu.memory_space<vmem>>
          %get3A_939 = tpu.memref_squeeze %get3A_938 : memref<1x1x64x384xf32, #tpu.memory_space<vmem>> -> memref<1x64x384xf32, #tpu.memory_space<vmem>>
          %get3A_940 = arith.index_cast %get3A_934 : i32 to index
          %get3A_941 = arith.index_cast %add3A_615 : i32 to index
          %get3A_942 = arith.constant 320 : index
          %get3A_943 = tpu.vector_load %get3A_939[%get3A_940, %get3A_941, %get3A_942] {strides = array<i32>} : memref<1x64x384xf32, #tpu.memory_space<vmem>>, vector<16xf32>,
          %gt3A_944 = arith.cmpf ogt, %get3A_943, %select_n3A_929 : vector<16xf32>
          %select_n3A_945 = arith.select %gt3A_944, %get3A_943, %select_n3A_929 : vector<16xi1>, vector<16xf32>
          %select_n3A_946 = arith.select %gt3A_944, %add3A_933, %select_n3A_930 : vector<16xi1>, vector<16xi32>
          %add3A_947 = arith.constant 16 : i32
          %add3A_948 = vector.broadcast %add3A_947 : i32 to vector<16xi32>
          %add3A_949 = arith.addi %add3A_933, %add3A_948 : vector<16xi32>
          %get3A_950 = arith.constant 0 : i32
          %get3A_951 = arith.constant 0 : i32
          %get3A_952 = arith.constant 0 : i32
          %get3A_953 = arith.constant 0 : i32
          %get3A_954 = tpu.memref_slice %run_scoped3A[%rem3A_374, %get3A_951, %get3A_952, %get3A_953] : memref<2x1x64x384xf32, #tpu.memory_space<vmem>> -> memref<1x1x64x384xf32, #tpu.memory_space<vmem>>
          %get3A_955 = tpu.memref_squeeze %get3A_954 : memref<1x1x64x384xf32, #tpu.memory_space<vmem>> -> memref<1x64x384xf32, #tpu.memory_space<vmem>>
          %get3A_956 = arith.index_cast %get3A_950 : i32 to index
          %get3A_957 = arith.index_cast %add3A_615 : i32 to index
          %get3A_958 = arith.constant 336 : index
          %get3A_959 = tpu.vector_load %get3A_955[%get3A_956, %get3A_957, %get3A_958] {strides = array<i32>} : memref<1x64x384xf32, #tpu.memory_space<vmem>>, vector<16xf32>,
          %gt3A_960 = arith.cmpf ogt, %get3A_959, %select_n3A_945 : vector<16xf32>
          %select_n3A_961 = arith.select %gt3A_960, %get3A_959, %select_n3A_945 : vector<16xi1>, vector<16xf32>
          %select_n3A_962 = arith.select %gt3A_960, %add3A_949, %select_n3A_946 : vector<16xi1>, vector<16xi32>
          %add3A_963 = arith.constant 16 : i32
          %add3A_964 = vector.broadcast %add3A_963 : i32 to vector<16xi32>
          %add3A_965 = arith.addi %add3A_949, %add3A_964 : vector<16xi32>
          %get3A_966 = arith.constant 0 : i32
          %get3A_967 = arith.constant 0 : i32
          %get3A_968 = arith.constant 0 : i32
          %get3A_969 = arith.constant 0 : i32
          %get3A_970 = tpu.memref_slice %run_scoped3A[%rem3A_374, %get3A_967, %get3A_968, %get3A_969] : memref<2x1x64x384xf32, #tpu.memory_space<vmem>> -> memref<1x1x64x384xf32, #tpu.memory_space<vmem>>
          %get3A_971 = tpu.memref_squeeze %get3A_970 : memref<1x1x64x384xf32, #tpu.memory_space<vmem>> -> memref<1x64x384xf32, #tpu.memory_space<vmem>>
          %get3A_972 = arith.index_cast %get3A_966 : i32 to index
          %get3A_973 = arith.index_cast %add3A_615 : i32 to index
          %get3A_974 = arith.constant 352 : index
          %get3A_975 = tpu.vector_load %get3A_971[%get3A_972, %get3A_973, %get3A_974] {strides = array<i32>} : memref<1x64x384xf32, #tpu.memory_space<vmem>>, vector<16xf32>,
          %gt3A_976 = arith.cmpf ogt, %get3A_975, %select_n3A_961 : vector<16xf32>
          %select_n3A_977 = arith.select %gt3A_976, %get3A_975, %select_n3A_961 : vector<16xi1>, vector<16xf32>
          %select_n3A_978 = arith.select %gt3A_976, %add3A_965, %select_n3A_962 : vector<16xi1>, vector<16xi32>
          %add3A_979 = arith.constant 16 : i32
          %add3A_980 = vector.broadcast %add3A_979 : i32 to vector<16xi32>
          %add3A_981 = arith.addi %add3A_965, %add3A_980 : vector<16xi32>
          %get3A_982 = arith.constant 0 : i32
          %get3A_983 = arith.constant 0 : i32
          %get3A_984 = arith.constant 0 : i32
          %get3A_985 = arith.constant 0 : i32
          %get3A_986 = tpu.memref_slice %run_scoped3A[%rem3A_374, %get3A_983, %get3A_984, %get3A_985] : memref<2x1x64x384xf32, #tpu.memory_space<vmem>> -> memref<1x1x64x384xf32, #tpu.memory_space<vmem>>
          %get3A_987 = tpu.memref_squeeze %get3A_986 : memref<1x1x64x384xf32, #tpu.memory_space<vmem>> -> memref<1x64x384xf32, #tpu.memory_space<vmem>>
          %get3A_988 = arith.index_cast %get3A_982 : i32 to index
          %get3A_989 = arith.index_cast %add3A_615 : i32 to index
          %get3A_990 = arith.constant 368 : index
          %get3A_991 = tpu.vector_load %get3A_987[%get3A_988, %get3A_989, %get3A_990] {strides = array<i32>} : memref<1x64x384xf32, #tpu.memory_space<vmem>>, vector<16xf32>,
          %gt3A_992 = arith.cmpf ogt, %get3A_991, %select_n3A_977 : vector<16xf32>
          %select_n3A_993 = arith.select %gt3A_992, %get3A_991, %select_n3A_977 : vector<16xi1>, vector<16xf32>
          %select_n3A_994 = arith.select %gt3A_992, %add3A_981, %select_n3A_978 : vector<16xi1>, vector<16xi32>
          %add3A_995 = arith.constant 16 : i32
          %add3A_996 = vector.broadcast %add3A_995 : i32 to vector<16xi32>
          %add3A_997 = arith.addi %add3A_981, %add3A_996 : vector<16xi32>
          %gt3A_998 = arith.cmpf ogt, %select_n3A_993, %select_n3A_801 : vector<16xf32>
          %select_n3A_999 = arith.select %gt3A_998, %select_n3A_993, %select_n3A_801 : vector<16xi1>, vector<16xf32>
          %select_n3A_1000 = arith.select %gt3A_998, %select_n3A_994, %select_n3A_802 : vector<16xi1>, vector<16xi32>
          %reduce_max3A = arith.constant true
          %reduce_max3A_1001 = vector.broadcast %reduce_max3A : i1 to vector<16xi1>
          %reduce_max3A_1002 = tpu.scan <max>, %select_n3A_999 masked %reduce_max3A_1001 : vector<16xf32>, vector<16xi1> -> vector<16xf32>
          %reduce_max3A_1003 = vector.extract %reduce_max3A_1002[15] : f32 from vector<16xf32>
          %eq3A_1004 = vector.broadcast %reduce_max3A_1003 : f32 to vector<16xf32>
          %eq3A_1005 = arith.cmpf oeq, %select_n3A_999, %eq3A_1004 : vector<16xf32>
          %jit3A = arith.constant 2147483647 : i32
          %broadcast_in_dim3A_1006 = vector.broadcast %jit3A : i32 to vector<16xi32>
          %select_n3A_1007 = arith.select %eq3A_1005, %select_n3A_1000, %broadcast_in_dim3A_1006 : vector<16xi1>, vector<16xi32>
          %reduce_min3A = arith.constant true
          %reduce_min3A_1008 = vector.broadcast %reduce_min3A : i1 to vector<16xi1>
          %reduce_min3A_1009 = arith.constant -2147483648 : i32
          %reduce_min3A_1010 = vector.broadcast %reduce_min3A_1009 : i32 to vector<16xi32>
          %reduce_min3A_1011 = arith.xori %select_n3A_1007, %reduce_min3A_1010 : vector<16xi32>
          %reduce_min3A_1012 = tpu.scan <min>, %reduce_min3A_1011 masked %reduce_min3A_1008 : vector<16xi32>, vector<16xi1> -> vector<16xi32>
          %reduce_min3A_1013 = arith.xori %reduce_min3A_1012, %reduce_min3A_1010 : vector<16xi32>
          %reduce_min3A_1014 = vector.extract %reduce_min3A_1013[15] : i32 from vector<16xi32>
          %eq3A_1015 = vector.broadcast %add3A_613 : i32 to vector<16xi32>
          %eq3A_1016 = arith.cmpi eq, %iota3A, %eq3A_1015 : vector<16xi32>
          %broadcast_in_dim3A_1017 = vector.broadcast %reduce_max3A_1003 : f32 to vector<16xf32>
          %select_n3A_1018 = arith.select %eq3A_1016, %broadcast_in_dim3A_1017, %scan3A_608 : vector<16xi1>, vector<16xf32>
          %broadcast_in_dim3A_1019 = vector.broadcast %reduce_min3A_1014 : i32 to vector<16xi32>
          %select_n3A_1020 = arith.select %eq3A_1016, %broadcast_in_dim3A_1019, %scan3A_609 : vector<16xi1>, vector<16xi32>
          %mul3A_1021 = arith.constant 2 : i32
          %mul3A_1022 = arith.muli %mul3A_1021, %scan3A_607 : i32
          %add3A_1023 = arith.constant 1 : i32
          %add3A_1024 = arith.addi %mul3A_1022, %add3A_1023 : i32
          %add3A_1025 = arith.constant 32 : i32
          %add3A_1026 = arith.addi %add3A_1025, %add3A_1024 : i32
          %get3A_1027 = arith.constant 0 : i32
          %get3A_1028 = arith.constant 0 : i32
          %get3A_1029 = arith.constant 0 : i32
          %get3A_1030 = arith.constant 0 : i32
          %get3A_1031 = tpu.memref_slice %run_scoped3A[%rem3A_374, %get3A_1028, %get3A_1029, %get3A_1030] : memref<2x1x64x384xf32, #tpu.memory_space<vmem>> -> memref<1x1x64x384xf32, #tpu.memory_space<vmem>>
          %get3A_1032 = tpu.memref_squeeze %get3A_1031 : memref<1x1x64x384xf32, #tpu.memory_space<vmem>> -> memref<1x64x384xf32, #tpu.memory_space<vmem>>
          %get3A_1033 = arith.index_cast %get3A_1027 : i32 to index
          %get3A_1034 = arith.index_cast %add3A_1026 : i32 to index
          %get3A_1035 = arith.constant 0 : index
          %get3A_1036 = tpu.vector_load %get3A_1032[%get3A_1033, %get3A_1034, %get3A_1035] {strides = array<i32>} : memref<1x64x384xf32, #tpu.memory_space<vmem>>, vector<16xf32>,
          %add3A_1037 = arith.constant 0 : i32
          %add3A_1038 = vector.broadcast %add3A_1037 : i32 to vector<16xi32>
          %add3A_1039 = arith.addi %iota3A, %add3A_1038 : vector<16xi32>
          %add3A_1040 = arith.constant 16 : i32
          %add3A_1041 = vector.broadcast %add3A_1040 : i32 to vector<16xi32>
          %add3A_1042 = arith.addi %iota3A, %add3A_1041 : vector<16xi32>
          %get3A_1043 = arith.constant 0 : i32
          %get3A_1044 = arith.constant 0 : i32
          %get3A_1045 = arith.constant 0 : i32
          %get3A_1046 = arith.constant 0 : i32
          %get3A_1047 = tpu.memref_slice %run_scoped3A[%rem3A_374, %get3A_1044, %get3A_1045, %get3A_1046] : memref<2x1x64x384xf32, #tpu.memory_space<vmem>> -> memref<1x1x64x384xf32, #tpu.memory_space<vmem>>
          %get3A_1048 = tpu.memref_squeeze %get3A_1047 : memref<1x1x64x384xf32, #tpu.memory_space<vmem>> -> memref<1x64x384xf32, #tpu.memory_space<vmem>>
          %get3A_1049 = arith.index_cast %get3A_1043 : i32 to index
          %get3A_1050 = arith.index_cast %add3A_1026 : i32 to index
          %get3A_1051 = arith.constant 16 : index
          %get3A_1052 = tpu.vector_load %get3A_1048[%get3A_1049, %get3A_1050, %get3A_1051] {strides = array<i32>} : memref<1x64x384xf32, #tpu.memory_space<vmem>>, vector<16xf32>,
          %gt3A_1053 = arith.cmpf ogt, %get3A_1052, %get3A_1036 : vector<16xf32>
          %select_n3A_1054 = arith.select %gt3A_1053, %get3A_1052, %get3A_1036 : vector<16xi1>, vector<16xf32>
          %select_n3A_1055 = arith.select %gt3A_1053, %add3A_1042, %add3A_1039 : vector<16xi1>, vector<16xi32>
          %add3A_1056 = arith.constant 16 : i32
          %add3A_1057 = vector.broadcast %add3A_1056 : i32 to vector<16xi32>
          %add3A_1058 = arith.addi %add3A_1042, %add3A_1057 : vector<16xi32>
          %get3A_1059 = arith.constant 0 : i32
          %get3A_1060 = arith.constant 0 : i32
          %get3A_1061 = arith.constant 0 : i32
          %get3A_1062 = arith.constant 0 : i32
          %get3A_1063 = tpu.memref_slice %run_scoped3A[%rem3A_374, %get3A_1060, %get3A_1061, %get3A_1062] : memref<2x1x64x384xf32, #tpu.memory_space<vmem>> -> memref<1x1x64x384xf32, #tpu.memory_space<vmem>>
          %get3A_1064 = tpu.memref_squeeze %get3A_1063 : memref<1x1x64x384xf32, #tpu.memory_space<vmem>> -> memref<1x64x384xf32, #tpu.memory_space<vmem>>
          %get3A_1065 = arith.index_cast %get3A_1059 : i32 to index
          %get3A_1066 = arith.index_cast %add3A_1026 : i32 to index
          %get3A_1067 = arith.constant 32 : index
          %get3A_1068 = tpu.vector_load %get3A_1064[%get3A_1065, %get3A_1066, %get3A_1067] {strides = array<i32>} : memref<1x64x384xf32, #tpu.memory_space<vmem>>, vector<16xf32>,
          %gt3A_1069 = arith.cmpf ogt, %get3A_1068, %select_n3A_1054 : vector<16xf32>
          %select_n3A_1070 = arith.select %gt3A_1069, %get3A_1068, %select_n3A_1054 : vector<16xi1>, vector<16xf32>
          %select_n3A_1071 = arith.select %gt3A_1069, %add3A_1058, %select_n3A_1055 : vector<16xi1>, vector<16xi32>
          %add3A_1072 = arith.constant 16 : i32
          %add3A_1073 = vector.broadcast %add3A_1072 : i32 to vector<16xi32>
          %add3A_1074 = arith.addi %add3A_1058, %add3A_1073 : vector<16xi32>
          %get3A_1075 = arith.constant 0 : i32
          %get3A_1076 = arith.constant 0 : i32
          %get3A_1077 = arith.constant 0 : i32
          %get3A_1078 = arith.constant 0 : i32
          %get3A_1079 = tpu.memref_slice %run_scoped3A[%rem3A_374, %get3A_1076, %get3A_1077, %get3A_1078] : memref<2x1x64x384xf32, #tpu.memory_space<vmem>> -> memref<1x1x64x384xf32, #tpu.memory_space<vmem>>
          %get3A_1080 = tpu.memref_squeeze %get3A_1079 : memref<1x1x64x384xf32, #tpu.memory_space<vmem>> -> memref<1x64x384xf32, #tpu.memory_space<vmem>>
          %get3A_1081 = arith.index_cast %get3A_1075 : i32 to index
          %get3A_1082 = arith.index_cast %add3A_1026 : i32 to index
          %get3A_1083 = arith.constant 48 : index
          %get3A_1084 = tpu.vector_load %get3A_1080[%get3A_1081, %get3A_1082, %get3A_1083] {strides = array<i32>} : memref<1x64x384xf32, #tpu.memory_space<vmem>>, vector<16xf32>,
          %gt3A_1085 = arith.cmpf ogt, %get3A_1084, %select_n3A_1070 : vector<16xf32>
          %select_n3A_1086 = arith.select %gt3A_1085, %get3A_1084, %select_n3A_1070 : vector<16xi1>, vector<16xf32>
          %select_n3A_1087 = arith.select %gt3A_1085, %add3A_1074, %select_n3A_1071 : vector<16xi1>, vector<16xi32>
          %add3A_1088 = arith.constant 16 : i32
          %add3A_1089 = vector.broadcast %add3A_1088 : i32 to vector<16xi32>
          %add3A_1090 = arith.addi %add3A_1074, %add3A_1089 : vector<16xi32>
          %get3A_1091 = arith.constant 0 : i32
          %get3A_1092 = arith.constant 0 : i32
          %get3A_1093 = arith.constant 0 : i32
          %get3A_1094 = arith.constant 0 : i32
          %get3A_1095 = tpu.memref_slice %run_scoped3A[%rem3A_374, %get3A_1092, %get3A_1093, %get3A_1094] : memref<2x1x64x384xf32, #tpu.memory_space<vmem>> -> memref<1x1x64x384xf32, #tpu.memory_space<vmem>>
          %get3A_1096 = tpu.memref_squeeze %get3A_1095 : memref<1x1x64x384xf32, #tpu.memory_space<vmem>> -> memref<1x64x384xf32, #tpu.memory_space<vmem>>
          %get3A_1097 = arith.index_cast %get3A_1091 : i32 to index
          %get3A_1098 = arith.index_cast %add3A_1026 : i32 to index
          %get3A_1099 = arith.constant 64 : index
          %get3A_1100 = tpu.vector_load %get3A_1096[%get3A_1097, %get3A_1098, %get3A_1099] {strides = array<i32>} : memref<1x64x384xf32, #tpu.memory_space<vmem>>, vector<16xf32>,
          %gt3A_1101 = arith.cmpf ogt, %get3A_1100, %select_n3A_1086 : vector<16xf32>
          %select_n3A_1102 = arith.select %gt3A_1101, %get3A_1100, %select_n3A_1086 : vector<16xi1>, vector<16xf32>
          %select_n3A_1103 = arith.select %gt3A_1101, %add3A_1090, %select_n3A_1087 : vector<16xi1>, vector<16xi32>
          %add3A_1104 = arith.constant 16 : i32
          %add3A_1105 = vector.broadcast %add3A_1104 : i32 to vector<16xi32>
          %add3A_1106 = arith.addi %add3A_1090, %add3A_1105 : vector<16xi32>
          %get3A_1107 = arith.constant 0 : i32
          %get3A_1108 = arith.constant 0 : i32
          %get3A_1109 = arith.constant 0 : i32
          %get3A_1110 = arith.constant 0 : i32
          %get3A_1111 = tpu.memref_slice %run_scoped3A[%rem3A_374, %get3A_1108, %get3A_1109, %get3A_1110] : memref<2x1x64x384xf32, #tpu.memory_space<vmem>> -> memref<1x1x64x384xf32, #tpu.memory_space<vmem>>
          %get3A_1112 = tpu.memref_squeeze %get3A_1111 : memref<1x1x64x384xf32, #tpu.memory_space<vmem>> -> memref<1x64x384xf32, #tpu.memory_space<vmem>>
          %get3A_1113 = arith.index_cast %get3A_1107 : i32 to index
          %get3A_1114 = arith.index_cast %add3A_1026 : i32 to index
          %get3A_1115 = arith.constant 80 : index
          %get3A_1116 = tpu.vector_load %get3A_1112[%get3A_1113, %get3A_1114, %get3A_1115] {strides = array<i32>} : memref<1x64x384xf32, #tpu.memory_space<vmem>>, vector<16xf32>,
          %gt3A_1117 = arith.cmpf ogt, %get3A_1116, %select_n3A_1102 : vector<16xf32>
          %select_n3A_1118 = arith.select %gt3A_1117, %get3A_1116, %select_n3A_1102 : vector<16xi1>, vector<16xf32>
          %select_n3A_1119 = arith.select %gt3A_1117, %add3A_1106, %select_n3A_1103 : vector<16xi1>, vector<16xi32>
          %add3A_1120 = arith.constant 16 : i32
          %add3A_1121 = vector.broadcast %add3A_1120 : i32 to vector<16xi32>
          %add3A_1122 = arith.addi %add3A_1106, %add3A_1121 : vector<16xi32>
          %get3A_1123 = arith.constant 0 : i32
          %get3A_1124 = arith.constant 0 : i32
          %get3A_1125 = arith.constant 0 : i32
          %get3A_1126 = arith.constant 0 : i32
          %get3A_1127 = tpu.memref_slice %run_scoped3A[%rem3A_374, %get3A_1124, %get3A_1125, %get3A_1126] : memref<2x1x64x384xf32, #tpu.memory_space<vmem>> -> memref<1x1x64x384xf32, #tpu.memory_space<vmem>>
          %get3A_1128 = tpu.memref_squeeze %get3A_1127 : memref<1x1x64x384xf32, #tpu.memory_space<vmem>> -> memref<1x64x384xf32, #tpu.memory_space<vmem>>
          %get3A_1129 = arith.index_cast %get3A_1123 : i32 to index
          %get3A_1130 = arith.index_cast %add3A_1026 : i32 to index
          %get3A_1131 = arith.constant 96 : index
          %get3A_1132 = tpu.vector_load %get3A_1128[%get3A_1129, %get3A_1130, %get3A_1131] {strides = array<i32>} : memref<1x64x384xf32, #tpu.memory_space<vmem>>, vector<16xf32>,
          %gt3A_1133 = arith.cmpf ogt, %get3A_1132, %select_n3A_1118 : vector<16xf32>
          %select_n3A_1134 = arith.select %gt3A_1133, %get3A_1132, %select_n3A_1118 : vector<16xi1>, vector<16xf32>
          %select_n3A_1135 = arith.select %gt3A_1133, %add3A_1122, %select_n3A_1119 : vector<16xi1>, vector<16xi32>
          %add3A_1136 = arith.constant 16 : i32
          %add3A_1137 = vector.broadcast %add3A_1136 : i32 to vector<16xi32>
          %add3A_1138 = arith.addi %add3A_1122, %add3A_1137 : vector<16xi32>
          %get3A_1139 = arith.constant 0 : i32
          %get3A_1140 = arith.constant 0 : i32
          %get3A_1141 = arith.constant 0 : i32
          %get3A_1142 = arith.constant 0 : i32
          %get3A_1143 = tpu.memref_slice %run_scoped3A[%rem3A_374, %get3A_1140, %get3A_1141, %get3A_1142] : memref<2x1x64x384xf32, #tpu.memory_space<vmem>> -> memref<1x1x64x384xf32, #tpu.memory_space<vmem>>
          %get3A_1144 = tpu.memref_squeeze %get3A_1143 : memref<1x1x64x384xf32, #tpu.memory_space<vmem>> -> memref<1x64x384xf32, #tpu.memory_space<vmem>>
          %get3A_1145 = arith.index_cast %get3A_1139 : i32 to index
          %get3A_1146 = arith.index_cast %add3A_1026 : i32 to index
          %get3A_1147 = arith.constant 112 : index
          %get3A_1148 = tpu.vector_load %get3A_1144[%get3A_1145, %get3A_1146, %get3A_1147] {strides = array<i32>} : memref<1x64x384xf32, #tpu.memory_space<vmem>>, vector<16xf32>,
          %gt3A_1149 = arith.cmpf ogt, %get3A_1148, %select_n3A_1134 : vector<16xf32>
          %select_n3A_1150 = arith.select %gt3A_1149, %get3A_1148, %select_n3A_1134 : vector<16xi1>, vector<16xf32>
          %select_n3A_1151 = arith.select %gt3A_1149, %add3A_1138, %select_n3A_1135 : vector<16xi1>, vector<16xi32>
          %add3A_1152 = arith.constant 16 : i32
          %add3A_1153 = vector.broadcast %add3A_1152 : i32 to vector<16xi32>
          %add3A_1154 = arith.addi %add3A_1138, %add3A_1153 : vector<16xi32>
          %get3A_1155 = arith.constant 0 : i32
          %get3A_1156 = arith.constant 0 : i32
          %get3A_1157 = arith.constant 0 : i32
          %get3A_1158 = arith.constant 0 : i32
          %get3A_1159 = tpu.memref_slice %run_scoped3A[%rem3A_374, %get3A_1156, %get3A_1157, %get3A_1158] : memref<2x1x64x384xf32, #tpu.memory_space<vmem>> -> memref<1x1x64x384xf32, #tpu.memory_space<vmem>>
          %get3A_1160 = tpu.memref_squeeze %get3A_1159 : memref<1x1x64x384xf32, #tpu.memory_space<vmem>> -> memref<1x64x384xf32, #tpu.memory_space<vmem>>
          %get3A_1161 = arith.index_cast %get3A_1155 : i32 to index
          %get3A_1162 = arith.index_cast %add3A_1026 : i32 to index
          %get3A_1163 = arith.constant 128 : index
          %get3A_1164 = tpu.vector_load %get3A_1160[%get3A_1161, %get3A_1162, %get3A_1163] {strides = array<i32>} : memref<1x64x384xf32, #tpu.memory_space<vmem>>, vector<16xf32>,
          %gt3A_1165 = arith.cmpf ogt, %get3A_1164, %select_n3A_1150 : vector<16xf32>
          %select_n3A_1166 = arith.select %gt3A_1165, %get3A_1164, %select_n3A_1150 : vector<16xi1>, vector<16xf32>
          %select_n3A_1167 = arith.select %gt3A_1165, %add3A_1154, %select_n3A_1151 : vector<16xi1>, vector<16xi32>
          %add3A_1168 = arith.constant 16 : i32
          %add3A_1169 = vector.broadcast %add3A_1168 : i32 to vector<16xi32>
          %add3A_1170 = arith.addi %add3A_1154, %add3A_1169 : vector<16xi32>
          %get3A_1171 = arith.constant 0 : i32
          %get3A_1172 = arith.constant 0 : i32
          %get3A_1173 = arith.constant 0 : i32
          %get3A_1174 = arith.constant 0 : i32
          %get3A_1175 = tpu.memref_slice %run_scoped3A[%rem3A_374, %get3A_1172, %get3A_1173, %get3A_1174] : memref<2x1x64x384xf32, #tpu.memory_space<vmem>> -> memref<1x1x64x384xf32, #tpu.memory_space<vmem>>
          %get3A_1176 = tpu.memref_squeeze %get3A_1175 : memref<1x1x64x384xf32, #tpu.memory_space<vmem>> -> memref<1x64x384xf32, #tpu.memory_space<vmem>>
          %get3A_1177 = arith.index_cast %get3A_1171 : i32 to index
          %get3A_1178 = arith.index_cast %add3A_1026 : i32 to index
          %get3A_1179 = arith.constant 144 : index
          %get3A_1180 = tpu.vector_load %get3A_1176[%get3A_1177, %get3A_1178, %get3A_1179] {strides = array<i32>} : memref<1x64x384xf32, #tpu.memory_space<vmem>>, vector<16xf32>,
          %gt3A_1181 = arith.cmpf ogt, %get3A_1180, %select_n3A_1166 : vector<16xf32>
          %select_n3A_1182 = arith.select %gt3A_1181, %get3A_1180, %select_n3A_1166 : vector<16xi1>, vector<16xf32>
          %select_n3A_1183 = arith.select %gt3A_1181, %add3A_1170, %select_n3A_1167 : vector<16xi1>, vector<16xi32>
          %add3A_1184 = arith.constant 16 : i32
          %add3A_1185 = vector.broadcast %add3A_1184 : i32 to vector<16xi32>
          %add3A_1186 = arith.addi %add3A_1170, %add3A_1185 : vector<16xi32>
          %get3A_1187 = arith.constant 0 : i32
          %get3A_1188 = arith.constant 0 : i32
          %get3A_1189 = arith.constant 0 : i32
          %get3A_1190 = arith.constant 0 : i32
          %get3A_1191 = tpu.memref_slice %run_scoped3A[%rem3A_374, %get3A_1188, %get3A_1189, %get3A_1190] : memref<2x1x64x384xf32, #tpu.memory_space<vmem>> -> memref<1x1x64x384xf32, #tpu.memory_space<vmem>>
          %get3A_1192 = tpu.memref_squeeze %get3A_1191 : memref<1x1x64x384xf32, #tpu.memory_space<vmem>> -> memref<1x64x384xf32, #tpu.memory_space<vmem>>
          %get3A_1193 = arith.index_cast %get3A_1187 : i32 to index
          %get3A_1194 = arith.index_cast %add3A_1026 : i32 to index
          %get3A_1195 = arith.constant 160 : index
          %get3A_1196 = tpu.vector_load %get3A_1192[%get3A_1193, %get3A_1194, %get3A_1195] {strides = array<i32>} : memref<1x64x384xf32, #tpu.memory_space<vmem>>, vector<16xf32>,
          %gt3A_1197 = arith.cmpf ogt, %get3A_1196, %select_n3A_1182 : vector<16xf32>
          %select_n3A_1198 = arith.select %gt3A_1197, %get3A_1196, %select_n3A_1182 : vector<16xi1>, vector<16xf32>
          %select_n3A_1199 = arith.select %gt3A_1197, %add3A_1186, %select_n3A_1183 : vector<16xi1>, vector<16xi32>
          %add3A_1200 = arith.constant 16 : i32
          %add3A_1201 = vector.broadcast %add3A_1200 : i32 to vector<16xi32>
          %add3A_1202 = arith.addi %add3A_1186, %add3A_1201 : vector<16xi32>
          %get3A_1203 = arith.constant 0 : i32
          %get3A_1204 = arith.constant 0 : i32
          %get3A_1205 = arith.constant 0 : i32
          %get3A_1206 = arith.constant 0 : i32
          %get3A_1207 = tpu.memref_slice %run_scoped3A[%rem3A_374, %get3A_1204, %get3A_1205, %get3A_1206] : memref<2x1x64x384xf32, #tpu.memory_space<vmem>> -> memref<1x1x64x384xf32, #tpu.memory_space<vmem>>
          %get3A_1208 = tpu.memref_squeeze %get3A_1207 : memref<1x1x64x384xf32, #tpu.memory_space<vmem>> -> memref<1x64x384xf32, #tpu.memory_space<vmem>>
          %get3A_1209 = arith.index_cast %get3A_1203 : i32 to index
          %get3A_1210 = arith.index_cast %add3A_1026 : i32 to index
          %get3A_1211 = arith.constant 176 : index
          %get3A_1212 = tpu.vector_load %get3A_1208[%get3A_1209, %get3A_1210, %get3A_1211] {strides = array<i32>} : memref<1x64x384xf32, #tpu.memory_space<vmem>>, vector<16xf32>,
          %gt3A_1213 = arith.cmpf ogt, %get3A_1212, %select_n3A_1198 : vector<16xf32>
          %select_n3A_1214 = arith.select %gt3A_1213, %get3A_1212, %select_n3A_1198 : vector<16xi1>, vector<16xf32>
          %select_n3A_1215 = arith.select %gt3A_1213, %add3A_1202, %select_n3A_1199 : vector<16xi1>, vector<16xi32>
          %add3A_1216 = arith.constant 16 : i32
          %add3A_1217 = vector.broadcast %add3A_1216 : i32 to vector<16xi32>
          %add3A_1218 = arith.addi %add3A_1202, %add3A_1217 : vector<16xi32>
          %get3A_1219 = arith.constant 0 : i32
          %get3A_1220 = arith.constant 0 : i32
          %get3A_1221 = arith.constant 0 : i32
          %get3A_1222 = arith.constant 0 : i32
          %get3A_1223 = tpu.memref_slice %run_scoped3A[%rem3A_374, %get3A_1220, %get3A_1221, %get3A_1222] : memref<2x1x64x384xf32, #tpu.memory_space<vmem>> -> memref<1x1x64x384xf32, #tpu.memory_space<vmem>>
          %get3A_1224 = tpu.memref_squeeze %get3A_1223 : memref<1x1x64x384xf32, #tpu.memory_space<vmem>> -> memref<1x64x384xf32, #tpu.memory_space<vmem>>
          %get3A_1225 = arith.index_cast %get3A_1219 : i32 to index
          %get3A_1226 = arith.index_cast %add3A_1026 : i32 to index
          %get3A_1227 = arith.constant 192 : index
          %get3A_1228 = tpu.vector_load %get3A_1224[%get3A_1225, %get3A_1226, %get3A_1227] {strides = array<i32>} : memref<1x64x384xf32, #tpu.memory_space<vmem>>, vector<16xf32>,
          %add3A_1229 = arith.constant 192 : i32
          %add3A_1230 = vector.broadcast %add3A_1229 : i32 to vector<16xi32>
          %add3A_1231 = arith.addi %iota3A, %add3A_1230 : vector<16xi32>
          %add3A_1232 = arith.constant 208 : i32
          %add3A_1233 = vector.broadcast %add3A_1232 : i32 to vector<16xi32>
          %add3A_1234 = arith.addi %iota3A, %add3A_1233 : vector<16xi32>
          %get3A_1235 = arith.constant 0 : i32
          %get3A_1236 = arith.constant 0 : i32
          %get3A_1237 = arith.constant 0 : i32
          %get3A_1238 = arith.constant 0 : i32
          %get3A_1239 = tpu.memref_slice %run_scoped3A[%rem3A_374, %get3A_1236, %get3A_1237, %get3A_1238] : memref<2x1x64x384xf32, #tpu.memory_space<vmem>> -> memref<1x1x64x384xf32, #tpu.memory_space<vmem>>
          %get3A_1240 = tpu.memref_squeeze %get3A_1239 : memref<1x1x64x384xf32, #tpu.memory_space<vmem>> -> memref<1x64x384xf32, #tpu.memory_space<vmem>>
          %get3A_1241 = arith.index_cast %get3A_1235 : i32 to index
          %get3A_1242 = arith.index_cast %add3A_1026 : i32 to index
          %get3A_1243 = arith.constant 208 : index
          %get3A_1244 = tpu.vector_load %get3A_1240[%get3A_1241, %get3A_1242, %get3A_1243] {strides = array<i32>} : memref<1x64x384xf32, #tpu.memory_space<vmem>>, vector<16xf32>,
          %gt3A_1245 = arith.cmpf ogt, %get3A_1244, %get3A_1228 : vector<16xf32>
          %select_n3A_1246 = arith.select %gt3A_1245, %get3A_1244, %get3A_1228 : vector<16xi1>, vector<16xf32>
          %select_n3A_1247 = arith.select %gt3A_1245, %add3A_1234, %add3A_1231 : vector<16xi1>, vector<16xi32>
          %add3A_1248 = arith.constant 16 : i32
          %add3A_1249 = vector.broadcast %add3A_1248 : i32 to vector<16xi32>
          %add3A_1250 = arith.addi %add3A_1234, %add3A_1249 : vector<16xi32>
          %get3A_1251 = arith.constant 0 : i32
          %get3A_1252 = arith.constant 0 : i32
          %get3A_1253 = arith.constant 0 : i32
          %get3A_1254 = arith.constant 0 : i32
          %get3A_1255 = tpu.memref_slice %run_scoped3A[%rem3A_374, %get3A_1252, %get3A_1253, %get3A_1254] : memref<2x1x64x384xf32, #tpu.memory_space<vmem>> -> memref<1x1x64x384xf32, #tpu.memory_space<vmem>>
          %get3A_1256 = tpu.memref_squeeze %get3A_1255 : memref<1x1x64x384xf32, #tpu.memory_space<vmem>> -> memref<1x64x384xf32, #tpu.memory_space<vmem>>
          %get3A_1257 = arith.index_cast %get3A_1251 : i32 to index
          %get3A_1258 = arith.index_cast %add3A_1026 : i32 to index
          %get3A_1259 = arith.constant 224 : index
          %get3A_1260 = tpu.vector_load %get3A_1256[%get3A_1257, %get3A_1258, %get3A_1259] {strides = array<i32>} : memref<1x64x384xf32, #tpu.memory_space<vmem>>, vector<16xf32>,
          %gt3A_1261 = arith.cmpf ogt, %get3A_1260, %select_n3A_1246 : vector<16xf32>
          %select_n3A_1262 = arith.select %gt3A_1261, %get3A_1260, %select_n3A_1246 : vector<16xi1>, vector<16xf32>
          %select_n3A_1263 = arith.select %gt3A_1261, %add3A_1250, %select_n3A_1247 : vector<16xi1>, vector<16xi32>
          %add3A_1264 = arith.constant 16 : i32
          %add3A_1265 = vector.broadcast %add3A_1264 : i32 to vector<16xi32>
          %add3A_1266 = arith.addi %add3A_1250, %add3A_1265 : vector<16xi32>
          %get3A_1267 = arith.constant 0 : i32
          %get3A_1268 = arith.constant 0 : i32
          %get3A_1269 = arith.constant 0 : i32
          %get3A_1270 = arith.constant 0 : i32
          %get3A_1271 = tpu.memref_slice %run_scoped3A[%rem3A_374, %get3A_1268, %get3A_1269, %get3A_1270] : memref<2x1x64x384xf32, #tpu.memory_space<vmem>> -> memref<1x1x64x384xf32, #tpu.memory_space<vmem>>
          %get3A_1272 = tpu.memref_squeeze %get3A_1271 : memref<1x1x64x384xf32, #tpu.memory_space<vmem>> -> memref<1x64x384xf32, #tpu.memory_space<vmem>>
          %get3A_1273 = arith.index_cast %get3A_1267 : i32 to index
          %get3A_1274 = arith.index_cast %add3A_1026 : i32 to index
          %get3A_1275 = arith.constant 240 : index
          %get3A_1276 = tpu.vector_load %get3A_1272[%get3A_1273, %get3A_1274, %get3A_1275] {strides = array<i32>} : memref<1x64x384xf32, #tpu.memory_space<vmem>>, vector<16xf32>,
          %gt3A_1277 = arith.cmpf ogt, %get3A_1276, %select_n3A_1262 : vector<16xf32>
          %select_n3A_1278 = arith.select %gt3A_1277, %get3A_1276, %select_n3A_1262 : vector<16xi1>, vector<16xf32>
          %select_n3A_1279 = arith.select %gt3A_1277, %add3A_1266, %select_n3A_1263 : vector<16xi1>, vector<16xi32>
          %add3A_1280 = arith.constant 16 : i32
          %add3A_1281 = vector.broadcast %add3A_1280 : i32 to vector<16xi32>
          %add3A_1282 = arith.addi %add3A_1266, %add3A_1281 : vector<16xi32>
          %get3A_1283 = arith.constant 0 : i32
          %get3A_1284 = arith.constant 0 : i32
          %get3A_1285 = arith.constant 0 : i32
          %get3A_1286 = arith.constant 0 : i32
          %get3A_1287 = tpu.memref_slice %run_scoped3A[%rem3A_374, %get3A_1284, %get3A_1285, %get3A_1286] : memref<2x1x64x384xf32, #tpu.memory_space<vmem>> -> memref<1x1x64x384xf32, #tpu.memory_space<vmem>>
          %get3A_1288 = tpu.memref_squeeze %get3A_1287 : memref<1x1x64x384xf32, #tpu.memory_space<vmem>> -> memref<1x64x384xf32, #tpu.memory_space<vmem>>
          %get3A_1289 = arith.index_cast %get3A_1283 : i32 to index
          %get3A_1290 = arith.index_cast %add3A_1026 : i32 to index
          %get3A_1291 = arith.constant 256 : index
          %get3A_1292 = tpu.vector_load %get3A_1288[%get3A_1289, %get3A_1290, %get3A_1291] {strides = array<i32>} : memref<1x64x384xf32, #tpu.memory_space<vmem>>, vector<16xf32>,
          %gt3A_1293 = arith.cmpf ogt, %get3A_1292, %select_n3A_1278 : vector<16xf32>
          %select_n3A_1294 = arith.select %gt3A_1293, %get3A_1292, %select_n3A_1278 : vector<16xi1>, vector<16xf32>
          %select_n3A_1295 = arith.select %gt3A_1293, %add3A_1282, %select_n3A_1279 : vector<16xi1>, vector<16xi32>
          %add3A_1296 = arith.constant 16 : i32
          %add3A_1297 = vector.broadcast %add3A_1296 : i32 to vector<16xi32>
          %add3A_1298 = arith.addi %add3A_1282, %add3A_1297 : vector<16xi32>
          %get3A_1299 = arith.constant 0 : i32
          %get3A_1300 = arith.constant 0 : i32
          %get3A_1301 = arith.constant 0 : i32
          %get3A_1302 = arith.constant 0 : i32
          %get3A_1303 = tpu.memref_slice %run_scoped3A[%rem3A_374, %get3A_1300, %get3A_1301, %get3A_1302] : memref<2x1x64x384xf32, #tpu.memory_space<vmem>> -> memref<1x1x64x384xf32, #tpu.memory_space<vmem>>
          %get3A_1304 = tpu.memref_squeeze %get3A_1303 : memref<1x1x64x384xf32, #tpu.memory_space<vmem>> -> memref<1x64x384xf32, #tpu.memory_space<vmem>>
          %get3A_1305 = arith.index_cast %get3A_1299 : i32 to index
          %get3A_1306 = arith.index_cast %add3A_1026 : i32 to index
          %get3A_1307 = arith.constant 272 : index
          %get3A_1308 = tpu.vector_load %get3A_1304[%get3A_1305, %get3A_1306, %get3A_1307] {strides = array<i32>} : memref<1x64x384xf32, #tpu.memory_space<vmem>>, vector<16xf32>,
          %gt3A_1309 = arith.cmpf ogt, %get3A_1308, %select_n3A_1294 : vector<16xf32>
          %select_n3A_1310 = arith.select %gt3A_1309, %get3A_1308, %select_n3A_1294 : vector<16xi1>, vector<16xf32>
          %select_n3A_1311 = arith.select %gt3A_1309, %add3A_1298, %select_n3A_1295 : vector<16xi1>, vector<16xi32>
          %add3A_1312 = arith.constant 16 : i32
          %add3A_1313 = vector.broadcast %add3A_1312 : i32 to vector<16xi32>
          %add3A_1314 = arith.addi %add3A_1298, %add3A_1313 : vector<16xi32>
          %get3A_1315 = arith.constant 0 : i32
          %get3A_1316 = arith.constant 0 : i32
          %get3A_1317 = arith.constant 0 : i32
          %get3A_1318 = arith.constant 0 : i32
          %get3A_1319 = tpu.memref_slice %run_scoped3A[%rem3A_374, %get3A_1316, %get3A_1317, %get3A_1318] : memref<2x1x64x384xf32, #tpu.memory_space<vmem>> -> memref<1x1x64x384xf32, #tpu.memory_space<vmem>>
          %get3A_1320 = tpu.memref_squeeze %get3A_1319 : memref<1x1x64x384xf32, #tpu.memory_space<vmem>> -> memref<1x64x384xf32, #tpu.memory_space<vmem>>
          %get3A_1321 = arith.index_cast %get3A_1315 : i32 to index
          %get3A_1322 = arith.index_cast %add3A_1026 : i32 to index
          %get3A_1323 = arith.constant 288 : index
          %get3A_1324 = tpu.vector_load %get3A_1320[%get3A_1321, %get3A_1322, %get3A_1323] {strides = array<i32>} : memref<1x64x384xf32, #tpu.memory_space<vmem>>, vector<16xf32>,
          %gt3A_1325 = arith.cmpf ogt, %get3A_1324, %select_n3A_1310 : vector<16xf32>
          %select_n3A_1326 = arith.select %gt3A_1325, %get3A_1324, %select_n3A_1310 : vector<16xi1>, vector<16xf32>
          %select_n3A_1327 = arith.select %gt3A_1325, %add3A_1314, %select_n3A_1311 : vector<16xi1>, vector<16xi32>
          %add3A_1328 = arith.constant 16 : i32
          %add3A_1329 = vector.broadcast %add3A_1328 : i32 to vector<16xi32>
          %add3A_1330 = arith.addi %add3A_1314, %add3A_1329 : vector<16xi32>
          %get3A_1331 = arith.constant 0 : i32
          %get3A_1332 = arith.constant 0 : i32
          %get3A_1333 = arith.constant 0 : i32
          %get3A_1334 = arith.constant 0 : i32
          %get3A_1335 = tpu.memref_slice %run_scoped3A[%rem3A_374, %get3A_1332, %get3A_1333, %get3A_1334] : memref<2x1x64x384xf32, #tpu.memory_space<vmem>> -> memref<1x1x64x384xf32, #tpu.memory_space<vmem>>
          %get3A_1336 = tpu.memref_squeeze %get3A_1335 : memref<1x1x64x384xf32, #tpu.memory_space<vmem>> -> memref<1x64x384xf32, #tpu.memory_space<vmem>>
          %get3A_1337 = arith.index_cast %get3A_1331 : i32 to index
          %get3A_1338 = arith.index_cast %add3A_1026 : i32 to index
          %get3A_1339 = arith.constant 304 : index
          %get3A_1340 = tpu.vector_load %get3A_1336[%get3A_1337, %get3A_1338, %get3A_1339] {strides = array<i32>} : memref<1x64x384xf32, #tpu.memory_space<vmem>>, vector<16xf32>,
          %gt3A_1341 = arith.cmpf ogt, %get3A_1340, %select_n3A_1326 : vector<16xf32>
          %select_n3A_1342 = arith.select %gt3A_1341, %get3A_1340, %select_n3A_1326 : vector<16xi1>, vector<16xf32>
          %select_n3A_1343 = arith.select %gt3A_1341, %add3A_1330, %select_n3A_1327 : vector<16xi1>, vector<16xi32>
          %add3A_1344 = arith.constant 16 : i32
          %add3A_1345 = vector.broadcast %add3A_1344 : i32 to vector<16xi32>
          %add3A_1346 = arith.addi %add3A_1330, %add3A_1345 : vector<16xi32>
          %get3A_1347 = arith.constant 0 : i32
          %get3A_1348 = arith.constant 0 : i32
          %get3A_1349 = arith.constant 0 : i32
          %get3A_1350 = arith.constant 0 : i32
          %get3A_1351 = tpu.memref_slice %run_scoped3A[%rem3A_374, %get3A_1348, %get3A_1349, %get3A_1350] : memref<2x1x64x384xf32, #tpu.memory_space<vmem>> -> memref<1x1x64x384xf32, #tpu.memory_space<vmem>>
          %get3A_1352 = tpu.memref_squeeze %get3A_1351 : memref<1x1x64x384xf32, #tpu.memory_space<vmem>> -> memref<1x64x384xf32, #tpu.memory_space<vmem>>
          %get3A_1353 = arith.index_cast %get3A_1347 : i32 to index
          %get3A_1354 = arith.index_cast %add3A_1026 : i32 to index
          %get3A_1355 = arith.constant 320 : index
          %get3A_1356 = tpu.vector_load %get3A_1352[%get3A_1353, %get3A_1354, %get3A_1355] {strides = array<i32>} : memref<1x64x384xf32, #tpu.memory_space<vmem>>, vector<16xf32>,
          %gt3A_1357 = arith.cmpf ogt, %get3A_1356, %select_n3A_1342 : vector<16xf32>
          %select_n3A_1358 = arith.select %gt3A_1357, %get3A_1356, %select_n3A_1342 : vector<16xi1>, vector<16xf32>
          %select_n3A_1359 = arith.select %gt3A_1357, %add3A_1346, %select_n3A_1343 : vector<16xi1>, vector<16xi32>
          %add3A_1360 = arith.constant 16 : i32
          %add3A_1361 = vector.broadcast %add3A_1360 : i32 to vector<16xi32>
          %add3A_1362 = arith.addi %add3A_1346, %add3A_1361 : vector<16xi32>
          %get3A_1363 = arith.constant 0 : i32
          %get3A_1364 = arith.constant 0 : i32
          %get3A_1365 = arith.constant 0 : i32
          %get3A_1366 = arith.constant 0 : i32
          %get3A_1367 = tpu.memref_slice %run_scoped3A[%rem3A_374, %get3A_1364, %get3A_1365, %get3A_1366] : memref<2x1x64x384xf32, #tpu.memory_space<vmem>> -> memref<1x1x64x384xf32, #tpu.memory_space<vmem>>
          %get3A_1368 = tpu.memref_squeeze %get3A_1367 : memref<1x1x64x384xf32, #tpu.memory_space<vmem>> -> memref<1x64x384xf32, #tpu.memory_space<vmem>>
          %get3A_1369 = arith.index_cast %get3A_1363 : i32 to index
          %get3A_1370 = arith.index_cast %add3A_1026 : i32 to index
          %get3A_1371 = arith.constant 336 : index
          %get3A_1372 = tpu.vector_load %get3A_1368[%get3A_1369, %get3A_1370, %get3A_1371] {strides = array<i32>} : memref<1x64x384xf32, #tpu.memory_space<vmem>>, vector<16xf32>,
          %gt3A_1373 = arith.cmpf ogt, %get3A_1372, %select_n3A_1358 : vector<16xf32>
          %select_n3A_1374 = arith.select %gt3A_1373, %get3A_1372, %select_n3A_1358 : vector<16xi1>, vector<16xf32>
          %select_n3A_1375 = arith.select %gt3A_1373, %add3A_1362, %select_n3A_1359 : vector<16xi1>, vector<16xi32>
          %add3A_1376 = arith.constant 16 : i32
          %add3A_1377 = vector.broadcast %add3A_1376 : i32 to vector<16xi32>
          %add3A_1378 = arith.addi %add3A_1362, %add3A_1377 : vector<16xi32>
          %get3A_1379 = arith.constant 0 : i32
          %get3A_1380 = arith.constant 0 : i32
          %get3A_1381 = arith.constant 0 : i32
          %get3A_1382 = arith.constant 0 : i32
          %get3A_1383 = tpu.memref_slice %run_scoped3A[%rem3A_374, %get3A_1380, %get3A_1381, %get3A_1382] : memref<2x1x64x384xf32, #tpu.memory_space<vmem>> -> memref<1x1x64x384xf32, #tpu.memory_space<vmem>>
          %get3A_1384 = tpu.memref_squeeze %get3A_1383 : memref<1x1x64x384xf32, #tpu.memory_space<vmem>> -> memref<1x64x384xf32, #tpu.memory_space<vmem>>
          %get3A_1385 = arith.index_cast %get3A_1379 : i32 to index
          %get3A_1386 = arith.index_cast %add3A_1026 : i32 to index
          %get3A_1387 = arith.constant 352 : index
          %get3A_1388 = tpu.vector_load %get3A_1384[%get3A_1385, %get3A_1386, %get3A_1387] {strides = array<i32>} : memref<1x64x384xf32, #tpu.memory_space<vmem>>, vector<16xf32>,
          %gt3A_1389 = arith.cmpf ogt, %get3A_1388, %select_n3A_1374 : vector<16xf32>
          %select_n3A_1390 = arith.select %gt3A_1389, %get3A_1388, %select_n3A_1374 : vector<16xi1>, vector<16xf32>
          %select_n3A_1391 = arith.select %gt3A_1389, %add3A_1378, %select_n3A_1375 : vector<16xi1>, vector<16xi32>
          %add3A_1392 = arith.constant 16 : i32
          %add3A_1393 = vector.broadcast %add3A_1392 : i32 to vector<16xi32>
          %add3A_1394 = arith.addi %add3A_1378, %add3A_1393 : vector<16xi32>
          %get3A_1395 = arith.constant 0 : i32
          %get3A_1396 = arith.constant 0 : i32
          %get3A_1397 = arith.constant 0 : i32
          %get3A_1398 = arith.constant 0 : i32
          %get3A_1399 = tpu.memref_slice %run_scoped3A[%rem3A_374, %get3A_1396, %get3A_1397, %get3A_1398] : memref<2x1x64x384xf32, #tpu.memory_space<vmem>> -> memref<1x1x64x384xf32, #tpu.memory_space<vmem>>
          %get3A_1400 = tpu.memref_squeeze %get3A_1399 : memref<1x1x64x384xf32, #tpu.memory_space<vmem>> -> memref<1x64x384xf32, #tpu.memory_space<vmem>>
          %get3A_1401 = arith.index_cast %get3A_1395 : i32 to index
          %get3A_1402 = arith.index_cast %add3A_1026 : i32 to index
          %get3A_1403 = arith.constant 368 : index
          %get3A_1404 = tpu.vector_load %get3A_1400[%get3A_1401, %get3A_1402, %get3A_1403] {strides = array<i32>} : memref<1x64x384xf32, #tpu.memory_space<vmem>>, vector<16xf32>,
          %gt3A_1405 = arith.cmpf ogt, %get3A_1404, %select_n3A_1390 : vector<16xf32>
          %select_n3A_1406 = arith.select %gt3A_1405, %get3A_1404, %select_n3A_1390 : vector<16xi1>, vector<16xf32>
          %select_n3A_1407 = arith.select %gt3A_1405, %add3A_1394, %select_n3A_1391 : vector<16xi1>, vector<16xi32>
          %add3A_1408 = arith.constant 16 : i32
          %add3A_1409 = vector.broadcast %add3A_1408 : i32 to vector<16xi32>
          %add3A_1410 = arith.addi %add3A_1394, %add3A_1409 : vector<16xi32>
          %gt3A_1411 = arith.cmpf ogt, %select_n3A_1406, %select_n3A_1214 : vector<16xf32>
          %select_n3A_1412 = arith.select %gt3A_1411, %select_n3A_1406, %select_n3A_1214 : vector<16xi1>, vector<16xf32>
          %select_n3A_1413 = arith.select %gt3A_1411, %select_n3A_1407, %select_n3A_1215 : vector<16xi1>, vector<16xi32>
          %reduce_max3A_1414 = arith.constant true
          %reduce_max3A_1415 = vector.broadcast %reduce_max3A_1414 : i1 to vector<16xi1>
          %reduce_max3A_1416 = tpu.scan <max>, %select_n3A_1412 masked %reduce_max3A_1415 : vector<16xf32>, vector<16xi1> -> vector<16xf32>
          %reduce_max3A_1417 = vector.extract %reduce_max3A_1416[15] : f32 from vector<16xf32>
          %eq3A_1418 = vector.broadcast %reduce_max3A_1417 : f32 to vector<16xf32>
          %eq3A_1419 = arith.cmpf oeq, %select_n3A_1412, %eq3A_1418 : vector<16xf32>
          %jit3A_1420 = arith.constant 2147483647 : i32
          %broadcast_in_dim3A_1421 = vector.broadcast %jit3A_1420 : i32 to vector<16xi32>
          %select_n3A_1422 = arith.select %eq3A_1419, %select_n3A_1413, %broadcast_in_dim3A_1421 : vector<16xi1>, vector<16xi32>
          %reduce_min3A_1423 = arith.constant true
          %reduce_min3A_1424 = vector.broadcast %reduce_min3A_1423 : i1 to vector<16xi1>
          %reduce_min3A_1425 = arith.constant -2147483648 : i32
          %reduce_min3A_1426 = vector.broadcast %reduce_min3A_1425 : i32 to vector<16xi32>
          %reduce_min3A_1427 = arith.xori %select_n3A_1422, %reduce_min3A_1426 : vector<16xi32>
          %reduce_min3A_1428 = tpu.scan <min>, %reduce_min3A_1427 masked %reduce_min3A_1424 : vector<16xi32>, vector<16xi1> -> vector<16xi32>
          %reduce_min3A_1429 = arith.xori %reduce_min3A_1428, %reduce_min3A_1426 : vector<16xi32>
          %reduce_min3A_1430 = vector.extract %reduce_min3A_1429[15] : i32 from vector<16xi32>
          %eq3A_1431 = vector.broadcast %add3A_1024 : i32 to vector<16xi32>
          %eq3A_1432 = arith.cmpi eq, %iota3A, %eq3A_1431 : vector<16xi32>
          %broadcast_in_dim3A_1433 = vector.broadcast %reduce_max3A_1417 : f32 to vector<16xf32>
          %select_n3A_1434 = arith.select %eq3A_1432, %broadcast_in_dim3A_1433, %select_n3A_1018 : vector<16xi1>, vector<16xf32>
          %broadcast_in_dim3A_1435 = vector.broadcast %reduce_min3A_1430 : i32 to vector<16xi32>
          %select_n3A_1436 = arith.select %eq3A_1432, %broadcast_in_dim3A_1435, %select_n3A_1020 : vector<16xi1>, vector<16xi32>
          scf.yield %select_n3A_1434, %select_n3A_1436 : vector<16xf32>, vector<16xi32>
        }
        %scan3A_430 = arith.constant 8 : i32
        %swap3A_431 = arith.constant 2 : i32
        %swap3A_432 = arith.constant 0 : i32
        %swap3A_433 = arith.constant 0 : i32
        %swap3A_434 = tpu.memref_slice %run_scoped3A_8[%rem3A_376, %swap3A_432, %swap3A_433] : memref<2x4x16xf32, #tpu.memory_space<vmem>> -> memref<1x4x16xf32, #tpu.memory_space<vmem>>
        %swap3A_435 = tpu.memref_squeeze %swap3A_434 : memref<1x4x16xf32, #tpu.memory_space<vmem>> -> memref<4x16xf32, #tpu.memory_space<vmem>>
        %swap3A_436 = arith.index_cast %swap3A_431 : i32 to index
        %swap3A_437 = arith.constant 0 : index
        %swap3A_438 = tpu.vector_load %swap3A_435[%swap3A_436, %swap3A_437] {strides = array<i32>} : memref<4x16xf32, #tpu.memory_space<vmem>>, vector<16xf32>,
        tpu.vector_store %swap3A_435[%swap3A_436, %swap3A_437], %scan3A_429#0 {strides = array<i32>} : memref<4x16xf32, #tpu.memory_space<vmem>>, vector<16xf32>,
        %swap3A_439 = arith.constant 2 : i32
        %swap3A_440 = arith.constant 0 : i32
        %swap3A_441 = arith.constant 0 : i32
        %swap3A_442 = tpu.memref_slice %run_scoped3A_10[%rem3A_378, %swap3A_440, %swap3A_441] : memref<2x4x16xi32, #tpu.memory_space<vmem>> -> memref<1x4x16xi32, #tpu.memory_space<vmem>>
        %swap3A_443 = tpu.memref_squeeze %swap3A_442 : memref<1x4x16xi32, #tpu.memory_space<vmem>> -> memref<4x16xi32, #tpu.memory_space<vmem>>
        %swap3A_444 = arith.index_cast %swap3A_439 : i32 to index
        %swap3A_445 = arith.constant 0 : index
        %swap3A_446 = tpu.vector_load %swap3A_443[%swap3A_444, %swap3A_445] {strides = array<i32>} : memref<4x16xi32, #tpu.memory_space<vmem>>, vector<16xi32>,
        tpu.vector_store %swap3A_443[%swap3A_444, %swap3A_445], %scan3A_429#1 {strides = array<i32>} : memref<4x16xi32, #tpu.memory_space<vmem>>, vector<16xi32>,
        %scan3A_447 = arith.constant 0 : i32
        %scan3A_448 = arith.constant 8 : i32
        %scan3A_449 = arith.addi %scan3A_447, %scan3A_448 : i32
        %scan3A_450 = arith.constant 1 : i32
        %scan3A_451:2 = scf.for %scan3A_607 = %scan3A_447 to %scan3A_449 step %scan3A_450 iter_args(%scan3A_608 = %broadcast_in_dim3A_379, %scan3A_609 = %broadcast_in_dim3A_381) -> (vector<16xf32>, vector<16xi32>)  : i32 {
          %mul3A_610 = arith.constant 2 : i32
          %mul3A_611 = arith.muli %mul3A_610, %scan3A_607 : i32
          %add3A_612 = arith.constant 0 : i32
          %add3A_613 = arith.addi %mul3A_611, %add3A_612 : i32
          %add3A_614 = arith.constant 48 : i32
          %add3A_615 = arith.addi %add3A_614, %add3A_613 : i32
          %get3A = arith.constant 0 : i32
          %get3A_616 = arith.constant 0 : i32
          %get3A_617 = arith.constant 0 : i32
          %get3A_618 = arith.constant 0 : i32
          %get3A_619 = tpu.memref_slice %run_scoped3A[%rem3A_374, %get3A_616, %get3A_617, %get3A_618] : memref<2x1x64x384xf32, #tpu.memory_space<vmem>> -> memref<1x1x64x384xf32, #tpu.memory_space<vmem>>
          %get3A_620 = tpu.memref_squeeze %get3A_619 : memref<1x1x64x384xf32, #tpu.memory_space<vmem>> -> memref<1x64x384xf32, #tpu.memory_space<vmem>>
          %get3A_621 = arith.index_cast %get3A : i32 to index
          %get3A_622 = arith.index_cast %add3A_615 : i32 to index
          %get3A_623 = arith.constant 0 : index
          %get3A_624 = tpu.vector_load %get3A_620[%get3A_621, %get3A_622, %get3A_623] {strides = array<i32>} : memref<1x64x384xf32, #tpu.memory_space<vmem>>, vector<16xf32>,
          %add3A_625 = arith.constant 0 : i32
          %add3A_626 = vector.broadcast %add3A_625 : i32 to vector<16xi32>
          %add3A_627 = arith.addi %iota3A, %add3A_626 : vector<16xi32>
          %add3A_628 = arith.constant 16 : i32
          %add3A_629 = vector.broadcast %add3A_628 : i32 to vector<16xi32>
          %add3A_630 = arith.addi %iota3A, %add3A_629 : vector<16xi32>
          %get3A_631 = arith.constant 0 : i32
          %get3A_632 = arith.constant 0 : i32
          %get3A_633 = arith.constant 0 : i32
          %get3A_634 = arith.constant 0 : i32
          %get3A_635 = tpu.memref_slice %run_scoped3A[%rem3A_374, %get3A_632, %get3A_633, %get3A_634] : memref<2x1x64x384xf32, #tpu.memory_space<vmem>> -> memref<1x1x64x384xf32, #tpu.memory_space<vmem>>
          %get3A_636 = tpu.memref_squeeze %get3A_635 : memref<1x1x64x384xf32, #tpu.memory_space<vmem>> -> memref<1x64x384xf32, #tpu.memory_space<vmem>>
          %get3A_637 = arith.index_cast %get3A_631 : i32 to index
          %get3A_638 = arith.index_cast %add3A_615 : i32 to index
          %get3A_639 = arith.constant 16 : index
          %get3A_640 = tpu.vector_load %get3A_636[%get3A_637, %get3A_638, %get3A_639] {strides = array<i32>} : memref<1x64x384xf32, #tpu.memory_space<vmem>>, vector<16xf32>,
          %gt3A = arith.cmpf ogt, %get3A_640, %get3A_624 : vector<16xf32>
          %select_n3A_641 = arith.select %gt3A, %get3A_640, %get3A_624 : vector<16xi1>, vector<16xf32>
          %select_n3A_642 = arith.select %gt3A, %add3A_630, %add3A_627 : vector<16xi1>, vector<16xi32>
          %add3A_643 = arith.constant 16 : i32
          %add3A_644 = vector.broadcast %add3A_643 : i32 to vector<16xi32>
          %add3A_645 = arith.addi %add3A_630, %add3A_644 : vector<16xi32>
          %get3A_646 = arith.constant 0 : i32
          %get3A_647 = arith.constant 0 : i32
          %get3A_648 = arith.constant 0 : i32
          %get3A_649 = arith.constant 0 : i32
          %get3A_650 = tpu.memref_slice %run_scoped3A[%rem3A_374, %get3A_647, %get3A_648, %get3A_649] : memref<2x1x64x384xf32, #tpu.memory_space<vmem>> -> memref<1x1x64x384xf32, #tpu.memory_space<vmem>>
          %get3A_651 = tpu.memref_squeeze %get3A_650 : memref<1x1x64x384xf32, #tpu.memory_space<vmem>> -> memref<1x64x384xf32, #tpu.memory_space<vmem>>
          %get3A_652 = arith.index_cast %get3A_646 : i32 to index
          %get3A_653 = arith.index_cast %add3A_615 : i32 to index
          %get3A_654 = arith.constant 32 : index
          %get3A_655 = tpu.vector_load %get3A_651[%get3A_652, %get3A_653, %get3A_654] {strides = array<i32>} : memref<1x64x384xf32, #tpu.memory_space<vmem>>, vector<16xf32>,
          %gt3A_656 = arith.cmpf ogt, %get3A_655, %select_n3A_641 : vector<16xf32>
          %select_n3A_657 = arith.select %gt3A_656, %get3A_655, %select_n3A_641 : vector<16xi1>, vector<16xf32>
          %select_n3A_658 = arith.select %gt3A_656, %add3A_645, %select_n3A_642 : vector<16xi1>, vector<16xi32>
          %add3A_659 = arith.constant 16 : i32
          %add3A_660 = vector.broadcast %add3A_659 : i32 to vector<16xi32>
          %add3A_661 = arith.addi %add3A_645, %add3A_660 : vector<16xi32>
          %get3A_662 = arith.constant 0 : i32
          %get3A_663 = arith.constant 0 : i32
          %get3A_664 = arith.constant 0 : i32
          %get3A_665 = arith.constant 0 : i32
          %get3A_666 = tpu.memref_slice %run_scoped3A[%rem3A_374, %get3A_663, %get3A_664, %get3A_665] : memref<2x1x64x384xf32, #tpu.memory_space<vmem>> -> memref<1x1x64x384xf32, #tpu.memory_space<vmem>>
          %get3A_667 = tpu.memref_squeeze %get3A_666 : memref<1x1x64x384xf32, #tpu.memory_space<vmem>> -> memref<1x64x384xf32, #tpu.memory_space<vmem>>
          %get3A_668 = arith.index_cast %get3A_662 : i32 to index
          %get3A_669 = arith.index_cast %add3A_615 : i32 to index
          %get3A_670 = arith.constant 48 : index
          %get3A_671 = tpu.vector_load %get3A_667[%get3A_668, %get3A_669, %get3A_670] {strides = array<i32>} : memref<1x64x384xf32, #tpu.memory_space<vmem>>, vector<16xf32>,
          %gt3A_672 = arith.cmpf ogt, %get3A_671, %select_n3A_657 : vector<16xf32>
          %select_n3A_673 = arith.select %gt3A_672, %get3A_671, %select_n3A_657 : vector<16xi1>, vector<16xf32>
          %select_n3A_674 = arith.select %gt3A_672, %add3A_661, %select_n3A_658 : vector<16xi1>, vector<16xi32>
          %add3A_675 = arith.constant 16 : i32
          %add3A_676 = vector.broadcast %add3A_675 : i32 to vector<16xi32>
          %add3A_677 = arith.addi %add3A_661, %add3A_676 : vector<16xi32>
          %get3A_678 = arith.constant 0 : i32
          %get3A_679 = arith.constant 0 : i32
          %get3A_680 = arith.constant 0 : i32
          %get3A_681 = arith.constant 0 : i32
          %get3A_682 = tpu.memref_slice %run_scoped3A[%rem3A_374, %get3A_679, %get3A_680, %get3A_681] : memref<2x1x64x384xf32, #tpu.memory_space<vmem>> -> memref<1x1x64x384xf32, #tpu.memory_space<vmem>>
          %get3A_683 = tpu.memref_squeeze %get3A_682 : memref<1x1x64x384xf32, #tpu.memory_space<vmem>> -> memref<1x64x384xf32, #tpu.memory_space<vmem>>
          %get3A_684 = arith.index_cast %get3A_678 : i32 to index
          %get3A_685 = arith.index_cast %add3A_615 : i32 to index
          %get3A_686 = arith.constant 64 : index
          %get3A_687 = tpu.vector_load %get3A_683[%get3A_684, %get3A_685, %get3A_686] {strides = array<i32>} : memref<1x64x384xf32, #tpu.memory_space<vmem>>, vector<16xf32>,
          %gt3A_688 = arith.cmpf ogt, %get3A_687, %select_n3A_673 : vector<16xf32>
          %select_n3A_689 = arith.select %gt3A_688, %get3A_687, %select_n3A_673 : vector<16xi1>, vector<16xf32>
          %select_n3A_690 = arith.select %gt3A_688, %add3A_677, %select_n3A_674 : vector<16xi1>, vector<16xi32>
          %add3A_691 = arith.constant 16 : i32
          %add3A_692 = vector.broadcast %add3A_691 : i32 to vector<16xi32>
          %add3A_693 = arith.addi %add3A_677, %add3A_692 : vector<16xi32>
          %get3A_694 = arith.constant 0 : i32
          %get3A_695 = arith.constant 0 : i32
          %get3A_696 = arith.constant 0 : i32
          %get3A_697 = arith.constant 0 : i32
          %get3A_698 = tpu.memref_slice %run_scoped3A[%rem3A_374, %get3A_695, %get3A_696, %get3A_697] : memref<2x1x64x384xf32, #tpu.memory_space<vmem>> -> memref<1x1x64x384xf32, #tpu.memory_space<vmem>>
          %get3A_699 = tpu.memref_squeeze %get3A_698 : memref<1x1x64x384xf32, #tpu.memory_space<vmem>> -> memref<1x64x384xf32, #tpu.memory_space<vmem>>
          %get3A_700 = arith.index_cast %get3A_694 : i32 to index
          %get3A_701 = arith.index_cast %add3A_615 : i32 to index
          %get3A_702 = arith.constant 80 : index
          %get3A_703 = tpu.vector_load %get3A_699[%get3A_700, %get3A_701, %get3A_702] {strides = array<i32>} : memref<1x64x384xf32, #tpu.memory_space<vmem>>, vector<16xf32>,
          %gt3A_704 = arith.cmpf ogt, %get3A_703, %select_n3A_689 : vector<16xf32>
          %select_n3A_705 = arith.select %gt3A_704, %get3A_703, %select_n3A_689 : vector<16xi1>, vector<16xf32>
          %select_n3A_706 = arith.select %gt3A_704, %add3A_693, %select_n3A_690 : vector<16xi1>, vector<16xi32>
          %add3A_707 = arith.constant 16 : i32
          %add3A_708 = vector.broadcast %add3A_707 : i32 to vector<16xi32>
          %add3A_709 = arith.addi %add3A_693, %add3A_708 : vector<16xi32>
          %get3A_710 = arith.constant 0 : i32
          %get3A_711 = arith.constant 0 : i32
          %get3A_712 = arith.constant 0 : i32
          %get3A_713 = arith.constant 0 : i32
          %get3A_714 = tpu.memref_slice %run_scoped3A[%rem3A_374, %get3A_711, %get3A_712, %get3A_713] : memref<2x1x64x384xf32, #tpu.memory_space<vmem>> -> memref<1x1x64x384xf32, #tpu.memory_space<vmem>>
          %get3A_715 = tpu.memref_squeeze %get3A_714 : memref<1x1x64x384xf32, #tpu.memory_space<vmem>> -> memref<1x64x384xf32, #tpu.memory_space<vmem>>
          %get3A_716 = arith.index_cast %get3A_710 : i32 to index
          %get3A_717 = arith.index_cast %add3A_615 : i32 to index
          %get3A_718 = arith.constant 96 : index
          %get3A_719 = tpu.vector_load %get3A_715[%get3A_716, %get3A_717, %get3A_718] {strides = array<i32>} : memref<1x64x384xf32, #tpu.memory_space<vmem>>, vector<16xf32>,
          %gt3A_720 = arith.cmpf ogt, %get3A_719, %select_n3A_705 : vector<16xf32>
          %select_n3A_721 = arith.select %gt3A_720, %get3A_719, %select_n3A_705 : vector<16xi1>, vector<16xf32>
          %select_n3A_722 = arith.select %gt3A_720, %add3A_709, %select_n3A_706 : vector<16xi1>, vector<16xi32>
          %add3A_723 = arith.constant 16 : i32
          %add3A_724 = vector.broadcast %add3A_723 : i32 to vector<16xi32>
          %add3A_725 = arith.addi %add3A_709, %add3A_724 : vector<16xi32>
          %get3A_726 = arith.constant 0 : i32
          %get3A_727 = arith.constant 0 : i32
          %get3A_728 = arith.constant 0 : i32
          %get3A_729 = arith.constant 0 : i32
          %get3A_730 = tpu.memref_slice %run_scoped3A[%rem3A_374, %get3A_727, %get3A_728, %get3A_729] : memref<2x1x64x384xf32, #tpu.memory_space<vmem>> -> memref<1x1x64x384xf32, #tpu.memory_space<vmem>>
          %get3A_731 = tpu.memref_squeeze %get3A_730 : memref<1x1x64x384xf32, #tpu.memory_space<vmem>> -> memref<1x64x384xf32, #tpu.memory_space<vmem>>
          %get3A_732 = arith.index_cast %get3A_726 : i32 to index
          %get3A_733 = arith.index_cast %add3A_615 : i32 to index
          %get3A_734 = arith.constant 112 : index
          %get3A_735 = tpu.vector_load %get3A_731[%get3A_732, %get3A_733, %get3A_734] {strides = array<i32>} : memref<1x64x384xf32, #tpu.memory_space<vmem>>, vector<16xf32>,
          %gt3A_736 = arith.cmpf ogt, %get3A_735, %select_n3A_721 : vector<16xf32>
          %select_n3A_737 = arith.select %gt3A_736, %get3A_735, %select_n3A_721 : vector<16xi1>, vector<16xf32>
          %select_n3A_738 = arith.select %gt3A_736, %add3A_725, %select_n3A_722 : vector<16xi1>, vector<16xi32>
          %add3A_739 = arith.constant 16 : i32
          %add3A_740 = vector.broadcast %add3A_739 : i32 to vector<16xi32>
          %add3A_741 = arith.addi %add3A_725, %add3A_740 : vector<16xi32>
          %get3A_742 = arith.constant 0 : i32
          %get3A_743 = arith.constant 0 : i32
          %get3A_744 = arith.constant 0 : i32
          %get3A_745 = arith.constant 0 : i32
          %get3A_746 = tpu.memref_slice %run_scoped3A[%rem3A_374, %get3A_743, %get3A_744, %get3A_745] : memref<2x1x64x384xf32, #tpu.memory_space<vmem>> -> memref<1x1x64x384xf32, #tpu.memory_space<vmem>>
          %get3A_747 = tpu.memref_squeeze %get3A_746 : memref<1x1x64x384xf32, #tpu.memory_space<vmem>> -> memref<1x64x384xf32, #tpu.memory_space<vmem>>
          %get3A_748 = arith.index_cast %get3A_742 : i32 to index
          %get3A_749 = arith.index_cast %add3A_615 : i32 to index
          %get3A_750 = arith.constant 128 : index
          %get3A_751 = tpu.vector_load %get3A_747[%get3A_748, %get3A_749, %get3A_750] {strides = array<i32>} : memref<1x64x384xf32, #tpu.memory_space<vmem>>, vector<16xf32>,
          %gt3A_752 = arith.cmpf ogt, %get3A_751, %select_n3A_737 : vector<16xf32>
          %select_n3A_753 = arith.select %gt3A_752, %get3A_751, %select_n3A_737 : vector<16xi1>, vector<16xf32>
          %select_n3A_754 = arith.select %gt3A_752, %add3A_741, %select_n3A_738 : vector<16xi1>, vector<16xi32>
          %add3A_755 = arith.constant 16 : i32
          %add3A_756 = vector.broadcast %add3A_755 : i32 to vector<16xi32>
          %add3A_757 = arith.addi %add3A_741, %add3A_756 : vector<16xi32>
          %get3A_758 = arith.constant 0 : i32
          %get3A_759 = arith.constant 0 : i32
          %get3A_760 = arith.constant 0 : i32
          %get3A_761 = arith.constant 0 : i32
          %get3A_762 = tpu.memref_slice %run_scoped3A[%rem3A_374, %get3A_759, %get3A_760, %get3A_761] : memref<2x1x64x384xf32, #tpu.memory_space<vmem>> -> memref<1x1x64x384xf32, #tpu.memory_space<vmem>>
          %get3A_763 = tpu.memref_squeeze %get3A_762 : memref<1x1x64x384xf32, #tpu.memory_space<vmem>> -> memref<1x64x384xf32, #tpu.memory_space<vmem>>
          %get3A_764 = arith.index_cast %get3A_758 : i32 to index
          %get3A_765 = arith.index_cast %add3A_615 : i32 to index
          %get3A_766 = arith.constant 144 : index
          %get3A_767 = tpu.vector_load %get3A_763[%get3A_764, %get3A_765, %get3A_766] {strides = array<i32>} : memref<1x64x384xf32, #tpu.memory_space<vmem>>, vector<16xf32>,
          %gt3A_768 = arith.cmpf ogt, %get3A_767, %select_n3A_753 : vector<16xf32>
          %select_n3A_769 = arith.select %gt3A_768, %get3A_767, %select_n3A_753 : vector<16xi1>, vector<16xf32>
          %select_n3A_770 = arith.select %gt3A_768, %add3A_757, %select_n3A_754 : vector<16xi1>, vector<16xi32>
          %add3A_771 = arith.constant 16 : i32
          %add3A_772 = vector.broadcast %add3A_771 : i32 to vector<16xi32>
          %add3A_773 = arith.addi %add3A_757, %add3A_772 : vector<16xi32>
          %get3A_774 = arith.constant 0 : i32
          %get3A_775 = arith.constant 0 : i32
          %get3A_776 = arith.constant 0 : i32
          %get3A_777 = arith.constant 0 : i32
          %get3A_778 = tpu.memref_slice %run_scoped3A[%rem3A_374, %get3A_775, %get3A_776, %get3A_777] : memref<2x1x64x384xf32, #tpu.memory_space<vmem>> -> memref<1x1x64x384xf32, #tpu.memory_space<vmem>>
          %get3A_779 = tpu.memref_squeeze %get3A_778 : memref<1x1x64x384xf32, #tpu.memory_space<vmem>> -> memref<1x64x384xf32, #tpu.memory_space<vmem>>
          %get3A_780 = arith.index_cast %get3A_774 : i32 to index
          %get3A_781 = arith.index_cast %add3A_615 : i32 to index
          %get3A_782 = arith.constant 160 : index
          %get3A_783 = tpu.vector_load %get3A_779[%get3A_780, %get3A_781, %get3A_782] {strides = array<i32>} : memref<1x64x384xf32, #tpu.memory_space<vmem>>, vector<16xf32>,
          %gt3A_784 = arith.cmpf ogt, %get3A_783, %select_n3A_769 : vector<16xf32>
          %select_n3A_785 = arith.select %gt3A_784, %get3A_783, %select_n3A_769 : vector<16xi1>, vector<16xf32>
          %select_n3A_786 = arith.select %gt3A_784, %add3A_773, %select_n3A_770 : vector<16xi1>, vector<16xi32>
          %add3A_787 = arith.constant 16 : i32
          %add3A_788 = vector.broadcast %add3A_787 : i32 to vector<16xi32>
          %add3A_789 = arith.addi %add3A_773, %add3A_788 : vector<16xi32>
          %get3A_790 = arith.constant 0 : i32
          %get3A_791 = arith.constant 0 : i32
          %get3A_792 = arith.constant 0 : i32
          %get3A_793 = arith.constant 0 : i32
          %get3A_794 = tpu.memref_slice %run_scoped3A[%rem3A_374, %get3A_791, %get3A_792, %get3A_793] : memref<2x1x64x384xf32, #tpu.memory_space<vmem>> -> memref<1x1x64x384xf32, #tpu.memory_space<vmem>>
          %get3A_795 = tpu.memref_squeeze %get3A_794 : memref<1x1x64x384xf32, #tpu.memory_space<vmem>> -> memref<1x64x384xf32, #tpu.memory_space<vmem>>
          %get3A_796 = arith.index_cast %get3A_790 : i32 to index
          %get3A_797 = arith.index_cast %add3A_615 : i32 to index
          %get3A_798 = arith.constant 176 : index
          %get3A_799 = tpu.vector_load %get3A_795[%get3A_796, %get3A_797, %get3A_798] {strides = array<i32>} : memref<1x64x384xf32, #tpu.memory_space<vmem>>, vector<16xf32>,
          %gt3A_800 = arith.cmpf ogt, %get3A_799, %select_n3A_785 : vector<16xf32>
          %select_n3A_801 = arith.select %gt3A_800, %get3A_799, %select_n3A_785 : vector<16xi1>, vector<16xf32>
          %select_n3A_802 = arith.select %gt3A_800, %add3A_789, %select_n3A_786 : vector<16xi1>, vector<16xi32>
          %add3A_803 = arith.constant 16 : i32
          %add3A_804 = vector.broadcast %add3A_803 : i32 to vector<16xi32>
          %add3A_805 = arith.addi %add3A_789, %add3A_804 : vector<16xi32>
          %get3A_806 = arith.constant 0 : i32
          %get3A_807 = arith.constant 0 : i32
          %get3A_808 = arith.constant 0 : i32
          %get3A_809 = arith.constant 0 : i32
          %get3A_810 = tpu.memref_slice %run_scoped3A[%rem3A_374, %get3A_807, %get3A_808, %get3A_809] : memref<2x1x64x384xf32, #tpu.memory_space<vmem>> -> memref<1x1x64x384xf32, #tpu.memory_space<vmem>>
          %get3A_811 = tpu.memref_squeeze %get3A_810 : memref<1x1x64x384xf32, #tpu.memory_space<vmem>> -> memref<1x64x384xf32, #tpu.memory_space<vmem>>
          %get3A_812 = arith.index_cast %get3A_806 : i32 to index
          %get3A_813 = arith.index_cast %add3A_615 : i32 to index
          %get3A_814 = arith.constant 192 : index
          %get3A_815 = tpu.vector_load %get3A_811[%get3A_812, %get3A_813, %get3A_814] {strides = array<i32>} : memref<1x64x384xf32, #tpu.memory_space<vmem>>, vector<16xf32>,
          %add3A_816 = arith.constant 192 : i32
          %add3A_817 = vector.broadcast %add3A_816 : i32 to vector<16xi32>
          %add3A_818 = arith.addi %iota3A, %add3A_817 : vector<16xi32>
          %add3A_819 = arith.constant 208 : i32
          %add3A_820 = vector.broadcast %add3A_819 : i32 to vector<16xi32>
          %add3A_821 = arith.addi %iota3A, %add3A_820 : vector<16xi32>
          %get3A_822 = arith.constant 0 : i32
          %get3A_823 = arith.constant 0 : i32
          %get3A_824 = arith.constant 0 : i32
          %get3A_825 = arith.constant 0 : i32
          %get3A_826 = tpu.memref_slice %run_scoped3A[%rem3A_374, %get3A_823, %get3A_824, %get3A_825] : memref<2x1x64x384xf32, #tpu.memory_space<vmem>> -> memref<1x1x64x384xf32, #tpu.memory_space<vmem>>
          %get3A_827 = tpu.memref_squeeze %get3A_826 : memref<1x1x64x384xf32, #tpu.memory_space<vmem>> -> memref<1x64x384xf32, #tpu.memory_space<vmem>>
          %get3A_828 = arith.index_cast %get3A_822 : i32 to index
          %get3A_829 = arith.index_cast %add3A_615 : i32 to index
          %get3A_830 = arith.constant 208 : index
          %get3A_831 = tpu.vector_load %get3A_827[%get3A_828, %get3A_829, %get3A_830] {strides = array<i32>} : memref<1x64x384xf32, #tpu.memory_space<vmem>>, vector<16xf32>,
          %gt3A_832 = arith.cmpf ogt, %get3A_831, %get3A_815 : vector<16xf32>
          %select_n3A_833 = arith.select %gt3A_832, %get3A_831, %get3A_815 : vector<16xi1>, vector<16xf32>
          %select_n3A_834 = arith.select %gt3A_832, %add3A_821, %add3A_818 : vector<16xi1>, vector<16xi32>
          %add3A_835 = arith.constant 16 : i32
          %add3A_836 = vector.broadcast %add3A_835 : i32 to vector<16xi32>
          %add3A_837 = arith.addi %add3A_821, %add3A_836 : vector<16xi32>
          %get3A_838 = arith.constant 0 : i32
          %get3A_839 = arith.constant 0 : i32
          %get3A_840 = arith.constant 0 : i32
          %get3A_841 = arith.constant 0 : i32
          %get3A_842 = tpu.memref_slice %run_scoped3A[%rem3A_374, %get3A_839, %get3A_840, %get3A_841] : memref<2x1x64x384xf32, #tpu.memory_space<vmem>> -> memref<1x1x64x384xf32, #tpu.memory_space<vmem>>
          %get3A_843 = tpu.memref_squeeze %get3A_842 : memref<1x1x64x384xf32, #tpu.memory_space<vmem>> -> memref<1x64x384xf32, #tpu.memory_space<vmem>>
          %get3A_844 = arith.index_cast %get3A_838 : i32 to index
          %get3A_845 = arith.index_cast %add3A_615 : i32 to index
          %get3A_846 = arith.constant 224 : index
          %get3A_847 = tpu.vector_load %get3A_843[%get3A_844, %get3A_845, %get3A_846] {strides = array<i32>} : memref<1x64x384xf32, #tpu.memory_space<vmem>>, vector<16xf32>,
          %gt3A_848 = arith.cmpf ogt, %get3A_847, %select_n3A_833 : vector<16xf32>
          %select_n3A_849 = arith.select %gt3A_848, %get3A_847, %select_n3A_833 : vector<16xi1>, vector<16xf32>
          %select_n3A_850 = arith.select %gt3A_848, %add3A_837, %select_n3A_834 : vector<16xi1>, vector<16xi32>
          %add3A_851 = arith.constant 16 : i32
          %add3A_852 = vector.broadcast %add3A_851 : i32 to vector<16xi32>
          %add3A_853 = arith.addi %add3A_837, %add3A_852 : vector<16xi32>
          %get3A_854 = arith.constant 0 : i32
          %get3A_855 = arith.constant 0 : i32
          %get3A_856 = arith.constant 0 : i32
          %get3A_857 = arith.constant 0 : i32
          %get3A_858 = tpu.memref_slice %run_scoped3A[%rem3A_374, %get3A_855, %get3A_856, %get3A_857] : memref<2x1x64x384xf32, #tpu.memory_space<vmem>> -> memref<1x1x64x384xf32, #tpu.memory_space<vmem>>
          %get3A_859 = tpu.memref_squeeze %get3A_858 : memref<1x1x64x384xf32, #tpu.memory_space<vmem>> -> memref<1x64x384xf32, #tpu.memory_space<vmem>>
          %get3A_860 = arith.index_cast %get3A_854 : i32 to index
          %get3A_861 = arith.index_cast %add3A_615 : i32 to index
          %get3A_862 = arith.constant 240 : index
          %get3A_863 = tpu.vector_load %get3A_859[%get3A_860, %get3A_861, %get3A_862] {strides = array<i32>} : memref<1x64x384xf32, #tpu.memory_space<vmem>>, vector<16xf32>,
          %gt3A_864 = arith.cmpf ogt, %get3A_863, %select_n3A_849 : vector<16xf32>
          %select_n3A_865 = arith.select %gt3A_864, %get3A_863, %select_n3A_849 : vector<16xi1>, vector<16xf32>
          %select_n3A_866 = arith.select %gt3A_864, %add3A_853, %select_n3A_850 : vector<16xi1>, vector<16xi32>
          %add3A_867 = arith.constant 16 : i32
          %add3A_868 = vector.broadcast %add3A_867 : i32 to vector<16xi32>
          %add3A_869 = arith.addi %add3A_853, %add3A_868 : vector<16xi32>
          %get3A_870 = arith.constant 0 : i32
          %get3A_871 = arith.constant 0 : i32
          %get3A_872 = arith.constant 0 : i32
          %get3A_873 = arith.constant 0 : i32
          %get3A_874 = tpu.memref_slice %run_scoped3A[%rem3A_374, %get3A_871, %get3A_872, %get3A_873] : memref<2x1x64x384xf32, #tpu.memory_space<vmem>> -> memref<1x1x64x384xf32, #tpu.memory_space<vmem>>
          %get3A_875 = tpu.memref_squeeze %get3A_874 : memref<1x1x64x384xf32, #tpu.memory_space<vmem>> -> memref<1x64x384xf32, #tpu.memory_space<vmem>>
          %get3A_876 = arith.index_cast %get3A_870 : i32 to index
          %get3A_877 = arith.index_cast %add3A_615 : i32 to index
          %get3A_878 = arith.constant 256 : index
          %get3A_879 = tpu.vector_load %get3A_875[%get3A_876, %get3A_877, %get3A_878] {strides = array<i32>} : memref<1x64x384xf32, #tpu.memory_space<vmem>>, vector<16xf32>,
          %gt3A_880 = arith.cmpf ogt, %get3A_879, %select_n3A_865 : vector<16xf32>
          %select_n3A_881 = arith.select %gt3A_880, %get3A_879, %select_n3A_865 : vector<16xi1>, vector<16xf32>
          %select_n3A_882 = arith.select %gt3A_880, %add3A_869, %select_n3A_866 : vector<16xi1>, vector<16xi32>
          %add3A_883 = arith.constant 16 : i32
          %add3A_884 = vector.broadcast %add3A_883 : i32 to vector<16xi32>
          %add3A_885 = arith.addi %add3A_869, %add3A_884 : vector<16xi32>
          %get3A_886 = arith.constant 0 : i32
          %get3A_887 = arith.constant 0 : i32
          %get3A_888 = arith.constant 0 : i32
          %get3A_889 = arith.constant 0 : i32
          %get3A_890 = tpu.memref_slice %run_scoped3A[%rem3A_374, %get3A_887, %get3A_888, %get3A_889] : memref<2x1x64x384xf32, #tpu.memory_space<vmem>> -> memref<1x1x64x384xf32, #tpu.memory_space<vmem>>
          %get3A_891 = tpu.memref_squeeze %get3A_890 : memref<1x1x64x384xf32, #tpu.memory_space<vmem>> -> memref<1x64x384xf32, #tpu.memory_space<vmem>>
          %get3A_892 = arith.index_cast %get3A_886 : i32 to index
          %get3A_893 = arith.index_cast %add3A_615 : i32 to index
          %get3A_894 = arith.constant 272 : index
          %get3A_895 = tpu.vector_load %get3A_891[%get3A_892, %get3A_893, %get3A_894] {strides = array<i32>} : memref<1x64x384xf32, #tpu.memory_space<vmem>>, vector<16xf32>,
          %gt3A_896 = arith.cmpf ogt, %get3A_895, %select_n3A_881 : vector<16xf32>
          %select_n3A_897 = arith.select %gt3A_896, %get3A_895, %select_n3A_881 : vector<16xi1>, vector<16xf32>
          %select_n3A_898 = arith.select %gt3A_896, %add3A_885, %select_n3A_882 : vector<16xi1>, vector<16xi32>
          %add3A_899 = arith.constant 16 : i32
          %add3A_900 = vector.broadcast %add3A_899 : i32 to vector<16xi32>
          %add3A_901 = arith.addi %add3A_885, %add3A_900 : vector<16xi32>
          %get3A_902 = arith.constant 0 : i32
          %get3A_903 = arith.constant 0 : i32
          %get3A_904 = arith.constant 0 : i32
          %get3A_905 = arith.constant 0 : i32
          %get3A_906 = tpu.memref_slice %run_scoped3A[%rem3A_374, %get3A_903, %get3A_904, %get3A_905] : memref<2x1x64x384xf32, #tpu.memory_space<vmem>> -> memref<1x1x64x384xf32, #tpu.memory_space<vmem>>
          %get3A_907 = tpu.memref_squeeze %get3A_906 : memref<1x1x64x384xf32, #tpu.memory_space<vmem>> -> memref<1x64x384xf32, #tpu.memory_space<vmem>>
          %get3A_908 = arith.index_cast %get3A_902 : i32 to index
          %get3A_909 = arith.index_cast %add3A_615 : i32 to index
          %get3A_910 = arith.constant 288 : index
          %get3A_911 = tpu.vector_load %get3A_907[%get3A_908, %get3A_909, %get3A_910] {strides = array<i32>} : memref<1x64x384xf32, #tpu.memory_space<vmem>>, vector<16xf32>,
          %gt3A_912 = arith.cmpf ogt, %get3A_911, %select_n3A_897 : vector<16xf32>
          %select_n3A_913 = arith.select %gt3A_912, %get3A_911, %select_n3A_897 : vector<16xi1>, vector<16xf32>
          %select_n3A_914 = arith.select %gt3A_912, %add3A_901, %select_n3A_898 : vector<16xi1>, vector<16xi32>
          %add3A_915 = arith.constant 16 : i32
          %add3A_916 = vector.broadcast %add3A_915 : i32 to vector<16xi32>
          %add3A_917 = arith.addi %add3A_901, %add3A_916 : vector<16xi32>
          %get3A_918 = arith.constant 0 : i32
          %get3A_919 = arith.constant 0 : i32
          %get3A_920 = arith.constant 0 : i32
          %get3A_921 = arith.constant 0 : i32
          %get3A_922 = tpu.memref_slice %run_scoped3A[%rem3A_374, %get3A_919, %get3A_920, %get3A_921] : memref<2x1x64x384xf32, #tpu.memory_space<vmem>> -> memref<1x1x64x384xf32, #tpu.memory_space<vmem>>
          %get3A_923 = tpu.memref_squeeze %get3A_922 : memref<1x1x64x384xf32, #tpu.memory_space<vmem>> -> memref<1x64x384xf32, #tpu.memory_space<vmem>>
          %get3A_924 = arith.index_cast %get3A_918 : i32 to index
          %get3A_925 = arith.index_cast %add3A_615 : i32 to index
          %get3A_926 = arith.constant 304 : index
          %get3A_927 = tpu.vector_load %get3A_923[%get3A_924, %get3A_925, %get3A_926] {strides = array<i32>} : memref<1x64x384xf32, #tpu.memory_space<vmem>>, vector<16xf32>,
          %gt3A_928 = arith.cmpf ogt, %get3A_927, %select_n3A_913 : vector<16xf32>
          %select_n3A_929 = arith.select %gt3A_928, %get3A_927, %select_n3A_913 : vector<16xi1>, vector<16xf32>
          %select_n3A_930 = arith.select %gt3A_928, %add3A_917, %select_n3A_914 : vector<16xi1>, vector<16xi32>
          %add3A_931 = arith.constant 16 : i32
          %add3A_932 = vector.broadcast %add3A_931 : i32 to vector<16xi32>
          %add3A_933 = arith.addi %add3A_917, %add3A_932 : vector<16xi32>
          %get3A_934 = arith.constant 0 : i32
          %get3A_935 = arith.constant 0 : i32
          %get3A_936 = arith.constant 0 : i32
          %get3A_937 = arith.constant 0 : i32
          %get3A_938 = tpu.memref_slice %run_scoped3A[%rem3A_374, %get3A_935, %get3A_936, %get3A_937] : memref<2x1x64x384xf32, #tpu.memory_space<vmem>> -> memref<1x1x64x384xf32, #tpu.memory_space<vmem>>
          %get3A_939 = tpu.memref_squeeze %get3A_938 : memref<1x1x64x384xf32, #tpu.memory_space<vmem>> -> memref<1x64x384xf32, #tpu.memory_space<vmem>>
          %get3A_940 = arith.index_cast %get3A_934 : i32 to index
          %get3A_941 = arith.index_cast %add3A_615 : i32 to index
          %get3A_942 = arith.constant 320 : index
          %get3A_943 = tpu.vector_load %get3A_939[%get3A_940, %get3A_941, %get3A_942] {strides = array<i32>} : memref<1x64x384xf32, #tpu.memory_space<vmem>>, vector<16xf32>,
          %gt3A_944 = arith.cmpf ogt, %get3A_943, %select_n3A_929 : vector<16xf32>
          %select_n3A_945 = arith.select %gt3A_944, %get3A_943, %select_n3A_929 : vector<16xi1>, vector<16xf32>
          %select_n3A_946 = arith.select %gt3A_944, %add3A_933, %select_n3A_930 : vector<16xi1>, vector<16xi32>
          %add3A_947 = arith.constant 16 : i32
          %add3A_948 = vector.broadcast %add3A_947 : i32 to vector<16xi32>
          %add3A_949 = arith.addi %add3A_933, %add3A_948 : vector<16xi32>
          %get3A_950 = arith.constant 0 : i32
          %get3A_951 = arith.constant 0 : i32
          %get3A_952 = arith.constant 0 : i32
          %get3A_953 = arith.constant 0 : i32
          %get3A_954 = tpu.memref_slice %run_scoped3A[%rem3A_374, %get3A_951, %get3A_952, %get3A_953] : memref<2x1x64x384xf32, #tpu.memory_space<vmem>> -> memref<1x1x64x384xf32, #tpu.memory_space<vmem>>
          %get3A_955 = tpu.memref_squeeze %get3A_954 : memref<1x1x64x384xf32, #tpu.memory_space<vmem>> -> memref<1x64x384xf32, #tpu.memory_space<vmem>>
          %get3A_956 = arith.index_cast %get3A_950 : i32 to index
          %get3A_957 = arith.index_cast %add3A_615 : i32 to index
          %get3A_958 = arith.constant 336 : index
          %get3A_959 = tpu.vector_load %get3A_955[%get3A_956, %get3A_957, %get3A_958] {strides = array<i32>} : memref<1x64x384xf32, #tpu.memory_space<vmem>>, vector<16xf32>,
          %gt3A_960 = arith.cmpf ogt, %get3A_959, %select_n3A_945 : vector<16xf32>
          %select_n3A_961 = arith.select %gt3A_960, %get3A_959, %select_n3A_945 : vector<16xi1>, vector<16xf32>
          %select_n3A_962 = arith.select %gt3A_960, %add3A_949, %select_n3A_946 : vector<16xi1>, vector<16xi32>
          %add3A_963 = arith.constant 16 : i32
          %add3A_964 = vector.broadcast %add3A_963 : i32 to vector<16xi32>
          %add3A_965 = arith.addi %add3A_949, %add3A_964 : vector<16xi32>
          %get3A_966 = arith.constant 0 : i32
          %get3A_967 = arith.constant 0 : i32
          %get3A_968 = arith.constant 0 : i32
          %get3A_969 = arith.constant 0 : i32
          %get3A_970 = tpu.memref_slice %run_scoped3A[%rem3A_374, %get3A_967, %get3A_968, %get3A_969] : memref<2x1x64x384xf32, #tpu.memory_space<vmem>> -> memref<1x1x64x384xf32, #tpu.memory_space<vmem>>
          %get3A_971 = tpu.memref_squeeze %get3A_970 : memref<1x1x64x384xf32, #tpu.memory_space<vmem>> -> memref<1x64x384xf32, #tpu.memory_space<vmem>>
          %get3A_972 = arith.index_cast %get3A_966 : i32 to index
          %get3A_973 = arith.index_cast %add3A_615 : i32 to index
          %get3A_974 = arith.constant 352 : index
          %get3A_975 = tpu.vector_load %get3A_971[%get3A_972, %get3A_973, %get3A_974] {strides = array<i32>} : memref<1x64x384xf32, #tpu.memory_space<vmem>>, vector<16xf32>,
          %gt3A_976 = arith.cmpf ogt, %get3A_975, %select_n3A_961 : vector<16xf32>
          %select_n3A_977 = arith.select %gt3A_976, %get3A_975, %select_n3A_961 : vector<16xi1>, vector<16xf32>
          %select_n3A_978 = arith.select %gt3A_976, %add3A_965, %select_n3A_962 : vector<16xi1>, vector<16xi32>
          %add3A_979 = arith.constant 16 : i32
          %add3A_980 = vector.broadcast %add3A_979 : i32 to vector<16xi32>
          %add3A_981 = arith.addi %add3A_965, %add3A_980 : vector<16xi32>
          %get3A_982 = arith.constant 0 : i32
          %get3A_983 = arith.constant 0 : i32
          %get3A_984 = arith.constant 0 : i32
          %get3A_985 = arith.constant 0 : i32
          %get3A_986 = tpu.memref_slice %run_scoped3A[%rem3A_374, %get3A_983, %get3A_984, %get3A_985] : memref<2x1x64x384xf32, #tpu.memory_space<vmem>> -> memref<1x1x64x384xf32, #tpu.memory_space<vmem>>
          %get3A_987 = tpu.memref_squeeze %get3A_986 : memref<1x1x64x384xf32, #tpu.memory_space<vmem>> -> memref<1x64x384xf32, #tpu.memory_space<vmem>>
          %get3A_988 = arith.index_cast %get3A_982 : i32 to index
          %get3A_989 = arith.index_cast %add3A_615 : i32 to index
          %get3A_990 = arith.constant 368 : index
          %get3A_991 = tpu.vector_load %get3A_987[%get3A_988, %get3A_989, %get3A_990] {strides = array<i32>} : memref<1x64x384xf32, #tpu.memory_space<vmem>>, vector<16xf32>,
          %gt3A_992 = arith.cmpf ogt, %get3A_991, %select_n3A_977 : vector<16xf32>
          %select_n3A_993 = arith.select %gt3A_992, %get3A_991, %select_n3A_977 : vector<16xi1>, vector<16xf32>
          %select_n3A_994 = arith.select %gt3A_992, %add3A_981, %select_n3A_978 : vector<16xi1>, vector<16xi32>
          %add3A_995 = arith.constant 16 : i32
          %add3A_996 = vector.broadcast %add3A_995 : i32 to vector<16xi32>
          %add3A_997 = arith.addi %add3A_981, %add3A_996 : vector<16xi32>
          %gt3A_998 = arith.cmpf ogt, %select_n3A_993, %select_n3A_801 : vector<16xf32>
          %select_n3A_999 = arith.select %gt3A_998, %select_n3A_993, %select_n3A_801 : vector<16xi1>, vector<16xf32>
          %select_n3A_1000 = arith.select %gt3A_998, %select_n3A_994, %select_n3A_802 : vector<16xi1>, vector<16xi32>
          %reduce_max3A = arith.constant true
          %reduce_max3A_1001 = vector.broadcast %reduce_max3A : i1 to vector<16xi1>
          %reduce_max3A_1002 = tpu.scan <max>, %select_n3A_999 masked %reduce_max3A_1001 : vector<16xf32>, vector<16xi1> -> vector<16xf32>
          %reduce_max3A_1003 = vector.extract %reduce_max3A_1002[15] : f32 from vector<16xf32>
          %eq3A_1004 = vector.broadcast %reduce_max3A_1003 : f32 to vector<16xf32>
          %eq3A_1005 = arith.cmpf oeq, %select_n3A_999, %eq3A_1004 : vector<16xf32>
          %jit3A = arith.constant 2147483647 : i32
          %broadcast_in_dim3A_1006 = vector.broadcast %jit3A : i32 to vector<16xi32>
          %select_n3A_1007 = arith.select %eq3A_1005, %select_n3A_1000, %broadcast_in_dim3A_1006 : vector<16xi1>, vector<16xi32>
          %reduce_min3A = arith.constant true
          %reduce_min3A_1008 = vector.broadcast %reduce_min3A : i1 to vector<16xi1>
          %reduce_min3A_1009 = arith.constant -2147483648 : i32
          %reduce_min3A_1010 = vector.broadcast %reduce_min3A_1009 : i32 to vector<16xi32>
          %reduce_min3A_1011 = arith.xori %select_n3A_1007, %reduce_min3A_1010 : vector<16xi32>
          %reduce_min3A_1012 = tpu.scan <min>, %reduce_min3A_1011 masked %reduce_min3A_1008 : vector<16xi32>, vector<16xi1> -> vector<16xi32>
          %reduce_min3A_1013 = arith.xori %reduce_min3A_1012, %reduce_min3A_1010 : vector<16xi32>
          %reduce_min3A_1014 = vector.extract %reduce_min3A_1013[15] : i32 from vector<16xi32>
          %eq3A_1015 = vector.broadcast %add3A_613 : i32 to vector<16xi32>
          %eq3A_1016 = arith.cmpi eq, %iota3A, %eq3A_1015 : vector<16xi32>
          %broadcast_in_dim3A_1017 = vector.broadcast %reduce_max3A_1003 : f32 to vector<16xf32>
          %select_n3A_1018 = arith.select %eq3A_1016, %broadcast_in_dim3A_1017, %scan3A_608 : vector<16xi1>, vector<16xf32>
          %broadcast_in_dim3A_1019 = vector.broadcast %reduce_min3A_1014 : i32 to vector<16xi32>
          %select_n3A_1020 = arith.select %eq3A_1016, %broadcast_in_dim3A_1019, %scan3A_609 : vector<16xi1>, vector<16xi32>
          %mul3A_1021 = arith.constant 2 : i32
          %mul3A_1022 = arith.muli %mul3A_1021, %scan3A_607 : i32
          %add3A_1023 = arith.constant 1 : i32
          %add3A_1024 = arith.addi %mul3A_1022, %add3A_1023 : i32
          %add3A_1025 = arith.constant 48 : i32
          %add3A_1026 = arith.addi %add3A_1025, %add3A_1024 : i32
          %get3A_1027 = arith.constant 0 : i32
          %get3A_1028 = arith.constant 0 : i32
          %get3A_1029 = arith.constant 0 : i32
          %get3A_1030 = arith.constant 0 : i32
          %get3A_1031 = tpu.memref_slice %run_scoped3A[%rem3A_374, %get3A_1028, %get3A_1029, %get3A_1030] : memref<2x1x64x384xf32, #tpu.memory_space<vmem>> -> memref<1x1x64x384xf32, #tpu.memory_space<vmem>>
          %get3A_1032 = tpu.memref_squeeze %get3A_1031 : memref<1x1x64x384xf32, #tpu.memory_space<vmem>> -> memref<1x64x384xf32, #tpu.memory_space<vmem>>
          %get3A_1033 = arith.index_cast %get3A_1027 : i32 to index
          %get3A_1034 = arith.index_cast %add3A_1026 : i32 to index
          %get3A_1035 = arith.constant 0 : index
          %get3A_1036 = tpu.vector_load %get3A_1032[%get3A_1033, %get3A_1034, %get3A_1035] {strides = array<i32>} : memref<1x64x384xf32, #tpu.memory_space<vmem>>, vector<16xf32>,
          %add3A_1037 = arith.constant 0 : i32
          %add3A_1038 = vector.broadcast %add3A_1037 : i32 to vector<16xi32>
          %add3A_1039 = arith.addi %iota3A, %add3A_1038 : vector<16xi32>
          %add3A_1040 = arith.constant 16 : i32
          %add3A_1041 = vector.broadcast %add3A_1040 : i32 to vector<16xi32>
          %add3A_1042 = arith.addi %iota3A, %add3A_1041 : vector<16xi32>
          %get3A_1043 = arith.constant 0 : i32
          %get3A_1044 = arith.constant 0 : i32
          %get3A_1045 = arith.constant 0 : i32
          %get3A_1046 = arith.constant 0 : i32
          %get3A_1047 = tpu.memref_slice %run_scoped3A[%rem3A_374, %get3A_1044, %get3A_1045, %get3A_1046] : memref<2x1x64x384xf32, #tpu.memory_space<vmem>> -> memref<1x1x64x384xf32, #tpu.memory_space<vmem>>
          %get3A_1048 = tpu.memref_squeeze %get3A_1047 : memref<1x1x64x384xf32, #tpu.memory_space<vmem>> -> memref<1x64x384xf32, #tpu.memory_space<vmem>>
          %get3A_1049 = arith.index_cast %get3A_1043 : i32 to index
          %get3A_1050 = arith.index_cast %add3A_1026 : i32 to index
          %get3A_1051 = arith.constant 16 : index
          %get3A_1052 = tpu.vector_load %get3A_1048[%get3A_1049, %get3A_1050, %get3A_1051] {strides = array<i32>} : memref<1x64x384xf32, #tpu.memory_space<vmem>>, vector<16xf32>,
          %gt3A_1053 = arith.cmpf ogt, %get3A_1052, %get3A_1036 : vector<16xf32>
          %select_n3A_1054 = arith.select %gt3A_1053, %get3A_1052, %get3A_1036 : vector<16xi1>, vector<16xf32>
          %select_n3A_1055 = arith.select %gt3A_1053, %add3A_1042, %add3A_1039 : vector<16xi1>, vector<16xi32>
          %add3A_1056 = arith.constant 16 : i32
          %add3A_1057 = vector.broadcast %add3A_1056 : i32 to vector<16xi32>
          %add3A_1058 = arith.addi %add3A_1042, %add3A_1057 : vector<16xi32>
          %get3A_1059 = arith.constant 0 : i32
          %get3A_1060 = arith.constant 0 : i32
          %get3A_1061 = arith.constant 0 : i32
          %get3A_1062 = arith.constant 0 : i32
          %get3A_1063 = tpu.memref_slice %run_scoped3A[%rem3A_374, %get3A_1060, %get3A_1061, %get3A_1062] : memref<2x1x64x384xf32, #tpu.memory_space<vmem>> -> memref<1x1x64x384xf32, #tpu.memory_space<vmem>>
          %get3A_1064 = tpu.memref_squeeze %get3A_1063 : memref<1x1x64x384xf32, #tpu.memory_space<vmem>> -> memref<1x64x384xf32, #tpu.memory_space<vmem>>
          %get3A_1065 = arith.index_cast %get3A_1059 : i32 to index
          %get3A_1066 = arith.index_cast %add3A_1026 : i32 to index
          %get3A_1067 = arith.constant 32 : index
          %get3A_1068 = tpu.vector_load %get3A_1064[%get3A_1065, %get3A_1066, %get3A_1067] {strides = array<i32>} : memref<1x64x384xf32, #tpu.memory_space<vmem>>, vector<16xf32>,
          %gt3A_1069 = arith.cmpf ogt, %get3A_1068, %select_n3A_1054 : vector<16xf32>
          %select_n3A_1070 = arith.select %gt3A_1069, %get3A_1068, %select_n3A_1054 : vector<16xi1>, vector<16xf32>
          %select_n3A_1071 = arith.select %gt3A_1069, %add3A_1058, %select_n3A_1055 : vector<16xi1>, vector<16xi32>
          %add3A_1072 = arith.constant 16 : i32
          %add3A_1073 = vector.broadcast %add3A_1072 : i32 to vector<16xi32>
          %add3A_1074 = arith.addi %add3A_1058, %add3A_1073 : vector<16xi32>
          %get3A_1075 = arith.constant 0 : i32
          %get3A_1076 = arith.constant 0 : i32
          %get3A_1077 = arith.constant 0 : i32
          %get3A_1078 = arith.constant 0 : i32
          %get3A_1079 = tpu.memref_slice %run_scoped3A[%rem3A_374, %get3A_1076, %get3A_1077, %get3A_1078] : memref<2x1x64x384xf32, #tpu.memory_space<vmem>> -> memref<1x1x64x384xf32, #tpu.memory_space<vmem>>
          %get3A_1080 = tpu.memref_squeeze %get3A_1079 : memref<1x1x64x384xf32, #tpu.memory_space<vmem>> -> memref<1x64x384xf32, #tpu.memory_space<vmem>>
          %get3A_1081 = arith.index_cast %get3A_1075 : i32 to index
          %get3A_1082 = arith.index_cast %add3A_1026 : i32 to index
          %get3A_1083 = arith.constant 48 : index
          %get3A_1084 = tpu.vector_load %get3A_1080[%get3A_1081, %get3A_1082, %get3A_1083] {strides = array<i32>} : memref<1x64x384xf32, #tpu.memory_space<vmem>>, vector<16xf32>,
          %gt3A_1085 = arith.cmpf ogt, %get3A_1084, %select_n3A_1070 : vector<16xf32>
          %select_n3A_1086 = arith.select %gt3A_1085, %get3A_1084, %select_n3A_1070 : vector<16xi1>, vector<16xf32>
          %select_n3A_1087 = arith.select %gt3A_1085, %add3A_1074, %select_n3A_1071 : vector<16xi1>, vector<16xi32>
          %add3A_1088 = arith.constant 16 : i32
          %add3A_1089 = vector.broadcast %add3A_1088 : i32 to vector<16xi32>
          %add3A_1090 = arith.addi %add3A_1074, %add3A_1089 : vector<16xi32>
          %get3A_1091 = arith.constant 0 : i32
          %get3A_1092 = arith.constant 0 : i32
          %get3A_1093 = arith.constant 0 : i32
          %get3A_1094 = arith.constant 0 : i32
          %get3A_1095 = tpu.memref_slice %run_scoped3A[%rem3A_374, %get3A_1092, %get3A_1093, %get3A_1094] : memref<2x1x64x384xf32, #tpu.memory_space<vmem>> -> memref<1x1x64x384xf32, #tpu.memory_space<vmem>>
          %get3A_1096 = tpu.memref_squeeze %get3A_1095 : memref<1x1x64x384xf32, #tpu.memory_space<vmem>> -> memref<1x64x384xf32, #tpu.memory_space<vmem>>
          %get3A_1097 = arith.index_cast %get3A_1091 : i32 to index
          %get3A_1098 = arith.index_cast %add3A_1026 : i32 to index
          %get3A_1099 = arith.constant 64 : index
          %get3A_1100 = tpu.vector_load %get3A_1096[%get3A_1097, %get3A_1098, %get3A_1099] {strides = array<i32>} : memref<1x64x384xf32, #tpu.memory_space<vmem>>, vector<16xf32>,
          %gt3A_1101 = arith.cmpf ogt, %get3A_1100, %select_n3A_1086 : vector<16xf32>
          %select_n3A_1102 = arith.select %gt3A_1101, %get3A_1100, %select_n3A_1086 : vector<16xi1>, vector<16xf32>
          %select_n3A_1103 = arith.select %gt3A_1101, %add3A_1090, %select_n3A_1087 : vector<16xi1>, vector<16xi32>
          %add3A_1104 = arith.constant 16 : i32
          %add3A_1105 = vector.broadcast %add3A_1104 : i32 to vector<16xi32>
          %add3A_1106 = arith.addi %add3A_1090, %add3A_1105 : vector<16xi32>
          %get3A_1107 = arith.constant 0 : i32
          %get3A_1108 = arith.constant 0 : i32
          %get3A_1109 = arith.constant 0 : i32
          %get3A_1110 = arith.constant 0 : i32
          %get3A_1111 = tpu.memref_slice %run_scoped3A[%rem3A_374, %get3A_1108, %get3A_1109, %get3A_1110] : memref<2x1x64x384xf32, #tpu.memory_space<vmem>> -> memref<1x1x64x384xf32, #tpu.memory_space<vmem>>
          %get3A_1112 = tpu.memref_squeeze %get3A_1111 : memref<1x1x64x384xf32, #tpu.memory_space<vmem>> -> memref<1x64x384xf32, #tpu.memory_space<vmem>>
          %get3A_1113 = arith.index_cast %get3A_1107 : i32 to index
          %get3A_1114 = arith.index_cast %add3A_1026 : i32 to index
          %get3A_1115 = arith.constant 80 : index
          %get3A_1116 = tpu.vector_load %get3A_1112[%get3A_1113, %get3A_1114, %get3A_1115] {strides = array<i32>} : memref<1x64x384xf32, #tpu.memory_space<vmem>>, vector<16xf32>,
          %gt3A_1117 = arith.cmpf ogt, %get3A_1116, %select_n3A_1102 : vector<16xf32>
          %select_n3A_1118 = arith.select %gt3A_1117, %get3A_1116, %select_n3A_1102 : vector<16xi1>, vector<16xf32>
          %select_n3A_1119 = arith.select %gt3A_1117, %add3A_1106, %select_n3A_1103 : vector<16xi1>, vector<16xi32>
          %add3A_1120 = arith.constant 16 : i32
          %add3A_1121 = vector.broadcast %add3A_1120 : i32 to vector<16xi32>
          %add3A_1122 = arith.addi %add3A_1106, %add3A_1121 : vector<16xi32>
          %get3A_1123 = arith.constant 0 : i32
          %get3A_1124 = arith.constant 0 : i32
          %get3A_1125 = arith.constant 0 : i32
          %get3A_1126 = arith.constant 0 : i32
          %get3A_1127 = tpu.memref_slice %run_scoped3A[%rem3A_374, %get3A_1124, %get3A_1125, %get3A_1126] : memref<2x1x64x384xf32, #tpu.memory_space<vmem>> -> memref<1x1x64x384xf32, #tpu.memory_space<vmem>>
          %get3A_1128 = tpu.memref_squeeze %get3A_1127 : memref<1x1x64x384xf32, #tpu.memory_space<vmem>> -> memref<1x64x384xf32, #tpu.memory_space<vmem>>
          %get3A_1129 = arith.index_cast %get3A_1123 : i32 to index
          %get3A_1130 = arith.index_cast %add3A_1026 : i32 to index
          %get3A_1131 = arith.constant 96 : index
          %get3A_1132 = tpu.vector_load %get3A_1128[%get3A_1129, %get3A_1130, %get3A_1131] {strides = array<i32>} : memref<1x64x384xf32, #tpu.memory_space<vmem>>, vector<16xf32>,
          %gt3A_1133 = arith.cmpf ogt, %get3A_1132, %select_n3A_1118 : vector<16xf32>
          %select_n3A_1134 = arith.select %gt3A_1133, %get3A_1132, %select_n3A_1118 : vector<16xi1>, vector<16xf32>
          %select_n3A_1135 = arith.select %gt3A_1133, %add3A_1122, %select_n3A_1119 : vector<16xi1>, vector<16xi32>
          %add3A_1136 = arith.constant 16 : i32
          %add3A_1137 = vector.broadcast %add3A_1136 : i32 to vector<16xi32>
          %add3A_1138 = arith.addi %add3A_1122, %add3A_1137 : vector<16xi32>
          %get3A_1139 = arith.constant 0 : i32
          %get3A_1140 = arith.constant 0 : i32
          %get3A_1141 = arith.constant 0 : i32
          %get3A_1142 = arith.constant 0 : i32
          %get3A_1143 = tpu.memref_slice %run_scoped3A[%rem3A_374, %get3A_1140, %get3A_1141, %get3A_1142] : memref<2x1x64x384xf32, #tpu.memory_space<vmem>> -> memref<1x1x64x384xf32, #tpu.memory_space<vmem>>
          %get3A_1144 = tpu.memref_squeeze %get3A_1143 : memref<1x1x64x384xf32, #tpu.memory_space<vmem>> -> memref<1x64x384xf32, #tpu.memory_space<vmem>>
          %get3A_1145 = arith.index_cast %get3A_1139 : i32 to index
          %get3A_1146 = arith.index_cast %add3A_1026 : i32 to index
          %get3A_1147 = arith.constant 112 : index
          %get3A_1148 = tpu.vector_load %get3A_1144[%get3A_1145, %get3A_1146, %get3A_1147] {strides = array<i32>} : memref<1x64x384xf32, #tpu.memory_space<vmem>>, vector<16xf32>,
          %gt3A_1149 = arith.cmpf ogt, %get3A_1148, %select_n3A_1134 : vector<16xf32>
          %select_n3A_1150 = arith.select %gt3A_1149, %get3A_1148, %select_n3A_1134 : vector<16xi1>, vector<16xf32>
          %select_n3A_1151 = arith.select %gt3A_1149, %add3A_1138, %select_n3A_1135 : vector<16xi1>, vector<16xi32>
          %add3A_1152 = arith.constant 16 : i32
          %add3A_1153 = vector.broadcast %add3A_1152 : i32 to vector<16xi32>
          %add3A_1154 = arith.addi %add3A_1138, %add3A_1153 : vector<16xi32>
          %get3A_1155 = arith.constant 0 : i32
          %get3A_1156 = arith.constant 0 : i32
          %get3A_1157 = arith.constant 0 : i32
          %get3A_1158 = arith.constant 0 : i32
          %get3A_1159 = tpu.memref_slice %run_scoped3A[%rem3A_374, %get3A_1156, %get3A_1157, %get3A_1158] : memref<2x1x64x384xf32, #tpu.memory_space<vmem>> -> memref<1x1x64x384xf32, #tpu.memory_space<vmem>>
          %get3A_1160 = tpu.memref_squeeze %get3A_1159 : memref<1x1x64x384xf32, #tpu.memory_space<vmem>> -> memref<1x64x384xf32, #tpu.memory_space<vmem>>
          %get3A_1161 = arith.index_cast %get3A_1155 : i32 to index
          %get3A_1162 = arith.index_cast %add3A_1026 : i32 to index
          %get3A_1163 = arith.constant 128 : index
          %get3A_1164 = tpu.vector_load %get3A_1160[%get3A_1161, %get3A_1162, %get3A_1163] {strides = array<i32>} : memref<1x64x384xf32, #tpu.memory_space<vmem>>, vector<16xf32>,
          %gt3A_1165 = arith.cmpf ogt, %get3A_1164, %select_n3A_1150 : vector<16xf32>
          %select_n3A_1166 = arith.select %gt3A_1165, %get3A_1164, %select_n3A_1150 : vector<16xi1>, vector<16xf32>
          %select_n3A_1167 = arith.select %gt3A_1165, %add3A_1154, %select_n3A_1151 : vector<16xi1>, vector<16xi32>
          %add3A_1168 = arith.constant 16 : i32
          %add3A_1169 = vector.broadcast %add3A_1168 : i32 to vector<16xi32>
          %add3A_1170 = arith.addi %add3A_1154, %add3A_1169 : vector<16xi32>
          %get3A_1171 = arith.constant 0 : i32
          %get3A_1172 = arith.constant 0 : i32
          %get3A_1173 = arith.constant 0 : i32
          %get3A_1174 = arith.constant 0 : i32
          %get3A_1175 = tpu.memref_slice %run_scoped3A[%rem3A_374, %get3A_1172, %get3A_1173, %get3A_1174] : memref<2x1x64x384xf32, #tpu.memory_space<vmem>> -> memref<1x1x64x384xf32, #tpu.memory_space<vmem>>
          %get3A_1176 = tpu.memref_squeeze %get3A_1175 : memref<1x1x64x384xf32, #tpu.memory_space<vmem>> -> memref<1x64x384xf32, #tpu.memory_space<vmem>>
          %get3A_1177 = arith.index_cast %get3A_1171 : i32 to index
          %get3A_1178 = arith.index_cast %add3A_1026 : i32 to index
          %get3A_1179 = arith.constant 144 : index
          %get3A_1180 = tpu.vector_load %get3A_1176[%get3A_1177, %get3A_1178, %get3A_1179] {strides = array<i32>} : memref<1x64x384xf32, #tpu.memory_space<vmem>>, vector<16xf32>,
          %gt3A_1181 = arith.cmpf ogt, %get3A_1180, %select_n3A_1166 : vector<16xf32>
          %select_n3A_1182 = arith.select %gt3A_1181, %get3A_1180, %select_n3A_1166 : vector<16xi1>, vector<16xf32>
          %select_n3A_1183 = arith.select %gt3A_1181, %add3A_1170, %select_n3A_1167 : vector<16xi1>, vector<16xi32>
          %add3A_1184 = arith.constant 16 : i32
          %add3A_1185 = vector.broadcast %add3A_1184 : i32 to vector<16xi32>
          %add3A_1186 = arith.addi %add3A_1170, %add3A_1185 : vector<16xi32>
          %get3A_1187 = arith.constant 0 : i32
          %get3A_1188 = arith.constant 0 : i32
          %get3A_1189 = arith.constant 0 : i32
          %get3A_1190 = arith.constant 0 : i32
          %get3A_1191 = tpu.memref_slice %run_scoped3A[%rem3A_374, %get3A_1188, %get3A_1189, %get3A_1190] : memref<2x1x64x384xf32, #tpu.memory_space<vmem>> -> memref<1x1x64x384xf32, #tpu.memory_space<vmem>>
          %get3A_1192 = tpu.memref_squeeze %get3A_1191 : memref<1x1x64x384xf32, #tpu.memory_space<vmem>> -> memref<1x64x384xf32, #tpu.memory_space<vmem>>
          %get3A_1193 = arith.index_cast %get3A_1187 : i32 to index
          %get3A_1194 = arith.index_cast %add3A_1026 : i32 to index
          %get3A_1195 = arith.constant 160 : index
          %get3A_1196 = tpu.vector_load %get3A_1192[%get3A_1193, %get3A_1194, %get3A_1195] {strides = array<i32>} : memref<1x64x384xf32, #tpu.memory_space<vmem>>, vector<16xf32>,
          %gt3A_1197 = arith.cmpf ogt, %get3A_1196, %select_n3A_1182 : vector<16xf32>
          %select_n3A_1198 = arith.select %gt3A_1197, %get3A_1196, %select_n3A_1182 : vector<16xi1>, vector<16xf32>
          %select_n3A_1199 = arith.select %gt3A_1197, %add3A_1186, %select_n3A_1183 : vector<16xi1>, vector<16xi32>
          %add3A_1200 = arith.constant 16 : i32
          %add3A_1201 = vector.broadcast %add3A_1200 : i32 to vector<16xi32>
          %add3A_1202 = arith.addi %add3A_1186, %add3A_1201 : vector<16xi32>
          %get3A_1203 = arith.constant 0 : i32
          %get3A_1204 = arith.constant 0 : i32
          %get3A_1205 = arith.constant 0 : i32
          %get3A_1206 = arith.constant 0 : i32
          %get3A_1207 = tpu.memref_slice %run_scoped3A[%rem3A_374, %get3A_1204, %get3A_1205, %get3A_1206] : memref<2x1x64x384xf32, #tpu.memory_space<vmem>> -> memref<1x1x64x384xf32, #tpu.memory_space<vmem>>
          %get3A_1208 = tpu.memref_squeeze %get3A_1207 : memref<1x1x64x384xf32, #tpu.memory_space<vmem>> -> memref<1x64x384xf32, #tpu.memory_space<vmem>>
          %get3A_1209 = arith.index_cast %get3A_1203 : i32 to index
          %get3A_1210 = arith.index_cast %add3A_1026 : i32 to index
          %get3A_1211 = arith.constant 176 : index
          %get3A_1212 = tpu.vector_load %get3A_1208[%get3A_1209, %get3A_1210, %get3A_1211] {strides = array<i32>} : memref<1x64x384xf32, #tpu.memory_space<vmem>>, vector<16xf32>,
          %gt3A_1213 = arith.cmpf ogt, %get3A_1212, %select_n3A_1198 : vector<16xf32>
          %select_n3A_1214 = arith.select %gt3A_1213, %get3A_1212, %select_n3A_1198 : vector<16xi1>, vector<16xf32>
          %select_n3A_1215 = arith.select %gt3A_1213, %add3A_1202, %select_n3A_1199 : vector<16xi1>, vector<16xi32>
          %add3A_1216 = arith.constant 16 : i32
          %add3A_1217 = vector.broadcast %add3A_1216 : i32 to vector<16xi32>
          %add3A_1218 = arith.addi %add3A_1202, %add3A_1217 : vector<16xi32>
          %get3A_1219 = arith.constant 0 : i32
          %get3A_1220 = arith.constant 0 : i32
          %get3A_1221 = arith.constant 0 : i32
          %get3A_1222 = arith.constant 0 : i32
          %get3A_1223 = tpu.memref_slice %run_scoped3A[%rem3A_374, %get3A_1220, %get3A_1221, %get3A_1222] : memref<2x1x64x384xf32, #tpu.memory_space<vmem>> -> memref<1x1x64x384xf32, #tpu.memory_space<vmem>>
          %get3A_1224 = tpu.memref_squeeze %get3A_1223 : memref<1x1x64x384xf32, #tpu.memory_space<vmem>> -> memref<1x64x384xf32, #tpu.memory_space<vmem>>
          %get3A_1225 = arith.index_cast %get3A_1219 : i32 to index
          %get3A_1226 = arith.index_cast %add3A_1026 : i32 to index
          %get3A_1227 = arith.constant 192 : index
          %get3A_1228 = tpu.vector_load %get3A_1224[%get3A_1225, %get3A_1226, %get3A_1227] {strides = array<i32>} : memref<1x64x384xf32, #tpu.memory_space<vmem>>, vector<16xf32>,
          %add3A_1229 = arith.constant 192 : i32
          %add3A_1230 = vector.broadcast %add3A_1229 : i32 to vector<16xi32>
          %add3A_1231 = arith.addi %iota3A, %add3A_1230 : vector<16xi32>
          %add3A_1232 = arith.constant 208 : i32
          %add3A_1233 = vector.broadcast %add3A_1232 : i32 to vector<16xi32>
          %add3A_1234 = arith.addi %iota3A, %add3A_1233 : vector<16xi32>
          %get3A_1235 = arith.constant 0 : i32
          %get3A_1236 = arith.constant 0 : i32
          %get3A_1237 = arith.constant 0 : i32
          %get3A_1238 = arith.constant 0 : i32
          %get3A_1239 = tpu.memref_slice %run_scoped3A[%rem3A_374, %get3A_1236, %get3A_1237, %get3A_1238] : memref<2x1x64x384xf32, #tpu.memory_space<vmem>> -> memref<1x1x64x384xf32, #tpu.memory_space<vmem>>
          %get3A_1240 = tpu.memref_squeeze %get3A_1239 : memref<1x1x64x384xf32, #tpu.memory_space<vmem>> -> memref<1x64x384xf32, #tpu.memory_space<vmem>>
          %get3A_1241 = arith.index_cast %get3A_1235 : i32 to index
          %get3A_1242 = arith.index_cast %add3A_1026 : i32 to index
          %get3A_1243 = arith.constant 208 : index
          %get3A_1244 = tpu.vector_load %get3A_1240[%get3A_1241, %get3A_1242, %get3A_1243] {strides = array<i32>} : memref<1x64x384xf32, #tpu.memory_space<vmem>>, vector<16xf32>,
          %gt3A_1245 = arith.cmpf ogt, %get3A_1244, %get3A_1228 : vector<16xf32>
          %select_n3A_1246 = arith.select %gt3A_1245, %get3A_1244, %get3A_1228 : vector<16xi1>, vector<16xf32>
          %select_n3A_1247 = arith.select %gt3A_1245, %add3A_1234, %add3A_1231 : vector<16xi1>, vector<16xi32>
          %add3A_1248 = arith.constant 16 : i32
          %add3A_1249 = vector.broadcast %add3A_1248 : i32 to vector<16xi32>
          %add3A_1250 = arith.addi %add3A_1234, %add3A_1249 : vector<16xi32>
          %get3A_1251 = arith.constant 0 : i32
          %get3A_1252 = arith.constant 0 : i32
          %get3A_1253 = arith.constant 0 : i32
          %get3A_1254 = arith.constant 0 : i32
          %get3A_1255 = tpu.memref_slice %run_scoped3A[%rem3A_374, %get3A_1252, %get3A_1253, %get3A_1254] : memref<2x1x64x384xf32, #tpu.memory_space<vmem>> -> memref<1x1x64x384xf32, #tpu.memory_space<vmem>>
          %get3A_1256 = tpu.memref_squeeze %get3A_1255 : memref<1x1x64x384xf32, #tpu.memory_space<vmem>> -> memref<1x64x384xf32, #tpu.memory_space<vmem>>
          %get3A_1257 = arith.index_cast %get3A_1251 : i32 to index
          %get3A_1258 = arith.index_cast %add3A_1026 : i32 to index
          %get3A_1259 = arith.constant 224 : index
          %get3A_1260 = tpu.vector_load %get3A_1256[%get3A_1257, %get3A_1258, %get3A_1259] {strides = array<i32>} : memref<1x64x384xf32, #tpu.memory_space<vmem>>, vector<16xf32>,
          %gt3A_1261 = arith.cmpf ogt, %get3A_1260, %select_n3A_1246 : vector<16xf32>
          %select_n3A_1262 = arith.select %gt3A_1261, %get3A_1260, %select_n3A_1246 : vector<16xi1>, vector<16xf32>
          %select_n3A_1263 = arith.select %gt3A_1261, %add3A_1250, %select_n3A_1247 : vector<16xi1>, vector<16xi32>
          %add3A_1264 = arith.constant 16 : i32
          %add3A_1265 = vector.broadcast %add3A_1264 : i32 to vector<16xi32>
          %add3A_1266 = arith.addi %add3A_1250, %add3A_1265 : vector<16xi32>
          %get3A_1267 = arith.constant 0 : i32
          %get3A_1268 = arith.constant 0 : i32
          %get3A_1269 = arith.constant 0 : i32
          %get3A_1270 = arith.constant 0 : i32
          %get3A_1271 = tpu.memref_slice %run_scoped3A[%rem3A_374, %get3A_1268, %get3A_1269, %get3A_1270] : memref<2x1x64x384xf32, #tpu.memory_space<vmem>> -> memref<1x1x64x384xf32, #tpu.memory_space<vmem>>
          %get3A_1272 = tpu.memref_squeeze %get3A_1271 : memref<1x1x64x384xf32, #tpu.memory_space<vmem>> -> memref<1x64x384xf32, #tpu.memory_space<vmem>>
          %get3A_1273 = arith.index_cast %get3A_1267 : i32 to index
          %get3A_1274 = arith.index_cast %add3A_1026 : i32 to index
          %get3A_1275 = arith.constant 240 : index
          %get3A_1276 = tpu.vector_load %get3A_1272[%get3A_1273, %get3A_1274, %get3A_1275] {strides = array<i32>} : memref<1x64x384xf32, #tpu.memory_space<vmem>>, vector<16xf32>,
          %gt3A_1277 = arith.cmpf ogt, %get3A_1276, %select_n3A_1262 : vector<16xf32>
          %select_n3A_1278 = arith.select %gt3A_1277, %get3A_1276, %select_n3A_1262 : vector<16xi1>, vector<16xf32>
          %select_n3A_1279 = arith.select %gt3A_1277, %add3A_1266, %select_n3A_1263 : vector<16xi1>, vector<16xi32>
          %add3A_1280 = arith.constant 16 : i32
          %add3A_1281 = vector.broadcast %add3A_1280 : i32 to vector<16xi32>
          %add3A_1282 = arith.addi %add3A_1266, %add3A_1281 : vector<16xi32>
          %get3A_1283 = arith.constant 0 : i32
          %get3A_1284 = arith.constant 0 : i32
          %get3A_1285 = arith.constant 0 : i32
          %get3A_1286 = arith.constant 0 : i32
          %get3A_1287 = tpu.memref_slice %run_scoped3A[%rem3A_374, %get3A_1284, %get3A_1285, %get3A_1286] : memref<2x1x64x384xf32, #tpu.memory_space<vmem>> -> memref<1x1x64x384xf32, #tpu.memory_space<vmem>>
          %get3A_1288 = tpu.memref_squeeze %get3A_1287 : memref<1x1x64x384xf32, #tpu.memory_space<vmem>> -> memref<1x64x384xf32, #tpu.memory_space<vmem>>
          %get3A_1289 = arith.index_cast %get3A_1283 : i32 to index
          %get3A_1290 = arith.index_cast %add3A_1026 : i32 to index
          %get3A_1291 = arith.constant 256 : index
          %get3A_1292 = tpu.vector_load %get3A_1288[%get3A_1289, %get3A_1290, %get3A_1291] {strides = array<i32>} : memref<1x64x384xf32, #tpu.memory_space<vmem>>, vector<16xf32>,
          %gt3A_1293 = arith.cmpf ogt, %get3A_1292, %select_n3A_1278 : vector<16xf32>
          %select_n3A_1294 = arith.select %gt3A_1293, %get3A_1292, %select_n3A_1278 : vector<16xi1>, vector<16xf32>
          %select_n3A_1295 = arith.select %gt3A_1293, %add3A_1282, %select_n3A_1279 : vector<16xi1>, vector<16xi32>
          %add3A_1296 = arith.constant 16 : i32
          %add3A_1297 = vector.broadcast %add3A_1296 : i32 to vector<16xi32>
          %add3A_1298 = arith.addi %add3A_1282, %add3A_1297 : vector<16xi32>
          %get3A_1299 = arith.constant 0 : i32
          %get3A_1300 = arith.constant 0 : i32
          %get3A_1301 = arith.constant 0 : i32
          %get3A_1302 = arith.constant 0 : i32
          %get3A_1303 = tpu.memref_slice %run_scoped3A[%rem3A_374, %get3A_1300, %get3A_1301, %get3A_1302] : memref<2x1x64x384xf32, #tpu.memory_space<vmem>> -> memref<1x1x64x384xf32, #tpu.memory_space<vmem>>
          %get3A_1304 = tpu.memref_squeeze %get3A_1303 : memref<1x1x64x384xf32, #tpu.memory_space<vmem>> -> memref<1x64x384xf32, #tpu.memory_space<vmem>>
          %get3A_1305 = arith.index_cast %get3A_1299 : i32 to index
          %get3A_1306 = arith.index_cast %add3A_1026 : i32 to index
          %get3A_1307 = arith.constant 272 : index
          %get3A_1308 = tpu.vector_load %get3A_1304[%get3A_1305, %get3A_1306, %get3A_1307] {strides = array<i32>} : memref<1x64x384xf32, #tpu.memory_space<vmem>>, vector<16xf32>,
          %gt3A_1309 = arith.cmpf ogt, %get3A_1308, %select_n3A_1294 : vector<16xf32>
          %select_n3A_1310 = arith.select %gt3A_1309, %get3A_1308, %select_n3A_1294 : vector<16xi1>, vector<16xf32>
          %select_n3A_1311 = arith.select %gt3A_1309, %add3A_1298, %select_n3A_1295 : vector<16xi1>, vector<16xi32>
          %add3A_1312 = arith.constant 16 : i32
          %add3A_1313 = vector.broadcast %add3A_1312 : i32 to vector<16xi32>
          %add3A_1314 = arith.addi %add3A_1298, %add3A_1313 : vector<16xi32>
          %get3A_1315 = arith.constant 0 : i32
          %get3A_1316 = arith.constant 0 : i32
          %get3A_1317 = arith.constant 0 : i32
          %get3A_1318 = arith.constant 0 : i32
          %get3A_1319 = tpu.memref_slice %run_scoped3A[%rem3A_374, %get3A_1316, %get3A_1317, %get3A_1318] : memref<2x1x64x384xf32, #tpu.memory_space<vmem>> -> memref<1x1x64x384xf32, #tpu.memory_space<vmem>>
          %get3A_1320 = tpu.memref_squeeze %get3A_1319 : memref<1x1x64x384xf32, #tpu.memory_space<vmem>> -> memref<1x64x384xf32, #tpu.memory_space<vmem>>
          %get3A_1321 = arith.index_cast %get3A_1315 : i32 to index
          %get3A_1322 = arith.index_cast %add3A_1026 : i32 to index
          %get3A_1323 = arith.constant 288 : index
          %get3A_1324 = tpu.vector_load %get3A_1320[%get3A_1321, %get3A_1322, %get3A_1323] {strides = array<i32>} : memref<1x64x384xf32, #tpu.memory_space<vmem>>, vector<16xf32>,
          %gt3A_1325 = arith.cmpf ogt, %get3A_1324, %select_n3A_1310 : vector<16xf32>
          %select_n3A_1326 = arith.select %gt3A_1325, %get3A_1324, %select_n3A_1310 : vector<16xi1>, vector<16xf32>
          %select_n3A_1327 = arith.select %gt3A_1325, %add3A_1314, %select_n3A_1311 : vector<16xi1>, vector<16xi32>
          %add3A_1328 = arith.constant 16 : i32
          %add3A_1329 = vector.broadcast %add3A_1328 : i32 to vector<16xi32>
          %add3A_1330 = arith.addi %add3A_1314, %add3A_1329 : vector<16xi32>
          %get3A_1331 = arith.constant 0 : i32
          %get3A_1332 = arith.constant 0 : i32
          %get3A_1333 = arith.constant 0 : i32
          %get3A_1334 = arith.constant 0 : i32
          %get3A_1335 = tpu.memref_slice %run_scoped3A[%rem3A_374, %get3A_1332, %get3A_1333, %get3A_1334] : memref<2x1x64x384xf32, #tpu.memory_space<vmem>> -> memref<1x1x64x384xf32, #tpu.memory_space<vmem>>
          %get3A_1336 = tpu.memref_squeeze %get3A_1335 : memref<1x1x64x384xf32, #tpu.memory_space<vmem>> -> memref<1x64x384xf32, #tpu.memory_space<vmem>>
          %get3A_1337 = arith.index_cast %get3A_1331 : i32 to index
          %get3A_1338 = arith.index_cast %add3A_1026 : i32 to index
          %get3A_1339 = arith.constant 304 : index
          %get3A_1340 = tpu.vector_load %get3A_1336[%get3A_1337, %get3A_1338, %get3A_1339] {strides = array<i32>} : memref<1x64x384xf32, #tpu.memory_space<vmem>>, vector<16xf32>,
          %gt3A_1341 = arith.cmpf ogt, %get3A_1340, %select_n3A_1326 : vector<16xf32>
          %select_n3A_1342 = arith.select %gt3A_1341, %get3A_1340, %select_n3A_1326 : vector<16xi1>, vector<16xf32>
          %select_n3A_1343 = arith.select %gt3A_1341, %add3A_1330, %select_n3A_1327 : vector<16xi1>, vector<16xi32>
          %add3A_1344 = arith.constant 16 : i32
          %add3A_1345 = vector.broadcast %add3A_1344 : i32 to vector<16xi32>
          %add3A_1346 = arith.addi %add3A_1330, %add3A_1345 : vector<16xi32>
          %get3A_1347 = arith.constant 0 : i32
          %get3A_1348 = arith.constant 0 : i32
          %get3A_1349 = arith.constant 0 : i32
          %get3A_1350 = arith.constant 0 : i32
          %get3A_1351 = tpu.memref_slice %run_scoped3A[%rem3A_374, %get3A_1348, %get3A_1349, %get3A_1350] : memref<2x1x64x384xf32, #tpu.memory_space<vmem>> -> memref<1x1x64x384xf32, #tpu.memory_space<vmem>>
          %get3A_1352 = tpu.memref_squeeze %get3A_1351 : memref<1x1x64x384xf32, #tpu.memory_space<vmem>> -> memref<1x64x384xf32, #tpu.memory_space<vmem>>
          %get3A_1353 = arith.index_cast %get3A_1347 : i32 to index
          %get3A_1354 = arith.index_cast %add3A_1026 : i32 to index
          %get3A_1355 = arith.constant 320 : index
          %get3A_1356 = tpu.vector_load %get3A_1352[%get3A_1353, %get3A_1354, %get3A_1355] {strides = array<i32>} : memref<1x64x384xf32, #tpu.memory_space<vmem>>, vector<16xf32>,
          %gt3A_1357 = arith.cmpf ogt, %get3A_1356, %select_n3A_1342 : vector<16xf32>
          %select_n3A_1358 = arith.select %gt3A_1357, %get3A_1356, %select_n3A_1342 : vector<16xi1>, vector<16xf32>
          %select_n3A_1359 = arith.select %gt3A_1357, %add3A_1346, %select_n3A_1343 : vector<16xi1>, vector<16xi32>
          %add3A_1360 = arith.constant 16 : i32
          %add3A_1361 = vector.broadcast %add3A_1360 : i32 to vector<16xi32>
          %add3A_1362 = arith.addi %add3A_1346, %add3A_1361 : vector<16xi32>
          %get3A_1363 = arith.constant 0 : i32
          %get3A_1364 = arith.constant 0 : i32
          %get3A_1365 = arith.constant 0 : i32
          %get3A_1366 = arith.constant 0 : i32
          %get3A_1367 = tpu.memref_slice %run_scoped3A[%rem3A_374, %get3A_1364, %get3A_1365, %get3A_1366] : memref<2x1x64x384xf32, #tpu.memory_space<vmem>> -> memref<1x1x64x384xf32, #tpu.memory_space<vmem>>
          %get3A_1368 = tpu.memref_squeeze %get3A_1367 : memref<1x1x64x384xf32, #tpu.memory_space<vmem>> -> memref<1x64x384xf32, #tpu.memory_space<vmem>>
          %get3A_1369 = arith.index_cast %get3A_1363 : i32 to index
          %get3A_1370 = arith.index_cast %add3A_1026 : i32 to index
          %get3A_1371 = arith.constant 336 : index
          %get3A_1372 = tpu.vector_load %get3A_1368[%get3A_1369, %get3A_1370, %get3A_1371] {strides = array<i32>} : memref<1x64x384xf32, #tpu.memory_space<vmem>>, vector<16xf32>,
          %gt3A_1373 = arith.cmpf ogt, %get3A_1372, %select_n3A_1358 : vector<16xf32>
          %select_n3A_1374 = arith.select %gt3A_1373, %get3A_1372, %select_n3A_1358 : vector<16xi1>, vector<16xf32>
          %select_n3A_1375 = arith.select %gt3A_1373, %add3A_1362, %select_n3A_1359 : vector<16xi1>, vector<16xi32>
          %add3A_1376 = arith.constant 16 : i32
          %add3A_1377 = vector.broadcast %add3A_1376 : i32 to vector<16xi32>
          %add3A_1378 = arith.addi %add3A_1362, %add3A_1377 : vector<16xi32>
          %get3A_1379 = arith.constant 0 : i32
          %get3A_1380 = arith.constant 0 : i32
          %get3A_1381 = arith.constant 0 : i32
          %get3A_1382 = arith.constant 0 : i32
          %get3A_1383 = tpu.memref_slice %run_scoped3A[%rem3A_374, %get3A_1380, %get3A_1381, %get3A_1382] : memref<2x1x64x384xf32, #tpu.memory_space<vmem>> -> memref<1x1x64x384xf32, #tpu.memory_space<vmem>>
          %get3A_1384 = tpu.memref_squeeze %get3A_1383 : memref<1x1x64x384xf32, #tpu.memory_space<vmem>> -> memref<1x64x384xf32, #tpu.memory_space<vmem>>
          %get3A_1385 = arith.index_cast %get3A_1379 : i32 to index
          %get3A_1386 = arith.index_cast %add3A_1026 : i32 to index
          %get3A_1387 = arith.constant 352 : index
          %get3A_1388 = tpu.vector_load %get3A_1384[%get3A_1385, %get3A_1386, %get3A_1387] {strides = array<i32>} : memref<1x64x384xf32, #tpu.memory_space<vmem>>, vector<16xf32>,
          %gt3A_1389 = arith.cmpf ogt, %get3A_1388, %select_n3A_1374 : vector<16xf32>
          %select_n3A_1390 = arith.select %gt3A_1389, %get3A_1388, %select_n3A_1374 : vector<16xi1>, vector<16xf32>
          %select_n3A_1391 = arith.select %gt3A_1389, %add3A_1378, %select_n3A_1375 : vector<16xi1>, vector<16xi32>
          %add3A_1392 = arith.constant 16 : i32
          %add3A_1393 = vector.broadcast %add3A_1392 : i32 to vector<16xi32>
          %add3A_1394 = arith.addi %add3A_1378, %add3A_1393 : vector<16xi32>
          %get3A_1395 = arith.constant 0 : i32
          %get3A_1396 = arith.constant 0 : i32
          %get3A_1397 = arith.constant 0 : i32
          %get3A_1398 = arith.constant 0 : i32
          %get3A_1399 = tpu.memref_slice %run_scoped3A[%rem3A_374, %get3A_1396, %get3A_1397, %get3A_1398] : memref<2x1x64x384xf32, #tpu.memory_space<vmem>> -> memref<1x1x64x384xf32, #tpu.memory_space<vmem>>
          %get3A_1400 = tpu.memref_squeeze %get3A_1399 : memref<1x1x64x384xf32, #tpu.memory_space<vmem>> -> memref<1x64x384xf32, #tpu.memory_space<vmem>>
          %get3A_1401 = arith.index_cast %get3A_1395 : i32 to index
          %get3A_1402 = arith.index_cast %add3A_1026 : i32 to index
          %get3A_1403 = arith.constant 368 : index
          %get3A_1404 = tpu.vector_load %get3A_1400[%get3A_1401, %get3A_1402, %get3A_1403] {strides = array<i32>} : memref<1x64x384xf32, #tpu.memory_space<vmem>>, vector<16xf32>,
          %gt3A_1405 = arith.cmpf ogt, %get3A_1404, %select_n3A_1390 : vector<16xf32>
          %select_n3A_1406 = arith.select %gt3A_1405, %get3A_1404, %select_n3A_1390 : vector<16xi1>, vector<16xf32>
          %select_n3A_1407 = arith.select %gt3A_1405, %add3A_1394, %select_n3A_1391 : vector<16xi1>, vector<16xi32>
          %add3A_1408 = arith.constant 16 : i32
          %add3A_1409 = vector.broadcast %add3A_1408 : i32 to vector<16xi32>
          %add3A_1410 = arith.addi %add3A_1394, %add3A_1409 : vector<16xi32>
          %gt3A_1411 = arith.cmpf ogt, %select_n3A_1406, %select_n3A_1214 : vector<16xf32>
          %select_n3A_1412 = arith.select %gt3A_1411, %select_n3A_1406, %select_n3A_1214 : vector<16xi1>, vector<16xf32>
          %select_n3A_1413 = arith.select %gt3A_1411, %select_n3A_1407, %select_n3A_1215 : vector<16xi1>, vector<16xi32>
          %reduce_max3A_1414 = arith.constant true
          %reduce_max3A_1415 = vector.broadcast %reduce_max3A_1414 : i1 to vector<16xi1>
          %reduce_max3A_1416 = tpu.scan <max>, %select_n3A_1412 masked %reduce_max3A_1415 : vector<16xf32>, vector<16xi1> -> vector<16xf32>
          %reduce_max3A_1417 = vector.extract %reduce_max3A_1416[15] : f32 from vector<16xf32>
          %eq3A_1418 = vector.broadcast %reduce_max3A_1417 : f32 to vector<16xf32>
          %eq3A_1419 = arith.cmpf oeq, %select_n3A_1412, %eq3A_1418 : vector<16xf32>
          %jit3A_1420 = arith.constant 2147483647 : i32
          %broadcast_in_dim3A_1421 = vector.broadcast %jit3A_1420 : i32 to vector<16xi32>
          %select_n3A_1422 = arith.select %eq3A_1419, %select_n3A_1413, %broadcast_in_dim3A_1421 : vector<16xi1>, vector<16xi32>
          %reduce_min3A_1423 = arith.constant true
          %reduce_min3A_1424 = vector.broadcast %reduce_min3A_1423 : i1 to vector<16xi1>
          %reduce_min3A_1425 = arith.constant -2147483648 : i32
          %reduce_min3A_1426 = vector.broadcast %reduce_min3A_1425 : i32 to vector<16xi32>
          %reduce_min3A_1427 = arith.xori %select_n3A_1422, %reduce_min3A_1426 : vector<16xi32>
          %reduce_min3A_1428 = tpu.scan <min>, %reduce_min3A_1427 masked %reduce_min3A_1424 : vector<16xi32>, vector<16xi1> -> vector<16xi32>
          %reduce_min3A_1429 = arith.xori %reduce_min3A_1428, %reduce_min3A_1426 : vector<16xi32>
          %reduce_min3A_1430 = vector.extract %reduce_min3A_1429[15] : i32 from vector<16xi32>
          %eq3A_1431 = vector.broadcast %add3A_1024 : i32 to vector<16xi32>
          %eq3A_1432 = arith.cmpi eq, %iota3A, %eq3A_1431 : vector<16xi32>
          %broadcast_in_dim3A_1433 = vector.broadcast %reduce_max3A_1417 : f32 to vector<16xf32>
          %select_n3A_1434 = arith.select %eq3A_1432, %broadcast_in_dim3A_1433, %select_n3A_1018 : vector<16xi1>, vector<16xf32>
          %broadcast_in_dim3A_1435 = vector.broadcast %reduce_min3A_1430 : i32 to vector<16xi32>
          %select_n3A_1436 = arith.select %eq3A_1432, %broadcast_in_dim3A_1435, %select_n3A_1020 : vector<16xi1>, vector<16xi32>
          scf.yield %select_n3A_1434, %select_n3A_1436 : vector<16xf32>, vector<16xi32>
        }
        %scan3A_452 = arith.constant 8 : i32
        %swap3A_453 = arith.constant 3 : i32
        %swap3A_454 = arith.constant 0 : i32
        %swap3A_455 = arith.constant 0 : i32
        %swap3A_456 = tpu.memref_slice %run_scoped3A_8[%rem3A_376, %swap3A_454, %swap3A_455] : memref<2x4x16xf32, #tpu.memory_space<vmem>> -> memref<1x4x16xf32, #tpu.memory_space<vmem>>
        %swap3A_457 = tpu.memref_squeeze %swap3A_456 : memref<1x4x16xf32, #tpu.memory_space<vmem>> -> memref<4x16xf32, #tpu.memory_space<vmem>>
        %swap3A_458 = arith.index_cast %swap3A_453 : i32 to index
        %swap3A_459 = arith.constant 0 : index
        %swap3A_460 = tpu.vector_load %swap3A_457[%swap3A_458, %swap3A_459] {strides = array<i32>} : memref<4x16xf32, #tpu.memory_space<vmem>>, vector<16xf32>,
        tpu.vector_store %swap3A_457[%swap3A_458, %swap3A_459], %scan3A_451#0 {strides = array<i32>} : memref<4x16xf32, #tpu.memory_space<vmem>>, vector<16xf32>,
        %swap3A_461 = arith.constant 3 : i32
        %swap3A_462 = arith.constant 0 : i32
        %swap3A_463 = arith.constant 0 : i32
        %swap3A_464 = tpu.memref_slice %run_scoped3A_10[%rem3A_378, %swap3A_462, %swap3A_463] : memref<2x4x16xi32, #tpu.memory_space<vmem>> -> memref<1x4x16xi32, #tpu.memory_space<vmem>>
        %swap3A_465 = tpu.memref_squeeze %swap3A_464 : memref<1x4x16xi32, #tpu.memory_space<vmem>> -> memref<4x16xi32, #tpu.memory_space<vmem>>
        %swap3A_466 = arith.index_cast %swap3A_461 : i32 to index
        %swap3A_467 = arith.constant 0 : index
        %swap3A_468 = tpu.vector_load %swap3A_465[%swap3A_466, %swap3A_467] {strides = array<i32>} : memref<4x16xi32, #tpu.memory_space<vmem>>, vector<16xi32>,
        tpu.vector_store %swap3A_465[%swap3A_466, %swap3A_467], %scan3A_451#1 {strides = array<i32>} : memref<4x16xi32, #tpu.memory_space<vmem>>, vector<16xi32>,
        "tpu.trace_stop"() : () -> ()
        %ne3A_469 = arith.cmpi ne, %add3A_231, %add3A_267 : i32
        %ne3A_470 = arith.cmpi ne, %add3A_232, %add3A_268 : i32
        %or3A_471 = arith.constant false
        %or3A_472 = arith.ori %or3A_471, %ne3A_469 : i1
        %or3A_473 = arith.ori %or3A_472, %ne3A_470 : i1
        %or3A_474 = arith.constant false
        %or3A_475 = arith.ori %or3A_473, %or3A_474 : i1
        %or3A_476 = arith.ori %or3A_475, %eq3A_229 : i1
        %convert_element_type3A_477 = arith.extui %or3A_476 : i1 to i32
        %cond3A_478 = arith.constant 0 : i32
        %cond3A_479 = arith.cmpi ne, %convert_element_type3A_477, %cond3A_478 : i32
        scf.if %cond3A_479 {
        } else {
        }
        %and3A_480 = arith.constant false
        %and3A_481 = arith.andi %or3A_476, %and3A_480 : i1
        %mul3A_482 = arith.constant 64 : i32
        %mul3A_483 = arith.muli %add3A_231, %mul3A_482 : i32
        %add3A_484 = arith.addi %mul3A_483, %add3A_232 : i32
        %mul3A_485 = arith.constant 64 : i32
        %mul3A_486 = arith.muli %add3A_267, %mul3A_485 : i32
        %add3A_487 = arith.addi %mul3A_486, %add3A_268 : i32
        %ne3A_488 = arith.cmpi ne, %add3A_484, %add3A_487 : i32
        %or3A_489 = arith.constant false
        %or3A_490 = arith.ori %or3A_489, %ne3A_488 : i1
        %or3A_491 = arith.constant false
        %or3A_492 = arith.ori %or3A_490, %or3A_491 : i1
        %or3A_493 = arith.ori %or3A_492, %eq3A_229 : i1
        %convert_element_type3A_494 = arith.extui %or3A_493 : i1 to i32
        %cond3A_495 = arith.constant 0 : i32
        %cond3A_496 = arith.cmpi ne, %convert_element_type3A_494, %cond3A_495 : i32
        scf.if %cond3A_496 {
          "tpu.trace_start"() <{level = 10 : i32, message = "ep_copy_out"}> : () -> ()
          %rem3A_607 = arith.constant 2 : i32
          %rem3A_608 = arith.remui %scan3A_220, %rem3A_607 : i32
          %mul3A_609 = arith.constant 64 : i32
          %mul3A_610 = arith.muli %add3A_231, %mul3A_609 : i32
          %add3A_611 = arith.addi %mul3A_610, %add3A_232 : i32
          %mul3A_612 = arith.constant 4 : i32
          %mul3A_613 = arith.muli %mul3A_612, %add3A_611 : i32
          %dma_start3A_614 = arith.constant 0 : i32
          %dma_start3A_615 = arith.constant 0 : i32
          %dma_start3A_616 = tpu.memref_slice %run_scoped3A_8[%rem3A_608, %dma_start3A_614, %dma_start3A_615] : memref<2x4x16xf32, #tpu.memory_space<vmem>> -> memref<1x4x16xf32, #tpu.memory_space<vmem>>
          %dma_start3A_617 = tpu.memref_squeeze %dma_start3A_616 : memref<1x4x16xf32, #tpu.memory_space<vmem>> -> memref<4x16xf32, #tpu.memory_space<vmem>>
          %dma_start3A_618 = arith.constant 0 : i32
          %dma_start3A_619 = tpu.memref_slice %arg3[%mul3A_613, %dma_start3A_618] : memref<4352x16xf32, #tpu.memory_space<hbm>> -> memref<4x16xf32, #tpu.memory_space<hbm>>
          %dma_start3A_620 = tpu.memref_slice %run_scoped3A_9[%rem3A_608] : memref<2x!tpu.dma_semaphore, #tpu.memory_space<semaphore_mem>> -> memref<1x!tpu.dma_semaphore, #tpu.memory_space<semaphore_mem>>
          %dma_start3A_621 = tpu.memref_squeeze %dma_start3A_620 : memref<1x!tpu.dma_semaphore, #tpu.memory_space<semaphore_mem>> -> memref<!tpu.dma_semaphore, #tpu.memory_space<semaphore_mem>>
          %dma_start3A_622 = arith.constant 0 : i32
          %dma_start3A_623 = tpu.memref_slice %arg3[%mul3A_613, %dma_start3A_622] : memref<4352x16xf32, #tpu.memory_space<hbm>> -> memref<4x16xf32, #tpu.memory_space<hbm>>
          %dma_start3A_624 = arith.constant 0 : i32
          %dma_start3A_625 = arith.constant 0 : i32
          %dma_start3A_626 = tpu.memref_slice %run_scoped3A_8[%rem3A_608, %dma_start3A_624, %dma_start3A_625] : memref<2x4x16xf32, #tpu.memory_space<vmem>> -> memref<1x4x16xf32, #tpu.memory_space<vmem>>
          %dma_start3A_627 = tpu.memref_squeeze %dma_start3A_626 : memref<1x4x16xf32, #tpu.memory_space<vmem>> -> memref<4x16xf32, #tpu.memory_space<vmem>>
          tpu.enqueue_dma source(%dma_start3A_627 : memref<4x16xf32, #tpu.memory_space<vmem>>) target(%dma_start3A_623 : memref<4x16xf32, #tpu.memory_space<hbm>>) target_semaphore(%dma_start3A_621 : memref<!tpu.dma_semaphore, #tpu.memory_space<semaphore_mem>>)
          "tpu.trace_stop"() : () -> ()
        } else {
        }
        %and3A_497 = arith.constant true
        %and3A_498 = arith.andi %or3A_493, %and3A_497 : i1
        %add3A_499 = arith.constant 1 : i32
        %add3A_500 = arith.addi %scan3A_220, %add3A_499 : i32
        %select_n3A_501 = arith.select %and3A_498, %add3A_500, %scan3A_220 : i32
        %mul3A_502 = arith.constant 64 : i32
        %mul3A_503 = arith.muli %add3A_231, %mul3A_502 : i32
        %add3A_504 = arith.addi %mul3A_503, %add3A_232 : i32
        %mul3A_505 = arith.constant 64 : i32
        %mul3A_506 = arith.muli %add3A_267, %mul3A_505 : i32
        %add3A_507 = arith.addi %mul3A_506, %add3A_268 : i32
        %ne3A_508 = arith.cmpi ne, %add3A_504, %add3A_507 : i32
        %or3A_509 = arith.constant false
        %or3A_510 = arith.ori %or3A_509, %ne3A_508 : i1
        %or3A_511 = arith.constant false
        %or3A_512 = arith.ori %or3A_510, %or3A_511 : i1
        %or3A_513 = arith.ori %or3A_512, %eq3A_229 : i1
        %convert_element_type3A_514 = arith.extui %or3A_513 : i1 to i32
        %cond3A_515 = arith.constant 0 : i32
        %cond3A_516 = arith.cmpi ne, %convert_element_type3A_514, %cond3A_515 : i32
        scf.if %cond3A_516 {
          "tpu.trace_start"() <{level = 10 : i32, message = "ep_copy_out"}> : () -> ()
          %rem3A_607 = arith.constant 2 : i32
          %rem3A_608 = arith.remui %scan3A_222, %rem3A_607 : i32
          %mul3A_609 = arith.constant 64 : i32
          %mul3A_610 = arith.muli %add3A_231, %mul3A_609 : i32
          %add3A_611 = arith.addi %mul3A_610, %add3A_232 : i32
          %mul3A_612 = arith.constant 4 : i32
          %mul3A_613 = arith.muli %mul3A_612, %add3A_611 : i32
          %dma_start3A_614 = arith.constant 0 : i32
          %dma_start3A_615 = arith.constant 0 : i32
          %dma_start3A_616 = tpu.memref_slice %run_scoped3A_10[%rem3A_608, %dma_start3A_614, %dma_start3A_615] : memref<2x4x16xi32, #tpu.memory_space<vmem>> -> memref<1x4x16xi32, #tpu.memory_space<vmem>>
          %dma_start3A_617 = tpu.memref_squeeze %dma_start3A_616 : memref<1x4x16xi32, #tpu.memory_space<vmem>> -> memref<4x16xi32, #tpu.memory_space<vmem>>
          %dma_start3A_618 = arith.constant 0 : i32
          %dma_start3A_619 = tpu.memref_slice %arg4[%mul3A_613, %dma_start3A_618] : memref<4352x16xi32, #tpu.memory_space<hbm>> -> memref<4x16xi32, #tpu.memory_space<hbm>>
          %dma_start3A_620 = tpu.memref_slice %run_scoped3A_11[%rem3A_608] : memref<2x!tpu.dma_semaphore, #tpu.memory_space<semaphore_mem>> -> memref<1x!tpu.dma_semaphore, #tpu.memory_space<semaphore_mem>>
          %dma_start3A_621 = tpu.memref_squeeze %dma_start3A_620 : memref<1x!tpu.dma_semaphore, #tpu.memory_space<semaphore_mem>> -> memref<!tpu.dma_semaphore, #tpu.memory_space<semaphore_mem>>
          %dma_start3A_622 = arith.constant 0 : i32
          %dma_start3A_623 = tpu.memref_slice %arg4[%mul3A_613, %dma_start3A_622] : memref<4352x16xi32, #tpu.memory_space<hbm>> -> memref<4x16xi32, #tpu.memory_space<hbm>>
          %dma_start3A_624 = arith.constant 0 : i32
          %dma_start3A_625 = arith.constant 0 : i32
          %dma_start3A_626 = tpu.memref_slice %run_scoped3A_10[%rem3A_608, %dma_start3A_624, %dma_start3A_625] : memref<2x4x16xi32, #tpu.memory_space<vmem>> -> memref<1x4x16xi32, #tpu.memory_space<vmem>>
          %dma_start3A_627 = tpu.memref_squeeze %dma_start3A_626 : memref<1x4x16xi32, #tpu.memory_space<vmem>> -> memref<4x16xi32, #tpu.memory_space<vmem>>
          tpu.enqueue_dma source(%dma_start3A_627 : memref<4x16xi32, #tpu.memory_space<vmem>>) target(%dma_start3A_623 : memref<4x16xi32, #tpu.memory_space<hbm>>) target_semaphore(%dma_start3A_621 : memref<!tpu.dma_semaphore, #tpu.memory_space<semaphore_mem>>)
          "tpu.trace_stop"() : () -> ()
        } else {
        }
        %and3A_517 = arith.constant true
        %and3A_518 = arith.andi %or3A_513, %and3A_517 : i1
        %add3A_519 = arith.constant 1 : i32
        %add3A_520 = arith.addi %scan3A_222, %add3A_519 : i32
        %select_n3A_521 = arith.select %and3A_518, %add3A_520, %scan3A_222 : i32
        %ne3A_522 = arith.cmpi ne, %add3A_231, %add3A_249 : i32
        %ne3A_523 = arith.cmpi ne, %add3A_232, %add3A_250 : i32
        %or3A_524 = arith.constant false
        %or3A_525 = arith.ori %or3A_524, %ne3A_522 : i1
        %or3A_526 = arith.ori %or3A_525, %ne3A_523 : i1
        %or3A_527 = arith.constant false
        %or3A_528 = arith.ori %or3A_526, %or3A_527 : i1
        %not3A_529 = arith.constant true
        %not3A_530 = arith.xori %eq3A_227, %not3A_529 : i1
        %and3A_531 = arith.andi %or3A_528, %not3A_530 : i1
        %convert_element_type3A_532 = arith.extui %and3A_531 : i1 to i32
        %cond3A_533 = arith.constant 0 : i32
        %cond3A_534 = arith.cmpi ne, %convert_element_type3A_532, %cond3A_533 : i32
        scf.if %cond3A_534 {
        } else {
        }
        %and3A_535 = arith.constant false
        %and3A_536 = arith.andi %and3A_531, %and3A_535 : i1
        %mul3A_537 = arith.constant 64 : i32
        %mul3A_538 = arith.muli %add3A_231, %mul3A_537 : i32
        %add3A_539 = arith.addi %mul3A_538, %add3A_232 : i32
        %mul3A_540 = arith.constant 64 : i32
        %mul3A_541 = arith.muli %add3A_249, %mul3A_540 : i32
        %add3A_542 = arith.addi %mul3A_541, %add3A_250 : i32
        %ne3A_543 = arith.cmpi ne, %add3A_539, %add3A_542 : i32
        %or3A_544 = arith.constant false
        %or3A_545 = arith.ori %or3A_544, %ne3A_543 : i1
        %or3A_546 = arith.constant false
        %or3A_547 = arith.ori %or3A_545, %or3A_546 : i1
        %not3A_548 = arith.constant true
        %not3A_549 = arith.xori %eq3A_227, %not3A_548 : i1
        %and3A_550 = arith.andi %or3A_547, %not3A_549 : i1
        %convert_element_type3A_551 = arith.extui %and3A_550 : i1 to i32
        %cond3A_552 = arith.constant 0 : i32
        %cond3A_553 = arith.cmpi ne, %convert_element_type3A_551, %cond3A_552 : i32
        scf.if %cond3A_553 {
          "tpu.trace_start"() <{level = 10 : i32, message = "ep_wait_out"}> : () -> ()
          %rem3A_607 = arith.constant 2 : i32
          %rem3A_608 = arith.remui %scan3A_221, %rem3A_607 : i32
          %mul3A_609 = arith.constant 64 : i32
          %mul3A_610 = arith.muli %add3A_249, %mul3A_609 : i32
          %add3A_611 = arith.addi %mul3A_610, %add3A_250 : i32
          %mul3A_612 = arith.constant 4 : i32
          %mul3A_613 = arith.muli %mul3A_612, %add3A_611 : i32
          %dma_wait3A_614 = arith.constant 0 : i32
          %dma_wait3A_615 = arith.constant 0 : i32
          %dma_wait3A_616 = tpu.memref_slice %run_scoped3A_8[%rem3A_608, %dma_wait3A_614, %dma_wait3A_615] : memref<2x4x16xf32, #tpu.memory_space<vmem>> -> memref<1x4x16xf32, #tpu.memory_space<vmem>>
          %dma_wait3A_617 = tpu.memref_squeeze %dma_wait3A_616 : memref<1x4x16xf32, #tpu.memory_space<vmem>> -> memref<4x16xf32, #tpu.memory_space<vmem>>
          %dma_wait3A_618 = arith.constant 0 : i32
          %dma_wait3A_619 = tpu.memref_slice %arg3[%mul3A_613, %dma_wait3A_618] : memref<4352x16xf32, #tpu.memory_space<hbm>> -> memref<4x16xf32, #tpu.memory_space<hbm>>
          %dma_wait3A_620 = tpu.memref_slice %run_scoped3A_9[%rem3A_608] : memref<2x!tpu.dma_semaphore, #tpu.memory_space<semaphore_mem>> -> memref<1x!tpu.dma_semaphore, #tpu.memory_space<semaphore_mem>>
          %dma_wait3A_621 = tpu.memref_squeeze %dma_wait3A_620 : memref<1x!tpu.dma_semaphore, #tpu.memory_space<semaphore_mem>> -> memref<!tpu.dma_semaphore, #tpu.memory_space<semaphore_mem>>
          %dma_wait3A_622 = arith.constant 0 : i32
          %dma_wait3A_623 = tpu.memref_slice %arg3[%mul3A_613, %dma_wait3A_622] : memref<4352x16xf32, #tpu.memory_space<hbm>> -> memref<4x16xf32, #tpu.memory_space<hbm>>
          %dma_wait3A_624 = arith.constant 0 : i32
          %dma_wait3A_625 = arith.constant 0 : i32
          %dma_wait3A_626 = tpu.memref_slice %run_scoped3A_8[%rem3A_608, %dma_wait3A_624, %dma_wait3A_625] : memref<2x4x16xf32, #tpu.memory_space<vmem>> -> memref<1x4x16xf32, #tpu.memory_space<vmem>>
          %dma_wait3A_627 = tpu.memref_squeeze %dma_wait3A_626 : memref<1x4x16xf32, #tpu.memory_space<vmem>> -> memref<4x16xf32, #tpu.memory_space<vmem>>
          tpu.wait_dma2 semaphore(%dma_wait3A_621 : memref<!tpu.dma_semaphore, #tpu.memory_space<semaphore_mem>>) src(%dma_wait3A_627 : memref<4x16xf32, #tpu.memory_space<vmem>>) dst(%dma_wait3A_623 : memref<4x16xf32, #tpu.memory_space<hbm>>)
          "tpu.trace_stop"() : () -> ()
        } else {
        }
        %and3A_554 = arith.constant true
        %and3A_555 = arith.andi %and3A_550, %and3A_554 : i1
        %add3A_556 = arith.constant 1 : i32
        %add3A_557 = arith.addi %scan3A_221, %add3A_556 : i32
        %select_n3A_558 = arith.select %and3A_555, %add3A_557, %scan3A_221 : i32
        %mul3A_559 = arith.constant 64 : i32
        %mul3A_560 = arith.muli %add3A_231, %mul3A_559 : i32
        %add3A_561 = arith.addi %mul3A_560, %add3A_232 : i32
        %mul3A_562 = arith.constant 64 : i32
        %mul3A_563 = arith.muli %add3A_249, %mul3A_562 : i32
        %add3A_564 = arith.addi %mul3A_563, %add3A_250 : i32
        %ne3A_565 = arith.cmpi ne, %add3A_561, %add3A_564 : i32
        %or3A_566 = arith.constant false
        %or3A_567 = arith.ori %or3A_566, %ne3A_565 : i1
        %or3A_568 = arith.constant false
        %or3A_569 = arith.ori %or3A_567, %or3A_568 : i1
        %not3A_570 = arith.constant true
        %not3A_571 = arith.xori %eq3A_227, %not3A_570 : i1
        %and3A_572 = arith.andi %or3A_569, %not3A_571 : i1
        %convert_element_type3A_573 = arith.extui %and3A_572 : i1 to i32
        %cond3A_574 = arith.constant 0 : i32
        %cond3A_575 = arith.cmpi ne, %convert_element_type3A_573, %cond3A_574 : i32
        scf.if %cond3A_575 {
          "tpu.trace_start"() <{level = 10 : i32, message = "ep_wait_out"}> : () -> ()
          %rem3A_607 = arith.constant 2 : i32
          %rem3A_608 = arith.remui %scan3A_223, %rem3A_607 : i32
          %mul3A_609 = arith.constant 64 : i32
          %mul3A_610 = arith.muli %add3A_249, %mul3A_609 : i32
          %add3A_611 = arith.addi %mul3A_610, %add3A_250 : i32
          %mul3A_612 = arith.constant 4 : i32
          %mul3A_613 = arith.muli %mul3A_612, %add3A_611 : i32
          %dma_wait3A_614 = arith.constant 0 : i32
          %dma_wait3A_615 = arith.constant 0 : i32
          %dma_wait3A_616 = tpu.memref_slice %run_scoped3A_10[%rem3A_608, %dma_wait3A_614, %dma_wait3A_615] : memref<2x4x16xi32, #tpu.memory_space<vmem>> -> memref<1x4x16xi32, #tpu.memory_space<vmem>>
          %dma_wait3A_617 = tpu.memref_squeeze %dma_wait3A_616 : memref<1x4x16xi32, #tpu.memory_space<vmem>> -> memref<4x16xi32, #tpu.memory_space<vmem>>
          %dma_wait3A_618 = arith.constant 0 : i32
          %dma_wait3A_619 = tpu.memref_slice %arg4[%mul3A_613, %dma_wait3A_618] : memref<4352x16xi32, #tpu.memory_space<hbm>> -> memref<4x16xi32, #tpu.memory_space<hbm>>
          %dma_wait3A_620 = tpu.memref_slice %run_scoped3A_11[%rem3A_608] : memref<2x!tpu.dma_semaphore, #tpu.memory_space<semaphore_mem>> -> memref<1x!tpu.dma_semaphore, #tpu.memory_space<semaphore_mem>>
          %dma_wait3A_621 = tpu.memref_squeeze %dma_wait3A_620 : memref<1x!tpu.dma_semaphore, #tpu.memory_space<semaphore_mem>> -> memref<!tpu.dma_semaphore, #tpu.memory_space<semaphore_mem>>
          %dma_wait3A_622 = arith.constant 0 : i32
          %dma_wait3A_623 = tpu.memref_slice %arg4[%mul3A_613, %dma_wait3A_622] : memref<4352x16xi32, #tpu.memory_space<hbm>> -> memref<4x16xi32, #tpu.memory_space<hbm>>
          %dma_wait3A_624 = arith.constant 0 : i32
          %dma_wait3A_625 = arith.constant 0 : i32
          %dma_wait3A_626 = tpu.memref_slice %run_scoped3A_10[%rem3A_608, %dma_wait3A_624, %dma_wait3A_625] : memref<2x4x16xi32, #tpu.memory_space<vmem>> -> memref<1x4x16xi32, #tpu.memory_space<vmem>>
          %dma_wait3A_627 = tpu.memref_squeeze %dma_wait3A_626 : memref<1x4x16xi32, #tpu.memory_space<vmem>> -> memref<4x16xi32, #tpu.memory_space<vmem>>
          tpu.wait_dma2 semaphore(%dma_wait3A_621 : memref<!tpu.dma_semaphore, #tpu.memory_space<semaphore_mem>>) src(%dma_wait3A_627 : memref<4x16xi32, #tpu.memory_space<vmem>>) dst(%dma_wait3A_623 : memref<4x16xi32, #tpu.memory_space<hbm>>)
          "tpu.trace_stop"() : () -> ()
        } else {
        }
        %and3A_576 = arith.constant true
        %and3A_577 = arith.andi %and3A_572, %and3A_576 : i1
        %add3A_578 = arith.constant 1 : i32
        %add3A_579 = arith.addi %scan3A_223, %add3A_578 : i32
        %select_n3A_580 = arith.select %and3A_577, %add3A_579, %scan3A_223 : i32
        %ne3A_581 = arith.cmpi ne, %add3A_231, %add3A_267 : i32
        %ne3A_582 = arith.cmpi ne, %add3A_232, %add3A_268 : i32
        %or3A_583 = arith.constant false
        %or3A_584 = arith.ori %or3A_583, %ne3A_581 : i1
        %or3A_585 = arith.ori %or3A_584, %ne3A_582 : i1
        %or3A_586 = arith.constant false
        %or3A_587 = arith.ori %or3A_585, %or3A_586 : i1
        %or3A_588 = arith.ori %or3A_587, %eq3A_229 : i1
        %add3A_589 = arith.constant 1 : i32
        %add3A_590 = arith.addi %scan3A_219, %add3A_589 : i32
        %select_n3A_591 = arith.select %or3A_588, %add3A_590, %scan3A_219 : i32
        %add3A_592 = arith.constant 1 : i32
        %add3A_593 = arith.addi %scan3A_225, %add3A_592 : i32
        %select_n3A_594 = arith.constant true
        %select_n3A_595 = arith.select %select_n3A_594, %add3A_593, %scan3A_225 : i32
        %eq3A_596 = arith.constant 2 : i32
        %eq3A_597 = arith.cmpi eq, %select_n3A_595, %eq3A_596 : i32
        %select_n3A_598 = arith.constant 0 : i32
        %select_n3A_599 = arith.select %eq3A_597, %select_n3A_598, %select_n3A_595 : i32
        %add3A_600 = arith.constant 1 : i32
        %add3A_601 = arith.addi %scan3A_224, %add3A_600 : i32
        %select_n3A_602 = arith.select %eq3A_597, %add3A_601, %scan3A_224 : i32
        %eq3A_603 = arith.constant 17 : i32
        %eq3A_604 = arith.cmpi eq, %select_n3A_602, %eq3A_603 : i32
        %select_n3A_605 = arith.constant 0 : i32
        %select_n3A_606 = arith.select %eq3A_604, %select_n3A_605, %select_n3A_602 : i32
        scf.yield %select_n3A_299, %select_n3A_591, %select_n3A_501, %select_n3A_558, %select_n3A_521, %select_n3A_580, %select_n3A_606, %select_n3A_599 : i32, i32, i32, i32, i32, i32, i32, i32
      }
      %scan3A_104 = arith.constant 34 : i32
      %sub3A = arith.constant 1 : i32
      %sub3A_105 = arith.subi %scan3A_103#7, %sub3A : i32
      %select_n3A_106 = arith.constant true
      %select_n3A_107 = arith.select %select_n3A_106, %sub3A_105, %scan3A_103#7 : i32
      %eq3A_108 = arith.constant -1 : i32
      %eq3A_109 = arith.cmpi eq, %select_n3A_107, %eq3A_108 : i32
      %select_n3A_110 = arith.constant 1 : i32
      %select_n3A_111 = arith.select %eq3A_109, %select_n3A_110, %select_n3A_107 : i32
      %sub3A_112 = arith.constant 1 : i32
      %sub3A_113 = arith.subi %scan3A_103#6, %sub3A_112 : i32
      %select_n3A_114 = arith.select %eq3A_109, %sub3A_113, %scan3A_103#6 : i32
      %eq3A_115 = arith.constant -1 : i32
      %eq3A_116 = arith.cmpi eq, %select_n3A_114, %eq3A_115 : i32
      %select_n3A_117 = arith.constant 16 : i32
      %select_n3A_118 = arith.select %eq3A_116, %select_n3A_117, %select_n3A_114 : i32
      %add3A_119 = arith.constant 0 : i32
      %add3A_120 = arith.addi %select_n3A_118, %add3A_119 : i32
      %add3A_121 = arith.addi %select_n3A_111, %mul3A_6 : i32
      %sub3A_122 = arith.constant 1 : i32
      %sub3A_123 = arith.subi %select_n3A_111, %sub3A_122 : i32
      %select_n3A_124 = arith.constant true
      %select_n3A_125 = arith.select %select_n3A_124, %sub3A_123, %select_n3A_111 : i32
      %eq3A_126 = arith.constant -1 : i32
      %eq3A_127 = arith.cmpi eq, %select_n3A_125, %eq3A_126 : i32
      %select_n3A_128 = arith.constant 1 : i32
      %select_n3A_129 = arith.select %eq3A_127, %select_n3A_128, %select_n3A_125 : i32
      %sub3A_130 = arith.constant 1 : i32
      %sub3A_131 = arith.subi %select_n3A_118, %sub3A_130 : i32
      %select_n3A_132 = arith.select %eq3A_127, %sub3A_131, %select_n3A_118 : i32
      %eq3A_133 = arith.constant -1 : i32
      %eq3A_134 = arith.cmpi eq, %select_n3A_132, %eq3A_133 : i32
      %select_n3A_135 = arith.constant 16 : i32
      %select_n3A_136 = arith.select %eq3A_134, %select_n3A_135, %select_n3A_132 : i32
      %add3A_137 = arith.constant 0 : i32
      %add3A_138 = arith.addi %select_n3A_136, %add3A_137 : i32
      %add3A_139 = arith.addi %select_n3A_129, %mul3A_6 : i32
      %add3A_140 = arith.constant 1 : i32
      %add3A_141 = arith.addi %select_n3A_111, %add3A_140 : i32
      %select_n3A_142 = arith.constant true
      %select_n3A_143 = arith.select %select_n3A_142, %add3A_141, %select_n3A_111 : i32
      %eq3A_144 = arith.constant 2 : i32
      %eq3A_145 = arith.cmpi eq, %select_n3A_143, %eq3A_144 : i32
      %select_n3A_146 = arith.constant 0 : i32
      %select_n3A_147 = arith.select %eq3A_145, %select_n3A_146, %select_n3A_143 : i32
      %add3A_148 = arith.constant 1 : i32
      %add3A_149 = arith.addi %select_n3A_118, %add3A_148 : i32
      %select_n3A_150 = arith.select %eq3A_145, %add3A_149, %select_n3A_118 : i32
      %eq3A_151 = arith.constant 17 : i32
      %eq3A_152 = arith.cmpi eq, %select_n3A_150, %eq3A_151 : i32
      %select_n3A_153 = arith.constant 0 : i32
      %select_n3A_154 = arith.select %eq3A_152, %select_n3A_153, %select_n3A_150 : i32
      %add3A_155 = arith.constant 0 : i32
      %add3A_156 = arith.addi %select_n3A_154, %add3A_155 : i32
      %add3A_157 = arith.addi %select_n3A_147, %mul3A_6 : i32
      %add3A_158 = arith.constant 1 : i32
      %add3A_159 = arith.addi %select_n3A_147, %add3A_158 : i32
      %select_n3A_160 = arith.constant true
      %select_n3A_161 = arith.select %select_n3A_160, %add3A_159, %select_n3A_147 : i32
      %eq3A_162 = arith.constant 2 : i32
      %eq3A_163 = arith.cmpi eq, %select_n3A_161, %eq3A_162 : i32
      %select_n3A_164 = arith.constant 0 : i32
      %select_n3A_165 = arith.select %eq3A_163, %select_n3A_164, %select_n3A_161 : i32
      %add3A_166 = arith.constant 1 : i32
      %add3A_167 = arith.addi %select_n3A_154, %add3A_166 : i32
      %select_n3A_168 = arith.select %eq3A_163, %add3A_167, %select_n3A_154 : i32
      %eq3A_169 = arith.constant 17 : i32
      %eq3A_170 = arith.cmpi eq, %select_n3A_168, %eq3A_169 : i32
      %select_n3A_171 = arith.constant 0 : i32
      %select_n3A_172 = arith.select %eq3A_170, %select_n3A_171, %select_n3A_168 : i32
      %add3A_173 = arith.constant 0 : i32
      %add3A_174 = arith.addi %select_n3A_172, %add3A_173 : i32
      %add3A_175 = arith.addi %select_n3A_165, %mul3A_6 : i32
      "tpu.trace_start"() <{level = 10 : i32, message = "ep_finalize"}> : () -> ()
      %rem3A_176 = arith.constant 2 : i32
      %rem3A_177 = arith.remui %scan3A_103#3, %rem3A_176 : i32
      %mul3A_178 = arith.constant 64 : i32
      %mul3A_179 = arith.muli %add3A_120, %mul3A_178 : i32
      %add3A_180 = arith.addi %mul3A_179, %add3A_121 : i32
      %mul3A_181 = arith.constant 4 : i32
      %mul3A_182 = arith.muli %mul3A_181, %add3A_180 : i32
      %dma_wait3A = arith.constant 0 : i32
      %dma_wait3A_183 = arith.constant 0 : i32
      %dma_wait3A_184 = tpu.memref_slice %run_scoped3A_8[%rem3A_177, %dma_wait3A, %dma_wait3A_183] : memref<2x4x16xf32, #tpu.memory_space<vmem>> -> memref<1x4x16xf32, #tpu.memory_space<vmem>>
      %dma_wait3A_185 = tpu.memref_squeeze %dma_wait3A_184 : memref<1x4x16xf32, #tpu.memory_space<vmem>> -> memref<4x16xf32, #tpu.memory_space<vmem>>
      %dma_wait3A_186 = arith.constant 0 : i32
      %dma_wait3A_187 = tpu.memref_slice %arg3[%mul3A_182, %dma_wait3A_186] : memref<4352x16xf32, #tpu.memory_space<hbm>> -> memref<4x16xf32, #tpu.memory_space<hbm>>
      %dma_wait3A_188 = tpu.memref_slice %run_scoped3A_9[%rem3A_177] : memref<2x!tpu.dma_semaphore, #tpu.memory_space<semaphore_mem>> -> memref<1x!tpu.dma_semaphore, #tpu.memory_space<semaphore_mem>>
      %dma_wait3A_189 = tpu.memref_squeeze %dma_wait3A_188 : memref<1x!tpu.dma_semaphore, #tpu.memory_space<semaphore_mem>> -> memref<!tpu.dma_semaphore, #tpu.memory_space<semaphore_mem>>
      %dma_wait3A_190 = arith.constant 0 : i32
      %dma_wait3A_191 = tpu.memref_slice %arg3[%mul3A_182, %dma_wait3A_190] : memref<4352x16xf32, #tpu.memory_space<hbm>> -> memref<4x16xf32, #tpu.memory_space<hbm>>
      %dma_wait3A_192 = arith.constant 0 : i32
      %dma_wait3A_193 = arith.constant 0 : i32
      %dma_wait3A_194 = tpu.memref_slice %run_scoped3A_8[%rem3A_177, %dma_wait3A_192, %dma_wait3A_193] : memref<2x4x16xf32, #tpu.memory_space<vmem>> -> memref<1x4x16xf32, #tpu.memory_space<vmem>>
      %dma_wait3A_195 = tpu.memref_squeeze %dma_wait3A_194 : memref<1x4x16xf32, #tpu.memory_space<vmem>> -> memref<4x16xf32, #tpu.memory_space<vmem>>
      tpu.wait_dma2 semaphore(%dma_wait3A_189 : memref<!tpu.dma_semaphore, #tpu.memory_space<semaphore_mem>>) src(%dma_wait3A_195 : memref<4x16xf32, #tpu.memory_space<vmem>>) dst(%dma_wait3A_191 : memref<4x16xf32, #tpu.memory_space<hbm>>)
      %rem3A_196 = arith.constant 2 : i32
      %rem3A_197 = arith.remui %scan3A_103#5, %rem3A_196 : i32
      %mul3A_198 = arith.constant 64 : i32
      %mul3A_199 = arith.muli %add3A_120, %mul3A_198 : i32
      %add3A_200 = arith.addi %mul3A_199, %add3A_121 : i32
      %mul3A_201 = arith.constant 4 : i32
      %mul3A_202 = arith.muli %mul3A_201, %add3A_200 : i32
      %dma_wait3A_203 = arith.constant 0 : i32
      %dma_wait3A_204 = arith.constant 0 : i32
      %dma_wait3A_205 = tpu.memref_slice %run_scoped3A_10[%rem3A_197, %dma_wait3A_203, %dma_wait3A_204] : memref<2x4x16xi32, #tpu.memory_space<vmem>> -> memref<1x4x16xi32, #tpu.memory_space<vmem>>
      %dma_wait3A_206 = tpu.memref_squeeze %dma_wait3A_205 : memref<1x4x16xi32, #tpu.memory_space<vmem>> -> memref<4x16xi32, #tpu.memory_space<vmem>>
      %dma_wait3A_207 = arith.constant 0 : i32
      %dma_wait3A_208 = tpu.memref_slice %arg4[%mul3A_202, %dma_wait3A_207] : memref<4352x16xi32, #tpu.memory_space<hbm>> -> memref<4x16xi32, #tpu.memory_space<hbm>>
      %dma_wait3A_209 = tpu.memref_slice %run_scoped3A_11[%rem3A_197] : memref<2x!tpu.dma_semaphore, #tpu.memory_space<semaphore_mem>> -> memref<1x!tpu.dma_semaphore, #tpu.memory_space<semaphore_mem>>
      %dma_wait3A_210 = tpu.memref_squeeze %dma_wait3A_209 : memref<1x!tpu.dma_semaphore, #tpu.memory_space<semaphore_mem>> -> memref<!tpu.dma_semaphore, #tpu.memory_space<semaphore_mem>>
      %dma_wait3A_211 = arith.constant 0 : i32
      %dma_wait3A_212 = tpu.memref_slice %arg4[%mul3A_202, %dma_wait3A_211] : memref<4352x16xi32, #tpu.memory_space<hbm>> -> memref<4x16xi32, #tpu.memory_space<hbm>>
      %dma_wait3A_213 = arith.constant 0 : i32
      %dma_wait3A_214 = arith.constant 0 : i32
      %dma_wait3A_215 = tpu.memref_slice %run_scoped3A_10[%rem3A_197, %dma_wait3A_213, %dma_wait3A_214] : memref<2x4x16xi32, #tpu.memory_space<vmem>> -> memref<1x4x16xi32, #tpu.memory_space<vmem>>
      %dma_wait3A_216 = tpu.memref_squeeze %dma_wait3A_215 : memref<1x4x16xi32, #tpu.memory_space<vmem>> -> memref<4x16xi32, #tpu.memory_space<vmem>>
      tpu.wait_dma2 semaphore(%dma_wait3A_210 : memref<!tpu.dma_semaphore, #tpu.memory_space<semaphore_mem>>) src(%dma_wait3A_216 : memref<4x16xi32, #tpu.memory_space<vmem>>) dst(%dma_wait3A_212 : memref<4x16xi32, #tpu.memory_space<hbm>>)
      "tpu.trace_stop"() : () -> ()
      tpu.yield
    }) : () -> ()
    return
  }
}

</mosaic_0001>

<sc_bundles>
// kernel: _sc_decode_x.3.cloned.1.call-start
scs
__scs_entry_jumppad:
0x0: {  	(pc) =	sbr.rel $0x88, $3  }
0x1: {  	(tag) =	ssettag $0x0;
	lr =	simm.s32 $0x1  }
0x2: {  	[smem:$0x3FA0] =	sst lr;
	_ =	strace $0xD0000000  }
0x3: {  	_ = 	snop  }
0x4: {  	_ = 	snop  }
0x5: {  	_ = 	snop  }
0x6: {  	_ = 	snop  }
0x7: {  	_ = 	snop  }
__scs_overlays_trampoline_lowered:
0x8: {  	[smem:$0x3FAF] =	sst s0  }
0x9: {  	[smem:$0x3FB0] =	sst s1  }
0xa: {  	[smem:$0x3FB1] =	sst s2  }
0xb: {  	[smem:$0x3FB2] =	sst s3  }
0xc: {  	[smem:$0x3FB3] =	sst s4  }
0xd: {  	[smem:$0x3FB4] =	sst s5  }
0xe: {  	[smem:$0x3FB5] =	sst s6  }
0xf: {  	[smem:$0x3FB6] =	sst s7  }
0x10: {  	[smem:$0x3FB7] =	sst s8  }
0x11: {  	[smem:$0x3FB8] =	sst s9;
	s0 =	simm.s32 @!p0 $0x0  }
0x12: {  	s1 =	sld [smem:$0x3F9E];
	s0 =	simm.s32 @p0 $0x1  }
0x13: {  	[smem:$0x3FB9] =	sst s0;
	s0 =	simm.s32 @!p1 $0x0  }
0x14: {  	s2 =	sld [smem:$0x3F9D];
	s0 =	simm.s32 @p1 $0x1  }
0x15: {  	[smem:$0x3FBA] =	sst s0;
	s0 =	simm.s32 @!p2 $0x0  }
0x16: {  	s3 =	sld [smem:$0x3FDB];
	s0 =	simm.s32 @p2 $0x1  }
0x17: {  	s4 =	simm.s32 $0x1BF5;
	[smem:$0x3FBC] =	sst s0  }
0x18: {  	s0 =	sld [smem:$0x3F9F];
	_ =	swait.ge [sflag:s4], $0x0  }
0x19: {  	s7 =	sld [smem:$0x3FA0]  }
0x1a: {  	s8 =	sadd.s32 $0xFFFFE003, lr  }
0x1b: {  	s9 =	sadd.s32 $0xFFFFFEF7, lr;
	s5 =	simm.s32 $0xFFFFFFFF;
	p2 =	slt.u32 s8, $0xFFFFF086  }
0x1c: {  	p1 =	slt.u32 s9, $0xF7A;
	s5 =	simm.s32 @!p2 $0x0  }
0x1d: {  	s5 =	simm.s32 @p1 $0x1;
	p0 =	seq.s32 s7, s2  }
0x1e: {  	s7 =	smul.u32 @!p0 $0xF7A, s2;
	p2 =	seq.s32 @!p0 s5, $0x0  }
0x1f: {  	s9 =	smul.u32 $0xF7A, s1;
	s8 =	simm.s32 @!p0 $0x1BF5;
	p2 =	por !p2, p0  }
0x20: {  	[sflag:s8] =	ssyncset.s32 @!p0 $0xFFFFF086;
	s6 =	sadd.s32 @!p0 s3, s7;
	s7 =	simm.s32 @!p0 $0x108  }
0x21: {  	s3 =	sadd.s32 s3, s9;
	s6 =	sadd.s32 @!p0 $0x88, s6;
	s7 =	simm.s32 @p2 $0x1082  }
0x22: {  	[simem:s7], [sflag:s8] =	dma.local @!p0 [hbm:s6], $0xF7A  }
0x23: {  	s9 =	sor.u32 $0xD0000000, s2;
	s6 =	simm.s32 $0x108;
	_ =	swait.ge @!p0 [sflag:s8], $0x0  }
0x24: {  	s3 =	sadd.s32 $0x88, s3;
	s6 =	simm.s32 @!p1 $0x1082;
	[sflag:s4] =	ssyncset.s32 $0xFFFFF086  }
0x25: {  	[simem:s6], [sflag:s4] =	dma.local [hbm:s3], $0xF7A  }
0x26: {  	[smem:$0x3FA0] =	sst s1;
	(tag) =	ssettag s2;
	_ =	strace s9  }
0x27: {  	s1 =	sld [smem:$0x3FB0]  }
0x28: {  	s2 =	sld [smem:$0x3FB1]  }
0x29: {  	s4 =	sld [smem:$0x3FB3]  }
0x2a: {  	p0 =	seq.s32 s5, $0x0;
	s5 =	sld [smem:$0x3FB4]  }
0x2b: {  	s6 =	sld [smem:$0x3FB5]  }
0x2c: {  	s7 =	sld [smem:$0x3FB6]  }
0x2d: {  	s3 =	simm.s32 $0x108;
	s8 =	sld [smem:$0x3FB7]  }
0x2e: {  	s3 =	simm.s32 @!p0 $0x1082;
	s9 =	sld [smem:$0x3FB8]  }
0x2f: {  	lr =	sadd.s32 s0, s3;
	s0 =	sld [smem:$0x3FAF]  }
0x30: {  	s3 =	sld [smem:$0x3FB2]  }
0x31: {  	[smem:$0x3FBB] =	sst s10  }
0x32: {  	s10 =	sld [smem:$0x3FB9];
	_ =	sdelay $0x3  }
0x33: {  	p0 =	seq.s32 s10, $0x1;
	s10 =	sld [smem:$0x3FBB];
	_ =	sdelay $0x3  }
0x34: {  	[smem:$0x3FBB] =	sst s10  }
0x35: {  	s10 =	sld [smem:$0x3FBA];
	_ =	sdelay $0x3  }
0x36: {  	p1 =	seq.s32 s10, $0x1;
	s10 =	sld [smem:$0x3FBB];
	_ =	sdelay $0x3  }
0x37: {  	[smem:$0x3FBB] =	sst s10  }
0x38: {  	s10 =	sld [smem:$0x3FBC]  }
0x39: {  	_ = 	snop;
	(pc) =	sbr.ind lr, $3  }
0x3a: {  	_ = 	snop  }
0x3b: {  	_ = 	snop  }
0x3c: {  	p2 =	seq.s32 s10, $0x1;
	s10 =	sld [smem:$0x3FBB]  }
0x3d: {  	_ =	shalt  }
0x3e: {  	_ =	shalt  }
0x3f: {  	_ =	shalt  }
0x40: {  	_ =	shalt  }
0x41: {  	_ =	shalt  }
0x42: {  	_ =	shalt  }
0x43: {  	_ =	shalt  }
0x44: {  	_ =	shalt  }
0x45: {  	_ =	shalt  }
0x46: {  	_ =	shalt  }
0x47: {  	_ =	shalt  }
0x48: {  	_ =	shalt  }
0x49: {  	_ =	shalt  }
0x4a: {  	_ =	shalt  }
0x4b: {  	_ =	shalt  }
0x4c: {  	_ =	shalt  }
0x4d: {  	_ =	shalt  }
0x4e: {  	_ =	shalt  }
0x4f: {  	_ =	shalt  }
0x50: {  	_ =	shalt  }
0x51: {  	_ =	shalt  }
0x52: {  	_ =	shalt  }
0x53: {  	_ =	shalt  }
0x54: {  	_ =	shalt  }
0x55: {  	_ =	shalt  }
0x56: {  	_ =	shalt  }
0x57: {  	_ =	shalt  }
0x58: {  	_ =	shalt  }
0x59: {  	_ =	shalt  }
0x5a: {  	_ =	shalt  }
0x5b: {  	_ =	shalt  }
0x5c: {  	_ =	shalt  }
0x5d: {  	_ =	shalt  }
0x5e: {  	_ =	shalt  }
0x5f: {  	_ =	shalt  }
0x60: {  	_ =	shalt  }
0x61: {  	_ =	shalt  }
0x62: {  	_ =	shalt  }
0x63: {  	_ =	shalt  }
0x64: {  	_ =	shalt  }
0x65: {  	_ =	shalt  }
0x66: {  	_ =	shalt  }
0x67: {  	_ =	shalt  }
0x68: {  	_ =	shalt  }
0x69: {  	_ =	shalt  }
0x6a: {  	_ =	shalt  }
0x6b: {  	_ =	shalt  }
0x6c: {  	_ =	shalt  }
0x6d: {  	_ =	shalt  }
0x6e: {  	_ =	shalt  }
0x6f: {  	_ =	shalt  }
0x70: {  	_ =	shalt  }
0x71: {  	_ =	shalt  }
0x72: {  	_ =	shalt  }
0x73: {  	_ =	shalt  }
0x74: {  	_ =	shalt  }
0x75: {  	_ =	shalt  }
0x76: {  	_ =	shalt  }
0x77: {  	_ =	shalt  }
0x78: {  	_ =	shalt  }
0x79: {  	_ =	shalt  }
0x7a: {  	_ =	shalt  }
0x7b: {  	_ =	shalt  }
0x7c: {  	_ =	shalt  }
0x7d: {  	_ =	shalt  }
0x7e: {  	_ =	shalt  }
0x7f: {  	_ =	shalt  }
0x80: {  	_ =	shalt  }
0x81: {  	_ =	shalt  }
0x82: {  	_ =	shalt  }
0x83: {  	_ =	shalt  }
0x84: {  	_ =	shalt  }
0x85: {  	_ =	shalt  }
0x86: {  	_ =	shalt  }
0x87: {  	_ =	shalt  }
.Lfunc_end0:
.L_simem_size_0:
called_computation_lowered:
.L_overlay_start_0:
0x88: {  	s2 =	sld [smem:$0x3FD9]  }
0x89: {  	s3 =	sld [smem:$0x3FFE];
	_ =	sdelay $0x1  }
0x8a: {  	s1 =	srdreg.scid  }
0x8b: {  	s0 =	sand.u32 $0x1, s1  }
0x8c: {  	s17 =	sshll.u32 s0, $0xA;
	s2 =	sadd.s32 s3, s2  }
0x8d: {  	s2 =	sadd.s32 s2, s17  }
0x8e: {  	[smem:$0x3FC7] =	sst s2  }
0x8f: {  	_ = 	snop  }
0x90: {  	s2 =	sld [smem:$0x3FC9];
	(tm) =	ssettm $0x1  }
0x91: {  	s18 =	sld [smem:$0x3FFB];
	_ =	sdelay $0x3  }
0x92: {  	_ =	strace s18  }
0x93: {  	s3 =	sld [smem:$0x3FFC];
	_ =	sdelay $0x3  }
0x94: {  	_ =	strace s3  }
0x95: {  	s3 =	sld [smem:$0x3FFD];
	_ =	sdelay $0x3  }
0x96: {  	_ =	strace s3  }
0x97: {  	_ =	strace $0x8FFFFFFF  }
0x98: {  	s19 =	sld [smem:$0x3FDB];
	_ =	sdelay $0x1  }
0x99: {  	s4 =	simm.s32 $_scs_section_size  }
0x9a: {  	s5 =	simm.s32 $_size__tile_overlayer_lowered;
	s6 =	simm.s32 $_tile_overlayer_lowered  }
0x9b: {  	s22 =	simm.s32 $0x1BFF;
	s21 =	sshll.u32 s6, $0x1;
	s3 =	sadd.s32 s4, s19  }
0x9c: {  	s7 =	simm.s32 $0x0;
	s20 =	sshll.u32 s5, $0x1;
	s5 =	sadd.s32 s21, s3  }
0x9d: {  	[timem:s7], [sflag:s22] =	dma.local [hbm:s5], s20  }
0x9e: {  	_ =	swait.ge [sflag:s22], s20  }
0x9f: {  	s4 =	ssub.s32 $0x0, s20;
	[sflag:s22] =	ssyncset.done $0x0  }
0xa0: {  	[sflag:s22] =	ssyncadd.s32 s4;
	_ =	sdelay $0x1  }
0xa1: {  	s23 =	simm.s32 $0x1B8B  }
0xa2: {  	_ =	swait.ge [sflag:s23], $0x1  }
0xa3: {  	[sflag:s23] =	ssyncset.done $0x0  }
0xa4: {  	s25 =	simm.s32 $0x1B8E;
	s24 =	sld [smem:$0x3FFE];
	[sflag:s23] =	ssyncadd.s32 $0xFFFFFFFF  }
0xa5: {  	s26 =	simm.s32 $execute0_lowered;
	[smem:$0x3FD2] =	sst s25  }
0xa6: {  	s5 =	sshll.u32 s26, $0x1;
	_ =	strace $0x80000046;
	[dreg:$0x1] =	wrdreg $0xFFFFFFFF  }
0xa7: {  	s28 =	simm.s32 $_size_execute0_lowered;
	s3 =	sadd.s32 s3, s5;
	[dreg:$0x0] =	wrdreg $0x0  }
0xa8: {  	s5 =	sshll.u32 s28, $0x1;
	[dreg:$0x2] =	wrdreg s3  }
0xa9: {  	[dreg:$0x3] =	wrdreg s5  }
0xaa: {  	[dreg:$0x4] =	wrdreg $0xC0  }
0xab: {  	_ =	task [dreg:s7], $0x5FFFF  }
0xac: {  	[dreg:$0x1] =	wrdreg $0xFFFFFFFF  }
0xad: {  	[dreg:$0x0] =	wrdreg $0x60  }
0xae: {  	[dreg:$0x2] =	wrdreg s2  }
0xaf: {  	[dreg:$0x3] =	wrdreg s24  }
0xb0: {  	[dreg:$0x4] =	wrdreg $0x9  }
0xb1: {  	_ =	task.clear_ibuf [dreg:s7], $0x5FFFF;
	_ =	strace $0x90000046  }
0xb2: {  	s29 =	simm.s32 $0x9;
	_ =	strace $0x80000051  }
0xb3: {  	_ =	swait.ge [sflag:s29], $0x1  }
0xb4: {  	[sflag:s29] =	ssyncadd.s32 $0xFFFFFFFF  }
0xb5: {  	_ =	strace $0x90000051  }
0xb6: {  	_ =	sfence  }
0xb7: {  	s30 =	sld [smem:$0x0];
	_ =	sdelay $0x2  }
0xb8: {  	s31 =	sshll.u32 s1, $0xD;
	s1 =	sshrl.u32 s1, $0x2  }
0xb9: {  	s3 =	sand.u32 $0x4000, s31;
	s1 =	sadd.s32 s1, s30  }
0xba: {  	s0 =	sor.u32 s3, s0;
	s1 =	sshll.u32 s1, $0x11  }
0xbb: {  	s0 =	sor.u32 s1, s0  }
0xbc: {  	s0 =	sadd.s32 $0x8F2B, s0  }
0xbd: {  	[sflag:s0] =	ssyncadd.remote.s32 $0x1  }
0xbe: {  	_ =	sfence.sel $0xFFFF  }
0xbf: {  	[dreg:$0x0] =	wrdreg $0xFFFFFFFF;
	(pc) =	sbr.abs _section_cstart, $3  }
0xc0: {  	[dreg:$0x1] =	wrdreg $0xFFFFFFFF  }
0xc1: {  	_ =	task.clear_ibuf [dreg:s7], $0x2FFFF;
	_ =	strace $0x9FFFFFFF  }
0xc2: {  	(tm) =	ssettm $0x7FFFFFFF  }
0xc3: {  	_ =	shalt  }
tec
execute0_lowered:
.L_overlay_start_1:
0x0: {  	(tag) =	ssettag $0x1  }
0x1: {  	s0 =	rddreg [dreg:$0x0]  }
0x2: {  	v0 =	vlaneseq.u32;
	s1 =	rddreg [dreg:$0x1]  }
0x3: {  	s3 =	srdreg.scid;
	s2 =	simm.s32 $0x0;
	s28 =	stileid.u32;
	v1 =	vor.u32 $0x10, v0;
	v2 =	vor.u32 $0x20, v0  }
0x4: {  	v3 =	vor.u32 $0x30, v0;
	v4 =	vor.u32 $0x40, v0;
	v5 =	vor.u32 $0x50, v0;
	s3 =	sand.u32 $0x1, s3;
	[smem:$0x7FF] =	sst s2;
	s29 =	sadd.s32 $0xA00, s1  }
0x5: {  	v6 =	vor.u32 $0x60, v0;
	v7 =	vor.u32 $0x70, v0;
	v8 =	vor.u32 $0x80, v0;
	s1 =	sadd.s32 $0x11A00, s1;
	s4 =	sshll.u32 s3, $0x4;
	s3 =	ssub.s32 $0x2, s3  }
0x6: {  	v9 =	vor.u32 $0x90, v0;
	v10 =	vor.u32 $0xA0, v0;
	v11 =	vor.u32 $0xB0, v0;
	_ =	strace $0x80000047;
	s4 =	sor.u32 s28, s4;
	s5 =	sshrl.u32 s3, $0x1  }
0x7: {  	v12 =	vor.u32 $0xC0, v0;
	v13 =	vor.u32 $0xD0, v0;
	v14 =	vor.u32 $0xE0, v0;
	[dreg:$0x3] =	wrdreg s29;
	s7 =	smul.u32 $0x1800, s4;
	s30 =	ssub.s32 s3, s5  }
0x8: {  	v15 =	vor.u32 $0xF0, v0;
	v16 =	vor.u32 $0x100, v0;
	v17 =	vor.u32 $0x110, v0;
	[dreg:$0x4] =	wrdreg s1;
	s31 =	smax.u32 s30, $0x1  }
0x9: {  	v18 =	vor.u32 $0x120, v0;
	v19 =	vor.u32 $0x130, v0;
	v20 =	vor.u32 $0x140, v0;
	s0 =	sadd.s32 s0, s7;
	[dreg:$0x6] =	wrdreg s31  }
0xa: {  	v21 =	vor.u32 $0x150, v0;
	v22 =	vor.u32 $0x160, v0;
	v23 =	vor.u32 $0x170, v0;
	s1 =	simm.s32 $0x0;
	s6 =	sshll.u32 s4, $0x1;
	[dreg:$0x5] =	wrdreg s0  }
.LBB2_1:
0xb: {  	[dreg:$0x7] =	wrdreg s1;
	s0 =	simm.s32 $0x0  }
0xc: {  	s11 =	simm.s32 $0x0;
	s12 =	simm.s32 $0x0;
	s10 =	simm.s32 $0x0  }
0xd: {  	s13 =	simm.s32 $0x0;
	s1 =	simm.s32 $0x0;
	_ =	strace $0x80000048  }
0xe: {  	s14 =	simm.s32 $0x0;
	s15 =	simm.s32 $0x0;
	s31 =	rddreg [dreg:$0x5]  }
0xf: {  	[tilespmem:s0], [sflag:$0x1] =	stream.linear.gather [hbm4b:s31+s0], $0x6000, $0x200038;
	[tilespmem:$0xC800] =	vst v63  }
0x10: {  	s16 =	simm.s32 $0x1;
	s17 =	simm.s32 $0x0;
	_ =	strace $0x90000048  }
.LBB2_2:
0x11: {  	s18 =	smov.u32 s11;
	s11 =	sadd.s32 $0x1, s11  }
0x12: {  	s3 =	simm.s32 $0x1;
	p0 =	seq.s32 s11, $0x2  }
0x13: {  	s3 =	simm.s32 @!p0 $0x0  }
0x14: {  	s19 =	smov.u32 s12;
	s12 =	sadd.s32 s3, s12  }
0x15: {  	p1 =	seq.s32 s12, $0x11  }
0x16: {  	s11 =	simm.s32 @p0 $0x0;
	s12 =	simm.s32 @p1 $0x0  }
0x17: {  	p5 =	sne.s32 s18, s11;
	p4 =	sne.s32 s19, s12  }
0x18: {  	p6 =	sne.s32 s17, $0x21;
	p0 =	por p5, p4  }
0x19: {  	p1 =	por !p6, !p0  }
0x1a: {  	p1 =	por !p1, !p1  }
0x1b: {  	s20 =	sadd.s32 s6, s11;
	s3 =	smul.u32 @p1 $0x180000, s12  }
0x1c: {  	s4 =	smul.u32 @p1 $0x6000, s20  }
0x1d: {  	s5 =	sand.u32 @p1 $0x1, s16  }
0x1e: {  	_ =	strace @p1 $0x80000049;
	s7 =	smul.u32 @p1 $0x18000, s5;
	s3 =	sadd.s32 @p1 s4, s3  }
0x1f: {  	s5 =	sadd.s32 @p1 $0x1, s5;
	s0 =	rddreg [dreg:$0x0];
	s3 =	sshrl.u32 @p1 s3, $0x3  }
0x20: {  	s4 =	sshrl.u32 @p1 s7, $0x2;
	s7 =	simm.s32 @p1 $0x0;
	s3 =	sadd.s32 @p1 s0, s3  }
0x21: {  	[tilespmem:s4], [sflag:s5] =	stream.linear.gather @p1 [hbm4b:s3+s7], $0x6000, $0x200038;
	[tilespmem:$0xC800] =	vst v63  }
0x22: {  	s22 =	sand.u32 $0x1, s15;
	s24 =	simm.s32 $0x0;
	_ =	strace @p1 $0x90000049  }
0x23: {  	s23 =	sadd.s32 $0x1, s22;
	s25 =	smul.u32 $0x3000, s24;
	_ =	strace $0x8000004A  }
0x24: {  	s3 =	smul.u32 $0x18000, s22;
	_ =	swait.ge [sflag:s23], $0x6000  }
0x25: {  	s31 =	simm.s32 $0x80;
	s26 =	sshra.s32 s25, $0x2;
	[sflag:s23] =	ssyncset.done $0x0  }
0x26: {  	s0 =	simm.s32 $0x0;
	s21 =	sshrl.u32 s3, $0x2;
	[sflag:s23] =	ssyncadd.s32 $0xFFFFA000  }
0x27: {  	s5 =	sand.u32 $0x380, s31;
	s2 =	sadd.s32 s26, s21;
	_ =	strace $0x9000004A  }
0x28: {  	s9 =	sand.u32 $0x300, s0;
	s22 =	sadd.s32 s5, s2;
	_ =	strace $0x8000004B  }
0x29: {  	s23 =	sadd.s32 s9, s2;
	v24 =	vld [tilespmem:s22+$0x70]  }
0x2a: {  	v25 =	vld [tilespmem:s23+$0x70]  }
0x2b: {  	v29 =	vld [tilespmem:s22+$0x0]  }
0x2c: {  	v30 =	vld [tilespmem:s22+$0x10]  }
0x2d: {  	s3 =	sadd.s32 $0x400, s2;
	v31 =	vld [tilespmem:s23+$0x0]  }
0x2e: {  	s8 =	sadd.s32 s5, s3;
	v32 =	vld [tilespmem:s23+$0x10]  }
0x2f: {  	s3 =	sadd.s32 s9, s3;
	v33 =	vld [tilespmem:s8+$0x40]  }
0x30: {  	v35 =	vld [tilespmem:s3+$0x40]  }
0x31: {  	v36 =	vld [tilespmem:s3+$0x50]  }
0x32: {  	v34 =	vld [tilespmem:s8+$0x50]  }
0x33: {  	v37 =	vld [tilespmem:s22+$0x20]  }
0x34: {  	v38 =	vld [tilespmem:s23+$0x20]  }
0x35: {  	v47 =	vimm.s32 $0x0;
	v40 =	vld [tilespmem:s8+$0x60];
	vm0 =	vgt.f32 v32, v31  }
0x36: {  	v43 =	vld [tilespmem:s3+$0x60];
	vm1 =	vgt.f32 v30, v29;
	vm2 =	vgt.f32 v36, v35;
	v41 =	vsel vm0, v1, v0  }
0x37: {  	v45 =	vld [tilespmem:s23+$0x30];
	v42 =	vsel vm1, v1, v0;
	v29 =	vsel vm1, v30, v29;
	vm1 =	vgt.f32 v34, v33  }
0x38: {  	v58 =	vld [tilespmem:s8+$0x70];
	v31 =	vsel vm0, v32, v31;
	v57 =	vsel vm2, v13, v12;
	v35 =	vsel vm2, v36, v35  }
0x39: {  	v60 =	vld [tilespmem:s3+$0x70];
	v44 =	vsel vm1, v13, v12;
	vm0 =	vgt.f32 v38, v31;
	vm3 =	vgt.f32 v37, v29  }
0x3a: {  	v30 =	vld [tilespmem:s22+$0x30];
	v33 =	vsel vm1, v34, v33;
	v41 =	vsel vm0, v2, v41;
	v59 =	vsel vm3, v2, v42  }
0x3b: {  	s7 =	sadd.s32 $0x800, s2;
	v62 =	vld [tilespmem:s23+$0x40];
	v31 =	vsel vm0, v38, v31;
	vm0 =	vgt.f32 v43, v35;
	vm1 =	vgt.f32 v40, v33  }
0x3c: {  	s5 =	sadd.s32 s5, s7;
	v61 =	vld [tilespmem:s22+$0x40];
	v29 =	vsel vm3, v37, v29;
	v32 =	vsel vm0, v14, v57;
	v44 =	vsel vm1, v14, v44  }
0x3d: {  	s7 =	sadd.s32 s9, s7;
	v63 =	vld [tilespmem:s5+$0x0];
	vm3 =	vgt.f32 v45, v31;
	v35 =	vsel vm0, v43, v35;
	v33 =	vsel vm1, v40, v33  }
0x3e: {  	v49 =	vld [tilespmem:s7+$0x0];
	v48 =	vsel vm3, v3, v41;
	v31 =	vsel vm3, v45, v31;
	vm0 =	vgt.f32 v60, v35  }
0x3f: {  	v39 =	vld [tilespmem:s23+$0x50];
	vm1 =	vgt.f32 v58, v33;
	vm2 =	vgt.f32 v30, v29;
	v32 =	vsel vm0, v15, v32  }
0x40: {  	v28 =	vld [tilespmem:s22+$0x50];
	v44 =	vsel vm1, v15, v44;
	vm3 =	vgt.f32 v62, v31;
	v35 =	vsel vm0, v60, v35  }
0x41: {  	v50 =	vld [tilespmem:s5+$0x10];
	v33 =	vsel vm1, v58, v33;
	v60 =	vimm.s32 $0x0;
	v29 =	vsel vm2, v30, v29  }
0x42: {  	v51 =	vld [tilespmem:s7+$0x10];
	v30 =	vsel vm2, v3, v59;
	v52 =	vsel vm3, v4, v48;
	v31 =	vsel vm3, v62, v31  }
0x43: {  	v27 =	vld [tilespmem:s23+$0x60];
	vm0 =	vgt.f32 v49, v35;
	vm1 =	vgt.f32 v63, v33;
	vm2 =	vgt.f32 v61, v29  }
0x44: {  	v26 =	vld [tilespmem:s22+$0x60];
	v32 =	vsel vm0, v16, v32;
	v44 =	vsel vm1, v16, v44;
	vm3 =	vgt.f32 v39, v31  }
0x45: {  	v55 =	vld [tilespmem:s5+$0x20];
	v35 =	vsel vm0, v49, v35;
	v33 =	vsel vm1, v63, v33;
	v29 =	vsel vm2, v61, v29  }
0x46: {  	v56 =	vld [tilespmem:s7+$0x20];
	v30 =	vsel vm2, v4, v30;
	v34 =	vsel vm3, v5, v52;
	v31 =	vsel vm3, v39, v31  }
0x47: {  	v53 =	vld [tilespmem:s8+$0x20];
	vm1 =	vgt.f32 v51, v35;
	vm3 =	vgt.f32 v50, v33;
	vm2 =	vgt.f32 v28, v29  }
0x48: {  	v54 =	vld [tilespmem:s8+$0x10];
	v32 =	vsel vm1, v17, v32;
	v44 =	vsel vm3, v17, v44;
	vm0 =	vgt.f32 v27, v31  }
0x49: {  	v57 =	vld [tilespmem:s3+$0x0];
	v35 =	vsel vm1, v51, v35;
	v33 =	vsel vm3, v50, v33;
	v28 =	vsel vm2, v28, v29  }
0x4a: {  	v59 =	vld [tilespmem:s7+$0x30];
	v30 =	vsel vm2, v5, v30;
	v27 =	vsel vm0, v27, v31;
	vm1 =	vgt.f32 v55, v33  }
0x4b: {  	v46 =	vld [tilespmem:s3+$0x30];
	vm3 =	vgt.f32 v56, v35;
	v31 =	vimm.s32 $0x0;
	v34 =	vsel vm0, v6, v34  }
0x4c: {  	v58 =	vld [tilespmem:s5+$0x30];
	vm2 =	vgt.f32 v26, v28;
	v31 =	vsel vm3, $0xFFFFFFFF, v31;
	vm4 =	vgt.f32 v25, v27  }
0x4d: {  	v61 =	vld [tilespmem:s3+$0x10];
	v35 =	vsel vm3, v56, v35;
	v33 =	vsel vm1, v55, v33;
	v25 =	vsel vm4, v25, v27  }
0x4e: {  	v29 =	vld [tilespmem:s8+$0x0];
	v51 =	vsel vm1, v18, v44;
	v27 =	vimm.s32 $0x0;
	vm3 =	vgt.f32 v57, v25  }
0x4f: {  	v26 =	vsel vm2, v26, v28;
	v28 =	vld [tilespmem:s5+$0x40];
	[tilespmem:$0x1FF90] =	vst v31;
	vm6 =	vgt.f32 v59, v35;
	v27 =	vsel vm3, $0xFFFFFFFF, v27  }
0x50: {  	v31 =	vld [tilespmem:s7+$0x40];
	v30 =	vsel vm2, v6, v30;
	vm5 =	vgt.f32 v24, v26;
	[tilespmem:$0x1FFE0] =	vst v27;
	v27 =	vimm.s32 $0x0  }
0x51: {  	v63 =	vld [tilespmem:s3+$0x20];
	v35 =	vsel vm6, v59, v35;
	v45 =	vsel vm5, $0xFFFFFFFF, v60;
	v27 =	vsel vm6, $0xFFFFFFFF, v27  }
0x52: {  	v24 =	vsel vm5, v24, v26;
	vm5 =	vgt.f32 v58, v33;
	v26 =	vimm.s32 $0x0;
	[tilespmem:$0x1FFB0] =	vst v27;
	v27 =	vld [tilespmem:s7+$0x50]  }
0x53: {  	v48 =	vld [tilespmem:s7+$0x60];
	v25 =	vsel vm3, v57, v25;
	v26 =	vsel vm5, $0xFFFFFFFF, v26;
	vm7 =	vgt.f32 v29, v24  }
0x54: {  	vm9 =	vgt.f32 v61, v25;
	[tilespmem:$0x1FFD0] =	vst v26;
	v26 =	vld [tilespmem:s5+$0x50];
	v24 =	vsel vm7, v29, v24;
	v29 =	vsel vm5, v58, v33  }
0x55: {  	v49 =	vld [tilespmem:s7+$0x70];
	v25 =	vsel vm9, v61, v25;
	vm3 =	vgt.f32 v31, v35;
	vm8 =	vgt.f32 v28, v29  }
0x56: {  	vm10 =	vgt.f32 v54, v24;
	v28 =	vsel vm8, v28, v29;
	v29 =	vld [tilespmem:s5+$0x60];
	v31 =	vsel vm3, v31, v35  }
0x57: {  	v36 =	vld [tilespmem:s8+$0x30];
	vm15 =	vgt.f32 v63, v25;
	v39 =	vsel vm3, $0xFFFFFFFF, v47;
	vm11 =	vgt.f32 v27, v31  }
0x58: {  	v50 =	vld [tilespmem:s5+$0x70];
	v24 =	vsel vm10, v54, v24;
	v25 =	vsel vm15, v63, v25;
	v27 =	vsel vm11, v27, v31  }
0x59: {  	vm12 =	vgt.f32 v53, v24;
	vm14 =	vgt.f32 v26, v28;
	vm3 =	vgt.f32 v48, v27  }
0x5a: {  	vm13 =	vgt.f32 v46, v25;
	v26 =	vsel vm14, v26, v28;
	v28 =	vsel vm3, v48, v27  }
0x5b: {  	v24 =	vsel vm12, v53, v24;
	vm2 =	vgt.f32 v29, v26;
	vm5 =	vgt.f32 v49, v28  }
0x5c: {  	v25 =	vsel vm13, v46, v25;
	v26 =	vsel vm2, v29, v26;
	v29 =	vsel vm5, v49, v28  }
0x5d: {  	vm0 =	vgt.f32 v36, v24;
	vm6 =	vgt.f32 v50, v26;
	vm1 =	vgt.f32 v29, v25  }
0x5e: {  	[tilespmem:$0x1FFA0] =	vst v45;
	v24 =	vsel vm0, v36, v24;
	v26 =	vsel vm6, v50, v26;
	v52 =	vsel vm1, v29, v25;
	v25 =	vld [tilespmem:$0x1FF90]  }
0x5f: {  	v34 =	vsel vm4, v7, v34;
	vm4 =	vgt.f32 v26, v24;
	v29 =	vld [tilespmem:$0x1FFA0]  }
0x60: {  	v26 =	vsel vm4, v26, v24;
	v24 =	vld [tilespmem:$0x1FFB0];
	_ =	sdelay $0x1  }
0x61: {  	v62 =	vimm.s32 $0x0  }
0x62: {  	v40 =	vsel vm7, $0xFFFFFFFF, v62;
	vm7 =	vnez.u8 v25  }
0x63: {  	s22 =	simm.s32 $0x0;
	v25 =	vsel vm7, v18, v32;
	vm7 =	vnez.u8 v29  }
0x64: {  	s3 =	smul.u32 $0x3000, s22;
	[tilespmem:$0x1FFC0] =	vst v40;
	v29 =	vsel vm7, v7, v30;
	vm7 =	vnez.u8 v24  }
0x65: {  	v24 =	vsel vm7, v19, v25;
	v25 =	vld [tilespmem:$0x1FFC0]  }
0x66: {  	s23 =	sshra.s32 s3, $0x2;
	s3 =	simm.s32 $0x100  }
0x67: {  	s28 =	sadd.s32 s23, s21;
	s9 =	sand.u32 $0x300, s3  }
0x68: {  	s30 =	sadd.s32 s9, s28  }
0x69: {  	v58 =	vld [tilespmem:s30+$0x10]  }
0x6a: {  	v54 =	vld [tilespmem:s30+$0x0];
	vm7 =	vnez.u8 v25  }
0x6b: {  	v25 =	vsel vm7, v8, v29;
	v29 =	vld [tilespmem:$0x1FFD0]  }
0x6c: {  	s25 =	sadd.s32 $0x400, s28;
	[tilespmem:$0x1FFF0] =	vst v39;
	v30 =	vld [tilespmem:$0x1FFE0]  }
0x6d: {  	s7 =	sadd.s32 s9, s25;
	v53 =	vld [tilespmem:$0x1FFF0]  }
0x6e: {  	s24 =	simm.s32 $0x180;
	v35 =	vld [tilespmem:s7+$0x40]  }
0x6f: {  	s31 =	simm.s32 $0x1;
	v59 =	vmov s0;
	s5 =	sand.u32 $0x380, s24;
	v37 =	vld [tilespmem:s7+$0x50]  }
0x70: {  	v63 =	vmov s31;
	v41 =	vld [tilespmem:s7+$0x60];
	s29 =	sadd.s32 s5, s28;
	v25 =	vsel vm10, v9, v25;
	vm7 =	vnez.u8 v29  }
0x71: {  	v40 =	vld [tilespmem:s29+$0x0];
	v25 =	vsel vm12, v10, v25;
	v29 =	vsel vm7, v19, v51;
	vm7 =	vnez.u8 v30  }
0x72: {  	s26 =	sadd.s32 s5, s25;
	v42 =	vld [tilespmem:s29+$0x10];
	v56 =	vsel vm0, v11, v25;
	v30 =	vsel vm7, v8, v34;
	vm7 =	vnez.u8 v53  }
0x73: {  	v46 =	vld [tilespmem:s26+$0x40];
	(xrf0) =	vmax.scan.msk.f32 $0xffff, v52;
	v25 =	vimm.s32 $0x0;
	v29 =	vsel vm8, v20, v29;
	v24 =	vsel vm7, v20, v24  }
0x74: {  	v50 =	vld [tilespmem:s26+$0x50];
	(xrf0) =	vmax.scan.msk.f32 $0xffff, v26;
	v30 =	vsel vm9, v9, v30;
	v29 =	vsel vm14, v21, v29;
	vm14 =	veq.s32 v63, v0  }
0x75: {  	v39 =	vld [tilespmem:s30+$0x20];
	v30 =	vsel vm15, v10, v30;
	v24 =	vsel vm11, v21, v24;
	v57 =	vsel vm2, v22, v29  }
0x76: {  	v33 =	vld [tilespmem:s29+$0x50];
	vm2 =	vgt.f32 v37, v35;
	v55 =	vsel vm3, v22, v24;
	v24 =	vimm.f32 $0.0e+00  }
0x77: {  	v36 =	vld [tilespmem:s29+$0x20];
	v30 =	vsel vm13, v11, v30;
	v61 =	vsel vm6, v23, v57;
	vm3 =	vgt.f32 v58, v54  }
0x78: {  	v31 =	vld [tilespmem:s29+$0x60];
	v45 =	vsel vm2, v13, v12;
	v34 =	vsel vm5, v23, v55;
	v38 =	vsel vm4, v61, v56  }
0x79: {  	v27 =	vld [tilespmem:s29+$0x70];
	v29, _, _ =	vpop (xrf0);
	vm4 =	vgt.f32 v42, v40;
	v47 =	vsel vm3, v1, v0;
	vm5 =	vgt.f32 v50, v46  }
0x7a: {  	v28 =	vld [tilespmem:s30+$0x70];
	v29 =	vbroadcast v29, $0xF;
	v60, _, _ =	vpop (xrf0);
	v34 =	vsel vm1, v34, v30;
	v62 =	vxor.u32 $0x80000000, v38  }
0x7b: {  	p2 =	seq.s32 s18, $0x0;
	s4 =	simm.s32 $0x1;
	v32 =	vld [tilespmem:s30+$0x60];
	v44 =	vsel vm4, v1, v0;
	v48 =	vsel vm4, v42, v40;
	v30 =	vbroadcast v60, $0xF  }
0x7c: {  	s4 =	simm.s32 @!p2 $0x0;
	v38 =	vld [tilespmem:s26+$0x60];
	v43 =	vsel vm5, v13, v12;
	v34 =	vxor.u32 $0x80000000, v34;
	vm0 =	veq.f32 v52, v29  }
0x7d: {  	s22 =	smov.u32 s1;
	s8 =	simm.s32 $0x2;
	s24 =	sadd.s32 $0xFFFFFFFF, s18;
	v40 =	vld [tilespmem:s29+$0x30];
	v46 =	vsel vm5, v50, v46;
	v49 =	vnsel vm0, $0xFFFFFFFF, v34;
	vm1 =	veq.f32 v26, v30  }
0x7e: {  	s1 =	simm.s32 $0x2;
	s23 =	ssub.s32 s19, s4;
	s24 =	simm.s32 @p2 $0x1;
	v42 =	vld [tilespmem:s30+$0x30];
	v26 =	vmov s8;
	v51 =	vnsel vm1, $0xFFFFFFFF, v62;
	(xrf0) =	vmin.scan.msk.u32 $0xffff, v49;
	v49 =	vsel vm3, v58, v54  }
0x7f: {  	s4 =	simm.s32 $0x2;
	s25 =	sadd.s32 s6, s18;
	s24 =	sadd.s32 s6, s24;
	vm0 =	veq.s32 v59, v0;
	v34 =	vld [tilespmem:s30+$0x50];
	vm3 =	vgt.f32 v36, v48;
	(xrf0) =	vmin.scan.msk.u32 $0xffff, v51;
	vm4 =	vgt.f32 v39, v49  }
.LBB2_3:
0x80: {  	_ = 	snop  }
0x81: {  	v47 =	vsel vm4, v2, v47;
	v35 =	vsel vm2, v37, v35;
	v58 =	vld [tilespmem:s26+$0x70]  }
0x82: {  	v57 =	vsel vm3, v2, v44;
	v39 =	vsel vm4, v39, v49;
	v59 =	vld [tilespmem:s7+$0x70];
	v24 =	vsel vm0, v29, v24  }
0x83: {  	v36 =	vsel vm3, v36, v48;
	v61 =	vld [tilespmem:s29+$0x40];
	v24 =	vsel vm14, v30, v24;
	v30 =	vimm.s32 $0x0  }
0x84: {  	v62 =	vld [tilespmem:s30+$0x40];
	v50, _, _ =	vpop (xrf0);
	vm2 =	vgt.f32 v41, v35;
	vm3 =	vgt.f32 v38, v46;
	vm4 =	vgt.f32 v40, v36  }
0x85: {  	s28 =	sadd.s32 $0x800, s28;
	vm5 =	vgt.f32 v42, v39;
	(v2sf) =	vpush v50, $0xF;
	v45 =	vsel vm2, v14, v45  }
0x86: {  	s5 =	sadd.s32 s5, s28;
	v43 =	vsel vm3, v14, v43;
	v41 =	vsel vm2, v41, v35;
	v38 =	vsel vm3, v38, v46  }
0x87: {  	s9 =	sadd.s32 s9, s28;
	v63 =	vld [tilespmem:s5+$0x0];
	v60, _, _ =	vpop (xrf0);
	v47 =	vsel vm5, v3, v47;
	v40 =	vsel vm4, v40, v36;
	v37 =	vsel vm4, v3, v57  }
0x88: {  	v51 =	vld [tilespmem:s9+$0x0];
	v39 =	vsel vm5, v42, v39;
	(v2sf) =	vpush v60, $0xF;
	vm2 =	vgt.f32 v59, v41  }
0x89: {  	vm3 =	vgt.f32 v58, v38;
	vm4 =	vgt.f32 v61, v40;
	vm5 =	vgt.f32 v62, v39  }
0x8a: {  	v53 =	vsel vm2, v15, v45;
	v43 =	vsel vm3, v15, v43;
	v41 =	vsel vm2, v59, v41  }
0x8b: {  	v38 =	vsel vm3, v58, v38;
	v55 =	vsel vm5, v4, v47;
	v40 =	vsel vm4, v61, v40  }
0x8c: {  	v54 =	vld [tilespmem:s5+$0x10];
	v37 =	vsel vm4, v4, v37;
	v39 =	vsel vm5, v62, v39;
	v61 =	vimm.s32 $0x0  }
0x8d: {  	v56 =	vld [tilespmem:s9+$0x10];
	v47 =	vimm.s32 $0x0;
	vm2 =	vgt.f32 v51, v41;
	vm3 =	vgt.f32 v63, v38  }
0x8e: {  	vm4 =	vgt.f32 v33, v40;
	vm5 =	vgt.f32 v34, v39;
	v42 =	vsel vm2, v16, v53  }
0x8f: {  	v43 =	vsel vm3, v16, v43;
	v41 =	vsel vm2, v51, v41;
	v38 =	vsel vm3, v63, v38  }
0x90: {  	v57 =	vld [tilespmem:s5+$0x20];
	v45 =	vsel vm5, v5, v55;
	v33 =	vsel vm4, v33, v40;
	v37 =	vsel vm4, v5, v37  }
0x91: {  	v58 =	vld [tilespmem:s9+$0x20];
	v34 =	vsel vm5, v34, v39;
	v53 =	vimm.s32 $0x0;
	v55 =	vimm.s32 $0x0  }
0x92: {  	v48 =	vld [tilespmem:s26+$0x20];
	vm2 =	vgt.f32 v56, v41;
	vm3 =	vgt.f32 v54, v38;
	vm1 =	vgt.f32 v31, v33  }
0x93: {  	v62 =	vld [tilespmem:s5+$0x30];
	vm4 =	vgt.f32 v32, v34;
	v42 =	vsel vm2, v17, v42;
	v43 =	vsel vm3, v17, v43  }
0x94: {  	v63 =	vld [tilespmem:s9+$0x30];
	v51 =	vsel vm4, $0xFFFFFFFF, v61;
	v41 =	vsel vm2, v56, v41;
	v38 =	vsel vm3, v54, v38  }
0x95: {  	v52 =	vld [tilespmem:s5+$0x40];
	v32 =	vsel vm4, v32, v34;
	v31 =	vsel vm1, v31, v33;
	v54 =	vimm.s32 $0x0  }
0x96: {  	v29 =	vld [tilespmem:s9+$0x40];
	[tilespmem:$0x1FEF0] =	vst v51;
	vm3 =	vgt.f32 v57, v38;
	vm2 =	vgt.f32 v58, v41;
	v51 =	vimm.s32 $0x0  }
0x97: {  	v49 =	vld [tilespmem:s26+$0x10];
	vm4 =	vgt.f32 v28, v32;
	v33 =	vsel vm3, $0xFFFFFFFF, v47;
	v38 =	vsel vm3, v57, v38  }
0x98: {  	v60 =	vld [tilespmem:s7+$0x0];
	v41 =	vsel vm2, v58, v41;
	[tilespmem:$0x1FF00] =	vst v33;
	v33 =	vsel vm2, $0xFFFFFFFF, v51;
	vm2 =	vgt.f32 v62, v38  }
0x99: {  	v59 =	vld [tilespmem:s26+$0x0];
	v30 =	vsel vm4, $0xFFFFFFFF, v30;
	vm3 =	vgt.f32 v63, v41;
	v38 =	vsel vm2, v62, v38  }
0x9a: {  	v56 =	vld [tilespmem:s9+$0x50];
	v28 =	vsel vm4, v28, v32;
	v34 =	vsel vm3, v63, v41;
	vm13 =	vgt.f32 v52, v38;
	s31 =	spop (v2sf)  }
0x9b: {  	v35 =	vld [tilespmem:s26+$0x30];
	v57 =	vimm.s32 $0x0;
	[tilespmem:$0x1FF20] =	vst v33;
	vm12 =	vgt.f32 v29, v34;
	v33 =	vsel vm13, v52, v38;
	s26 =	sxor.u32 $0x80000000, s31  }
0x9c: {  	[tilespmem:$0x1FF10] =	vst v30;
	v30 =	vld [tilespmem:s7+$0x10];
	v29 =	vsel vm12, v29, v34;
	s28 =	spop (v2sf);
	v25 =	vsel vm0, s26, v25;
	vm0 =	vgt.f32 v27, v31  }
0x9d: {  	v36 =	vld [tilespmem:s7+$0x30];
	s0 =	sxor.u32 $0x80000000, s28;
	v47 =	vsel vm0, $0xFFFFFFFF, v53;
	v27 =	vsel vm0, v27, v31;
	v31 =	vimm.s32 $0x0  }
0x9e: {  	v58 =	vld [tilespmem:s7+$0x20];
	v25 =	vsel vm14, s0, v25;
	vm0 =	vgt.f32 v60, v28;
	v31 =	vsel vm2, $0xFFFFFFFF, v31  }
0x9f: {  	vm14 =	vgt.f32 v56, v29;
	v32 =	vsel vm0, $0xFFFFFFFF, v54;
	vm4 =	vgt.f32 v59, v27;
	[tilespmem:$0x1FF60] =	vst v31;
	v31 =	vld [tilespmem:s5+$0x50]  }
0xa0: {  	v28 =	vsel vm0, v60, v28;
	v60 =	vimm.s32 $0x0;
	v27 =	vsel vm4, v59, v27;
	v59 =	vld [tilespmem:s9+$0x60]  }
0xa1: {  	v61 =	vld [tilespmem:s5+$0x60];
	v29 =	vsel vm14, v56, v29;
	[tilespmem:$0x1FF70] =	vst v32;
	v32 =	vsel vm3, $0xFFFFFFFF, v55;
	vm0 =	vgt.f32 v30, v28  }
0xa2: {  	v46 =	vsel vm4, $0xFFFFFFFF, v57;
	vm11 =	vgt.f32 v49, v27;
	v28 =	vsel vm0, v30, v28;
	v30 =	vld [tilespmem:s9+$0x70]  }
0xa3: {  	v62 =	vld [tilespmem:s5+$0x70];
	v40 =	vsel vm0, $0xFFFFFFFF, v60;
	v27 =	vsel vm11, v49, v27;
	vm9 =	vgt.f32 v58, v28  }
0xa4: {  	vm15 =	vgt.f32 v48, v27;
	v28 =	vsel vm9, v58, v28;
	vm8 =	vgt.f32 v31, v33  }
0xa5: {  	v63 =	vsel vm15, v48, v27;
	vm7 =	vgt.f32 v59, v29;
	v31 =	vsel vm8, v31, v33  }
0xa6: {  	v39 =	vld [tilespmem:$0x1FEF0];
	vm6 =	vgt.f32 v36, v28;
	v29 =	vsel vm7, v59, v29;
	vm4 =	vgt.f32 v61, v31  }
0xa7: {  	vm3 =	vgt.f32 v35, v63;
	vm5 =	vgt.f32 v30, v29;
	v31 =	vsel vm4, v61, v31  }
0xa8: {  	v41 =	vld [tilespmem:$0x1FF00];
	[tilespmem:$0x1FF30] =	vst v47;
	v38 =	vsel vm6, v36, v28;
	v29 =	vsel vm5, v30, v29;
	vm2 =	vgt.f32 v62, v31  }
0xa9: {  	[tilespmem:$0x1FF50] =	vst v46;
	v46 =	vld [tilespmem:$0x1FF30];
	v30 =	vsel vm3, v35, v63;
	vm0 =	vgt.f32 v29, v38;
	v34 =	vsel vm2, v62, v31  }
0xaa: {  	v50 =	vld [tilespmem:$0x1FF70];
	v36 =	vsel vm0, v29, v38;
	v29 =	vsel vm1, v6, v37;
	vm1 =	vgt.f32 v34, v30  }
0xab: {  	s2 =	sshrl.u32 s4, $0x2;
	vm10 =	vnez.u8 v39;
	[tilespmem:$0x1FF40] =	vst v32;
	v34 =	vsel vm1, v34, v30;
	v30 =	vld [tilespmem:$0x1FF10]  }
0xac: {  	s7 =	smul.u32 $0x3000, s2;
	[tilespmem:$0x1FF80] =	vst v40;
	v40 =	vsel vm10, v6, v45;
	v45 =	vld [tilespmem:$0x1FF20]  }
0xad: {  	s3 =	sadd.s32 $0x100, s3;
	v47 =	vld [tilespmem:$0x1FF40]  }
0xae: {  	s26 =	sadd.s32 $0x80, s3;
	s9 =	sshra.s32 s7, $0x2;
	v49 =	vld [tilespmem:$0x1FF60]  }
0xaf: {  	s5 =	sand.u32 $0x380, s26;
	s28 =	sadd.s32 s9, s21;
	vm10 =	vnez.u8 v41;
	v48 =	vld [tilespmem:$0x1FF50]  }
0xb0: {  	s9 =	sand.u32 $0x300, s3;
	s29 =	sadd.s32 s5, s28;
	v44 =	vsel vm10, v18, v43;
	v51 =	vld [tilespmem:$0x1FF80];
	vm10 =	vnez.u8 v30  }
0xb1: {  	s30 =	sadd.s32 s9, s28;
	v27 =	vld [tilespmem:s29+$0x70];
	v30 =	vsel vm10, v7, v40;
	vm10 =	vnez.u8 v45  }
0xb2: {  	v32 =	vld [tilespmem:s30+$0x60];
	v35 =	vsel vm10, v18, v42;
	vm10 =	vnez.u8 v46  }
0xb3: {  	v43 =	vld [tilespmem:s30+$0x0];
	v29 =	vsel vm10, v7, v29;
	vm10 =	vnez.u8 v47  }
0xb4: {  	s31 =	sadd.s32 $0x400, s28;
	v53 =	vld [tilespmem:s30+$0x10];
	v35 =	vsel vm10, v19, v35;
	vm10 =	vnez.u8 v48  }
0xb5: {  	s26 =	sadd.s32 s5, s31;
	s7 =	sadd.s32 s9, s31;
	s31 =	sadd.s32 $0x1, s1;
	v28 =	vld [tilespmem:s30+$0x70];
	(xrf0) =	vmax.scan.msk.f32 $0xffff, v36;
	v29 =	vsel vm10, v8, v29;
	vm10 =	vnez.u8 v49  }
0xb6: {  	v55 =	vld [tilespmem:s26+$0x40];
	v63 =	vmov s31;
	v35 =	vsel vm12, v20, v35;
	v37 =	vsel vm10, v19, v44  }
0xb7: {  	v57 =	vld [tilespmem:s26+$0x50];
	vm10 =	vnez.u8 v50;
	v52 =	vsel vm11, v9, v29;
	v35 =	vsel vm14, v21, v35  }
0xb8: {  	v40 =	vld [tilespmem:s29+$0x0];
	vm14 =	veq.s32 v63, v0;
	v30 =	vsel vm10, v8, v30;
	v37 =	vsel vm13, v20, v37  }
0xb9: {  	(xrf0) =	vmax.scan.msk.f32 $0xffff, v34;
	v42 =	vld [tilespmem:s29+$0x10];
	vm10 =	vnez.u8 v51;
	v54 =	vsel vm15, v10, v52;
	v35 =	vsel vm7, v22, v35  }
0xba: {  	v41 =	vld [tilespmem:s7+$0x60];
	v30 =	vsel vm10, v9, v30;
	v37 =	vsel vm8, v21, v37;
	v56 =	vsel vm3, v11, v54  }
0xbb: {  	v33 =	vld [tilespmem:s29+$0x50];
	v29, _, _ =	vpop (xrf0);
	v58 =	vsel vm5, v23, v35;
	vm3 =	vgt.f32 v53, v43;
	v30 =	vsel vm9, v10, v30  }
0xbc: {  	v35 =	vld [tilespmem:s7+$0x40];
	v37 =	vsel vm4, v22, v37;
	v29 =	vbroadcast v29, $0xF;
	v30 =	vsel vm6, v11, v30  }
0xbd: {  	vm5 =	vgt.f32 v57, v55;
	v60 =	vsel vm2, v23, v37;
	v37 =	vld [tilespmem:s7+$0x50];
	v39 =	vsel vm0, v58, v30  }
0xbe: {  	vm4 =	vgt.f32 v42, v40;
	vm0 =	veq.f32 v36, v29;
	v36 =	vld [tilespmem:s29+$0x20];
	v39 =	vxor.u32 $0x80000000, v39  }
0xbf: {  	p2 =	sne.s32 s4, $0x7;
	v59, _, _ =	vpop (xrf0);
	v47 =	vsel vm3, v1, v0;
	v49 =	vsel vm3, v53, v43;
	v61 =	vnsel vm0, $0xFFFFFFFF, v39;
	v39 =	vld [tilespmem:s30+$0x20]  }
.Ltmp0:
0xc0: {  	v31 =	vld [tilespmem:s29+$0x60];
	v43 =	vsel vm5, v13, v12;
	v46 =	vsel vm5, v57, v55;
	v30 =	vbroadcast v59, $0xF;
	(pc) =	sbr.rel @p2 .LBB2_3-.Ltmp0, $4  }
0xc1: {  	v44 =	vsel vm4, v1, v0;
	v48 =	vsel vm4, v42, v40;
	v40 =	vld [tilespmem:s29+$0x30];
	v38 =	vsel vm1, v60, v56  }
0xc2: {  	s8 =	sadd.s32 $0x2, s8;
	v42 =	vld [tilespmem:s30+$0x30];
	v62 =	vxor.u32 $0x80000000, v38;
	vm1 =	veq.f32 v34, v30;
	vm0 =	veq.s32 v26, v0  }
0xc3: {  	v26 =	vmov s8;
	v34 =	vld [tilespmem:s30+$0x50];
	v38 =	vnsel vm1, $0xFFFFFFFF, v62;
	(xrf0) =	vmin.scan.msk.u32 $0xffff, v61;
	vm2 =	vgt.f32 v37, v35  }
0xc4: {  	s4 =	sadd.s32 $0x1, s4;
	s1 =	smov.u32 s8;
	(xrf0) =	vmin.scan.msk.u32 $0xffff, v38;
	v38 =	vld [tilespmem:s26+$0x60];
	v45 =	vsel vm2, v13, v12;
	vm3 =	vgt.f32 v36, v48;
	vm4 =	vgt.f32 v39, v49  }
0xc5: {  	v50 =	vld [tilespmem:s26+$0x70];
	v35 =	vsel vm2, v37, v35;
	v54 =	vsel vm4, v2, v47  }
0xc6: {  	v51 =	vld [tilespmem:s7+$0x70];
	v39 =	vsel vm4, v39, v49;
	v44 =	vsel vm3, v2, v44;
	vm2 =	vgt.f32 v41, v35  }
0xc7: {  	v36 =	vsel vm3, v36, v48;
	v56 =	vld [tilespmem:s30+$0x40];
	v63 =	vimm.s32 $0x0;
	v45 =	vsel vm2, v14, v45  }
0xc8: {  	v55 =	vld [tilespmem:s29+$0x40];
	v35 =	vsel vm2, v41, v35;
	vm2 =	vgt.f32 v40, v36;
	vm4 =	vgt.f32 v42, v39  }
0xc9: {  	s4 =	sadd.s32 $0x800, s28;
	v37 =	vsel vm4, v3, v54;
	v36 =	vsel vm2, v40, v36;
	v44 =	vsel vm2, v3, v44  }
0xca: {  	s3 =	sadd.s32 s5, s4;
	s4 =	sadd.s32 s9, s4;
	v39 =	vsel vm4, v42, v39;
	v54 =	vimm.s32 $0x0;
	vm3 =	vgt.f32 v38, v46  }
0xcb: {  	v58 =	vld [tilespmem:s4+$0x0];
	v38 =	vsel vm3, v38, v46;
	v43 =	vsel vm3, v14, v43;
	vm2 =	vgt.f32 v51, v35  }
0xcc: {  	v57 =	vld [tilespmem:s3+$0x0];
	vm4 =	vgt.f32 v56, v39;
	vm3 =	vgt.f32 v50, v38;
	v45 =	vsel vm2, v15, v45  }
0xcd: {  	v35 =	vsel vm2, v51, v35;
	vm2 =	vgt.f32 v55, v36;
	v37 =	vsel vm4, v4, v37  }
0xce: {  	v39 =	vsel vm4, v56, v39;
	v56 =	vimm.s32 $0x0;
	v38 =	vsel vm3, v50, v38  }
0xcf: {  	v60 =	vld [tilespmem:s4+$0x10];
	v43 =	vsel vm3, v15, v43;
	v36 =	vsel vm2, v55, v36;
	v44 =	vsel vm2, v4, v44  }
0xd0: {  	v59 =	vld [tilespmem:s3+$0x10];
	vm2 =	vgt.f32 v58, v35;
	vm4 =	vgt.f32 v34, v39;
	v55 =	vimm.s32 $0x0  }
0xd1: {  	vm3 =	vgt.f32 v57, v38;
	v45 =	vsel vm2, v16, v45;
	v35 =	vsel vm2, v58, v35  }
0xd2: {  	v61 =	vld [tilespmem:s3+$0x20];
	vm2 =	vgt.f32 v33, v36;
	v37 =	vsel vm4, v5, v37;
	v34 =	vsel vm4, v34, v39  }
0xd3: {  	v62 =	vld [tilespmem:s4+$0x20];
	v38 =	vsel vm3, v57, v38;
	v43 =	vsel vm3, v16, v43;
	v33 =	vsel vm2, v33, v36  }
0xd4: {  	v44 =	vsel vm2, v5, v44;
	vm2 =	vgt.f32 v60, v35;
	vm1 =	vgt.f32 v32, v34  }
0xd5: {  	v57 =	vimm.s32 $0x0;
	vm3 =	vgt.f32 v59, v38;
	v45 =	vsel vm2, v17, v45  }
0xd6: {  	v50 =	vld [tilespmem:s3+$0x30];
	v35 =	vsel vm2, v60, v35;
	vm4 =	vgt.f32 v31, v33;
	v51 =	vsel vm1, $0xFFFFFFFF, v63  }
0xd7: {  	v49 =	vld [tilespmem:s4+$0x30];
	v32 =	vsel vm1, v32, v34;
	v38 =	vsel vm3, v59, v38;
	v43 =	vsel vm3, v17, v43  }
0xd8: {  	v39 =	vld [tilespmem:s7+$0x0];
	v31 =	vsel vm4, v31, v33;
	vm1 =	vgt.f32 v62, v35;
	vm3 =	vgt.f32 v61, v38  }
0xd9: {  	v53 =	vld [tilespmem:s4+$0x60];
	vm5 =	vgt.f32 v28, v32;
	vm2 =	vgt.f32 v27, v31;
	v34 =	vsel vm3, $0xFFFFFFFF, v54  }
0xda: {  	v36 =	vld [tilespmem:s26+$0x0];
	v35 =	vsel vm1, v62, v35;
	v38 =	vsel vm3, v61, v38;
	[tilespmem:$0x1FDC0] =	vst v34;
	v34 =	vsel vm1, $0xFFFFFFFF, v55  }
0xdb: {  	v27 =	vsel vm2, v27, v31;
	v31 =	vimm.s32 $0x0;
	vm1 =	vgt.f32 v50, v38;
	[tilespmem:$0x1FDE0] =	vst v34;
	v34 =	vld [tilespmem:s4+$0x40]  }
0xdc: {  	v58 =	vld [tilespmem:s7+$0x10];
	v60 =	vimm.s32 $0x0;
	[tilespmem:$0x1FDB0] =	vst v51;
	v28 =	vsel vm5, v28, v32;
	v31 =	vsel vm1, $0xFFFFFFFF, v31  }
0xdd: {  	v62 =	vimm.s32 $0x0;
	v51 =	vsel vm2, $0xFFFFFFFF, v56;
	vm2 =	vgt.f32 v39, v28;
	[tilespmem:$0x1FE20] =	vst v31;
	v31 =	vld [tilespmem:s4+$0x50]  }
0xde: {  	v42 =	vld [tilespmem:s7+$0x30];
	vm3 =	vgt.f32 v49, v35;
	v61 =	vimm.s32 $0x0;
	v54 =	vimm.s32 $0x0  }
0xdf: {  	v63 =	vld [tilespmem:s7+$0x20];
	[tilespmem:$0x1FDF0] =	vst v51;
	v51 =	vsel vm5, $0xFFFFFFFF, v57;
	v46 =	vsel vm2, $0xFFFFFFFF, v60;
	v35 =	vsel vm3, v49, v35  }
0xe0: {  	v33 =	vld [tilespmem:s3+$0x40];
	vm5 =	vgt.f32 v36, v27;
	[tilespmem:$0x1FDD0] =	vst v51;
	v51 =	vsel vm1, v50, v38;
	vm1 =	vgt.f32 v34, v35  }
0xe1: {  	v28 =	vsel vm2, v39, v28;
	v55 =	vimm.s32 $0x0;
	v57 =	vld [tilespmem:s4+$0x70];
	v34 =	vsel vm1, v34, v35  }
0xe2: {  	v48 =	vld [tilespmem:s26+$0x10];
	[tilespmem:$0x1FE30] =	vst v46;
	v46 =	vsel vm3, $0xFFFFFFFF, v61;
	vm2 =	vgt.f32 v58, v28;
	vm13 =	vgt.f32 v31, v34  }
0xe3: {  	v27 =	vsel vm5, v36, v27;
	v28 =	vsel vm2, v58, v28;
	v31 =	vsel vm13, v31, v34  }
0xe4: {  	v47 =	vld [tilespmem:s26+$0x20];
	[tilespmem:$0x1FE00] =	vst v46;
	v46 =	vsel vm5, $0xFFFFFFFF, v62;
	vm6 =	vgt.f32 v63, v28;
	vm7 =	vgt.f32 v53, v31  }
0xe5: {  	v59 =	vld [tilespmem:s3+$0x50];
	vm15 =	vgt.f32 v33, v51;
	v28 =	vsel vm6, v63, v28;
	v31 =	vsel vm7, v53, v31  }
0xe6: {  	v40 =	vld [tilespmem:s26+$0x30];
	v39 =	vsel vm2, $0xFFFFFFFF, v54;
	vm11 =	vgt.f32 v42, v28;
	vm5 =	vgt.f32 v57, v31  }
0xe7: {  	v56 =	vld [tilespmem:s3+$0x60];
	vm3 =	vgt.f32 v48, v27;
	v28 =	vsel vm11, v42, v28;
	v31 =	vsel vm5, v57, v31  }
0xe8: {  	v58 =	vld [tilespmem:s3+$0x70];
	[tilespmem:$0x1FE50] =	vst v39;
	v39 =	vsel vm3, $0xFFFFFFFF, v55;
	v27 =	vsel vm3, v48, v27;
	vm3 =	vgt.f32 v31, v28  }
0xe9: {  	v33 =	vsel vm15, v33, v51;
	v28 =	vsel vm3, v31, v28;
	v31 =	vld [tilespmem:$0x1FDB0]  }
0xea: {  	v60 =	vld [tilespmem:$0x1FDC0];
	vm10 =	vgt.f32 v59, v33  }
0xeb: {  	v52 =	vimm.s32 $0x0;
	v61 =	vld [tilespmem:$0x1FDD0];
	vm12 =	vgt.f32 v47, v27;
	v32 =	vsel vm10, v59, v33  }
0xec: {  	v62 =	vld [tilespmem:$0x1FDE0];
	v27 =	vsel vm12, v47, v27;
	v59 =	vsel vm4, v6, v44;
	vm8 =	vgt.f32 v56, v32  }
0xed: {  	v63 =	vld [tilespmem:$0x1FDF0];
	vm2 =	vgt.f32 v40, v27;
	v38 =	vsel vm1, $0xFFFFFFFF, v52;
	v32 =	vsel vm8, v56, v32  }
0xee: {  	[tilespmem:$0x1FE10] =	vst v46;
	v36 =	vld [tilespmem:$0x1FE00];
	v27 =	vsel vm2, v40, v27;
	vm9 =	vgt.f32 v58, v32;
	vm1 =	vnez.u8 v31  }
0xef: {  	[tilespmem:$0x1FE40] =	vst v38;
	v32 =	vsel vm9, v58, v32;
	v31 =	vsel vm1, v6, v37;
	vm1 =	vnez.u8 v60;
	v37 =	vld [tilespmem:$0x1FE10]  }
0xf0: {  	v38 =	vld [tilespmem:$0x1FE20];
	vm4 =	vgt.f32 v32, v27;
	(xrf0) =	vmax.scan.msk.f32 $0xffff, v28;
	v34 =	vsel vm1, v18, v43;
	vm1 =	vnez.u8 v61  }
0xf1: {  	[tilespmem:$0x1FE60] =	vst v39;
	v39 =	vld [tilespmem:$0x1FE30];
	v27 =	vsel vm4, v32, v27;
	v31 =	vsel vm1, v7, v31;
	vm1 =	vnez.u8 v62  }
0xf2: {  	v40 =	vld [tilespmem:$0x1FE40];
	(xrf0) =	vmax.scan.msk.f32 $0xffff, v27;
	v32 =	vsel vm1, v18, v45;
	vm1 =	vnez.u8 v63  }
0xf3: {  	v42 =	vld [tilespmem:$0x1FE50];
	v33 =	vsel vm1, v7, v59;
	vm1 =	vnez.u8 v36  }
0xf4: {  	v41, _, _ =	vpop (xrf0);
	v32 =	vsel vm1, v19, v32;
	vm1 =	vnez.u8 v37  }
0xf5: {  	v44, _, _ =	vpop (xrf0);
	v43 =	vld [tilespmem:$0x1FE60];
	v33 =	vsel vm1, v8, v33;
	vm1 =	vnez.u8 v38  }
0xf6: {  	v45, _, _ =	vpop (xrf0);
	v34 =	vsel vm1, v19, v34;
	vm1 =	vnez.u8 v39  }
0xf7: {  	v37 =	vbroadcast v45, $0xF;
	v31 =	vsel vm1, v8, v31;
	vm1 =	vnez.u8 v40  }
0xf8: {  	v46, _, _ =	vpop (xrf0);
	v34 =	vsel vm15, v20, v34;
	v32 =	vsel vm1, v20, v32;
	vm1 =	vnez.u8 v42  }
0xf9: {  	v48 =	vbroadcast v46, $0xF;
	v34 =	vsel vm10, v21, v34;
	v31 =	vsel vm1, v9, v31  }
0xfa: {  	vm1 =	vnez.u8 v43;
	v32 =	vsel vm13, v21, v32;
	v34 =	vsel vm8, v22, v34  }
0xfb: {  	v33 =	vsel vm1, v9, v33;
	v31 =	vsel vm6, v10, v31;
	v32 =	vsel vm7, v22, v32  }
0xfc: {  	v33 =	vsel vm12, v10, v33;
	v31 =	vsel vm11, v11, v31;
	v32 =	vsel vm5, v23, v32  }
0xfd: {  	v47 =	vsel vm9, v23, v34;
	v33 =	vsel vm2, v11, v33;
	v31 =	vsel vm3, v32, v31  }
0xfe: {  	vm2 =	veq.f32 v28, v37;
	v28 =	vxor.u32 $0x80000000, v31;
	v31 =	vsel vm4, v47, v33  }
0xff: {  	v28 =	vnsel vm2, $0xFFFFFFFF, v28;
	vm2 =	veq.f32 v27, v48;
	v27 =	vxor.u32 $0x80000000, v31  }
0x100: {  	v27 =	vnsel vm2, $0xFFFFFFFF, v27;
	(xrf0) =	vmin.scan.msk.u32 $0xffff, v28  }
0x101: {  	(xrf0) =	vmin.scan.msk.u32 $0xffff, v27;
	_ =	sdelay $0x3  }
0x102: {  	(v2sf) =	vpush v41, $0xF  }
0x103: {  	(v2sf) =	vpush v44, $0xF;
	v27, _, _ =	vpop (xrf0)  }
0x104: {  	(v2sf) =	vpush v27, $0xF;
	v27, _, _ =	vpop (xrf0)  }
0x105: {  	(v2sf) =	vpush v27, $0xF;
	_ =	sdelay $0xa  }
0x106: {  	s1 =	sadd.s32 $0x1, s1  }
0x107: {  	v24 =	vsel vm0, v29, v24;
	s0 =	simm.s32 $0x0;
	s28 =	sand.u32 $0x1, s14;
	s8 =	spop (v2sf)  }
0x108: {  	v24 =	vsel vm14, v30, v24;
	s5 =	smul.u32 $0x3000, s0;
	s3 =	sxor.u32 $0x80000000, s8;
	s9 =	spop (v2sf)  }
0x109: {  	s29 =	sshll.u32 s28, $0x9;
	v25 =	vsel vm0, s3, v25;
	vm0 =	veq.s32 v26, v0;
	v26 =	vmov s1;
	s4 =	sxor.u32 $0x80000000, s9;
	s26 =	spop (v2sf)  }
0x10a: {  	s8 =	sshra.s32 s5, $0x2;
	v25 =	vsel vm14, s4, v25;
	v24 =	vsel vm0, v37, v24;
	vm1 =	veq.s32 v26, v0;
	s2 =	sxor.u32 $0x80000000, s26;
	s7 =	spop (v2sf)  }
0x10b: {  	s1 =	simm.s32 $0x0;
	v24 =	vsel vm1, v48, v24;
	s26 =	sand.u32 $0x1, s13;
	s3 =	sxor.u32 $0x80000000, s7;
	v25 =	vsel vm0, s2, v25  }
0x10c: {  	s9 =	sand.u32 $0x300, s1;
	s4 =	sadd.s32 s8, s21;
	[tilespmem:s29+$0xC000] =	vst v24;
	s30 =	sshll.u32 s26, $0x9;
	v25 =	vsel vm1, s3, v25  }
0x10d: {  	s4 =	sadd.s32 s9, s4;
	[tilespmem:s30+$0xC400] =	vst v25  }
0x10e: {  	s0 =	simm.s32 $0x2;
	v28 =	vld [tilespmem:s4+$0x1820]  }
0x10f: {  	s3 =	smul.u32 $0x3000, s0;
	v29 =	vld [tilespmem:s4+$0x1C60]  }
0x110: {  	v30 =	vld [tilespmem:s4+$0x1800]  }
0x111: {  	s2 =	simm.s32 $0x880;
	v31 =	vld [tilespmem:s4+$0x1810];
	s3 =	sshra.s32 s3, $0x2  }
0x112: {  	s5 =	sand.u32 $0x380, s2;
	v49 =	vld [tilespmem:s4+$0x1C40];
	s3 =	sadd.s32 s3, s21  }
0x113: {  	v50 =	vld [tilespmem:s4+$0x1C50];
	s3 =	sadd.s32 s5, s3  }
0x114: {  	v51 =	vld [tilespmem:s3+$0x0]  }
0x115: {  	v52 =	vld [tilespmem:s3+$0x10]  }
0x116: {  	v53 =	vld [tilespmem:s3+$0x440]  }
0x117: {  	v54 =	vld [tilespmem:s3+$0x450]  }
0x118: {  	v55 =	vld [tilespmem:s4+$0x1830]  }
0x119: {  	v56 =	vld [tilespmem:s4+$0x1C70];
	vm0 =	vgt.f32 v31, v30;
	vm1 =	vgt.f32 v50, v49  }
0x11a: {  	v60 =	vld [tilespmem:s4+$0x1840];
	v30 =	vsel vm0, v31, v30;
	v57 =	vsel vm0, v1, v0;
	v32 =	vsel vm1, v50, v49  }
0x11b: {  	v58 =	vld [tilespmem:s3+$0x460];
	v59 =	vsel vm1, v13, v12;
	vm0 =	vgt.f32 v28, v30;
	vm1 =	vgt.f32 v29, v32  }
0x11c: {  	v31 =	vld [tilespmem:s3+$0x20];
	vm2 =	vgt.f32 v52, v51;
	vm3 =	vgt.f32 v54, v53;
	v41 =	vsel vm0, v2, v57  }
0x11d: {  	v62 =	vld [tilespmem:s4+$0x2000];
	v28 =	vsel vm0, v28, v30;
	v29 =	vsel vm1, v29, v32;
	v48 =	vsel vm1, v14, v59  }
0x11e: {  	v50 =	vld [tilespmem:s3+$0x470];
	v61 =	vsel vm2, v1, v0;
	v63 =	vsel vm3, v13, v12;
	v34 =	vsel vm2, v52, v51  }
0x11f: {  	v30 =	vld [tilespmem:s3+$0x30];
	v49 =	vsel vm3, v54, v53;
	vm0 =	vgt.f32 v55, v28;
	vm2 =	vgt.f32 v56, v29  }
0x120: {  	v51 =	vld [tilespmem:s4+$0x1850];
	vm3 =	vgt.f32 v58, v49;
	v41 =	vsel vm0, v3, v41;
	v32 =	vsel vm2, v15, v48  }
0x121: {  	v53 =	vld [tilespmem:s4+$0x2010];
	v28 =	vsel vm0, v55, v28;
	v29 =	vsel vm2, v56, v29;
	vm1 =	vgt.f32 v31, v34  }
0x122: {  	v54 =	vld [tilespmem:s3+$0x40];
	v46 =	vsel vm3, v14, v63;
	vm0 =	vgt.f32 v60, v28;
	v33 =	vsel vm3, v58, v49  }
0x123: {  	v55 =	vld [tilespmem:s3+$0x800];
	vm2 =	vgt.f32 v62, v29;
	v49 =	vimm.s32 $0x0;
	v52 =	vsel vm1, v2, v61  }
0x124: {  	v25 =	vld [tilespmem:s4+$0x1C30];
	v31 =	vsel vm1, v31, v34;
	vm3 =	vgt.f32 v50, v33;
	v41 =	vsel vm0, v4, v41  }
0x125: {  	v24 =	vld [tilespmem:s4+$0x2070];
	v32 =	vsel vm2, v16, v32;
	v28 =	vsel vm0, v60, v28;
	v29 =	vsel vm2, v62, v29  }
0x126: {  	v56 =	vld [tilespmem:s4+$0x1860];
	vm1 =	vgt.f32 v30, v31;
	v46 =	vsel vm3, v15, v46;
	v33 =	vsel vm3, v50, v33  }
0x127: {  	v58 =	vld [tilespmem:s4+$0x2020];
	v57 =	vsel vm1, v3, v52;
	v30 =	vsel vm1, v30, v31;
	vm0 =	vgt.f32 v51, v28  }
0x128: {  	v59 =	vld [tilespmem:s3+$0x50];
	vm2 =	vgt.f32 v53, v29;
	vm1 =	vgt.f32 v54, v30;
	vm3 =	vgt.f32 v55, v33  }
0x129: {  	v60 =	vld [tilespmem:s4+$0x1870];
	v41 =	vsel vm0, v5, v41;
	v32 =	vsel vm2, v17, v32;
	v28 =	vsel vm0, v51, v28  }
0x12a: {  	v61 =	vld [tilespmem:s4+$0x2030];
	v29 =	vsel vm2, v53, v29;
	v51 =	vimm.s32 $0x0;
	v40 =	vsel vm1, v4, v57  }
0x12b: {  	v31 =	vld [tilespmem:s3+$0x810];
	v46 =	vsel vm3, v16, v46;
	v30 =	vsel vm1, v54, v30;
	vm15 =	vgt.f32 v56, v28  }
0x12c: {  	v62 =	vld [tilespmem:s3+$0x60];
	v33 =	vsel vm3, v55, v33;
	vm14 =	vgt.f32 v58, v29;
	v54 =	vimm.s32 $0x0  }
0x12d: {  	v26 =	vld [tilespmem:s4+$0x1C20];
	vm0 =	vgt.f32 v59, v30;
	v28 =	vsel vm15, v56, v28;
	v29 =	vsel vm14, v58, v29  }
0x12e: {  	v38 =	vld [tilespmem:s4+$0x1C00];
	v56 =	vimm.s32 $0x0;
	v58 =	vimm.s32 $0x0;
	v47 =	vsel vm15, v6, v41  }
0x12f: {  	v63 =	vld [tilespmem:s3+$0x820];
	v32 =	vsel vm14, v18, v32;
	v40 =	vsel vm0, v5, v40;
	vm2 =	vgt.f32 v60, v28  }
0x130: {  	v48 =	vld [tilespmem:s3+$0x70];
	v30 =	vsel vm0, v59, v30;
	vm0 =	vgt.f32 v61, v29;
	vm1 =	vgt.f32 v31, v33  }
0x131: {  	v36 =	vld [tilespmem:s4+$0x2040];
	v44 =	vsel vm2, $0xFFFFFFFF, v49;
	vm8 =	vgt.f32 v62, v30;
	v28 =	vsel vm2, v60, v28  }
0x132: {  	v27 =	vld [tilespmem:s4+$0x1C10];
	v29 =	vsel vm0, v61, v29;
	v60 =	vimm.s32 $0x0;
	v42 =	vsel vm1, v17, v46  }
0x133: {  	v50 =	vld [tilespmem:s3+$0x830];
	v31 =	vsel vm1, v31, v33;
	v33 =	vsel vm0, $0xFFFFFFFF, v51;
	vm1 =	vgt.f32 v38, v28  }
0x134: {  	v53 =	vld [tilespmem:s3+$0x400];
	v30 =	vsel vm8, v62, v30;
	v62 =	vimm.s32 $0x0;
	vm0 =	vgt.f32 v63, v31  }
0x135: {  	v52 =	vld [tilespmem:s4+$0x2050];
	v45 =	vsel vm1, $0xFFFFFFFF, v56;
	vm9 =	vgt.f32 v48, v30;
	v28 =	vsel vm1, v38, v28  }
0x136: {  	v55 =	vld [tilespmem:s3+$0x840];
	v37 =	vsel vm0, $0xFFFFFFFF, v54;
	v31 =	vsel vm0, v63, v31;
	vm0 =	vgt.f32 v36, v29  }
0x137: {  	v59 =	vld [tilespmem:s3+$0x410];
	v30 =	vsel vm9, v48, v30;
	v63 =	vimm.s32 $0x0;
	v34 =	vsel vm0, $0xFFFFFFFF, v58  }
0x138: {  	v57 =	vld [tilespmem:s4+$0x2060];
	vm2 =	vgt.f32 v50, v31;
	v29 =	vsel vm0, v36, v29;
	vm0 =	vgt.f32 v27, v28  }
0x139: {  	v61 =	vld [tilespmem:s3+$0x850];
	[tilespmem:$0x1FEA0] =	vst v45;
	vm11 =	vgt.f32 v53, v30;
	v45 =	vsel vm2, $0xFFFFFFFF, v60;
	v36 =	vsel vm0, $0xFFFFFFFF, v62  }
0x13a: {  	vm1 =	vgt.f32 v52, v29;
	v31 =	vsel vm2, v50, v31;
	v27 =	vsel vm0, v27, v28;
	v28 =	vld [tilespmem:s3+$0x860];
	[tilespmem:$0x1FEB0] =	vst v45  }
0x13b: {  	v30 =	vsel vm11, v53, v30;
	[tilespmem:$0x1FED0] =	vst v36;
	v36 =	vsel vm1, $0xFFFFFFFF, v63;
	v45 =	vld [tilespmem:s3+$0x420];
	vm10 =	vgt.f32 v55, v31  }
0x13c: {  	v46 =	vld [tilespmem:s3+$0x430];
	v29 =	vsel vm1, v52, v29;
	vm12 =	vgt.f32 v26, v27;
	vm6 =	vgt.f32 v59, v30  }
0x13d: {  	v48 =	vld [tilespmem:s3+$0x870];
	v31 =	vsel vm10, v55, v31;
	vm13 =	vgt.f32 v57, v29;
	v26 =	vsel vm12, v26, v27  }
0x13e: {  	v27 =	vsel vm6, v59, v30;
	vm15 =	vgt.f32 v61, v31;
	vm3 =	vgt.f32 v25, v26  }
0x13f: {  	v29 =	vsel vm13, v57, v29;
	v30 =	vsel vm15, v61, v31;
	v25 =	vsel vm3, v25, v26  }
0x140: {  	[tilespmem:$0x1FEC0] =	vst v34;
	vm0 =	vgt.f32 v24, v29;
	vm4 =	vgt.f32 v28, v30;
	vm1 =	vgt.f32 v45, v27  }
0x141: {  	v58 =	vld [tilespmem:$0x1FEC0];
	v24 =	vsel vm0, v24, v29;
	v28 =	vsel vm4, v28, v30;
	v31 =	vsel vm1, v45, v27  }
0x142: {  	s5 =	simm.s32 $0x0;
	[tilespmem:$0x1FE70] =	vst v44;
	v59 =	vld [tilespmem:$0x1FED0];
	vm2 =	vgt.f32 v24, v25;
	vm14 =	vgt.f32 v48, v28;
	vm5 =	vgt.f32 v46, v31  }
0x143: {  	s4 =	smul.u32 $0x3000, s5;
	[tilespmem:$0x1FE80] =	vst v33;
	v50 =	vsel vm2, v24, v25;
	v24 =	vld [tilespmem:$0x1FE70];
	v30 =	vsel vm5, v46, v31;
	v31 =	vsel vm14, v48, v28  }
0x144: {  	v49 =	vsel vm8, v6, v40;
	[tilespmem:$0x1FE90] =	vst v37;
	v25 =	vld [tilespmem:$0x1FE80];
	vm8 =	vgt.f32 v31, v30  }
0x145: {  	s8 =	simm.s32 $0x100;
	s7 =	sshra.s32 s4, $0x2;
	v51 =	vsel vm8, v31, v30;
	v30 =	vld [tilespmem:$0x1FE90]  }
0x146: {  	s9 =	sand.u32 $0x300, s8;
	s3 =	sadd.s32 s7, s21;
	v31 =	vld [tilespmem:$0x1FEA0]  }
0x147: {  	s7 =	sadd.s32 s9, s3;
	v57 =	vld [tilespmem:$0x1FEB0]  }
0x148: {  	[tilespmem:$0x1FEE0] =	vst v36;
	v33 =	vld [tilespmem:s7+$0x1820];
	vm7 =	vnez.u8 v24  }
0x149: {  	v60 =	vld [tilespmem:$0x1FEE0];
	v24 =	vsel vm7, v7, v47;
	vm7 =	vnez.u8 v25  }
0x14a: {  	v43 =	vld [tilespmem:s7+$0x1C60];
	v25 =	vsel vm7, v19, v32;
	vm7 =	vnez.u8 v30  }
0x14b: {  	v39 =	vld [tilespmem:s7+$0x1800];
	v30 =	vsel vm7, v18, v42;
	vm7 =	vnez.u8 v31  }
0x14c: {  	v61 =	vld [tilespmem:s7+$0x1810];
	(xrf0) =	vmax.scan.msk.f32 $0xffff, v50;
	v31 =	vsel vm9, v7, v49;
	vm9 =	vnez.u8 v57;
	v24 =	vsel vm7, v8, v24  }
0x14d: {  	s0 =	simm.s32 $0x2;
	v63 =	vld [tilespmem:s7+$0x1C40];
	v30 =	vsel vm9, v19, v30;
	vm9 =	vnez.u8 v58;
	v31 =	vsel vm11, v8, v31  }
0x14e: {  	s5 =	simm.s32 $0x1;
	s3 =	smul.u32 $0x3000, s0;
	v54 =	vld [tilespmem:s7+$0x1C50];
	vm11 =	vnez.u8 v60;
	v58 =	vmov s1;
	v30 =	vsel vm10, v20, v30  }
0x14f: {  	v40 =	vld [tilespmem:s7+$0x1C70];
	v60 =	vmov s5;
	vm10 =	vnez.u8 v59;
	v30 =	vsel vm15, v21, v30  }
0x150: {  	s2 =	simm.s32 $0x980;
	v26 =	vld [tilespmem:s7+$0x2070];
	s3 =	sshra.s32 s3, $0x2;
	v25 =	vsel vm9, v20, v25;
	v31 =	vsel vm6, v9, v31;
	v24 =	vsel vm10, v9, v24  }
0x151: {  	s4 =	sand.u32 $0x380, s2;
	v29 =	vld [tilespmem:s7+$0x1C10];
	s3 =	sadd.s32 s3, s21;
	(xrf0) =	vmax.scan.msk.f32 $0xffff, v51;
	v25 =	vsel vm11, v21, v25;
	v31 =	vsel vm1, v10, v31;
	vm1 =	vgt.f32 v61, v39  }
0x152: {  	s9 =	sadd.s32 s4, s3;
	v27 =	vld [tilespmem:s7+$0x1C30];
	v24 =	vsel vm12, v10, v24;
	v25 =	vsel vm13, v22, v25;
	v52 =	vsel vm4, v22, v30;
	v30, _, _ =	vpop (xrf0)  }
0x153: {  	v34 =	vld [tilespmem:s9+$0x0];
	v62 =	vsel vm3, v11, v24;
	v53 =	vsel vm0, v23, v25;
	v30 =	vbroadcast v30, $0xF  }
0x154: {  	v35 =	vld [tilespmem:s9+$0x10];
	v55 =	vsel vm5, v11, v31;
	v39 =	vsel vm1, v61, v39;
	v42 =	vsel vm2, v53, v62  }
0x155: {  	v36 =	vld [tilespmem:s9+$0x440];
	v61 =	vsel vm1, v1, v0;
	v56 =	vxor.u32 $0x80000000, v42;
	vm0 =	veq.f32 v50, v30  }
0x156: {  	v41 =	vld [tilespmem:s9+$0x460];
	v24 =	vimm.f32 $0.0e+00;
	v37 =	vsel vm14, v23, v52;
	v38 =	vnsel vm0, $0xFFFFFFFF, v56  }
0x157: {  	v25 =	vimm.s32 $0x0;
	vm1 =	vgt.f32 v33, v39;
	v57 =	vsel vm8, v37, v55;
	v37 =	vld [tilespmem:s9+$0x450];
	v31, _, _ =	vpop (xrf0);
	(xrf0) =	vmin.scan.msk.u32 $0xffff, v38  }
0x158: {  	v28 =	vld [tilespmem:s7+$0x1C20];
	vm2 =	vgt.f32 v54, v63;
	v44 =	vsel vm1, v2, v61;
	v45 =	vsel vm1, v33, v39  }
0x159: {  	v32 =	vld [tilespmem:s7+$0x1C00];
	vm1 =	veq.s32 v60, v0;
	v42 =	vxor.u32 $0x80000000, v57;
	v31 =	vbroadcast v31, $0xF  }
0x15a: {  	v39 =	vld [tilespmem:s7+$0x1840];
	v62 =	vsel vm2, v54, v63;
	v63 =	vsel vm2, v13, v12;
	vm2 =	vgt.f32 v35, v34  }
0x15b: {  	vm4 =	vgt.f32 v43, v62;
	v49 =	vsel vm2, v1, v0;
	vm0 =	veq.f32 v51, v31;
	v38 =	vld [tilespmem:s7+$0x1830]  }
0x15c: {  	s31 =	sor.u32 $0xC400, s30;
	s4 =	simm.s32 $0x2;
	v46 =	vsel vm4, v43, v62;
	v59 =	vnsel vm0, $0xFFFFFFFF, v42;
	v42 =	vld [tilespmem:s9+$0x20];
	vm3 =	vgt.f32 v37, v36  }
0x15d: {  	s3 =	simm.s32 $0x2;
	s1 =	sor.u32 $0xC000, s29;
	s5 =	simm.s32 $0x2;
	v48 =	vsel vm4, v14, v63;
	v43 =	vld [tilespmem:s7+$0x2000];
	vm0 =	veq.s32 v58, v0;
	(xrf0) =	vmin.scan.msk.u32 $0xffff, v59;
	v47 =	vsel vm3, v13, v12;
	v33, _, _ =	vpop (xrf0)  }
.LBB2_5:
0x15e: {  	_ = 	snop  }
0x15f: {  	v34 =	vsel vm2, v35, v34;
	v36 =	vsel vm3, v37, v36  }
0x160: {  	v55 =	vld [tilespmem:s9+$0x30];
	(v2sf) =	vpush v33, $0xF;
	v24 =	vsel vm0, v30, v24;
	v30 =	vimm.s32 $0x0  }
0x161: {  	v57 =	vld [tilespmem:s9+$0x470];
	v24 =	vsel vm1, v31, v24;
	vm2 =	vgt.f32 v38, v45;
	vm3 =	vgt.f32 v42, v34  }
0x162: {  	v58 =	vld [tilespmem:s7+$0x1850];
	vm4 =	vgt.f32 v40, v46;
	vm5 =	vgt.f32 v41, v36;
	v49 =	vsel vm3, v2, v49  }
0x163: {  	v50 =	vld [tilespmem:s7+$0x2010];
	v44 =	vsel vm2, v3, v44;
	v48 =	vsel vm4, v15, v48;
	v47 =	vsel vm5, v14, v47  }
0x164: {  	v59 =	vld [tilespmem:s9+$0x40];
	v56, _, _ =	vpop (xrf0);
	v38 =	vsel vm2, v38, v45;
	v40 =	vsel vm4, v40, v46;
	v34 =	vsel vm3, v42, v34  }
0x165: {  	v60 =	vld [tilespmem:s9+$0x800];
	v36 =	vsel vm5, v41, v36;
	(v2sf) =	vpush v56, $0xF;
	vm2 =	vgt.f32 v39, v38  }
0x166: {  	vm3 =	vgt.f32 v55, v34;
	vm4 =	vgt.f32 v43, v40;
	vm5 =	vgt.f32 v57, v36  }
0x167: {  	v62 =	vld [tilespmem:s7+$0x2020];
	v61 =	vsel vm3, v3, v49;
	v44 =	vsel vm2, v4, v44;
	v48 =	vsel vm4, v16, v48  }
0x168: {  	v52 =	vld [tilespmem:s9+$0x50];
	v47 =	vsel vm5, v15, v47;
	v38 =	vsel vm2, v39, v38;
	v63 =	vsel vm4, v43, v40  }
0x169: {  	v45 =	vld [tilespmem:s7+$0x1860];
	v34 =	vsel vm3, v55, v34;
	v36 =	vsel vm5, v57, v36;
	vm2 =	vgt.f32 v58, v38  }
0x16a: {  	v53 =	vld [tilespmem:s9+$0x810];
	vm3 =	vgt.f32 v59, v34;
	vm4 =	vgt.f32 v50, v63;
	vm5 =	vgt.f32 v60, v36  }
0x16b: {  	v54 =	vsel vm3, v4, v61;
	v44 =	vsel vm2, v5, v44;
	v48 =	vsel vm4, v17, v48  }
0x16c: {  	v55 =	vld [tilespmem:s7+$0x1870];
	v47 =	vsel vm5, v16, v47;
	v33 =	vsel vm2, v58, v38;
	v56 =	vsel vm4, v50, v63  }
0x16d: {  	v57 =	vld [tilespmem:s7+$0x2030];
	v34 =	vsel vm3, v59, v34;
	v36 =	vsel vm5, v60, v36;
	v59 =	vimm.s32 $0x0  }
0x16e: {  	v58 =	vld [tilespmem:s9+$0x60];
	v50 =	vimm.s32 $0x0;
	vm10 =	vgt.f32 v45, v33;
	vm4 =	vgt.f32 v62, v56  }
0x16f: {  	vm2 =	vgt.f32 v52, v34;
	vm3 =	vgt.f32 v53, v36;
	v41 =	vsel vm4, $0xFFFFFFFF, v59  }
0x170: {  	v33 =	vsel vm10, v45, v33;
	v38 =	vsel vm4, v62, v56;
	v47 =	vsel vm3, v17, v47  }
0x171: {  	v62 =	vimm.s32 $0x0;
	v34 =	vsel vm2, v52, v34;
	v63 =	vsel vm3, v53, v36  }
0x172: {  	v61 =	vld [tilespmem:s9+$0x70];
	v53 =	vimm.s32 $0x0;
	v45 =	vimm.s32 $0x0;
	[tilespmem:$0x1FD10] =	vst v41;
	v41 =	vsel vm2, v5, v54  }
0x173: {  	v40 =	vld [tilespmem:s7+$0x2040];
	vm4 =	vgt.f32 v55, v33;
	vm2 =	vgt.f32 v57, v38;
	vm3 =	vgt.f32 v58, v34  }
0x174: {  	v60 =	vld [tilespmem:s9+$0x820];
	v49 =	vsel vm4, $0xFFFFFFFF, v62;
	v37 =	vsel vm2, $0xFFFFFFFF, v50;
	s2 =	spop (v2sf);
	v30 =	vsel vm3, $0xFFFFFFFF, v30  }
0x175: {  	v31 =	vsel vm4, v55, v33;
	v52 =	vsel vm2, v57, v38;
	v55 =	vimm.s32 $0x0;
	s2 =	sxor.u32 $0x80000000, s2;
	[tilespmem:$0x1FD20] =	vst v30;
	v30 =	vld [tilespmem:s9+$0x400]  }
0x176: {  	[tilespmem:$0x1FD30] =	vst v49;
	v49 =	vld [tilespmem:s9+$0x830];
	v34 =	vsel vm3, v58, v34;
	v25 =	vsel vm0, s2, v25;
	vm0 =	vgt.f32 v32, v31  }
0x177: {  	v59 =	vld [tilespmem:s9+$0x410];
	v57 =	vimm.s32 $0x0;
	vm2 =	vgt.f32 v61, v34;
	v31 =	vsel vm0, v32, v31;
	s0 =	spop (v2sf)  }
0x178: {  	v54 =	vld [tilespmem:s9+$0x840];
	v61 =	vsel vm2, v61, v34;
	v39 =	vsel vm0, $0xFFFFFFFF, v55;
	vm0 =	vgt.f32 v29, v31;
	s0 =	sxor.u32 $0x80000000, s0  }
0x179: {  	v51 =	vld [tilespmem:s7+$0x2050];
	v29 =	vsel vm0, v29, v31;
	v25 =	vsel vm1, s0, v25;
	vm1 =	vgt.f32 v60, v63  }
0x17a: {  	v62 =	vld [tilespmem:s9+$0x850];
	vm14 =	vgt.f32 v30, v61;
	vm12 =	vgt.f32 v28, v29;
	v35 =	vsel vm1, v60, v63  }
0x17b: {  	v46 =	vld [tilespmem:s9+$0x420];
	v30 =	vsel vm14, v30, v61;
	v28 =	vsel vm12, v28, v29;
	vm11 =	vgt.f32 v49, v35  }
0x17c: {  	v31 =	vld [tilespmem:s9+$0x860];
	vm6 =	vgt.f32 v59, v30;
	vm9 =	vgt.f32 v27, v28;
	v35 =	vsel vm11, v49, v35  }
0x17d: {  	v50 =	vld [tilespmem:s9+$0x870];
	v38 =	vsel vm1, $0xFFFFFFFF, v53;
	vm1 =	vgt.f32 v40, v52;
	vm15 =	vgt.f32 v54, v35  }
0x17e: {  	v63 =	vimm.s32 $0x0;
	v60 =	vsel vm1, v40, v52;
	v49 =	vld [tilespmem:s9+$0x430];
	v35 =	vsel vm15, v54, v35  }
0x17f: {  	v42 =	vsel vm1, $0xFFFFFFFF, v57;
	vm1 =	vgt.f32 v51, v60;
	vm7 =	vgt.f32 v62, v35  }
0x180: {  	v56 =	vld [tilespmem:s7+$0x2060];
	v30 =	vsel vm6, v59, v30;
	v32 =	vsel vm1, v51, v60;
	v51 =	vsel vm7, v62, v35  }
0x181: {  	v55 =	vld [tilespmem:$0x1FD20];
	[tilespmem:$0x1FD60] =	vst v39;
	v40 =	vsel vm0, $0xFFFFFFFF, v63;
	vm4 =	vgt.f32 v46, v30;
	vm3 =	vgt.f32 v31, v51  }
0x182: {  	v52 =	vsel vm9, v27, v28;
	v57 =	vld [tilespmem:$0x1FD60];
	[tilespmem:$0x1FD80] =	vst v42;
	v28 =	vsel vm4, v46, v30;
	v30 =	vsel vm3, v31, v51  }
0x183: {  	s7 =	sshrl.u32 s5, $0x2;
	[tilespmem:$0x1FD90] =	vst v40;
	v40 =	vsel vm1, $0xFFFFFFFF, v45;
	v59 =	vld [tilespmem:$0x1FD80];
	vm1 =	vgt.f32 v49, v28;
	vm5 =	vgt.f32 v50, v30  }
0x184: {  	v58 =	vimm.s32 $0x0;
	s0 =	smul.u32 $0x3000, s7;
	v54 =	vld [tilespmem:$0x1FD10];
	v31 =	vsel vm1, v49, v28;
	v30 =	vsel vm5, v50, v30  }
0x185: {  	[tilespmem:$0x1FD40] =	vst v37;
	v42 =	vsel vm2, $0xFFFFFFFF, v58;
	v60 =	vld [tilespmem:$0x1FD90];
	vm2 =	vgt.f32 v30, v31  }
0x186: {  	s8 =	sadd.s32 $0x100, s8;
	[tilespmem:$0x1FD50] =	vst v38;
	s0 =	sshra.s32 s0, $0x2;
	v38 =	vsel vm2, v30, v31;
	v30 =	vld [tilespmem:$0x1FD30]  }
0x187: {  	s9 =	sand.u32 $0x300, s8;
	s0 =	sadd.s32 s0, s21;
	vm13 =	vgt.f32 v56, v32;
	v31 =	vld [tilespmem:$0x1FD40]  }
0x188: {  	s4 =	sadd.s32 $0x2, s4;
	s7 =	sadd.s32 s9, s0;
	v29 =	vsel vm13, v56, v32;
	v56 =	vld [tilespmem:$0x1FD50]  }
0x189: {  	s2 =	sadd.s32 $0x11, s4;
	v53 =	vsel vm10, v6, v44;
	[tilespmem:$0x1FD70] =	vst v42;
	v27 =	vld [tilespmem:s7+$0x1C30];
	vm10 =	vnez.u8 v54  }
0x18a: {  	s0 =	sshrl.u32 s2, $0x3;
	v58 =	vld [tilespmem:$0x1FD70];
	vm8 =	vgt.f32 v26, v29;
	v34 =	vsel vm10, v18, v48;
	vm10 =	vnez.u8 v55  }
0x18b: {  	[tilespmem:$0x1FDA0] =	vst v40;
	v43 =	vld [tilespmem:s7+$0x1820];
	s0 =	smul.u32 $0x3000, s0;
	v29 =	vsel vm8, v26, v29;
	v35 =	vsel vm10, v6, v41;
	vm10 =	vnez.u8 v30  }
0x18c: {  	v62 =	vld [tilespmem:$0x1FDA0];
	vm0 =	vgt.f32 v29, v52;
	v30 =	vsel vm10, v7, v53;
	vm10 =	vnez.u8 v31  }
0x18d: {  	s9 =	sadd.s32 $0x880, s8;
	v46 =	vld [tilespmem:s7+$0x1C60];
	s0 =	sshra.s32 s0, $0x2;
	v33 =	vsel vm0, v29, v52;
	v31 =	vsel vm10, v19, v34;
	vm10 =	vnez.u8 v56  }
0x18e: {  	v39 =	vld [tilespmem:s7+$0x1800];
	s2 =	sand.u32 $0x380, s9;
	s0 =	sadd.s32 s0, s21;
	(xrf0) =	vmax.scan.msk.f32 $0xffff, v33;
	v32 =	vsel vm10, v18, v47;
	vm10 =	vnez.u8 v57;
	v57 =	vmov s3  }
0x18f: {  	v40 =	vld [tilespmem:s7+$0x1810];
	s9 =	sadd.s32 s2, s0;
	v30 =	vsel vm10, v8, v30;
	vm10 =	vnez.u8 v58;
	v32 =	vsel vm11, v19, v32  }
0x190: {  	s2 =	sadd.s32 $0x1, s3;
	v36 =	vld [tilespmem:s9+$0x440];
	v34 =	vsel vm10, v7, v35;
	vm10 =	vnez.u8 v59;
	v32 =	vsel vm15, v20, v32  }
0x191: {  	v37 =	vld [tilespmem:s9+$0x450];
	vm15 =	vnez.u8 v62;
	v59 =	vmov s2;
	v31 =	vsel vm10, v20, v31  }
0x192: {  	v63 =	vld [tilespmem:s7+$0x1C40];
	(xrf0) =	vmax.scan.msk.f32 $0xffff, v38;
	v34 =	vsel vm14, v8, v34;
	vm14 =	vnez.u8 v60;
	v32 =	vsel vm7, v21, v32  }
0x193: {  	v26 =	vld [tilespmem:s7+$0x2070];
	v61 =	vsel vm14, v9, v30;
	v31 =	vsel vm15, v21, v31;
	v34 =	vsel vm6, v9, v34  }
0x194: {  	v28 =	vld [tilespmem:s7+$0x1C20];
	v32 =	vsel vm3, v22, v32;
	v30, _, _ =	vpop (xrf0);
	v48 =	vsel vm12, v10, v61;
	v31 =	vsel vm13, v22, v31  }
0x195: {  	v49 =	vld [tilespmem:s7+$0x1C50];
	v30 =	vbroadcast v30, $0xF;
	v50 =	vsel vm9, v11, v48;
	v31 =	vsel vm8, v23, v31  }
0x196: {  	v29 =	vld [tilespmem:s7+$0x1C10];
	vm3 =	vgt.f32 v37, v36;
	v51 =	vsel vm4, v10, v34;
	v54 =	vsel vm0, v31, v50  }
0x197: {  	v42 =	vld [tilespmem:s9+$0x20];
	v32 =	vsel vm5, v23, v32;
	vm0 =	veq.f32 v33, v30;
	v55 =	vxor.u32 $0x80000000, v54  }
0x198: {  	v35 =	vld [tilespmem:s9+$0x10];
	v53, _, _ =	vpop (xrf0);
	v47 =	vsel vm3, v13, v12;
	v52 =	vsel vm1, v11, v51;
	v33 =	vnsel vm0, $0xFFFFFFFF, v55  }
0x199: {  	v34 =	vld [tilespmem:s9+$0x0];
	v31 =	vbroadcast v53, $0xF;
	v32 =	vsel vm2, v32, v52;
	vm2 =	vgt.f32 v40, v39;
	(xrf0) =	vmin.scan.msk.u32 $0xffff, v33  }
0x19a: {  	p2 =	sne.s32 s5, $0x7;
	v41 =	vld [tilespmem:s9+$0x460];
	vm1 =	veq.s32 v59, v0;
	v56 =	vxor.u32 $0x80000000, v32;
	v60 =	vsel vm2, v40, v39  }
.Ltmp1:
0x19b: {  	v32 =	vld [tilespmem:s7+$0x1C00];
	v61 =	vsel vm2, v1, v0;
	vm2 =	vgt.f32 v49, v63;
	vm0 =	veq.f32 v38, v31;
	(pc) =	sbr.rel @p2 .LBB2_5-.Ltmp1, $4  }
0x19c: {  	v40 =	vld [tilespmem:s7+$0x1C70];
	vm4 =	vgt.f32 v43, v60;
	v62 =	vsel vm2, v49, v63;
	v63 =	vsel vm2, v13, v12  }
0x19d: {  	v39 =	vld [tilespmem:s7+$0x1840];
	v58 =	vnsel vm0, $0xFFFFFFFF, v56;
	vm0 =	veq.s32 v57, v0;
	vm5 =	vgt.f32 v46, v62  }
0x19e: {  	v38 =	vld [tilespmem:s7+$0x1830];
	vm2 =	vgt.f32 v35, v34;
	v44 =	vsel vm4, v2, v61;
	v45 =	vsel vm4, v43, v60  }
0x19f: {  	s5 =	sadd.s32 $0x1, s5;
	s3 =	smov.u32 s4;
	v43 =	vld [tilespmem:s7+$0x2000];
	(xrf0) =	vmin.scan.msk.u32 $0xffff, v58;
	v49 =	vsel vm2, v1, v0;
	v46 =	vsel vm5, v46, v62;
	v48 =	vsel vm5, v14, v63;
	v33, _, _ =	vpop (xrf0)  }
0x1a0: {  	v50 =	vld [tilespmem:s9+$0x30];
	v34 =	vsel vm2, v35, v34  }
0x1a1: {  	v51 =	vld [tilespmem:s9+$0x470];
	v62 =	vsel vm3, v37, v36;
	vm3 =	vgt.f32 v42, v34;
	vm4 =	vgt.f32 v40, v46  }
0x1a2: {  	vm5 =	vgt.f32 v41, v62;
	v54 =	vsel vm3, v2, v49;
	v40 =	vsel vm4, v40, v46  }
0x1a3: {  	v63 =	vld [tilespmem:s7+$0x1850];
	v48 =	vsel vm4, v15, v48;
	v34 =	vsel vm3, v42, v34;
	vm2 =	vgt.f32 v38, v45  }
0x1a4: {  	v53 =	vld [tilespmem:s7+$0x2010];
	v47 =	vsel vm5, v14, v47;
	v35 =	vsel vm5, v41, v62;
	v52 =	vsel vm2, v38, v45  }
0x1a5: {  	v55 =	vld [tilespmem:s9+$0x40];
	v44 =	vsel vm2, v3, v44;
	vm4 =	vgt.f32 v43, v40;
	vm2 =	vgt.f32 v39, v52  }
0x1a6: {  	v56 =	vld [tilespmem:s9+$0x800];
	vm3 =	vgt.f32 v50, v34;
	vm5 =	vgt.f32 v51, v35;
	v40 =	vsel vm4, v43, v40  }
0x1a7: {  	v57 =	vld [tilespmem:s7+$0x1860];
	v48 =	vsel vm4, v16, v48;
	v37 =	vsel vm2, v39, v52;
	v45 =	vsel vm3, v3, v54  }
0x1a8: {  	v58 =	vld [tilespmem:s7+$0x2020];
	v44 =	vsel vm2, v4, v44;
	v34 =	vsel vm3, v50, v34;
	v47 =	vsel vm5, v15, v47  }
0x1a9: {  	v59 =	vld [tilespmem:s9+$0x50];
	v35 =	vsel vm5, v51, v35;
	vm4 =	vgt.f32 v53, v40;
	v54 =	vimm.s32 $0x0  }
0x1aa: {  	v60 =	vld [tilespmem:s9+$0x810];
	v52 =	vimm.s32 $0x0;
	vm2 =	vgt.f32 v63, v37;
	vm3 =	vgt.f32 v55, v34  }
0x1ab: {  	vm5 =	vgt.f32 v56, v35;
	v38 =	vsel vm4, v53, v40;
	v48 =	vsel vm4, v17, v48  }
0x1ac: {  	v36 =	vsel vm2, v63, v37;
	v45 =	vsel vm3, v4, v45;
	v44 =	vsel vm2, v5, v44  }
0x1ad: {  	v62 =	vld [tilespmem:s7+$0x2030];
	v34 =	vsel vm3, v55, v34;
	v47 =	vsel vm5, v16, v47;
	v35 =	vsel vm5, v56, v35  }
0x1ae: {  	v61 =	vld [tilespmem:s7+$0x1870];
	vm5 =	vgt.f32 v58, v38;
	v56 =	vimm.s32 $0x0;
	vm4 =	vgt.f32 v57, v36  }
0x1af: {  	v46 =	vld [tilespmem:s9+$0x60];
	vm2 =	vgt.f32 v59, v34;
	v51 =	vsel vm5, $0xFFFFFFFF, v54;
	vm3 =	vgt.f32 v60, v35  }
0x1b0: {  	v38 =	vsel vm5, v58, v38;
	v58 =	vimm.s32 $0x0;
	v36 =	vsel vm4, v57, v36  }
0x1b1: {  	v63 =	vld [tilespmem:s9+$0x820];
	v45 =	vsel vm2, v5, v45;
	v47 =	vsel vm3, v17, v47;
	v34 =	vsel vm2, v59, v34  }
0x1b2: {  	v55 =	vld [tilespmem:s9+$0x70];
	v35 =	vsel vm3, v60, v35;
	vm2 =	vgt.f32 v62, v38;
	v57 =	vimm.s32 $0x0  }
0x1b3: {  	v60 =	vimm.s32 $0x0;
	vm5 =	vgt.f32 v61, v36;
	v49 =	vsel vm2, $0xFFFFFFFF, v57  }
0x1b4: {  	v50 =	vld [tilespmem:s7+$0x2040];
	[tilespmem:$0x1FBD0] =	vst v51;
	vm6 =	vgt.f32 v46, v34;
	v59 =	vsel vm2, v62, v38;
	v51 =	vsel vm5, $0xFFFFFFFF, v56  }
0x1b5: {  	[tilespmem:$0x1FC00] =	vst v49;
	v49 =	vsel vm6, $0xFFFFFFFF, v58;
	v36 =	vsel vm5, v61, v36;
	v61 =	vimm.s32 $0x0  }
0x1b6: {  	v39 =	vld [tilespmem:s9+$0x830];
	v34 =	vsel vm6, v46, v34;
	v46 =	vimm.s32 $0x0;
	v56 =	vimm.s32 $0x0  }
0x1b7: {  	vm2 =	vgt.f32 v63, v35;
	vm3 =	vgt.f32 v32, v36;
	vm5 =	vgt.f32 v55, v34  }
0x1b8: {  	v43 =	vld [tilespmem:s7+$0x2050];
	v38 =	vsel vm2, $0xFFFFFFFF, v60;
	v40 =	vsel vm3, $0xFFFFFFFF, v61;
	v35 =	vsel vm2, v63, v35  }
0x1b9: {  	v62 =	vld [tilespmem:s7+$0x2060];
	vm2 =	vgt.f32 v50, v59;
	v63 =	vimm.s32 $0x0;
	v32 =	vsel vm3, v32, v36  }
0x1ba: {  	[tilespmem:$0x1FBE0] =	vst v49;
	v49 =	vld [tilespmem:s9+$0x400];
	v34 =	vsel vm5, v55, v34;
	v55 =	vimm.s32 $0x0;
	v60 =	vimm.s32 $0x0  }
0x1bb: {  	[tilespmem:$0x1FC10] =	vst v38;
	v38 =	vld [tilespmem:s9+$0x840];
	v42 =	vsel vm2, $0xFFFFFFFF, v63;
	vm14 =	vgt.f32 v39, v35;
	v53 =	vsel vm2, v50, v59  }
0x1bc: {  	v54 =	vld [tilespmem:s9+$0x850];
	vm2 =	vgt.f32 v29, v32;
	[tilespmem:$0x1FC50] =	vst v42;
	v42 =	vsel vm5, $0xFFFFFFFF, v46;
	v46 =	vsel vm14, $0xFFFFFFFF, v52  }
0x1bd: {  	[tilespmem:$0x1FBF0] =	vst v51;
	v51 =	vld [tilespmem:s9+$0x410];
	v41 =	vsel vm2, $0xFFFFFFFF, v55;
	vm3 =	vgt.f32 v43, v53;
	v29 =	vsel vm2, v29, v32  }
0x1be: {  	v57 =	vld [tilespmem:s9+$0x420];
	v35 =	vsel vm14, v39, v35;
	[tilespmem:$0x1FC60] =	vst v41;
	v41 =	vsel vm3, $0xFFFFFFFF, v56;
	vm2 =	vgt.f32 v28, v29  }
0x1bf: {  	v58 =	vld [tilespmem:s9+$0x860];
	v36 =	vsel vm3, v43, v53;
	vm14 =	vgt.f32 v49, v34;
	v43 =	vsel vm2, $0xFFFFFFFF, v60  }
0x1c0: {  	v61 =	vld [tilespmem:s9+$0x870];
	v28 =	vsel vm2, v28, v29;
	vm12 =	vgt.f32 v62, v36;
	vm15 =	vgt.f32 v38, v35  }
0x1c1: {  	v59 =	vld [tilespmem:s9+$0x430];
	v34 =	vsel vm14, v49, v34;
	v29 =	vsel vm12, v62, v36;
	v35 =	vsel vm15, v38, v35  }
0x1c2: {  	vm10 =	vgt.f32 v27, v28;
	vm8 =	vgt.f32 v51, v34;
	vm11 =	vgt.f32 v54, v35  }
0x1c3: {  	v27 =	vsel vm10, v27, v28;
	v34 =	vsel vm8, v51, v34;
	v35 =	vsel vm11, v54, v35  }
0x1c4: {  	vm5 =	vgt.f32 v26, v29;
	vm6 =	vgt.f32 v57, v34;
	vm7 =	vgt.f32 v58, v35  }
0x1c5: {  	v26 =	vsel vm5, v26, v29;
	v28 =	vsel vm6, v57, v34;
	v32 =	vsel vm7, v58, v35  }
0x1c6: {  	vm2 =	vgt.f32 v26, v27;
	vm3 =	vgt.f32 v59, v28;
	vm9 =	vgt.f32 v61, v32  }
0x1c7: {  	v26 =	vsel vm2, v26, v27;
	v27 =	vld [tilespmem:$0x1FBD0];
	v28 =	vsel vm3, v59, v28;
	v29 =	vsel vm9, v61, v32  }
0x1c8: {  	v63 =	vld [tilespmem:$0x1FBE0];
	v62 =	vsel vm4, v6, v44;
	vm4 =	vgt.f32 v29, v28  }
0x1c9: {  	v28 =	vsel vm4, v29, v28;
	v29 =	vld [tilespmem:$0x1FBF0]  }
0x1ca: {  	v36 =	vld [tilespmem:$0x1FC00]  }
0x1cb: {  	[tilespmem:$0x1FC20] =	vst v40;
	v37 =	vld [tilespmem:$0x1FC10];
	(xrf0) =	vmax.scan.msk.f32 $0xffff, v26  }
0x1cc: {  	[tilespmem:$0x1FC30] =	vst v42;
	v38 =	vld [tilespmem:$0x1FC20];
	vm13 =	vnez.u8 v27;
	(xrf0) =	vmax.scan.msk.f32 $0xffff, v28  }
0x1cd: {  	[tilespmem:$0x1FC40] =	vst v46;
	v39 =	vld [tilespmem:$0x1FC30];
	v27 =	vsel vm13, v18, v48;
	vm13 =	vnez.u8 v63  }
0x1ce: {  	v40 =	vld [tilespmem:$0x1FC40];
	v34 =	vsel vm13, v6, v45;
	vm13 =	vnez.u8 v29  }
0x1cf: {  	[tilespmem:$0x1FC70] =	vst v41;
	v41 =	vld [tilespmem:$0x1FC50];
	v29 =	vsel vm13, v7, v62;
	vm13 =	vnez.u8 v36  }
0x1d0: {  	v42 =	vld [tilespmem:$0x1FC60];
	v44, _, _ =	vpop (xrf0);
	v27 =	vsel vm13, v19, v27;
	vm13 =	vnez.u8 v37  }
0x1d1: {  	[tilespmem:$0x1FC80] =	vst v43;
	v43 =	vld [tilespmem:$0x1FC70];
	v46, _, _ =	vpop (xrf0);
	v32 =	vsel vm13, v18, v47;
	vm13 =	vnez.u8 v38  }
0x1d2: {  	v45 =	vld [tilespmem:$0x1FC80];
	v36 =	vbroadcast v46, $0xF;
	v47, _, _ =	vpop (xrf0);
	v29 =	vsel vm13, v8, v29;
	vm13 =	vnez.u8 v39  }
0x1d3: {  	v48 =	vbroadcast v47, $0xF;
	v34 =	vsel vm13, v7, v34;
	vm13 =	vnez.u8 v40  }
0x1d4: {  	v32 =	vsel vm13, v19, v32;
	vm13 =	vnez.u8 v41;
	v34 =	vsel vm14, v8, v34  }
0x1d5: {  	v27 =	vsel vm13, v20, v27;
	v32 =	vsel vm15, v20, v32;
	vm13 =	vnez.u8 v42  }
0x1d6: {  	v34 =	vsel vm8, v9, v34;
	v29 =	vsel vm13, v9, v29;
	vm13 =	vnez.u8 v43  }
0x1d7: {  	vm15 =	vnez.u8 v45;
	v32 =	vsel vm11, v21, v32;
	v27 =	vsel vm13, v21, v27  }
0x1d8: {  	v34 =	vsel vm6, v10, v34;
	v29 =	vsel vm15, v10, v29;
	v27 =	vsel vm12, v22, v27  }
0x1d9: {  	v32 =	vsel vm7, v22, v32;
	v29 =	vsel vm10, v11, v29;
	v27 =	vsel vm5, v23, v27  }
0x1da: {  	v34 =	vsel vm3, v11, v34;
	v27 =	vsel vm2, v27, v29;
	v29 =	vsel vm9, v23, v32  }
0x1db: {  	vm2 =	veq.f32 v26, v36;
	v26 =	vxor.u32 $0x80000000, v27;
	v27 =	vsel vm4, v29, v34  }
0x1dc: {  	v26 =	vnsel vm2, $0xFFFFFFFF, v26;
	vm2 =	veq.f32 v28, v48;
	v27 =	vxor.u32 $0x80000000, v27  }
0x1dd: {  	v27 =	vnsel vm2, $0xFFFFFFFF, v27;
	(xrf0) =	vmin.scan.msk.u32 $0xffff, v26  }
0x1de: {  	(xrf0) =	vmin.scan.msk.u32 $0xffff, v27;
	_ =	sdelay $0x3  }
0x1df: {  	(v2sf) =	vpush v33, $0xF  }
0x1e0: {  	(v2sf) =	vpush v44, $0xF;
	v26, _, _ =	vpop (xrf0)  }
0x1e1: {  	(v2sf) =	vpush v26, $0xF;
	v26, _, _ =	vpop (xrf0)  }
0x1e2: {  	(v2sf) =	vpush v26, $0xF;
	_ =	sdelay $0xb  }
0x1e3: {  	v24 =	vsel vm0, v30, v24;
	s8 =	simm.s32 $0x0;
	s0 =	spop (v2sf)  }
0x1e4: {  	v24 =	vsel vm1, v31, v24;
	s7 =	sadd.s32 $0x1, s3;
	s0 =	sxor.u32 $0x80000000, s0;
	s2 =	spop (v2sf);
	v26 =	vmov s3  }
0x1e5: {  	s4 =	smul.u32 $0x3000, s8;
	v25 =	vsel vm0, s0, v25;
	s2 =	sxor.u32 $0x80000000, s2;
	v27 =	vmov s7;
	vm0 =	veq.s32 v26, v0;
	s9 =	spop (v2sf)  }
0x1e6: {  	v25 =	vsel vm1, s2, v25;
	vm1 =	veq.s32 v27, v0;
	v24 =	vsel vm0, v36, v24;
	s0 =	sxor.u32 $0x80000000, s9;
	s5 =	spop (v2sf)  }
0x1e7: {  	s8 =	sshra.s32 s4, $0x2;
	s3 =	simm.s32 $0x0;
	v24 =	vsel vm1, v48, v24;
	v25 =	vsel vm0, s0, v25;
	s7 =	sxor.u32 $0x80000000, s5  }
0x1e8: {  	s2 =	sadd.s32 s8, s21;
	[tilespmem:s29+$0xC080] =	vst v24;
	s9 =	sand.u32 $0x300, s3;
	v25 =	vsel vm1, s7, v25  }
0x1e9: {  	s5 =	sadd.s32 s9, s2;
	[tilespmem:s30+$0xC480] =	vst v25  }
0x1ea: {  	s2 =	simm.s32 $0x4;
	v28 =	vld [tilespmem:s5+$0x3020]  }
0x1eb: {  	s0 =	smul.u32 $0x3000, s2;
	v29 =	vld [tilespmem:s5+$0x3460]  }
0x1ec: {  	v30 =	vld [tilespmem:s5+$0x3000]  }
0x1ed: {  	s4 =	simm.s32 $0x1080;
	v31 =	vld [tilespmem:s5+$0x3010];
	s0 =	sshra.s32 s0, $0x2  }
0x1ee: {  	s2 =	sand.u32 $0x380, s4;
	v49 =	vld [tilespmem:s5+$0x3440];
	s0 =	sadd.s32 s0, s21  }
0x1ef: {  	v50 =	vld [tilespmem:s5+$0x3450];
	s7 =	sadd.s32 s2, s0  }
0x1f0: {  	v51 =	vld [tilespmem:s7+$0x0]  }
0x1f1: {  	v52 =	vld [tilespmem:s7+$0x10]  }
0x1f2: {  	v53 =	vld [tilespmem:s7+$0x440]  }
0x1f3: {  	v54 =	vld [tilespmem:s7+$0x450]  }
0x1f4: {  	v55 =	vld [tilespmem:s5+$0x3030]  }
0x1f5: {  	v56 =	vld [tilespmem:s5+$0x3470];
	vm0 =	vgt.f32 v31, v30;
	vm1 =	vgt.f32 v50, v49  }
0x1f6: {  	v60 =	vld [tilespmem:s5+$0x3040];
	v30 =	vsel vm0, v31, v30;
	v57 =	vsel vm0, v1, v0;
	v32 =	vsel vm1, v50, v49  }
0x1f7: {  	v58 =	vld [tilespmem:s7+$0x460];
	v59 =	vsel vm1, v13, v12;
	vm0 =	vgt.f32 v28, v30;
	vm1 =	vgt.f32 v29, v32  }
0x1f8: {  	v31 =	vld [tilespmem:s7+$0x20];
	vm2 =	vgt.f32 v52, v51;
	vm3 =	vgt.f32 v54, v53;
	v41 =	vsel vm0, v2, v57  }
0x1f9: {  	v62 =	vld [tilespmem:s5+$0x3800];
	v28 =	vsel vm0, v28, v30;
	v29 =	vsel vm1, v29, v32;
	v48 =	vsel vm1, v14, v59  }
0x1fa: {  	v50 =	vld [tilespmem:s7+$0x470];
	v61 =	vsel vm2, v1, v0;
	v63 =	vsel vm3, v13, v12;
	v34 =	vsel vm2, v52, v51  }
0x1fb: {  	v30 =	vld [tilespmem:s7+$0x30];
	v49 =	vsel vm3, v54, v53;
	vm0 =	vgt.f32 v55, v28;
	vm2 =	vgt.f32 v56, v29  }
0x1fc: {  	v51 =	vld [tilespmem:s5+$0x3050];
	vm3 =	vgt.f32 v58, v49;
	v41 =	vsel vm0, v3, v41;
	v32 =	vsel vm2, v15, v48  }
0x1fd: {  	v53 =	vld [tilespmem:s5+$0x3810];
	v28 =	vsel vm0, v55, v28;
	v29 =	vsel vm2, v56, v29;
	vm1 =	vgt.f32 v31, v34  }
0x1fe: {  	v54 =	vld [tilespmem:s7+$0x40];
	v46 =	vsel vm3, v14, v63;
	vm0 =	vgt.f32 v60, v28;
	v33 =	vsel vm3, v58, v49  }
0x1ff: {  	v55 =	vld [tilespmem:s7+$0x800];
	vm2 =	vgt.f32 v62, v29;
	v49 =	vimm.s32 $0x0;
	v52 =	vsel vm1, v2, v61  }
0x200: {  	v25 =	vld [tilespmem:s5+$0x3430];
	v31 =	vsel vm1, v31, v34;
	vm3 =	vgt.f32 v50, v33;
	v41 =	vsel vm0, v4, v41  }
0x201: {  	v24 =	vld [tilespmem:s5+$0x3870];
	v32 =	vsel vm2, v16, v32;
	v28 =	vsel vm0, v60, v28;
	v29 =	vsel vm2, v62, v29  }
0x202: {  	v56 =	vld [tilespmem:s5+$0x3060];
	vm1 =	vgt.f32 v30, v31;
	v46 =	vsel vm3, v15, v46;
	v33 =	vsel vm3, v50, v33  }
0x203: {  	v58 =	vld [tilespmem:s5+$0x3820];
	v57 =	vsel vm1, v3, v52;
	v30 =	vsel vm1, v30, v31;
	vm0 =	vgt.f32 v51, v28  }
0x204: {  	v59 =	vld [tilespmem:s7+$0x50];
	vm2 =	vgt.f32 v53, v29;
	vm1 =	vgt.f32 v54, v30;
	vm3 =	vgt.f32 v55, v33  }
0x205: {  	v60 =	vld [tilespmem:s5+$0x3070];
	v41 =	vsel vm0, v5, v41;
	v32 =	vsel vm2, v17, v32;
	v28 =	vsel vm0, v51, v28  }
0x206: {  	v61 =	vld [tilespmem:s5+$0x3830];
	v29 =	vsel vm2, v53, v29;
	v51 =	vimm.s32 $0x0;
	v40 =	vsel vm1, v4, v57  }
0x207: {  	v31 =	vld [tilespmem:s7+$0x810];
	v46 =	vsel vm3, v16, v46;
	v30 =	vsel vm1, v54, v30;
	vm15 =	vgt.f32 v56, v28  }
0x208: {  	v62 =	vld [tilespmem:s7+$0x60];
	v33 =	vsel vm3, v55, v33;
	vm14 =	vgt.f32 v58, v29;
	v54 =	vimm.s32 $0x0  }
0x209: {  	v26 =	vld [tilespmem:s5+$0x3420];
	vm0 =	vgt.f32 v59, v30;
	v28 =	vsel vm15, v56, v28;
	v29 =	vsel vm14, v58, v29  }
0x20a: {  	v38 =	vld [tilespmem:s5+$0x3400];
	v56 =	vimm.s32 $0x0;
	v58 =	vimm.s32 $0x0;
	v47 =	vsel vm15, v6, v41  }
0x20b: {  	v63 =	vld [tilespmem:s7+$0x820];
	v32 =	vsel vm14, v18, v32;
	v40 =	vsel vm0, v5, v40;
	vm2 =	vgt.f32 v60, v28  }
0x20c: {  	v48 =	vld [tilespmem:s7+$0x70];
	v30 =	vsel vm0, v59, v30;
	vm0 =	vgt.f32 v61, v29;
	vm1 =	vgt.f32 v31, v33  }
0x20d: {  	v36 =	vld [tilespmem:s5+$0x3840];
	v44 =	vsel vm2, $0xFFFFFFFF, v49;
	vm8 =	vgt.f32 v62, v30;
	v28 =	vsel vm2, v60, v28  }
0x20e: {  	v27 =	vld [tilespmem:s5+$0x3410];
	v29 =	vsel vm0, v61, v29;
	v60 =	vimm.s32 $0x0;
	v42 =	vsel vm1, v17, v46  }
0x20f: {  	v50 =	vld [tilespmem:s7+$0x830];
	v31 =	vsel vm1, v31, v33;
	v33 =	vsel vm0, $0xFFFFFFFF, v51;
	vm1 =	vgt.f32 v38, v28  }
0x210: {  	v53 =	vld [tilespmem:s7+$0x400];
	v30 =	vsel vm8, v62, v30;
	v62 =	vimm.s32 $0x0;
	vm0 =	vgt.f32 v63, v31  }
0x211: {  	v52 =	vld [tilespmem:s5+$0x3850];
	v45 =	vsel vm1, $0xFFFFFFFF, v56;
	vm9 =	vgt.f32 v48, v30;
	v28 =	vsel vm1, v38, v28  }
0x212: {  	v55 =	vld [tilespmem:s7+$0x840];
	v37 =	vsel vm0, $0xFFFFFFFF, v54;
	v31 =	vsel vm0, v63, v31;
	vm0 =	vgt.f32 v36, v29  }
0x213: {  	v59 =	vld [tilespmem:s7+$0x410];
	v30 =	vsel vm9, v48, v30;
	v63 =	vimm.s32 $0x0;
	v34 =	vsel vm0, $0xFFFFFFFF, v58  }
0x214: {  	v57 =	vld [tilespmem:s5+$0x3860];
	vm2 =	vgt.f32 v50, v31;
	v29 =	vsel vm0, v36, v29;
	vm0 =	vgt.f32 v27, v28  }
0x215: {  	v61 =	vld [tilespmem:s7+$0x850];
	[tilespmem:$0x1FCC0] =	vst v45;
	vm11 =	vgt.f32 v53, v30;
	v45 =	vsel vm2, $0xFFFFFFFF, v60;
	v36 =	vsel vm0, $0xFFFFFFFF, v62  }
0x216: {  	vm1 =	vgt.f32 v52, v29;
	v31 =	vsel vm2, v50, v31;
	v27 =	vsel vm0, v27, v28;
	v28 =	vld [tilespmem:s7+$0x860];
	[tilespmem:$0x1FCD0] =	vst v45  }
0x217: {  	v30 =	vsel vm11, v53, v30;
	[tilespmem:$0x1FCF0] =	vst v36;
	v36 =	vsel vm1, $0xFFFFFFFF, v63;
	v45 =	vld [tilespmem:s7+$0x420];
	vm10 =	vgt.f32 v55, v31  }
0x218: {  	s8 =	simm.s32 $0x0;
	v46 =	vld [tilespmem:s7+$0x430];
	v29 =	vsel vm1, v52, v29;
	vm12 =	vgt.f32 v26, v27;
	vm6 =	vgt.f32 v59, v30  }
0x219: {  	s0 =	smul.u32 $0x3000, s8;
	v48 =	vld [tilespmem:s7+$0x870];
	v31 =	vsel vm10, v55, v31;
	vm13 =	vgt.f32 v57, v29;
	v26 =	vsel vm12, v26, v27  }
0x21a: {  	v27 =	vsel vm6, v59, v30;
	vm15 =	vgt.f32 v61, v31;
	vm3 =	vgt.f32 v25, v26  }
0x21b: {  	s8 =	simm.s32 $0x100;
	s0 =	sshra.s32 s0, $0x2;
	v29 =	vsel vm13, v57, v29;
	v30 =	vsel vm15, v61, v31;
	v25 =	vsel vm3, v25, v26  }
0x21c: {  	s9 =	sand.u32 $0x300, s8;
	s0 =	sadd.s32 s0, s21;
	[tilespmem:$0x1FCE0] =	vst v34;
	vm0 =	vgt.f32 v24, v29;
	vm4 =	vgt.f32 v28, v30;
	vm1 =	vgt.f32 v45, v27  }
0x21d: {  	[tilespmem:$0x1FC90] =	vst v44;
	s7 =	sadd.s32 s9, s0;
	v58 =	vld [tilespmem:$0x1FCE0];
	v24 =	vsel vm0, v24, v29;
	v28 =	vsel vm4, v28, v30;
	v31 =	vsel vm1, v45, v27  }
0x21e: {  	[tilespmem:$0x1FCA0] =	vst v33;
	v33 =	vld [tilespmem:s7+$0x3020];
	vm2 =	vgt.f32 v24, v25;
	vm14 =	vgt.f32 v48, v28;
	vm5 =	vgt.f32 v46, v31  }
0x21f: {  	v50 =	vsel vm2, v24, v25;
	v24 =	vld [tilespmem:$0x1FC90];
	v30 =	vsel vm5, v46, v31;
	v31 =	vsel vm14, v48, v28  }
0x220: {  	v49 =	vsel vm8, v6, v40;
	[tilespmem:$0x1FCB0] =	vst v37;
	v25 =	vld [tilespmem:$0x1FCA0];
	vm8 =	vgt.f32 v31, v30  }
0x221: {  	v51 =	vsel vm8, v31, v30;
	v30 =	vld [tilespmem:$0x1FCB0]  }
0x222: {  	v31 =	vld [tilespmem:$0x1FCC0]  }
0x223: {  	v57 =	vld [tilespmem:$0x1FCD0]  }
0x224: {  	[tilespmem:$0x1FD00] =	vst v36;
	v59 =	vld [tilespmem:$0x1FCF0];
	vm7 =	vnez.u8 v24  }
0x225: {  	v60 =	vld [tilespmem:$0x1FD00];
	v24 =	vsel vm7, v7, v47;
	vm7 =	vnez.u8 v25  }
0x226: {  	v39 =	vld [tilespmem:s7+$0x3000];
	v25 =	vsel vm7, v19, v32;
	vm7 =	vnez.u8 v30  }
0x227: {  	s2 =	simm.s32 $0x4;
	v63 =	vld [tilespmem:s7+$0x3440];
	v30 =	vsel vm7, v18, v42;
	vm7 =	vnez.u8 v31  }
0x228: {  	s0 =	smul.u32 $0x3000, s2;
	v61 =	vld [tilespmem:s7+$0x3010];
	(xrf0) =	vmax.scan.msk.f32 $0xffff, v50;
	v31 =	vsel vm9, v7, v49;
	vm9 =	vnez.u8 v57;
	v24 =	vsel vm7, v8, v24  }
0x229: {  	v54 =	vld [tilespmem:s7+$0x3450];
	v30 =	vsel vm9, v19, v30;
	vm9 =	vnez.u8 v58;
	v31 =	vsel vm11, v8, v31  }
0x22a: {  	s4 =	simm.s32 $0x1180;
	s5 =	simm.s32 $0x1;
	v40 =	vld [tilespmem:s7+$0x3470];
	s0 =	sshra.s32 s0, $0x2;
	vm11 =	vnez.u8 v60;
	v58 =	vmov s3;
	v30 =	vsel vm10, v20, v30  }
0x22b: {  	s2 =	sand.u32 $0x380, s4;
	v26 =	vld [tilespmem:s7+$0x3870];
	s0 =	sadd.s32 s0, s21;
	v60 =	vmov s5;
	vm10 =	vnez.u8 v59;
	v30 =	vsel vm15, v21, v30  }
0x22c: {  	v29 =	vld [tilespmem:s7+$0x3410];
	s9 =	sadd.s32 s2, s0;
	v25 =	vsel vm9, v20, v25;
	v31 =	vsel vm6, v9, v31;
	v24 =	vsel vm10, v9, v24  }
0x22d: {  	v34 =	vld [tilespmem:s9+$0x0];
	(xrf0) =	vmax.scan.msk.f32 $0xffff, v51;
	v25 =	vsel vm11, v21, v25;
	v31 =	vsel vm1, v10, v31;
	vm1 =	vgt.f32 v61, v39  }
0x22e: {  	v35 =	vld [tilespmem:s9+$0x10];
	v24 =	vsel vm12, v10, v24;
	v25 =	vsel vm13, v22, v25;
	v52 =	vsel vm4, v22, v30;
	v30, _, _ =	vpop (xrf0)  }
0x22f: {  	v36 =	vld [tilespmem:s9+$0x440];
	v62 =	vsel vm3, v11, v24;
	v53 =	vsel vm0, v23, v25;
	v30 =	vbroadcast v30, $0xF  }
0x230: {  	v41 =	vld [tilespmem:s9+$0x460];
	v55 =	vsel vm5, v11, v31;
	v39 =	vsel vm1, v61, v39;
	v43 =	vsel vm2, v53, v62  }
0x231: {  	v27 =	vld [tilespmem:s7+$0x3430];
	v61 =	vsel vm1, v1, v0;
	v56 =	vxor.u32 $0x80000000, v43;
	vm0 =	veq.f32 v50, v30  }
0x232: {  	v42 =	vld [tilespmem:s7+$0x3460];
	v24 =	vimm.f32 $0.0e+00;
	v37 =	vsel vm14, v23, v52;
	v38 =	vnsel vm0, $0xFFFFFFFF, v56  }
0x233: {  	v25 =	vimm.s32 $0x0;
	vm1 =	vgt.f32 v33, v39;
	v57 =	vsel vm8, v37, v55;
	v37 =	vld [tilespmem:s9+$0x450];
	v31, _, _ =	vpop (xrf0);
	(xrf0) =	vmin.scan.msk.u32 $0xffff, v38  }
0x234: {  	v28 =	vld [tilespmem:s7+$0x3420];
	vm2 =	vgt.f32 v54, v63;
	v44 =	vsel vm1, v2, v61;
	v47 =	vsel vm1, v33, v39  }
0x235: {  	v32 =	vld [tilespmem:s7+$0x3400];
	vm1 =	veq.s32 v60, v0;
	v43 =	vxor.u32 $0x80000000, v57;
	v31 =	vbroadcast v31, $0xF  }
0x236: {  	v39 =	vld [tilespmem:s7+$0x3040];
	v62 =	vsel vm2, v54, v63;
	v63 =	vsel vm2, v13, v12;
	vm2 =	vgt.f32 v35, v34  }
0x237: {  	vm4 =	vgt.f32 v42, v62;
	v49 =	vsel vm2, v1, v0;
	vm0 =	veq.f32 v51, v31;
	v38 =	vld [tilespmem:s7+$0x3030]  }
0x238: {  	v45 =	vsel vm4, v42, v62;
	v59 =	vnsel vm0, $0xFFFFFFFF, v43;
	v43 =	vld [tilespmem:s9+$0x20];
	vm3 =	vgt.f32 v37, v36  }
0x239: {  	s4 =	simm.s32 $0x2;
	s5 =	simm.s32 $0x2;
	s3 =	simm.s32 $0x2;
	v48 =	vsel vm4, v14, v63;
	v42 =	vld [tilespmem:s7+$0x3800];
	vm0 =	veq.s32 v58, v0;
	(xrf0) =	vmin.scan.msk.u32 $0xffff, v59;
	v46 =	vsel vm3, v13, v12;
	v33, _, _ =	vpop (xrf0)  }
.LBB2_7:
0x23a: {  	_ = 	snop  }
0x23b: {  	v34 =	vsel vm2, v35, v34;
	v36 =	vsel vm3, v37, v36  }
0x23c: {  	v55 =	vld [tilespmem:s9+$0x30];
	(v2sf) =	vpush v33, $0xF;
	v24 =	vsel vm0, v30, v24;
	v30 =	vimm.s32 $0x0  }
0x23d: {  	v57 =	vld [tilespmem:s9+$0x470];
	v24 =	vsel vm1, v31, v24;
	vm2 =	vgt.f32 v38, v47;
	vm3 =	vgt.f32 v43, v34  }
0x23e: {  	v58 =	vld [tilespmem:s7+$0x3050];
	vm4 =	vgt.f32 v40, v45;
	vm5 =	vgt.f32 v41, v36;
	v49 =	vsel vm3, v2, v49  }
0x23f: {  	v50 =	vld [tilespmem:s7+$0x3810];
	v44 =	vsel vm2, v3, v44;
	v48 =	vsel vm4, v15, v48;
	v46 =	vsel vm5, v14, v46  }
0x240: {  	v59 =	vld [tilespmem:s9+$0x40];
	v56, _, _ =	vpop (xrf0);
	v38 =	vsel vm2, v38, v47;
	v40 =	vsel vm4, v40, v45;
	v34 =	vsel vm3, v43, v34  }
0x241: {  	v60 =	vld [tilespmem:s9+$0x800];
	v36 =	vsel vm5, v41, v36;
	(v2sf) =	vpush v56, $0xF;
	vm2 =	vgt.f32 v39, v38  }
0x242: {  	vm3 =	vgt.f32 v55, v34;
	vm4 =	vgt.f32 v42, v40;
	vm5 =	vgt.f32 v57, v36  }
0x243: {  	v62 =	vld [tilespmem:s7+$0x3820];
	v61 =	vsel vm3, v3, v49;
	v44 =	vsel vm2, v4, v44;
	v48 =	vsel vm4, v16, v48  }
0x244: {  	v52 =	vld [tilespmem:s9+$0x50];
	v46 =	vsel vm5, v15, v46;
	v38 =	vsel vm2, v39, v38;
	v63 =	vsel vm4, v42, v40  }
0x245: {  	v45 =	vld [tilespmem:s7+$0x3060];
	v34 =	vsel vm3, v55, v34;
	v36 =	vsel vm5, v57, v36;
	vm2 =	vgt.f32 v58, v38  }
0x246: {  	v53 =	vld [tilespmem:s9+$0x810];
	vm3 =	vgt.f32 v59, v34;
	vm4 =	vgt.f32 v50, v63;
	vm5 =	vgt.f32 v60, v36  }
0x247: {  	v54 =	vsel vm3, v4, v61;
	v44 =	vsel vm2, v5, v44;
	v48 =	vsel vm4, v17, v48  }
0x248: {  	v55 =	vld [tilespmem:s7+$0x3070];
	v46 =	vsel vm5, v16, v46;
	v33 =	vsel vm2, v58, v38;
	v56 =	vsel vm4, v50, v63  }
0x249: {  	v57 =	vld [tilespmem:s7+$0x3830];
	v34 =	vsel vm3, v59, v34;
	v36 =	vsel vm5, v60, v36;
	v59 =	vimm.s32 $0x0  }
0x24a: {  	v58 =	vld [tilespmem:s9+$0x60];
	v50 =	vimm.s32 $0x0;
	vm10 =	vgt.f32 v45, v33;
	vm4 =	vgt.f32 v62, v56  }
0x24b: {  	vm2 =	vgt.f32 v52, v34;
	vm3 =	vgt.f32 v53, v36;
	v41 =	vsel vm4, $0xFFFFFFFF, v59  }
0x24c: {  	v33 =	vsel vm10, v45, v33;
	v38 =	vsel vm4, v62, v56;
	v46 =	vsel vm3, v17, v46  }
0x24d: {  	v62 =	vimm.s32 $0x0;
	v34 =	vsel vm2, v52, v34;
	v63 =	vsel vm3, v53, v36  }
0x24e: {  	v61 =	vld [tilespmem:s9+$0x70];
	v53 =	vimm.s32 $0x0;
	v45 =	vimm.s32 $0x0;
	[tilespmem:$0x1FB30] =	vst v41;
	v41 =	vsel vm2, v5, v54  }
0x24f: {  	v40 =	vld [tilespmem:s7+$0x3840];
	vm4 =	vgt.f32 v55, v33;
	vm2 =	vgt.f32 v57, v38;
	vm3 =	vgt.f32 v58, v34  }
0x250: {  	v60 =	vld [tilespmem:s9+$0x820];
	v49 =	vsel vm4, $0xFFFFFFFF, v62;
	v37 =	vsel vm2, $0xFFFFFFFF, v50;
	s0 =	spop (v2sf);
	v30 =	vsel vm3, $0xFFFFFFFF, v30  }
0x251: {  	v31 =	vsel vm4, v55, v33;
	v52 =	vsel vm2, v57, v38;
	v55 =	vimm.s32 $0x0;
	s0 =	sxor.u32 $0x80000000, s0;
	[tilespmem:$0x1FB40] =	vst v30;
	v30 =	vld [tilespmem:s9+$0x400]  }
0x252: {  	[tilespmem:$0x1FB50] =	vst v49;
	v49 =	vld [tilespmem:s9+$0x830];
	v34 =	vsel vm3, v58, v34;
	v25 =	vsel vm0, s0, v25;
	vm0 =	vgt.f32 v32, v31  }
0x253: {  	v59 =	vld [tilespmem:s9+$0x410];
	v57 =	vimm.s32 $0x0;
	vm2 =	vgt.f32 v61, v34;
	v31 =	vsel vm0, v32, v31;
	s2 =	spop (v2sf)  }
0x254: {  	v54 =	vld [tilespmem:s9+$0x840];
	v61 =	vsel vm2, v61, v34;
	v39 =	vsel vm0, $0xFFFFFFFF, v55;
	vm0 =	vgt.f32 v29, v31;
	s2 =	sxor.u32 $0x80000000, s2  }
0x255: {  	v51 =	vld [tilespmem:s7+$0x3850];
	v29 =	vsel vm0, v29, v31;
	v25 =	vsel vm1, s2, v25;
	vm1 =	vgt.f32 v60, v63  }
0x256: {  	v62 =	vld [tilespmem:s9+$0x850];
	vm14 =	vgt.f32 v30, v61;
	vm12 =	vgt.f32 v28, v29;
	v35 =	vsel vm1, v60, v63  }
0x257: {  	v47 =	vld [tilespmem:s9+$0x420];
	v30 =	vsel vm14, v30, v61;
	v28 =	vsel vm12, v28, v29;
	vm11 =	vgt.f32 v49, v35  }
0x258: {  	v31 =	vld [tilespmem:s9+$0x860];
	vm6 =	vgt.f32 v59, v30;
	vm9 =	vgt.f32 v27, v28;
	v35 =	vsel vm11, v49, v35  }
0x259: {  	v50 =	vld [tilespmem:s9+$0x870];
	v38 =	vsel vm1, $0xFFFFFFFF, v53;
	vm1 =	vgt.f32 v40, v52;
	vm15 =	vgt.f32 v54, v35  }
0x25a: {  	v63 =	vimm.s32 $0x0;
	v60 =	vsel vm1, v40, v52;
	v49 =	vld [tilespmem:s9+$0x430];
	v35 =	vsel vm15, v54, v35  }
0x25b: {  	v42 =	vsel vm1, $0xFFFFFFFF, v57;
	vm1 =	vgt.f32 v51, v60;
	vm7 =	vgt.f32 v62, v35  }
0x25c: {  	v56 =	vld [tilespmem:s7+$0x3860];
	v30 =	vsel vm6, v59, v30;
	v32 =	vsel vm1, v51, v60;
	v51 =	vsel vm7, v62, v35  }
0x25d: {  	v55 =	vld [tilespmem:$0x1FB40];
	[tilespmem:$0x1FB80] =	vst v39;
	v40 =	vsel vm0, $0xFFFFFFFF, v63;
	vm4 =	vgt.f32 v47, v30;
	vm3 =	vgt.f32 v31, v51  }
0x25e: {  	v52 =	vsel vm9, v27, v28;
	v57 =	vld [tilespmem:$0x1FB80];
	[tilespmem:$0x1FBA0] =	vst v42;
	v28 =	vsel vm4, v47, v30;
	v30 =	vsel vm3, v31, v51  }
0x25f: {  	s7 =	sshrl.u32 s5, $0x2;
	[tilespmem:$0x1FBB0] =	vst v40;
	v40 =	vsel vm1, $0xFFFFFFFF, v45;
	v59 =	vld [tilespmem:$0x1FBA0];
	vm1 =	vgt.f32 v49, v28;
	vm5 =	vgt.f32 v50, v30  }
0x260: {  	v58 =	vimm.s32 $0x0;
	s0 =	smul.u32 $0x3000, s7;
	v54 =	vld [tilespmem:$0x1FB30];
	v31 =	vsel vm1, v49, v28;
	v30 =	vsel vm5, v50, v30  }
0x261: {  	[tilespmem:$0x1FB60] =	vst v37;
	v42 =	vsel vm2, $0xFFFFFFFF, v58;
	v60 =	vld [tilespmem:$0x1FBB0];
	vm2 =	vgt.f32 v30, v31  }
0x262: {  	s8 =	sadd.s32 $0x100, s8;
	s0 =	sshra.s32 s0, $0x2;
	[tilespmem:$0x1FB70] =	vst v38;
	v38 =	vsel vm2, v30, v31;
	v30 =	vld [tilespmem:$0x1FB50]  }
0x263: {  	s0 =	sadd.s32 s0, s21;
	s9 =	sand.u32 $0x300, s8;
	vm13 =	vgt.f32 v56, v32;
	v31 =	vld [tilespmem:$0x1FB60]  }
0x264: {  	s4 =	sadd.s32 $0x2, s4;
	s7 =	sadd.s32 s9, s0;
	v29 =	vsel vm13, v56, v32;
	v56 =	vld [tilespmem:$0x1FB70]  }
0x265: {  	s2 =	sadd.s32 $0x21, s4;
	v53 =	vsel vm10, v6, v44;
	[tilespmem:$0x1FB90] =	vst v42;
	v27 =	vld [tilespmem:s7+$0x3430];
	vm10 =	vnez.u8 v54  }
0x266: {  	s0 =	sshrl.u32 s2, $0x3;
	v58 =	vld [tilespmem:$0x1FB90];
	vm8 =	vgt.f32 v26, v29;
	v34 =	vsel vm10, v18, v48;
	vm10 =	vnez.u8 v55  }
0x267: {  	[tilespmem:$0x1FBC0] =	vst v40;
	v42 =	vld [tilespmem:s7+$0x3020];
	s0 =	smul.u32 $0x3000, s0;
	v29 =	vsel vm8, v26, v29;
	v35 =	vsel vm10, v6, v41;
	vm10 =	vnez.u8 v30  }
0x268: {  	v62 =	vld [tilespmem:$0x1FBC0];
	vm0 =	vgt.f32 v29, v52;
	v30 =	vsel vm10, v7, v53;
	vm10 =	vnez.u8 v31  }
0x269: {  	s9 =	sadd.s32 $0x1080, s8;
	v45 =	vld [tilespmem:s7+$0x3460];
	s0 =	sshra.s32 s0, $0x2;
	v33 =	vsel vm0, v29, v52;
	v31 =	vsel vm10, v19, v34;
	vm10 =	vnez.u8 v56  }
0x26a: {  	v39 =	vld [tilespmem:s7+$0x3000];
	s2 =	sand.u32 $0x380, s9;
	s0 =	sadd.s32 s0, s21;
	(xrf0) =	vmax.scan.msk.f32 $0xffff, v33;
	v32 =	vsel vm10, v18, v46;
	vm10 =	vnez.u8 v57;
	v57 =	vmov s3  }
0x26b: {  	v40 =	vld [tilespmem:s7+$0x3010];
	s9 =	sadd.s32 s2, s0;
	v30 =	vsel vm10, v8, v30;
	vm10 =	vnez.u8 v58;
	v32 =	vsel vm11, v19, v32  }
0x26c: {  	s2 =	sadd.s32 $0x1, s3;
	v36 =	vld [tilespmem:s9+$0x440];
	v34 =	vsel vm10, v7, v35;
	vm10 =	vnez.u8 v59;
	v32 =	vsel vm15, v20, v32  }
0x26d: {  	v37 =	vld [tilespmem:s9+$0x450];
	vm15 =	vnez.u8 v62;
	v59 =	vmov s2;
	v31 =	vsel vm10, v20, v31  }
0x26e: {  	v63 =	vld [tilespmem:s7+$0x3440];
	(xrf0) =	vmax.scan.msk.f32 $0xffff, v38;
	v34 =	vsel vm14, v8, v34;
	vm14 =	vnez.u8 v60;
	v32 =	vsel vm7, v21, v32  }
0x26f: {  	v26 =	vld [tilespmem:s7+$0x3870];
	v61 =	vsel vm14, v9, v30;
	v31 =	vsel vm15, v21, v31;
	v34 =	vsel vm6, v9, v34  }
0x270: {  	v28 =	vld [tilespmem:s7+$0x3420];
	v32 =	vsel vm3, v22, v32;
	v30, _, _ =	vpop (xrf0);
	v48 =	vsel vm12, v10, v61;
	v31 =	vsel vm13, v22, v31  }
0x271: {  	v49 =	vld [tilespmem:s7+$0x3450];
	v30 =	vbroadcast v30, $0xF;
	v50 =	vsel vm9, v11, v48;
	v31 =	vsel vm8, v23, v31  }
0x272: {  	v29 =	vld [tilespmem:s7+$0x3410];
	vm3 =	vgt.f32 v37, v36;
	v51 =	vsel vm4, v10, v34;
	v54 =	vsel vm0, v31, v50  }
0x273: {  	v43 =	vld [tilespmem:s9+$0x20];
	v32 =	vsel vm5, v23, v32;
	vm0 =	veq.f32 v33, v30;
	v55 =	vxor.u32 $0x80000000, v54  }
0x274: {  	v35 =	vld [tilespmem:s9+$0x10];
	v53, _, _ =	vpop (xrf0);
	v46 =	vsel vm3, v13, v12;
	v52 =	vsel vm1, v11, v51;
	v33 =	vnsel vm0, $0xFFFFFFFF, v55  }
0x275: {  	v34 =	vld [tilespmem:s9+$0x0];
	v31 =	vbroadcast v53, $0xF;
	v32 =	vsel vm2, v32, v52;
	vm2 =	vgt.f32 v40, v39;
	(xrf0) =	vmin.scan.msk.u32 $0xffff, v33  }
0x276: {  	p2 =	sne.s32 s5, $0x7;
	v41 =	vld [tilespmem:s9+$0x460];
	vm1 =	veq.s32 v59, v0;
	v56 =	vxor.u32 $0x80000000, v32;
	v60 =	vsel vm2, v40, v39  }
.Ltmp2:
0x277: {  	v32 =	vld [tilespmem:s7+$0x3400];
	v61 =	vsel vm2, v1, v0;
	vm2 =	vgt.f32 v49, v63;
	vm0 =	veq.f32 v38, v31;
	(pc) =	sbr.rel @p2 .LBB2_7-.Ltmp2, $4  }
0x278: {  	v40 =	vld [tilespmem:s7+$0x3470];
	vm4 =	vgt.f32 v42, v60;
	v62 =	vsel vm2, v49, v63;
	v63 =	vsel vm2, v13, v12  }
0x279: {  	v39 =	vld [tilespmem:s7+$0x3040];
	v58 =	vnsel vm0, $0xFFFFFFFF, v56;
	vm0 =	veq.s32 v57, v0;
	vm5 =	vgt.f32 v45, v62  }
0x27a: {  	v38 =	vld [tilespmem:s7+$0x3030];
	vm2 =	vgt.f32 v35, v34;
	v44 =	vsel vm4, v2, v61;
	v47 =	vsel vm4, v42, v60  }
0x27b: {  	s5 =	sadd.s32 $0x1, s5;
	s3 =	smov.u32 s4;
	v42 =	vld [tilespmem:s7+$0x3800];
	(xrf0) =	vmin.scan.msk.u32 $0xffff, v58;
	v49 =	vsel vm2, v1, v0;
	v45 =	vsel vm5, v45, v62;
	v48 =	vsel vm5, v14, v63;
	v33, _, _ =	vpop (xrf0)  }
0x27c: {  	v50 =	vld [tilespmem:s9+$0x30];
	v34 =	vsel vm2, v35, v34  }
0x27d: {  	v51 =	vld [tilespmem:s9+$0x470];
	v62 =	vsel vm3, v37, v36;
	vm3 =	vgt.f32 v43, v34;
	vm4 =	vgt.f32 v40, v45  }
0x27e: {  	vm5 =	vgt.f32 v41, v62;
	v54 =	vsel vm3, v2, v49;
	v40 =	vsel vm4, v40, v45  }
0x27f: {  	v63 =	vld [tilespmem:s7+$0x3050];
	v48 =	vsel vm4, v15, v48;
	v34 =	vsel vm3, v43, v34;
	vm2 =	vgt.f32 v38, v47  }
0x280: {  	v53 =	vld [tilespmem:s7+$0x3810];
	v46 =	vsel vm5, v14, v46;
	v35 =	vsel vm5, v41, v62;
	v52 =	vsel vm2, v38, v47  }
0x281: {  	v55 =	vld [tilespmem:s9+$0x40];
	v44 =	vsel vm2, v3, v44;
	vm4 =	vgt.f32 v42, v40;
	vm2 =	vgt.f32 v39, v52  }
0x282: {  	v56 =	vld [tilespmem:s9+$0x800];
	vm3 =	vgt.f32 v50, v34;
	vm5 =	vgt.f32 v51, v35;
	v40 =	vsel vm4, v42, v40  }
0x283: {  	v57 =	vld [tilespmem:s7+$0x3060];
	v48 =	vsel vm4, v16, v48;
	v37 =	vsel vm2, v39, v52;
	v47 =	vsel vm3, v3, v54  }
0x284: {  	v58 =	vld [tilespmem:s7+$0x3820];
	v44 =	vsel vm2, v4, v44;
	v34 =	vsel vm3, v50, v34;
	v46 =	vsel vm5, v15, v46  }
0x285: {  	v59 =	vld [tilespmem:s9+$0x50];
	v35 =	vsel vm5, v51, v35;
	vm4 =	vgt.f32 v53, v40;
	v54 =	vimm.s32 $0x0  }
0x286: {  	v60 =	vld [tilespmem:s9+$0x810];
	v52 =	vimm.s32 $0x0;
	vm2 =	vgt.f32 v63, v37;
	vm3 =	vgt.f32 v55, v34  }
0x287: {  	vm5 =	vgt.f32 v56, v35;
	v38 =	vsel vm4, v53, v40;
	v48 =	vsel vm4, v17, v48  }
0x288: {  	v36 =	vsel vm2, v63, v37;
	v47 =	vsel vm3, v4, v47;
	v44 =	vsel vm2, v5, v44  }
0x289: {  	v62 =	vld [tilespmem:s7+$0x3830];
	v34 =	vsel vm3, v55, v34;
	v46 =	vsel vm5, v16, v46;
	v35 =	vsel vm5, v56, v35  }
0x28a: {  	v61 =	vld [tilespmem:s7+$0x3070];
	vm5 =	vgt.f32 v58, v38;
	v56 =	vimm.s32 $0x0;
	vm4 =	vgt.f32 v57, v36  }
0x28b: {  	v45 =	vld [tilespmem:s9+$0x60];
	vm2 =	vgt.f32 v59, v34;
	v51 =	vsel vm5, $0xFFFFFFFF, v54;
	vm3 =	vgt.f32 v60, v35  }
0x28c: {  	v38 =	vsel vm5, v58, v38;
	v58 =	vimm.s32 $0x0;
	v36 =	vsel vm4, v57, v36  }
0x28d: {  	v63 =	vld [tilespmem:s9+$0x820];
	v47 =	vsel vm2, v5, v47;
	v46 =	vsel vm3, v17, v46;
	v34 =	vsel vm2, v59, v34  }
0x28e: {  	v55 =	vld [tilespmem:s9+$0x70];
	v35 =	vsel vm3, v60, v35;
	vm2 =	vgt.f32 v62, v38;
	v57 =	vimm.s32 $0x0  }
0x28f: {  	v60 =	vimm.s32 $0x0;
	vm5 =	vgt.f32 v61, v36;
	v49 =	vsel vm2, $0xFFFFFFFF, v57  }
0x290: {  	v50 =	vld [tilespmem:s7+$0x3840];
	[tilespmem:$0x1F9F0] =	vst v51;
	vm6 =	vgt.f32 v45, v34;
	v59 =	vsel vm2, v62, v38;
	v51 =	vsel vm5, $0xFFFFFFFF, v56  }
0x291: {  	[tilespmem:$0x1FA20] =	vst v49;
	v49 =	vsel vm6, $0xFFFFFFFF, v58;
	v36 =	vsel vm5, v61, v36;
	v61 =	vimm.s32 $0x0  }
0x292: {  	v39 =	vld [tilespmem:s9+$0x830];
	v34 =	vsel vm6, v45, v34;
	v45 =	vimm.s32 $0x0;
	v56 =	vimm.s32 $0x0  }
0x293: {  	vm2 =	vgt.f32 v63, v35;
	vm3 =	vgt.f32 v32, v36;
	vm5 =	vgt.f32 v55, v34  }
0x294: {  	v42 =	vld [tilespmem:s7+$0x3850];
	v38 =	vsel vm2, $0xFFFFFFFF, v60;
	v40 =	vsel vm3, $0xFFFFFFFF, v61;
	v35 =	vsel vm2, v63, v35  }
0x295: {  	v62 =	vld [tilespmem:s7+$0x3860];
	vm2 =	vgt.f32 v50, v59;
	v63 =	vimm.s32 $0x0;
	v32 =	vsel vm3, v32, v36  }
0x296: {  	[tilespmem:$0x1FA00] =	vst v49;
	v49 =	vld [tilespmem:s9+$0x400];
	v34 =	vsel vm5, v55, v34;
	v55 =	vimm.s32 $0x0;
	v60 =	vimm.s32 $0x0  }
0x297: {  	[tilespmem:$0x1FA30] =	vst v38;
	v38 =	vld [tilespmem:s9+$0x840];
	v43 =	vsel vm2, $0xFFFFFFFF, v63;
	vm14 =	vgt.f32 v39, v35;
	v53 =	vsel vm2, v50, v59  }
0x298: {  	v54 =	vld [tilespmem:s9+$0x850];
	vm2 =	vgt.f32 v29, v32;
	[tilespmem:$0x1FA70] =	vst v43;
	v43 =	vsel vm5, $0xFFFFFFFF, v45;
	v45 =	vsel vm14, $0xFFFFFFFF, v52  }
0x299: {  	[tilespmem:$0x1FA10] =	vst v51;
	v51 =	vld [tilespmem:s9+$0x410];
	v41 =	vsel vm2, $0xFFFFFFFF, v55;
	vm3 =	vgt.f32 v42, v53;
	v29 =	vsel vm2, v29, v32  }
0x29a: {  	v57 =	vld [tilespmem:s9+$0x420];
	v35 =	vsel vm14, v39, v35;
	[tilespmem:$0x1FA80] =	vst v41;
	v41 =	vsel vm3, $0xFFFFFFFF, v56;
	vm2 =	vgt.f32 v28, v29  }
0x29b: {  	v58 =	vld [tilespmem:s9+$0x860];
	v36 =	vsel vm3, v42, v53;
	vm14 =	vgt.f32 v49, v34;
	v42 =	vsel vm2, $0xFFFFFFFF, v60  }
0x29c: {  	v61 =	vld [tilespmem:s9+$0x870];
	v28 =	vsel vm2, v28, v29;
	vm12 =	vgt.f32 v62, v36;
	vm15 =	vgt.f32 v38, v35  }
0x29d: {  	v59 =	vld [tilespmem:s9+$0x430];
	v34 =	vsel vm14, v49, v34;
	v29 =	vsel vm12, v62, v36;
	v35 =	vsel vm15, v38, v35  }
0x29e: {  	vm10 =	vgt.f32 v27, v28;
	vm8 =	vgt.f32 v51, v34;
	vm11 =	vgt.f32 v54, v35  }
0x29f: {  	v27 =	vsel vm10, v27, v28;
	v34 =	vsel vm8, v51, v34;
	v35 =	vsel vm11, v54, v35  }
0x2a0: {  	vm5 =	vgt.f32 v26, v29;
	vm6 =	vgt.f32 v57, v34;
	vm7 =	vgt.f32 v58, v35  }
0x2a1: {  	v26 =	vsel vm5, v26, v29;
	v28 =	vsel vm6, v57, v34;
	v32 =	vsel vm7, v58, v35  }
0x2a2: {  	vm2 =	vgt.f32 v26, v27;
	vm3 =	vgt.f32 v59, v28;
	vm9 =	vgt.f32 v61, v32  }
0x2a3: {  	v26 =	vsel vm2, v26, v27;
	v27 =	vld [tilespmem:$0x1F9F0];
	v28 =	vsel vm3, v59, v28;
	v29 =	vsel vm9, v61, v32  }
0x2a4: {  	v63 =	vld [tilespmem:$0x1FA00];
	v62 =	vsel vm4, v6, v44;
	vm4 =	vgt.f32 v29, v28  }
0x2a5: {  	v28 =	vsel vm4, v29, v28;
	v29 =	vld [tilespmem:$0x1FA10]  }
0x2a6: {  	v36 =	vld [tilespmem:$0x1FA20]  }
0x2a7: {  	[tilespmem:$0x1FA40] =	vst v40;
	v37 =	vld [tilespmem:$0x1FA30];
	(xrf0) =	vmax.scan.msk.f32 $0xffff, v26  }
0x2a8: {  	[tilespmem:$0x1FA50] =	vst v43;
	v38 =	vld [tilespmem:$0x1FA40];
	vm13 =	vnez.u8 v27;
	(xrf0) =	vmax.scan.msk.f32 $0xffff, v28  }
0x2a9: {  	[tilespmem:$0x1FA60] =	vst v45;
	v39 =	vld [tilespmem:$0x1FA50];
	v27 =	vsel vm13, v18, v48;
	vm13 =	vnez.u8 v63  }
0x2aa: {  	v40 =	vld [tilespmem:$0x1FA60];
	v34 =	vsel vm13, v6, v47;
	vm13 =	vnez.u8 v29  }
0x2ab: {  	[tilespmem:$0x1FA90] =	vst v41;
	v41 =	vld [tilespmem:$0x1FA70];
	v29 =	vsel vm13, v7, v62;
	vm13 =	vnez.u8 v36  }
0x2ac: {  	[tilespmem:$0x1FAA0] =	vst v42;
	v42 =	vld [tilespmem:$0x1FA80];
	v44, _, _ =	vpop (xrf0);
	v27 =	vsel vm13, v19, v27;
	vm13 =	vnez.u8 v37  }
0x2ad: {  	v43 =	vld [tilespmem:$0x1FA90];
	v32 =	vsel vm13, v18, v46;
	vm13 =	vnez.u8 v38;
	v46, _, _ =	vpop (xrf0)  }
0x2ae: {  	v45 =	vld [tilespmem:$0x1FAA0];
	v29 =	vsel vm13, v8, v29;
	vm13 =	vnez.u8 v39;
	v36 =	vbroadcast v46, $0xF;
	v47, _, _ =	vpop (xrf0)  }
0x2af: {  	v34 =	vsel vm13, v7, v34;
	vm13 =	vnez.u8 v40;
	v48 =	vbroadcast v47, $0xF  }
0x2b0: {  	v32 =	vsel vm13, v19, v32;
	vm13 =	vnez.u8 v41;
	v34 =	vsel vm14, v8, v34  }
0x2b1: {  	v27 =	vsel vm13, v20, v27;
	v32 =	vsel vm15, v20, v32;
	vm13 =	vnez.u8 v42  }
0x2b2: {  	v34 =	vsel vm8, v9, v34;
	v29 =	vsel vm13, v9, v29;
	vm13 =	vnez.u8 v43  }
0x2b3: {  	vm15 =	vnez.u8 v45;
	v32 =	vsel vm11, v21, v32;
	v27 =	vsel vm13, v21, v27  }
0x2b4: {  	v34 =	vsel vm6, v10, v34;
	v29 =	vsel vm15, v10, v29;
	v27 =	vsel vm12, v22, v27  }
0x2b5: {  	v32 =	vsel vm7, v22, v32;
	v29 =	vsel vm10, v11, v29;
	v27 =	vsel vm5, v23, v27  }
0x2b6: {  	v34 =	vsel vm3, v11, v34;
	v27 =	vsel vm2, v27, v29;
	v29 =	vsel vm9, v23, v32  }
0x2b7: {  	vm2 =	veq.f32 v26, v36;
	v26 =	vxor.u32 $0x80000000, v27;
	v27 =	vsel vm4, v29, v34  }
0x2b8: {  	v26 =	vnsel vm2, $0xFFFFFFFF, v26;
	vm2 =	veq.f32 v28, v48;
	v27 =	vxor.u32 $0x80000000, v27  }
0x2b9: {  	v27 =	vnsel vm2, $0xFFFFFFFF, v27;
	(xrf0) =	vmin.scan.msk.u32 $0xffff, v26  }
0x2ba: {  	(xrf0) =	vmin.scan.msk.u32 $0xffff, v27;
	_ =	sdelay $0x3  }
0x2bb: {  	(v2sf) =	vpush v33, $0xF  }
0x2bc: {  	(v2sf) =	vpush v44, $0xF;
	v26, _, _ =	vpop (xrf0)  }
0x2bd: {  	(v2sf) =	vpush v26, $0xF;
	v26, _, _ =	vpop (xrf0)  }
0x2be: {  	(v2sf) =	vpush v26, $0xF;
	_ =	sdelay $0xb  }
0x2bf: {  	v24 =	vsel vm0, v30, v24;
	s8 =	simm.s32 $0x0;
	s0 =	spop (v2sf)  }
0x2c0: {  	v24 =	vsel vm1, v31, v24;
	s7 =	sadd.s32 $0x1, s3;
	s0 =	sxor.u32 $0x80000000, s0;
	s2 =	spop (v2sf);
	v26 =	vmov s3  }
0x2c1: {  	s4 =	smul.u32 $0x3000, s8;
	v25 =	vsel vm0, s0, v25;
	s2 =	sxor.u32 $0x80000000, s2;
	v27 =	vmov s7;
	vm0 =	veq.s32 v26, v0;
	s9 =	spop (v2sf)  }
0x2c2: {  	v25 =	vsel vm1, s2, v25;
	vm1 =	veq.s32 v27, v0;
	v24 =	vsel vm0, v36, v24;
	s0 =	sxor.u32 $0x80000000, s9;
	s5 =	spop (v2sf)  }
0x2c3: {  	s8 =	sshra.s32 s4, $0x2;
	s3 =	simm.s32 $0x0;
	v24 =	vsel vm1, v48, v24;
	v25 =	vsel vm0, s0, v25;
	s7 =	sxor.u32 $0x80000000, s5  }
0x2c4: {  	s2 =	sadd.s32 s8, s21;
	[tilespmem:s29+$0xC100] =	vst v24;
	s9 =	sand.u32 $0x300, s3;
	v25 =	vsel vm1, s7, v25  }
0x2c5: {  	s5 =	sadd.s32 s9, s2;
	[tilespmem:s30+$0xC500] =	vst v25  }
0x2c6: {  	s2 =	simm.s32 $0x6;
	v28 =	vld [tilespmem:s5+$0x4820]  }
0x2c7: {  	s0 =	smul.u32 $0x3000, s2;
	v29 =	vld [tilespmem:s5+$0x4C60]  }
0x2c8: {  	v30 =	vld [tilespmem:s5+$0x4800]  }
0x2c9: {  	s4 =	simm.s32 $0x1880;
	v31 =	vld [tilespmem:s5+$0x4810];
	s0 =	sshra.s32 s0, $0x2  }
0x2ca: {  	s2 =	sand.u32 $0x380, s4;
	v49 =	vld [tilespmem:s5+$0x4C40];
	s0 =	sadd.s32 s0, s21  }
0x2cb: {  	v50 =	vld [tilespmem:s5+$0x4C50];
	s7 =	sadd.s32 s2, s0  }
0x2cc: {  	v51 =	vld [tilespmem:s7+$0x0]  }
0x2cd: {  	v52 =	vld [tilespmem:s7+$0x10]  }
0x2ce: {  	v53 =	vld [tilespmem:s7+$0x440]  }
0x2cf: {  	v54 =	vld [tilespmem:s7+$0x450]  }
0x2d0: {  	v55 =	vld [tilespmem:s5+$0x4830]  }
0x2d1: {  	v56 =	vld [tilespmem:s5+$0x4C70];
	vm0 =	vgt.f32 v31, v30;
	vm1 =	vgt.f32 v50, v49  }
0x2d2: {  	v60 =	vld [tilespmem:s5+$0x4840];
	v30 =	vsel vm0, v31, v30;
	v57 =	vsel vm0, v1, v0;
	v32 =	vsel vm1, v50, v49  }
0x2d3: {  	v58 =	vld [tilespmem:s7+$0x460];
	v59 =	vsel vm1, v13, v12;
	vm0 =	vgt.f32 v28, v30;
	vm1 =	vgt.f32 v29, v32  }
0x2d4: {  	v31 =	vld [tilespmem:s7+$0x20];
	vm2 =	vgt.f32 v52, v51;
	vm3 =	vgt.f32 v54, v53;
	v41 =	vsel vm0, v2, v57  }
0x2d5: {  	v62 =	vld [tilespmem:s5+$0x5000];
	v28 =	vsel vm0, v28, v30;
	v29 =	vsel vm1, v29, v32;
	v48 =	vsel vm1, v14, v59  }
0x2d6: {  	v50 =	vld [tilespmem:s7+$0x470];
	v61 =	vsel vm2, v1, v0;
	v63 =	vsel vm3, v13, v12;
	v34 =	vsel vm2, v52, v51  }
0x2d7: {  	v30 =	vld [tilespmem:s7+$0x30];
	v49 =	vsel vm3, v54, v53;
	vm0 =	vgt.f32 v55, v28;
	vm2 =	vgt.f32 v56, v29  }
0x2d8: {  	v51 =	vld [tilespmem:s5+$0x4850];
	vm3 =	vgt.f32 v58, v49;
	v41 =	vsel vm0, v3, v41;
	v32 =	vsel vm2, v15, v48  }
0x2d9: {  	v53 =	vld [tilespmem:s5+$0x5010];
	v28 =	vsel vm0, v55, v28;
	v29 =	vsel vm2, v56, v29;
	vm1 =	vgt.f32 v31, v34  }
0x2da: {  	v54 =	vld [tilespmem:s7+$0x40];
	v46 =	vsel vm3, v14, v63;
	vm0 =	vgt.f32 v60, v28;
	v33 =	vsel vm3, v58, v49  }
0x2db: {  	v55 =	vld [tilespmem:s7+$0x800];
	vm2 =	vgt.f32 v62, v29;
	v49 =	vimm.s32 $0x0;
	v52 =	vsel vm1, v2, v61  }
0x2dc: {  	v25 =	vld [tilespmem:s5+$0x4C30];
	v31 =	vsel vm1, v31, v34;
	vm3 =	vgt.f32 v50, v33;
	v41 =	vsel vm0, v4, v41  }
0x2dd: {  	v24 =	vld [tilespmem:s5+$0x5070];
	v32 =	vsel vm2, v16, v32;
	v28 =	vsel vm0, v60, v28;
	v29 =	vsel vm2, v62, v29  }
0x2de: {  	v56 =	vld [tilespmem:s5+$0x4860];
	vm1 =	vgt.f32 v30, v31;
	v46 =	vsel vm3, v15, v46;
	v33 =	vsel vm3, v50, v33  }
0x2df: {  	v58 =	vld [tilespmem:s5+$0x5020];
	v57 =	vsel vm1, v3, v52;
	v30 =	vsel vm1, v30, v31;
	vm0 =	vgt.f32 v51, v28  }
0x2e0: {  	v59 =	vld [tilespmem:s7+$0x50];
	vm2 =	vgt.f32 v53, v29;
	vm1 =	vgt.f32 v54, v30;
	vm3 =	vgt.f32 v55, v33  }
0x2e1: {  	v60 =	vld [tilespmem:s5+$0x4870];
	v41 =	vsel vm0, v5, v41;
	v32 =	vsel vm2, v17, v32;
	v28 =	vsel vm0, v51, v28  }
0x2e2: {  	v61 =	vld [tilespmem:s5+$0x5030];
	v29 =	vsel vm2, v53, v29;
	v51 =	vimm.s32 $0x0;
	v40 =	vsel vm1, v4, v57  }
0x2e3: {  	v31 =	vld [tilespmem:s7+$0x810];
	v46 =	vsel vm3, v16, v46;
	v30 =	vsel vm1, v54, v30;
	vm15 =	vgt.f32 v56, v28  }
0x2e4: {  	v62 =	vld [tilespmem:s7+$0x60];
	v33 =	vsel vm3, v55, v33;
	vm14 =	vgt.f32 v58, v29;
	v54 =	vimm.s32 $0x0  }
0x2e5: {  	v26 =	vld [tilespmem:s5+$0x4C20];
	vm0 =	vgt.f32 v59, v30;
	v28 =	vsel vm15, v56, v28;
	v29 =	vsel vm14, v58, v29  }
0x2e6: {  	v38 =	vld [tilespmem:s5+$0x4C00];
	v56 =	vimm.s32 $0x0;
	v58 =	vimm.s32 $0x0;
	v47 =	vsel vm15, v6, v41  }
0x2e7: {  	v63 =	vld [tilespmem:s7+$0x820];
	v32 =	vsel vm14, v18, v32;
	v40 =	vsel vm0, v5, v40;
	vm2 =	vgt.f32 v60, v28  }
0x2e8: {  	v48 =	vld [tilespmem:s7+$0x70];
	v30 =	vsel vm0, v59, v30;
	vm0 =	vgt.f32 v61, v29;
	vm1 =	vgt.f32 v31, v33  }
0x2e9: {  	v36 =	vld [tilespmem:s5+$0x5040];
	v44 =	vsel vm2, $0xFFFFFFFF, v49;
	vm8 =	vgt.f32 v62, v30;
	v28 =	vsel vm2, v60, v28  }
0x2ea: {  	v27 =	vld [tilespmem:s5+$0x4C10];
	v29 =	vsel vm0, v61, v29;
	v60 =	vimm.s32 $0x0;
	v42 =	vsel vm1, v17, v46  }
0x2eb: {  	v50 =	vld [tilespmem:s7+$0x830];
	v31 =	vsel vm1, v31, v33;
	v33 =	vsel vm0, $0xFFFFFFFF, v51;
	vm1 =	vgt.f32 v38, v28  }
0x2ec: {  	v53 =	vld [tilespmem:s7+$0x400];
	v30 =	vsel vm8, v62, v30;
	v62 =	vimm.s32 $0x0;
	vm0 =	vgt.f32 v63, v31  }
0x2ed: {  	v52 =	vld [tilespmem:s5+$0x5050];
	v45 =	vsel vm1, $0xFFFFFFFF, v56;
	vm9 =	vgt.f32 v48, v30;
	v28 =	vsel vm1, v38, v28  }
0x2ee: {  	v55 =	vld [tilespmem:s7+$0x840];
	v37 =	vsel vm0, $0xFFFFFFFF, v54;
	v31 =	vsel vm0, v63, v31;
	vm0 =	vgt.f32 v36, v29  }
0x2ef: {  	v59 =	vld [tilespmem:s7+$0x410];
	v30 =	vsel vm9, v48, v30;
	v63 =	vimm.s32 $0x0;
	v34 =	vsel vm0, $0xFFFFFFFF, v58  }
0x2f0: {  	v57 =	vld [tilespmem:s5+$0x5060];
	vm2 =	vgt.f32 v50, v31;
	v29 =	vsel vm0, v36, v29;
	vm0 =	vgt.f32 v27, v28  }
0x2f1: {  	v61 =	vld [tilespmem:s7+$0x850];
	[tilespmem:$0x1FAE0] =	vst v45;
	vm11 =	vgt.f32 v53, v30;
	v45 =	vsel vm2, $0xFFFFFFFF, v60;
	v36 =	vsel vm0, $0xFFFFFFFF, v62  }
0x2f2: {  	vm1 =	vgt.f32 v52, v29;
	v31 =	vsel vm2, v50, v31;
	v27 =	vsel vm0, v27, v28;
	v28 =	vld [tilespmem:s7+$0x860];
	[tilespmem:$0x1FAF0] =	vst v45  }
0x2f3: {  	v30 =	vsel vm11, v53, v30;
	[tilespmem:$0x1FB10] =	vst v36;
	v36 =	vsel vm1, $0xFFFFFFFF, v63;
	v45 =	vld [tilespmem:s7+$0x420];
	vm10 =	vgt.f32 v55, v31  }
0x2f4: {  	s8 =	simm.s32 $0x0;
	v46 =	vld [tilespmem:s7+$0x430];
	v29 =	vsel vm1, v52, v29;
	vm12 =	vgt.f32 v26, v27;
	vm6 =	vgt.f32 v59, v30  }
0x2f5: {  	s0 =	smul.u32 $0x3000, s8;
	v48 =	vld [tilespmem:s7+$0x870];
	v31 =	vsel vm10, v55, v31;
	vm13 =	vgt.f32 v57, v29;
	v26 =	vsel vm12, v26, v27  }
0x2f6: {  	v27 =	vsel vm6, v59, v30;
	vm15 =	vgt.f32 v61, v31;
	vm3 =	vgt.f32 v25, v26  }
0x2f7: {  	s8 =	simm.s32 $0x100;
	s0 =	sshra.s32 s0, $0x2;
	v29 =	vsel vm13, v57, v29;
	v30 =	vsel vm15, v61, v31;
	v25 =	vsel vm3, v25, v26  }
0x2f8: {  	s9 =	sand.u32 $0x300, s8;
	s0 =	sadd.s32 s0, s21;
	[tilespmem:$0x1FB00] =	vst v34;
	vm0 =	vgt.f32 v24, v29;
	vm4 =	vgt.f32 v28, v30;
	vm1 =	vgt.f32 v45, v27  }
0x2f9: {  	[tilespmem:$0x1FAB0] =	vst v44;
	s7 =	sadd.s32 s9, s0;
	v58 =	vld [tilespmem:$0x1FB00];
	v24 =	vsel vm0, v24, v29;
	v28 =	vsel vm4, v28, v30;
	v31 =	vsel vm1, v45, v27  }
0x2fa: {  	[tilespmem:$0x1FAC0] =	vst v33;
	v33 =	vld [tilespmem:s7+$0x4820];
	vm2 =	vgt.f32 v24, v25;
	vm14 =	vgt.f32 v48, v28;
	vm5 =	vgt.f32 v46, v31  }
0x2fb: {  	v50 =	vsel vm2, v24, v25;
	v24 =	vld [tilespmem:$0x1FAB0];
	v30 =	vsel vm5, v46, v31;
	v31 =	vsel vm14, v48, v28  }
0x2fc: {  	v49 =	vsel vm8, v6, v40;
	[tilespmem:$0x1FAD0] =	vst v37;
	v25 =	vld [tilespmem:$0x1FAC0];
	vm8 =	vgt.f32 v31, v30  }
0x2fd: {  	v51 =	vsel vm8, v31, v30;
	v30 =	vld [tilespmem:$0x1FAD0]  }
0x2fe: {  	v31 =	vld [tilespmem:$0x1FAE0]  }
0x2ff: {  	v57 =	vld [tilespmem:$0x1FAF0]  }
0x300: {  	[tilespmem:$0x1FB20] =	vst v36;
	v59 =	vld [tilespmem:$0x1FB10];
	vm7 =	vnez.u8 v24  }
0x301: {  	v60 =	vld [tilespmem:$0x1FB20];
	v24 =	vsel vm7, v7, v47;
	vm7 =	vnez.u8 v25  }
0x302: {  	v39 =	vld [tilespmem:s7+$0x4800];
	v25 =	vsel vm7, v19, v32;
	vm7 =	vnez.u8 v30  }
0x303: {  	s2 =	simm.s32 $0x6;
	v63 =	vld [tilespmem:s7+$0x4C40];
	v30 =	vsel vm7, v18, v42;
	vm7 =	vnez.u8 v31  }
0x304: {  	s0 =	smul.u32 $0x3000, s2;
	v61 =	vld [tilespmem:s7+$0x4810];
	(xrf0) =	vmax.scan.msk.f32 $0xffff, v50;
	v31 =	vsel vm9, v7, v49;
	vm9 =	vnez.u8 v57;
	v24 =	vsel vm7, v8, v24  }
0x305: {  	v54 =	vld [tilespmem:s7+$0x4C50];
	v30 =	vsel vm9, v19, v30;
	vm9 =	vnez.u8 v58;
	v31 =	vsel vm11, v8, v31  }
0x306: {  	s4 =	simm.s32 $0x1980;
	s5 =	simm.s32 $0x1;
	v40 =	vld [tilespmem:s7+$0x4C70];
	s0 =	sshra.s32 s0, $0x2;
	vm11 =	vnez.u8 v60;
	v58 =	vmov s3;
	v30 =	vsel vm10, v20, v30  }
0x307: {  	s2 =	sand.u32 $0x380, s4;
	v26 =	vld [tilespmem:s7+$0x5070];
	s0 =	sadd.s32 s0, s21;
	v60 =	vmov s5;
	vm10 =	vnez.u8 v59;
	v30 =	vsel vm15, v21, v30  }
0x308: {  	v29 =	vld [tilespmem:s7+$0x4C10];
	s9 =	sadd.s32 s2, s0;
	v25 =	vsel vm9, v20, v25;
	v31 =	vsel vm6, v9, v31;
	v24 =	vsel vm10, v9, v24  }
0x309: {  	v34 =	vld [tilespmem:s9+$0x0];
	(xrf0) =	vmax.scan.msk.f32 $0xffff, v51;
	v25 =	vsel vm11, v21, v25;
	v31 =	vsel vm1, v10, v31;
	vm1 =	vgt.f32 v61, v39  }
0x30a: {  	v35 =	vld [tilespmem:s9+$0x10];
	v24 =	vsel vm12, v10, v24;
	v25 =	vsel vm13, v22, v25;
	v52 =	vsel vm4, v22, v30;
	v30, _, _ =	vpop (xrf0)  }
0x30b: {  	v36 =	vld [tilespmem:s9+$0x440];
	v62 =	vsel vm3, v11, v24;
	v53 =	vsel vm0, v23, v25;
	v30 =	vbroadcast v30, $0xF  }
0x30c: {  	v41 =	vld [tilespmem:s9+$0x460];
	v55 =	vsel vm5, v11, v31;
	v39 =	vsel vm1, v61, v39;
	v43 =	vsel vm2, v53, v62  }
0x30d: {  	v27 =	vld [tilespmem:s7+$0x4C30];
	v61 =	vsel vm1, v1, v0;
	v56 =	vxor.u32 $0x80000000, v43;
	vm0 =	veq.f32 v50, v30  }
0x30e: {  	v42 =	vld [tilespmem:s7+$0x4C60];
	v24 =	vimm.f32 $0.0e+00;
	v37 =	vsel vm14, v23, v52;
	v38 =	vnsel vm0, $0xFFFFFFFF, v56  }
0x30f: {  	v25 =	vimm.s32 $0x0;
	vm1 =	vgt.f32 v33, v39;
	v57 =	vsel vm8, v37, v55;
	v37 =	vld [tilespmem:s9+$0x450];
	v31, _, _ =	vpop (xrf0);
	(xrf0) =	vmin.scan.msk.u32 $0xffff, v38  }
0x310: {  	v28 =	vld [tilespmem:s7+$0x4C20];
	vm2 =	vgt.f32 v54, v63;
	v44 =	vsel vm1, v2, v61;
	v47 =	vsel vm1, v33, v39  }
0x311: {  	v32 =	vld [tilespmem:s7+$0x4C00];
	vm1 =	veq.s32 v60, v0;
	v43 =	vxor.u32 $0x80000000, v57;
	v31 =	vbroadcast v31, $0xF  }
0x312: {  	v39 =	vld [tilespmem:s7+$0x4840];
	v62 =	vsel vm2, v54, v63;
	v63 =	vsel vm2, v13, v12;
	vm2 =	vgt.f32 v35, v34  }
0x313: {  	vm4 =	vgt.f32 v42, v62;
	v49 =	vsel vm2, v1, v0;
	vm0 =	veq.f32 v51, v31;
	v38 =	vld [tilespmem:s7+$0x4830]  }
0x314: {  	v45 =	vsel vm4, v42, v62;
	v59 =	vnsel vm0, $0xFFFFFFFF, v43;
	v43 =	vld [tilespmem:s9+$0x20];
	vm3 =	vgt.f32 v37, v36  }
0x315: {  	s4 =	simm.s32 $0x2;
	s5 =	simm.s32 $0x2;
	s3 =	simm.s32 $0x2;
	v48 =	vsel vm4, v14, v63;
	v42 =	vld [tilespmem:s7+$0x5000];
	vm0 =	veq.s32 v58, v0;
	(xrf0) =	vmin.scan.msk.u32 $0xffff, v59;
	v46 =	vsel vm3, v13, v12;
	v33, _, _ =	vpop (xrf0)  }
.LBB2_9:
0x316: {  	_ = 	snop  }
0x317: {  	v34 =	vsel vm2, v35, v34;
	v36 =	vsel vm3, v37, v36  }
0x318: {  	v55 =	vld [tilespmem:s9+$0x30];
	(v2sf) =	vpush v33, $0xF;
	v24 =	vsel vm0, v30, v24;
	v30 =	vimm.s32 $0x0  }
0x319: {  	v57 =	vld [tilespmem:s9+$0x470];
	v24 =	vsel vm1, v31, v24;
	vm2 =	vgt.f32 v38, v47;
	vm3 =	vgt.f32 v43, v34  }
0x31a: {  	v58 =	vld [tilespmem:s7+$0x4850];
	vm4 =	vgt.f32 v40, v45;
	vm5 =	vgt.f32 v41, v36;
	v49 =	vsel vm3, v2, v49  }
0x31b: {  	v50 =	vld [tilespmem:s7+$0x5010];
	v44 =	vsel vm2, v3, v44;
	v48 =	vsel vm4, v15, v48;
	v46 =	vsel vm5, v14, v46  }
0x31c: {  	v59 =	vld [tilespmem:s9+$0x40];
	v56, _, _ =	vpop (xrf0);
	v38 =	vsel vm2, v38, v47;
	v40 =	vsel vm4, v40, v45;
	v34 =	vsel vm3, v43, v34  }
0x31d: {  	v60 =	vld [tilespmem:s9+$0x800];
	v36 =	vsel vm5, v41, v36;
	(v2sf) =	vpush v56, $0xF;
	vm2 =	vgt.f32 v39, v38  }
0x31e: {  	vm3 =	vgt.f32 v55, v34;
	vm4 =	vgt.f32 v42, v40;
	vm5 =	vgt.f32 v57, v36  }
0x31f: {  	v62 =	vld [tilespmem:s7+$0x5020];
	v61 =	vsel vm3, v3, v49;
	v44 =	vsel vm2, v4, v44;
	v48 =	vsel vm4, v16, v48  }
0x320: {  	v52 =	vld [tilespmem:s9+$0x50];
	v46 =	vsel vm5, v15, v46;
	v38 =	vsel vm2, v39, v38;
	v63 =	vsel vm4, v42, v40  }
0x321: {  	v45 =	vld [tilespmem:s7+$0x4860];
	v34 =	vsel vm3, v55, v34;
	v36 =	vsel vm5, v57, v36;
	vm2 =	vgt.f32 v58, v38  }
0x322: {  	v53 =	vld [tilespmem:s9+$0x810];
	vm3 =	vgt.f32 v59, v34;
	vm4 =	vgt.f32 v50, v63;
	vm5 =	vgt.f32 v60, v36  }
0x323: {  	v54 =	vsel vm3, v4, v61;
	v44 =	vsel vm2, v5, v44;
	v48 =	vsel vm4, v17, v48  }
0x324: {  	v55 =	vld [tilespmem:s7+$0x4870];
	v46 =	vsel vm5, v16, v46;
	v33 =	vsel vm2, v58, v38;
	v56 =	vsel vm4, v50, v63  }
0x325: {  	v57 =	vld [tilespmem:s7+$0x5030];
	v34 =	vsel vm3, v59, v34;
	v36 =	vsel vm5, v60, v36;
	v59 =	vimm.s32 $0x0  }
0x326: {  	v58 =	vld [tilespmem:s9+$0x60];
	v50 =	vimm.s32 $0x0;
	vm10 =	vgt.f32 v45, v33;
	vm4 =	vgt.f32 v62, v56  }
0x327: {  	vm2 =	vgt.f32 v52, v34;
	vm3 =	vgt.f32 v53, v36;
	v41 =	vsel vm4, $0xFFFFFFFF, v59  }
0x328: {  	v33 =	vsel vm10, v45, v33;
	v38 =	vsel vm4, v62, v56;
	v46 =	vsel vm3, v17, v46  }
0x329: {  	v62 =	vimm.s32 $0x0;
	v34 =	vsel vm2, v52, v34;
	v63 =	vsel vm3, v53, v36  }
0x32a: {  	v61 =	vld [tilespmem:s9+$0x70];
	v53 =	vimm.s32 $0x0;
	v45 =	vimm.s32 $0x0;
	[tilespmem:$0x1F950] =	vst v41;
	v41 =	vsel vm2, v5, v54  }
0x32b: {  	v40 =	vld [tilespmem:s7+$0x5040];
	vm4 =	vgt.f32 v55, v33;
	vm2 =	vgt.f32 v57, v38;
	vm3 =	vgt.f32 v58, v34  }
0x32c: {  	v60 =	vld [tilespmem:s9+$0x820];
	v49 =	vsel vm4, $0xFFFFFFFF, v62;
	v37 =	vsel vm2, $0xFFFFFFFF, v50;
	s0 =	spop (v2sf);
	v30 =	vsel vm3, $0xFFFFFFFF, v30  }
0x32d: {  	v31 =	vsel vm4, v55, v33;
	v52 =	vsel vm2, v57, v38;
	v55 =	vimm.s32 $0x0;
	s0 =	sxor.u32 $0x80000000, s0;
	[tilespmem:$0x1F960] =	vst v30;
	v30 =	vld [tilespmem:s9+$0x400]  }
0x32e: {  	[tilespmem:$0x1F970] =	vst v49;
	v49 =	vld [tilespmem:s9+$0x830];
	v34 =	vsel vm3, v58, v34;
	v25 =	vsel vm0, s0, v25;
	vm0 =	vgt.f32 v32, v31  }
0x32f: {  	v59 =	vld [tilespmem:s9+$0x410];
	v57 =	vimm.s32 $0x0;
	vm2 =	vgt.f32 v61, v34;
	v31 =	vsel vm0, v32, v31;
	s2 =	spop (v2sf)  }
0x330: {  	v54 =	vld [tilespmem:s9+$0x840];
	v61 =	vsel vm2, v61, v34;
	v39 =	vsel vm0, $0xFFFFFFFF, v55;
	vm0 =	vgt.f32 v29, v31;
	s2 =	sxor.u32 $0x80000000, s2  }
0x331: {  	v51 =	vld [tilespmem:s7+$0x5050];
	v29 =	vsel vm0, v29, v31;
	v25 =	vsel vm1, s2, v25;
	vm1 =	vgt.f32 v60, v63  }
0x332: {  	v62 =	vld [tilespmem:s9+$0x850];
	vm14 =	vgt.f32 v30, v61;
	vm12 =	vgt.f32 v28, v29;
	v35 =	vsel vm1, v60, v63  }
0x333: {  	v47 =	vld [tilespmem:s9+$0x420];
	v30 =	vsel vm14, v30, v61;
	v28 =	vsel vm12, v28, v29;
	vm11 =	vgt.f32 v49, v35  }
0x334: {  	v31 =	vld [tilespmem:s9+$0x860];
	vm6 =	vgt.f32 v59, v30;
	vm9 =	vgt.f32 v27, v28;
	v35 =	vsel vm11, v49, v35  }
0x335: {  	v50 =	vld [tilespmem:s9+$0x870];
	v38 =	vsel vm1, $0xFFFFFFFF, v53;
	vm1 =	vgt.f32 v40, v52;
	vm15 =	vgt.f32 v54, v35  }
0x336: {  	v63 =	vimm.s32 $0x0;
	v60 =	vsel vm1, v40, v52;
	v49 =	vld [tilespmem:s9+$0x430];
	v35 =	vsel vm15, v54, v35  }
0x337: {  	v42 =	vsel vm1, $0xFFFFFFFF, v57;
	vm1 =	vgt.f32 v51, v60;
	vm7 =	vgt.f32 v62, v35  }
0x338: {  	v56 =	vld [tilespmem:s7+$0x5060];
	v30 =	vsel vm6, v59, v30;
	v32 =	vsel vm1, v51, v60;
	v51 =	vsel vm7, v62, v35  }
0x339: {  	v55 =	vld [tilespmem:$0x1F960];
	[tilespmem:$0x1F9A0] =	vst v39;
	v40 =	vsel vm0, $0xFFFFFFFF, v63;
	vm4 =	vgt.f32 v47, v30;
	vm3 =	vgt.f32 v31, v51  }
0x33a: {  	v52 =	vsel vm9, v27, v28;
	v57 =	vld [tilespmem:$0x1F9A0];
	[tilespmem:$0x1F9C0] =	vst v42;
	v28 =	vsel vm4, v47, v30;
	v30 =	vsel vm3, v31, v51  }
0x33b: {  	s7 =	sshrl.u32 s5, $0x2;
	[tilespmem:$0x1F9D0] =	vst v40;
	v40 =	vsel vm1, $0xFFFFFFFF, v45;
	v59 =	vld [tilespmem:$0x1F9C0];
	vm1 =	vgt.f32 v49, v28;
	vm5 =	vgt.f32 v50, v30  }
0x33c: {  	v58 =	vimm.s32 $0x0;
	s0 =	smul.u32 $0x3000, s7;
	v54 =	vld [tilespmem:$0x1F950];
	v31 =	vsel vm1, v49, v28;
	v30 =	vsel vm5, v50, v30  }
0x33d: {  	[tilespmem:$0x1F980] =	vst v37;
	v42 =	vsel vm2, $0xFFFFFFFF, v58;
	v60 =	vld [tilespmem:$0x1F9D0];
	vm2 =	vgt.f32 v30, v31  }
0x33e: {  	s8 =	sadd.s32 $0x100, s8;
	s0 =	sshra.s32 s0, $0x2;
	[tilespmem:$0x1F990] =	vst v38;
	v38 =	vsel vm2, v30, v31;
	v30 =	vld [tilespmem:$0x1F970]  }
0x33f: {  	s0 =	sadd.s32 s0, s21;
	s9 =	sand.u32 $0x300, s8;
	vm13 =	vgt.f32 v56, v32;
	v31 =	vld [tilespmem:$0x1F980]  }
0x340: {  	s4 =	sadd.s32 $0x2, s4;
	s7 =	sadd.s32 s9, s0;
	v29 =	vsel vm13, v56, v32;
	v56 =	vld [tilespmem:$0x1F990]  }
0x341: {  	s2 =	sadd.s32 $0x31, s4;
	v53 =	vsel vm10, v6, v44;
	[tilespmem:$0x1F9B0] =	vst v42;
	v27 =	vld [tilespmem:s7+$0x4C30];
	vm10 =	vnez.u8 v54  }
0x342: {  	s0 =	sshrl.u32 s2, $0x3;
	v58 =	vld [tilespmem:$0x1F9B0];
	vm8 =	vgt.f32 v26, v29;
	v34 =	vsel vm10, v18, v48;
	vm10 =	vnez.u8 v55  }
0x343: {  	[tilespmem:$0x1F9E0] =	vst v40;
	v42 =	vld [tilespmem:s7+$0x4820];
	s0 =	smul.u32 $0x3000, s0;
	v29 =	vsel vm8, v26, v29;
	v35 =	vsel vm10, v6, v41;
	vm10 =	vnez.u8 v30  }
0x344: {  	v62 =	vld [tilespmem:$0x1F9E0];
	vm0 =	vgt.f32 v29, v52;
	v30 =	vsel vm10, v7, v53;
	vm10 =	vnez.u8 v31  }
0x345: {  	s9 =	sadd.s32 $0x1880, s8;
	v45 =	vld [tilespmem:s7+$0x4C60];
	s0 =	sshra.s32 s0, $0x2;
	v33 =	vsel vm0, v29, v52;
	v31 =	vsel vm10, v19, v34;
	vm10 =	vnez.u8 v56  }
0x346: {  	v39 =	vld [tilespmem:s7+$0x4800];
	s2 =	sand.u32 $0x380, s9;
	s0 =	sadd.s32 s0, s21;
	(xrf0) =	vmax.scan.msk.f32 $0xffff, v33;
	v32 =	vsel vm10, v18, v46;
	vm10 =	vnez.u8 v57;
	v57 =	vmov s3  }
0x347: {  	v40 =	vld [tilespmem:s7+$0x4810];
	s9 =	sadd.s32 s2, s0;
	v30 =	vsel vm10, v8, v30;
	vm10 =	vnez.u8 v58;
	v32 =	vsel vm11, v19, v32  }
0x348: {  	s2 =	sadd.s32 $0x1, s3;
	v36 =	vld [tilespmem:s9+$0x440];
	v34 =	vsel vm10, v7, v35;
	vm10 =	vnez.u8 v59;
	v32 =	vsel vm15, v20, v32  }
0x349: {  	v37 =	vld [tilespmem:s9+$0x450];
	vm15 =	vnez.u8 v62;
	v59 =	vmov s2;
	v31 =	vsel vm10, v20, v31  }
0x34a: {  	v63 =	vld [tilespmem:s7+$0x4C40];
	(xrf0) =	vmax.scan.msk.f32 $0xffff, v38;
	v34 =	vsel vm14, v8, v34;
	vm14 =	vnez.u8 v60;
	v32 =	vsel vm7, v21, v32  }
0x34b: {  	v26 =	vld [tilespmem:s7+$0x5070];
	v61 =	vsel vm14, v9, v30;
	v31 =	vsel vm15, v21, v31;
	v34 =	vsel vm6, v9, v34  }
0x34c: {  	v28 =	vld [tilespmem:s7+$0x4C20];
	v32 =	vsel vm3, v22, v32;
	v30, _, _ =	vpop (xrf0);
	v48 =	vsel vm12, v10, v61;
	v31 =	vsel vm13, v22, v31  }
0x34d: {  	v49 =	vld [tilespmem:s7+$0x4C50];
	v30 =	vbroadcast v30, $0xF;
	v50 =	vsel vm9, v11, v48;
	v31 =	vsel vm8, v23, v31  }
0x34e: {  	v29 =	vld [tilespmem:s7+$0x4C10];
	vm3 =	vgt.f32 v37, v36;
	v51 =	vsel vm4, v10, v34;
	v54 =	vsel vm0, v31, v50  }
0x34f: {  	v43 =	vld [tilespmem:s9+$0x20];
	v32 =	vsel vm5, v23, v32;
	vm0 =	veq.f32 v33, v30;
	v55 =	vxor.u32 $0x80000000, v54  }
0x350: {  	v35 =	vld [tilespmem:s9+$0x10];
	v53, _, _ =	vpop (xrf0);
	v46 =	vsel vm3, v13, v12;
	v52 =	vsel vm1, v11, v51;
	v33 =	vnsel vm0, $0xFFFFFFFF, v55  }
0x351: {  	v34 =	vld [tilespmem:s9+$0x0];
	v31 =	vbroadcast v53, $0xF;
	v32 =	vsel vm2, v32, v52;
	vm2 =	vgt.f32 v40, v39;
	(xrf0) =	vmin.scan.msk.u32 $0xffff, v33  }
0x352: {  	p2 =	sne.s32 s5, $0x7;
	v41 =	vld [tilespmem:s9+$0x460];
	vm1 =	veq.s32 v59, v0;
	v56 =	vxor.u32 $0x80000000, v32;
	v60 =	vsel vm2, v40, v39  }
.Ltmp3:
0x353: {  	v32 =	vld [tilespmem:s7+$0x4C00];
	v61 =	vsel vm2, v1, v0;
	vm2 =	vgt.f32 v49, v63;
	vm0 =	veq.f32 v38, v31;
	(pc) =	sbr.rel @p2 .LBB2_9-.Ltmp3, $4  }
0x354: {  	v40 =	vld [tilespmem:s7+$0x4C70];
	vm4 =	vgt.f32 v42, v60;
	v62 =	vsel vm2, v49, v63;
	v63 =	vsel vm2, v13, v12  }
0x355: {  	v39 =	vld [tilespmem:s7+$0x4840];
	v58 =	vnsel vm0, $0xFFFFFFFF, v56;
	vm0 =	veq.s32 v57, v0;
	vm5 =	vgt.f32 v45, v62  }
0x356: {  	v38 =	vld [tilespmem:s7+$0x4830];
	vm2 =	vgt.f32 v35, v34;
	v44 =	vsel vm4, v2, v61;
	v47 =	vsel vm4, v42, v60  }
0x357: {  	s5 =	sadd.s32 $0x1, s5;
	s3 =	smov.u32 s4;
	v42 =	vld [tilespmem:s7+$0x5000];
	(xrf0) =	vmin.scan.msk.u32 $0xffff, v58;
	v49 =	vsel vm2, v1, v0;
	v45 =	vsel vm5, v45, v62;
	v48 =	vsel vm5, v14, v63;
	v33, _, _ =	vpop (xrf0)  }
0x358: {  	v50 =	vld [tilespmem:s9+$0x30];
	v34 =	vsel vm2, v35, v34  }
0x359: {  	v51 =	vld [tilespmem:s9+$0x470];
	v63 =	vsel vm3, v37, v36;
	vm8 =	vgt.f32 v43, v34;
	vm4 =	vgt.f32 v40, v45  }
0x35a: {  	v52 =	vld [tilespmem:s7+$0x4850];
	vm5 =	vgt.f32 v41, v63;
	v55 =	vsel vm8, v2, v49;
	v40 =	vsel vm4, v40, v45  }
0x35b: {  	v54 =	vld [tilespmem:s7+$0x5010];
	v48 =	vsel vm4, v15, v48;
	v34 =	vsel vm8, v43, v34;
	vm15 =	vgt.f32 v38, v47  }
0x35c: {  	v56 =	vld [tilespmem:s9+$0x40];
	v46 =	vsel vm5, v14, v46;
	v35 =	vsel vm5, v41, v63;
	v53 =	vsel vm15, v38, v47  }
0x35d: {  	v57 =	vld [tilespmem:s9+$0x800];
	v44 =	vsel vm15, v3, v44;
	vm10 =	vgt.f32 v42, v40;
	vm9 =	vgt.f32 v39, v53  }
0x35e: {  	vm3 =	vgt.f32 v50, v34;
	vm5 =	vgt.f32 v51, v35;
	v40 =	vsel vm10, v42, v40  }
0x35f: {  	v58 =	vld [tilespmem:s7+$0x4860];
	v48 =	vsel vm10, v16, v48;
	v37 =	vsel vm9, v39, v53;
	v47 =	vsel vm3, v3, v55  }
0x360: {  	v59 =	vld [tilespmem:s7+$0x5020];
	v44 =	vsel vm9, v4, v44;
	v34 =	vsel vm3, v50, v34;
	v46 =	vsel vm5, v15, v46  }
0x361: {  	v60 =	vld [tilespmem:s9+$0x50];
	v35 =	vsel vm5, v51, v35;
	vm12 =	vgt.f32 v54, v40;
	vm11 =	vgt.f32 v52, v37  }
0x362: {  	v61 =	vld [tilespmem:s9+$0x810];
	vm3 =	vgt.f32 v56, v34;
	vm5 =	vgt.f32 v57, v35;
	v38 =	vsel vm12, v54, v40  }
0x363: {  	v48 =	vsel vm12, v17, v48;
	v54 =	vimm.s32 $0x0;
	v36 =	vsel vm11, v52, v37  }
0x364: {  	v47 =	vsel vm3, v4, v47;
	v44 =	vsel vm11, v5, v44;
	v34 =	vsel vm3, v56, v34  }
0x365: {  	v63 =	vld [tilespmem:s7+$0x5030];
	v46 =	vsel vm5, v16, v46;
	v35 =	vsel vm5, v57, v35;
	vm15 =	vgt.f32 v59, v38  }
0x366: {  	v62 =	vld [tilespmem:s7+$0x4870];
	v56 =	vimm.s32 $0x0;
	v52 =	vimm.s32 $0x0;
	vm13 =	vgt.f32 v58, v36  }
0x367: {  	v45 =	vld [tilespmem:s9+$0x60];
	vm14 =	vgt.f32 v60, v34;
	vm8 =	vgt.f32 v61, v35;
	v38 =	vsel vm15, v59, v38  }
0x368: {  	v55 =	vld [tilespmem:s9+$0x820];
	v59 =	vimm.s32 $0x0;
	v51 =	vsel vm13, $0xFFFFFFFF, v54;
	v36 =	vsel vm13, v58, v36  }
0x369: {  	v47 =	vsel vm14, v5, v47;
	v46 =	vsel vm8, v17, v46;
	v58 =	vimm.s32 $0x0  }
0x36a: {  	v34 =	vsel vm14, v60, v34;
	v35 =	vsel vm8, v61, v35;
	vm10 =	vgt.f32 v63, v38  }
0x36b: {  	v50 =	vld [tilespmem:s7+$0x5040];
	v60 =	vimm.s32 $0x0;
	v54 =	vimm.s32 $0x0;
	[tilespmem:$0x1F880] =	vst v51;
	v51 =	vsel vm15, $0xFFFFFFFF, v56  }
0x36c: {  	v39 =	vld [tilespmem:s9+$0x830];
	vm9 =	vgt.f32 v62, v36;
	v49 =	vsel vm10, $0xFFFFFFFF, v59;
	vm11 =	vgt.f32 v45, v34  }
0x36d: {  	v57 =	vld [tilespmem:s9+$0x70];
	v61 =	vsel vm10, v63, v38;
	vm12 =	vgt.f32 v55, v35;
	v63 =	vimm.s32 $0x0;
	[tilespmem:$0x1F890] =	vst v51  }
0x36e: {  	v51 =	vsel vm9, $0xFFFFFFFF, v58;
	[tilespmem:$0x1F8C0] =	vst v49;
	v49 =	vsel vm11, $0xFFFFFFFF, v60;
	v36 =	vsel vm9, v62, v36  }
0x36f: {  	v62 =	vimm.s32 $0x0;
	v34 =	vsel vm11, v45, v34;
	v35 =	vsel vm12, v55, v35  }
0x370: {  	v42 =	vld [tilespmem:s7+$0x5050];
	vm14 =	vgt.f32 v50, v61;
	v58 =	vimm.s32 $0x0;
	v60 =	vimm.s32 $0x0  }
0x371: {  	v53 =	vld [tilespmem:s9+$0x410];
	[tilespmem:$0x1F8B0] =	vst v51;
	v38 =	vsel vm12, $0xFFFFFFFF, v62;
	vm13 =	vgt.f32 v32, v36;
	v51 =	vimm.s32 $0x0  }
0x372: {  	[tilespmem:$0x1F8A0] =	vst v49;
	v49 =	vld [tilespmem:s9+$0x400];
	vm15 =	vgt.f32 v57, v34;
	vm8 =	vgt.f32 v39, v35;
	v55 =	vsel vm14, v50, v61  }
0x373: {  	[tilespmem:$0x1F8D0] =	vst v38;
	v38 =	vld [tilespmem:s9+$0x840];
	v40 =	vsel vm13, $0xFFFFFFFF, v63;
	v43 =	vsel vm14, $0xFFFFFFFF, v51;
	v45 =	vsel vm8, $0xFFFFFFFF, v54  }
0x374: {  	v32 =	vsel vm13, v32, v36;
	v34 =	vsel vm15, v57, v34;
	v57 =	vimm.s32 $0x0;
	[tilespmem:$0x1F8E0] =	vst v40;
	v40 =	vld [tilespmem:s7+$0x5060]  }
0x375: {  	v56 =	vld [tilespmem:s9+$0x850];
	vm10 =	vgt.f32 v42, v55;
	v35 =	vsel vm8, v39, v35;
	vm9 =	vgt.f32 v29, v32  }
0x376: {  	v59 =	vld [tilespmem:s9+$0x420];
	[tilespmem:$0x1F910] =	vst v43;
	v43 =	vsel vm15, $0xFFFFFFFF, v52;
	v36 =	vsel vm10, v42, v55;
	v29 =	vsel vm9, v29, v32  }
0x377: {  	v61 =	vld [tilespmem:s9+$0x860];
	v41 =	vsel vm9, $0xFFFFFFFF, v57;
	vm13 =	vgt.f32 v28, v29;
	vm11 =	vgt.f32 v49, v34  }
0x378: {  	v62 =	vld [tilespmem:s9+$0x430];
	[tilespmem:$0x1F930] =	vst v41;
	v41 =	vsel vm10, $0xFFFFFFFF, v58;
	v28 =	vsel vm13, v28, v29;
	v32 =	vsel vm11, $0xFFFFFFFF, v60  }
0x379: {  	v63 =	vld [tilespmem:s9+$0x870];
	vm15 =	vgt.f32 v38, v35;
	v34 =	vsel vm11, v49, v34;
	vm12 =	vgt.f32 v40, v36  }
0x37a: {  	v35 =	vsel vm15, v38, v35;
	vm8 =	vgt.f32 v53, v34;
	v36 =	vsel vm12, v40, v36;
	v40 =	vld [tilespmem:$0x1F880]  }
0x37b: {  	[tilespmem:$0x1F940] =	vst v41;
	v41 =	vld [tilespmem:$0x1F890];
	vm10 =	vgt.f32 v27, v28;
	vm11 =	vgt.f32 v56, v35;
	v34 =	vsel vm8, v53, v34  }
0x37c: {  	v42 =	vld [tilespmem:$0x1F8A0];
	v27 =	vsel vm10, v27, v28;
	v35 =	vsel vm11, v56, v35;
	vm6 =	vgt.f32 v59, v34  }
0x37d: {  	vm5 =	vgt.f32 v26, v36;
	vm7 =	vgt.f32 v61, v35;
	v37 =	vsel vm6, v59, v34  }
0x37e: {  	[tilespmem:$0x1F920] =	vst v32;
	v26 =	vsel vm5, v26, v36;
	v32 =	vsel vm7, v61, v35;
	vm4 =	vgt.f32 v62, v37  }
0x37f: {  	[tilespmem:$0x1F8F0] =	vst v43;
	v43 =	vld [tilespmem:$0x1F8B0];
	vm2 =	vgt.f32 v26, v27;
	vm9 =	vgt.f32 v63, v32;
	vm14 =	vnez.u8 v40  }
0x380: {  	v39 =	vsel vm9, v63, v32;
	v32 =	vsel vm14, v6, v44;
	vm14 =	vnez.u8 v41;
	v44 =	vld [tilespmem:$0x1F8C0]  }
0x381: {  	[tilespmem:$0x1F900] =	vst v45;
	v45 =	vld [tilespmem:$0x1F8D0];
	v26 =	vsel vm2, v26, v27;
	v27 =	vsel vm14, v18, v48;
	vm14 =	vnez.u8 v42  }
0x382: {  	v28 =	vsel vm4, v62, v37;
	v34 =	vsel vm14, v6, v47;
	v47 =	vld [tilespmem:$0x1F8E0]  }
0x383: {  	vm3 =	vgt.f32 v39, v28;
	v48 =	vld [tilespmem:$0x1F8F0]  }
0x384: {  	v49 =	vld [tilespmem:$0x1F900];
	(xrf0) =	vmax.scan.msk.f32 $0xffff, v26;
	v28 =	vsel vm3, v39, v28;
	vm14 =	vnez.u8 v43  }
0x385: {  	v50 =	vld [tilespmem:$0x1F910];
	(xrf0) =	vmax.scan.msk.f32 $0xffff, v28;
	v29 =	vsel vm14, v7, v32;
	vm14 =	vnez.u8 v44  }
0x386: {  	v51 =	vld [tilespmem:$0x1F920];
	v27 =	vsel vm14, v19, v27;
	vm14 =	vnez.u8 v45  }
0x387: {  	v52 =	vld [tilespmem:$0x1F930];
	v32 =	vsel vm14, v18, v46;
	vm14 =	vnez.u8 v47  }
0x388: {  	v53 =	vld [tilespmem:$0x1F940];
	v29 =	vsel vm14, v8, v29;
	vm14 =	vnez.u8 v48  }
0x389: {  	v54, _, _ =	vpop (xrf0);
	v34 =	vsel vm14, v7, v34;
	vm14 =	vnez.u8 v49  }
0x38a: {  	v55, _, _ =	vpop (xrf0);
	v32 =	vsel vm14, v19, v32;
	vm14 =	vnez.u8 v50  }
0x38b: {  	v36 =	vbroadcast v55, $0xF;
	v56, _, _ =	vpop (xrf0);
	v27 =	vsel vm14, v20, v27;
	vm14 =	vnez.u8 v51  }
0x38c: {  	v58 =	vbroadcast v56, $0xF;
	v34 =	vsel vm14, v8, v34;
	vm14 =	vnez.u8 v52  }
0x38d: {  	v32 =	vsel vm15, v20, v32;
	v29 =	vsel vm14, v9, v29;
	vm14 =	vnez.u8 v53  }
0x38e: {  	v32 =	vsel vm11, v21, v32;
	v34 =	vsel vm8, v9, v34;
	v27 =	vsel vm14, v21, v27  }
0x38f: {  	v32 =	vsel vm7, v22, v32;
	v29 =	vsel vm13, v10, v29;
	v27 =	vsel vm12, v22, v27  }
0x390: {  	v34 =	vsel vm6, v10, v34;
	v29 =	vsel vm10, v11, v29;
	v27 =	vsel vm5, v23, v27  }
0x391: {  	v57 =	vsel vm9, v23, v32;
	v34 =	vsel vm4, v11, v34;
	v27 =	vsel vm2, v27, v29  }
0x392: {  	vm12 =	veq.f32 v26, v36;
	v29 =	vsel vm3, v57, v34;
	v59 =	vxor.u32 $0x80000000, v27  }
0x393: {  	vm13 =	veq.f32 v28, v58;
	v60 =	vxor.u32 $0x80000000, v29;
	v26 =	vnsel vm12, $0xFFFFFFFF, v59  }
0x394: {  	v27 =	vnsel vm13, $0xFFFFFFFF, v60;
	(xrf0) =	vmin.scan.msk.u32 $0xffff, v26  }
0x395: {  	(xrf0) =	vmin.scan.msk.u32 $0xffff, v27;
	_ =	sdelay $0x3  }
0x396: {  	(v2sf) =	vpush v33, $0xF  }
0x397: {  	(v2sf) =	vpush v54, $0xF;
	v26, _, _ =	vpop (xrf0)  }
0x398: {  	(v2sf) =	vpush v26, $0xF;
	v61, _, _ =	vpop (xrf0)  }
0x399: {  	(v2sf) =	vpush v61, $0xF;
	_ =	sdelay $0xa  }
0x39a: {  	s4 =	sadd.s32 $0x1, s3  }
0x39b: {  	v24 =	vsel vm0, v30, v24;
	s21 =	sshll.u32 s19, $0x6;
	p2 =	seq.s32 s17, $0x21;
	s0 =	spop (v2sf)  }
0x39c: {  	v24 =	vsel vm1, v31, v24;
	s0 =	sxor.u32 $0x80000000, s0;
	v62 =	vmov s3;
	s3 =	sadd.s32 s21, s25;
	s2 =	spop (v2sf)  }
0x39d: {  	v25 =	vsel vm0, s0, v25;
	v63 =	vmov s4;
	s4 =	sshll.u32 s12, $0x6;
	s2 =	sxor.u32 $0x80000000, s2;
	vm14 =	veq.s32 v62, v0;
	s5 =	spop (v2sf)  }
0x39e: {  	s0 =	sadd.s32 s20, s4;
	v25 =	vsel vm1, s2, v25;
	vm15 =	veq.s32 v63, v0;
	v24 =	vsel vm14, v36, v24;
	s7 =	sxor.u32 $0x80000000, s5;
	s8 =	spop (v2sf)  }
0x39f: {  	p3 =	seq.s32 @!p2 s3, s0;
	v24 =	vsel vm15, v58, v24;
	s9 =	sxor.u32 $0x80000000, s8;
	v25 =	vsel vm14, s7, v25  }
0x3a0: {  	p3 =	por p2, !p3;
	[tilespmem:s29+$0xC180] =	vst v24;
	v25 =	vsel vm15, s9, v25  }
0x3a1: {  	s0 =	sshll.u32 @p3 s3, $0x9;
	s2 =	sshll.u32 @p3 s18, $0x9;
	[tilespmem:s30+$0xC580] =	vst v25  }
0x3a2: {  	s0 =	sand.u32 @p3 $0xFFFFFC00, s0;
	s2 =	sand.u32 @p3 $0x200, s2;
	_ =	strace $0x9000004B  }
0x3a3: {  	s4 =	simm.s32 $0x0;
	s0 =	sor.u32 @p3 s2, s0;
	_ =	strace @p3 $0x8000004C  }
0x3a4: {  	s0 =	sshrl.u32 @p3 s0, $0x3;
	s4 =	rddreg @p3 [dreg:$0x3]  }
0x3a5: {  	s2 =	sadd.s32 @p3 $0x3, s28;
	s5 =	simm.s32 @p3 $0x0;
	s4 =	sadd.s32 @p3 s4, s0  }
0x3a6: {  	[hbm4b:s4+s5] =	stream.linear.scatter @p3 [tilespmem:s1], [sflag:s2], $0x200, $0x200038;
	[tilespmem:$0xC800] =	vst v63  }
0x3a7: {  	_ =	strace @p3 $0x9000004C  }
0x3a8: {  	_ =	strace @p3 $0x8000004D  }
0x3a9: {  	s14 =	sadd.s32 @p3 $0x1, s14;
	s2 =	rddreg @p3 [dreg:$0x4]  }
0x3aa: {  	s1 =	sadd.s32 @p3 $0x5, s26;
	s4 =	simm.s32 @p3 $0x1;
	s0 =	sadd.s32 @p3 s2, s0  }
0x3ab: {  	[hbm4b:s0+s5] =	stream.linear.scatter @p3 [tilespmem:s31], [sflag:s1], $0x200, $0x200038;
	[tilespmem:$0xC800] =	vst v63  }
0x3ac: {  	s0 =	sshll.u32 s23, $0x6;
	_ =	strace @p3 $0x9000004D;
	p3 =	seq.s32 s23, $0xFFFFFFFF  }
0x3ad: {  	s0 =	simm.s32 @p3 $0x400  }
0x3ae: {  	p3 =	seq.s32 s17, $0x0;
	s0 =	sadd.s32 s0, s24  }
0x3af: {  	p5 =	seq.s32 @!p3 s3, s0  }
0x3b0: {  	p4 =	por p5, p3  }
0x3b1: {  	s0 =	sand.u32 @!p4 $0x1, s22  }
0x3b2: {  	_ =	strace @!p4 $0x8000004E;
	s0 =	sadd.s32 @!p4 $0x3, s0  }
0x3b3: {  	_ =	swait.ge @!p4 [sflag:s0], $0x200  }
0x3b4: {  	[sflag:s0] =	ssyncset.done @!p4 $0x0  }
0x3b5: {  	[sflag:s0] =	ssyncadd.s32 @!p4 $0xFFFFFE00  }
0x3b6: {  	s1 =	sand.u32 @!p4 $0x1, s10;
	_ =	strace @!p4 $0x9000004E  }
0x3b7: {  	s1 =	sadd.s32 @!p4 $0x5, s1;
	s0 =	simm.s32 $0x1;
	_ =	strace @!p4 $0x8000004F  }
0x3b8: {  	p0 =	por p2, p0;
	s0 =	simm.s32 @!p1 $0x0;
	_ =	swait.ge @!p4 [sflag:s1], $0x200  }
0x3b9: {  	p1 =	por !p5, p3;
	s16 =	sadd.s32 s0, s16;
	[sflag:s1] =	ssyncset.done @!p4 $0x0  }
0x3ba: {  	s0 =	sadd.s32 @!p4 $0x1, s22;
	[sflag:s1] =	ssyncadd.s32 @!p4 $0xFFFFFE00;
	s1 =	smov.u32 s22  }
0x3bb: {  	s17 =	sadd.s32 $0x1, s17;
	s1 =	smov.u32 @p1 s0;
	s0 =	simm.s32 $0x1  }
0x3bc: {  	s0 =	simm.s32 @!p0 $0x0;
	p0 =	sne.s32 s17, $0x22  }
.Ltmp4:
0x3bd: {  	s2 =	simm.s32 $0x0;
	(pc) =	sbr.rel @p0 .LBB2_2-.Ltmp4, $4  }
0x3be: {  	s2 =	simm.s32 @p1 $0x1  }
0x3bf: {  	s2 =	simm.s32 @p3 $0x0  }
0x3c0: {  	s13 =	sadd.s32 s13, s4;
	s10 =	sadd.s32 s10, s2  }
0x3c1: {  	_ =	strace @!p4 $0x9000004F;
	s1 =	smov.u32 @p3 s22;
	s15 =	sadd.s32 s0, s15  }
0x3c2: {  	s0 =	sand.u32 $0x1, s1  }
0x3c3: {  	_ =	strace $0x80000050;
	s0 =	sadd.s32 $0x3, s0  }
0x3c4: {  	_ =	swait.ge [sflag:s0], $0x200  }
0x3c5: {  	s28 =	sand.u32 $0x1, s10;
	[sflag:s0] =	ssyncset.done $0x0  }
0x3c6: {  	s29 =	sadd.s32 $0x5, s28;
	[sflag:s0] =	ssyncadd.s32 $0xFFFFFE00  }
0x3c7: {  	_ =	swait.ge [sflag:s29], $0x200  }
0x3c8: {  	s30 =	rddreg [dreg:$0x7]  }
0x3c9: {  	s31 =	rddreg [dreg:$0x6];
	s1 =	sadd.s32 $0x1, s30  }
0x3ca: {  	p0 =	sne.s32 s1, s31  }
.Ltmp5:
0x3cb: {  	_ = 	snop;
	(pc) =	sbr.rel @p0 .LBB2_1-.Ltmp5, $4  }
0x3cc: {  	_ = 	snop  }
0x3cd: {  	[sflag:s29] =	ssyncset.done $0x0  }
0x3ce: {  	[sflag:s29] =	ssyncadd.s32 $0xFFFFFE00  }
0x3cf: {  	_ =	strace $0x90000050  }
0x3d0: {  	_ =	sfence.sel $0x180000  }
0x3d1: {  	[bflag:$0x0] =	sbarrier.arrive $0xFFFF  }
0x3d2: {  	_ =	strace $0x90000047  }
0x3d3: {  	s0 =	stileid.u32;
	[bflag:$0x2] =	sbarrier.arrive $0xFFFF  }
0x3d4: {  	p0 =	sne.s32 s0, $0x0;
	s0 =	rddreg [dreg:$0x2]  }
0x3d5: {  	s0 =	sadd.s32 @!p0 $0x100000, s0  }
0x3d6: {  	[sflag:s0] =	ssyncadd.tile.s32 @!p0 $0x1;
	_ =	shalt  }
.Lfunc_end2:
_tile_overlayer_lowered:
.L_overlay_start_2:
0x3d7: {  	(tag) =	ssettag $0x2  }
0x3d8: {  	s0 =	rddreg [dreg:$0x0];
	s2 =	stileid.u32  }
0x3d9: {  	s1 =	rddreg [dreg:$0x1];
	p0 =	sne.s32 s2, $0x0  }
0x3da: {  	s3 =	rddreg [dreg:$0x2];
	[bflag:$0x3] =	sbarrier.arrive $0xFFFF;
	s2 =	simm.s32 @!p0 $0x1C01  }
0x3db: {  	[timem:s3], [sflag:s2] =	dma.local @!p0 [hbm:s0], s1  }
0x3dc: {  	s0 =	simm.s32 @!p0 $0x1  }
0x3dd: {  	_ =	swait.ge @!p0 [sflag:s0], s1  }
0x3de: {  	s1 =	ssub.s32 @!p0 $0x0, s1;
	[sflag:s0] =	ssyncset.done @!p0 $0x0  }
0x3df: {  	[sflag:s0] =	ssyncadd.s32 @!p0 s1  }
0x3e0: {  	[bflag:$0x3] =	sbarrier.arrive $0xFFFF  }
0x3e1: {  	_ =	shalt  }

</sc_bundles>
